<compile_context>
chip_gen: v7x
topology: tpu7x:2x2x1
jax: 0.10.2.dev20260603
libtpu: 0.0.44.dev20260713+nightly
codegen_flags: <defaults>
</compile_context>

<pallas_src>
import functools

import jax
import jax.numpy as jnp
from jax import lax
from jax.experimental import pallas as pl
from jax.experimental.pallas import tpu as pltpu
from jax.experimental.pallas import tpu_sc as plsc

B = 1024
N = 100000
K = 30
KPAD = 32
NC = 2
NS = 16
NW = NC * NS
ROWS_PER_W = B // NW
U = 10
BLK = U * 16
NBLK = N // BLK
NCHUNK = 5
CBLK = NBLK // NCHUNK
CHUNK_E = N // NCHUNK
NBV = NBLK + 5
NMETA = NBV // U
NMV = NMETA + 1
CAND = 512
MERGE_AT = 224
NEG = -1e30


def _merge16(hv, hi, lv, li, cv, ci):
  rv = lax.rev(cv, (0,))
  ri = lax.rev(ci, (0,))
  m = lv >= rv
  nlv = jnp.where(m, lv, rv)
  nli = jnp.where(m, li, ri)
  nlv, nli = plsc.sort_key_val(nlv, nli, descending=True)
  rv = lax.rev(nlv, (0,))
  ri = lax.rev(nli, (0,))
  m = hv >= rv
  uv = jnp.where(m, hv, rv)
  ui = jnp.where(m, hi, ri)
  wv = jnp.where(m, rv, hv)
  wi = jnp.where(m, ri, hi)
  uv, ui = plsc.sort_key_val(uv, ui, descending=True)
  wv, wi = plsc.sort_key_val(wv, wi, descending=True)
  return uv, ui, wv, wi


def _sc_body(targets_hbm, logits_hbm, tvals_hbm, lvals_hbm,
             row_v, bmax_v, mmax_v, cand_v, cand_i, ids_m,
             tv_all, ti_all, lg_all, sem_g):
  wid = lax.axis_index("s") * NC + lax.axis_index("c")
  base = wid * ROWS_PER_W
  lanes = lax.broadcasted_iota(jnp.int32, (16,), 0)
  negv = jnp.full((16,), NEG, jnp.float32)
  iz = jnp.zeros((16,), jnp.int32)

  def fold(cnt, hv, hi, lv, li):
    def mb(k, mc):
      hv, hi, lv, li = mc
      cv = cand_v[pl.ds(k * 16, 16)]
      ci = cand_i[pl.ds(k * 16, 16)]
      valid = (lanes + k * 16) < cnt
      cv = jnp.where(valid, cv, NEG)
      cv, ci = plsc.sort_key_val(cv, ci, descending=True)
      return _merge16(hv, hi, lv, li, cv, ci)
    nb = (cnt + 15) // 16
    return lax.fori_loop(0, nb, mb, (hv, hi, lv, li))

  def scan_vecs(src, nvec):
    def do_merge(thr, cnt, hv, hi, lv, li):
      hv, hi, lv, li = fold(cnt, hv, hi, lv, li)
      return jnp.broadcast_to(lv[15], (16,)), jnp.int32(0), hv, hi, lv, li

    def no_merge(thr, cnt, hv, hi, lv, li):
      return thr, cnt, hv, hi, lv, li

    def body(j, carry):
      thr, cnt, hv, hi, lv, li = carry
      v = src[pl.ds(j * 16, 16)]
      m = v >= thr
      plsc.store_compressed(cand_v.at[pl.ds(cnt, 16)], v, mask=m)
      plsc.store_compressed(cand_i.at[pl.ds(cnt, 16)], j * 16 + lanes, mask=m)
      cnt = cnt + plsc.all_reduce_population_count(m)[0]
      return lax.cond(cnt >= MERGE_AT, do_merge, no_merge,
                      thr, cnt, hv, hi, lv, li)

    carry = lax.fori_loop(0, nvec, body,
                          (negv, jnp.int32(0), negv, iz, negv, iz))
    _, cnt, hv, hi, lv, li = carry
    return fold(cnt, hv, hi, lv, li)

  def set_ids(hq, lq):
    a = lax.shift_right_logical(hq, 4)
    b = lax.shift_right_logical(lq, 4)
    sa, _ = plsc.sort_key_val(a, a, descending=False)
    sb, _ = plsc.sort_key_val(b, b, descending=False)
    rb = lax.rev(sb, (0,))
    idlo = jnp.minimum(sa, rb)
    idhi = jnp.maximum(sa, rb)
    idlo, _ = plsc.sort_key_val(idlo, idlo, descending=False)
    idhi, _ = plsc.sort_key_val(idhi, idhi, descending=False)
    ids_m[pl.ds(0, 16)] = idlo
    ids_m[pl.ds(16, 16)] = idhi
    ids_m[pl.ds(32, 16)] = idhi

  def rescan_fold(src, t16):
    def body(g, carry):
      cnt, prev = carry
      bid = ids_m[pl.ds(g, 16)][0]
      validv = jnp.broadcast_to(bid != prev, (16,))
      cnt = jnp.minimum(cnt, CAND - BLK - 16)
      for u in range(U):
        e = bid * BLK + u * 16
        v = src[pl.ds(e, 16)]
        m = (v >= t16) & validv
        plsc.store_compressed(cand_v.at[pl.ds(cnt, 16)], v, mask=m)
        plsc.store_compressed(cand_i.at[pl.ds(cnt, 16)], e + lanes, mask=m)
        cnt = cnt + plsc.all_reduce_population_count(m)[0]
      return cnt, bid

    cnt, _ = lax.fori_loop(0, KPAD, body, (jnp.int32(0), jnp.int32(-1)))
    return fold(cnt, negv, iz, negv, iz)

  for p in range(NBLK * 16, NBV * 16, 16):
    bmax_v[pl.ds(p, 16)] = negv
  mmax_v[pl.ds(NMETA * 16, 16)] = negv

  def scan_row(row, _):
    pltpu.sync_copy(targets_hbm.at[row], row_v)

    def _l0(i, _):
      for s in range(5):
        b = i * 5 + s
        e = b * BLK
        bm = row_v[pl.ds(e, 16)]
        for u in range(1, U):
          bm = jnp.maximum(bm, row_v[pl.ds(e + u * 16, 16)])
        bmax_v[pl.ds(b * 16, 16)] = bm
      return 0
    lax.fori_loop(0, NBLK // 5, _l0, 0)

    def _l1(i, _):
      for s in range(3):
        mb = i * 3 + s
        e = mb * BLK
        mm = bmax_v[pl.ds(e, 16)]
        for u in range(1, U):
          mm = jnp.maximum(mm, bmax_v[pl.ds(e + u * 16, 16)])
        mmax_v[pl.ds(mb * 16, 16)] = mm
      return 0
    lax.fori_loop(0, NMETA // 3, _l1, 0)

    mhv, mhq, mlv, mlq = scan_vecs(mmax_v, NMV)
    set_ids(mhq, mlq)
    bhv, bhp, blv, blp = rescan_fold(bmax_v, jnp.broadcast_to(mlv[13], (16,)))
    set_ids(bhp, blp)
    hv2, hi2, lv2, li2 = rescan_fold(row_v, jnp.broadcast_to(blv[13], (16,)))

    r = row - base
    goff = row * N
    tv_all[pl.ds(r * KPAD, 16)] = hv2
    tv_all[pl.ds(r * KPAD + 16, 16)] = lv2
    ti_all[pl.ds(r * KPAD, 16)] = hi2 + goff
    ti_all[pl.ds(r * KPAD + 16, 16)] = li2 + goff
    return 0

  lax.fori_loop(base, base + ROWS_PER_W, scan_row, 0)

  copies = []
  for g in range(ROWS_PER_W * KPAD // 128):
    copies.append(pltpu.async_copy(
        logits_hbm.at[ti_all.at[pl.ds(g * 128, 128)]],
        lg_all.at[pl.ds(g * 128, 128)], sem_g))
  for cp in copies:
    cp.wait()

  out_base = wid * ROWS_PER_W * KPAD
  pltpu.sync_copy(tv_all, tvals_hbm.at[pl.ds(out_base, ROWS_PER_W * KPAD)])
  pltpu.sync_copy(lg_all, lvals_hbm.at[pl.ds(out_base, ROWS_PER_W * KPAD)])


def _topk_gather(logits_flat, targets):
  mesh = plsc.VectorSubcoreMesh(core_axis_name="c", subcore_axis_name="s",
                                num_cores=NC, num_subcores=NS)
  f = pl.kernel(
      _sc_body,
      out_type=[jax.ShapeDtypeStruct((B * KPAD,), jnp.float32),
                jax.ShapeDtypeStruct((B * KPAD,), jnp.float32)],
      mesh=mesh,
      compiler_params=pltpu.CompilerParams(needs_layout_passes=False),
      scratch_types=[
          pltpu.VMEM((N,), jnp.float32),
          pltpu.VMEM((NBV * 16,), jnp.float32),
          pltpu.VMEM((NMV * 16,), jnp.float32),
          pltpu.VMEM((CAND,), jnp.float32),
          pltpu.VMEM((CAND,), jnp.int32),
          pltpu.VMEM((48,), jnp.int32),
          pltpu.VMEM((ROWS_PER_W * KPAD,), jnp.float32),
          pltpu.VMEM((ROWS_PER_W * KPAD,), jnp.int32),
          pltpu.VMEM((ROWS_PER_W * KPAD,), jnp.float32),
          pltpu.SemaphoreType.DMA,
      ],
  )
  return f(targets, logits_flat)


def _tc_body(t_ref, l_ref, o_ref):
  t = t_ref[...]
  l = l_ref[...]
  mask = lax.broadcasted_iota(jnp.int32, (B, KPAD), 1) < K
  tm = jnp.where(mask, t, NEG)
  lm = jnp.where(mask, l, NEG)
  tmax = jnp.max(tm, axis=1, keepdims=True)
  lmax = jnp.max(lm, axis=1, keepdims=True)
  te = jnp.where(mask, jnp.exp(tm - tmax), 0.0)
  le = jnp.where(mask, jnp.exp(lm - lmax), 0.0)
  ts = jnp.sum(te, axis=1, keepdims=True)
  ls = jnp.sum(le, axis=1, keepdims=True)
  logt = (tm - tmax) - jnp.log(ts)
  logp = (lm - lmax) - jnp.log(ls)
  pw = jnp.where(mask, (te / ts) * (logt - logp), 0.0)
  o_ref[...] = jnp.full((1, 1), jnp.sum(pw) / B, jnp.float32)


@jax.jit
def kernel(logits, targets):
  tv, lv = _topk_gather(logits.reshape(-1), targets)
  loss = pl.pallas_call(
      _tc_body,
      out_shape=jax.ShapeDtypeStruct((1, 1), jnp.float32),
  )(tv.reshape(B, KPAD), lv.reshape(B, KPAD))
  return loss[0, 0]

# --- scband reference (transcript-rebuilt; emitter-appended) ---
"""Pipeline reference for scband-improved-listwise-loss-30940944401146 (READ-ONLY COPY).

The authoritative reference and input builder live on the scoring server;
editing this copy changes nothing except your own understanding.
"""

import jax, jax.numpy as jnp
import numpy as np

TEMPERATURE = 1.0
TOP_K = 30


def setup_inputs(seed: int = 0) -> dict:
    key = jax.random.key(seed)
    k1, k2 = jax.random.split(key)
    logits = jax.random.normal(k1, (1024, 100000), dtype=jnp.float32)
    targets = jax.random.uniform(k2, (1024, 100000), dtype=jnp.float32)
    return {"logits": logits, "targets": targets}


def reference(logits, targets):
    batch_size, num_classes = logits.shape
    k = min(TOP_K, num_classes)
    # torch.topk(targets, k, dim=-1) -> values, indices
    top_targets, top_idx = jax.lax.top_k(targets, k)
    # torch.gather(logits, 1, top_idx)
    top_logits = jnp.take_along_axis(logits, top_idx, axis=1)
    pred_probs = jax.nn.softmax(top_logits / TEMPERATURE, axis=-1)
    target_probs = jax.nn.softmax(top_targets / TEMPERATURE, axis=-1)
    # F.kl_div(pred_probs.log(), target_probs, reduction='batchmean')
    #   pointwise: target * (log(target) - input), input = log(pred)
    log_pred = jnp.log(pred_probs)
    pointwise = target_probs * (jnp.log(target_probs) - log_pred)
    loss = jnp.sum(pointwise) / batch_size
    return loss

if __name__ == "__main__":
    import jax
    _d = setup_inputs()
    print(jax.jit(kernel)(*tuple(_d.values())))

</pallas_src>

<mosaic_0001>
#map = affine_map<(d0, d1) -> (0, 0)>
#map1 = affine_map<(d0, d1) -> (0)>
module attributes {stable_mosaic.version = 14 : i64} {
  func.func @_sc_body(%arg0: i32, %arg1: i32, %arg2: memref<1024x100000xf32, #tpu.memory_space<hbm>>, %arg3: memref<102400000xf32, #tpu.memory_space<hbm>>, %arg4: memref<32768xf32, #tpu.memory_space<hbm>>, %arg5: memref<32768xf32, #tpu.memory_space<hbm>>, %arg6: memref<100000xf32, #tpu.memory_space<vmem>>, %arg7: memref<10080xf32, #tpu.memory_space<vmem>>, %arg8: memref<1024xf32, #tpu.memory_space<vmem>>, %arg9: memref<512xf32, #tpu.memory_space<vmem>>, %arg10: memref<512xi32, #tpu.memory_space<vmem>>, %arg11: memref<48xi32, #tpu.memory_space<vmem>>, %arg12: memref<1024xf32, #tpu.memory_space<vmem>>, %arg13: memref<1024xi32, #tpu.memory_space<vmem>>, %arg14: memref<1024xf32, #tpu.memory_space<vmem>>, %arg15: memref<!tpu.dma_semaphore, #tpu.memory_space<semaphore_mem>>) attributes {dimension_semantics = [#tpu.dimension_semantics<core_parallel>, #tpu.dimension_semantics<subcore_parallel>], iteration_bounds = array<i64: 2, 16>, scalar_prefetch = 0 : i64, scratch_operands = 10 : i64, tpu.core_type = #tpu.core_type<sc_vector_subcore>, window_params = [{transform_indices = #map}, {transform_indices = #map1}, {transform_indices = #map1}, {transform_indices = #map1}]} {
    %mul3A = arith.constant 2 : i32
    %mul3A_0 = arith.muli %arg1, %mul3A : i32
    %add3A = arith.addi %mul3A_0, %arg0 : i32
    %mul3A_1 = arith.constant 32 : i32
    %mul3A_2 = arith.muli %add3A, %mul3A_1 : i32
    %iota3A = tpu.iota {dimensions = array<i32: 0>} : vector<16xi32>
    %broadcast_in_dim3A = arith.constant -1.000000e+30 : f32
    %broadcast_in_dim3A_3 = vector.broadcast %broadcast_in_dim3A : f32 to vector<16xf32>
    %broadcast_in_dim3A_4 = arith.constant 0 : i32
    %broadcast_in_dim3A_5 = vector.broadcast %broadcast_in_dim3A_4 : i32 to vector<16xi32>
    %swap3A = arith.constant 10000 : index
    %swap3A_6 = tpu.vector_load %arg7[%swap3A] {strides = array<i32>} : memref<10080xf32, #tpu.memory_space<vmem>>, vector<16xf32>,
    tpu.vector_store %arg7[%swap3A], %broadcast_in_dim3A_3 {strides = array<i32>} : memref<10080xf32, #tpu.memory_space<vmem>>, vector<16xf32>,
    %swap3A_7 = arith.constant 10016 : index
    %swap3A_8 = tpu.vector_load %arg7[%swap3A_7] {strides = array<i32>} : memref<10080xf32, #tpu.memory_space<vmem>>, vector<16xf32>,
    tpu.vector_store %arg7[%swap3A_7], %broadcast_in_dim3A_3 {strides = array<i32>} : memref<10080xf32, #tpu.memory_space<vmem>>, vector<16xf32>,
    %swap3A_9 = arith.constant 10032 : index
    %swap3A_10 = tpu.vector_load %arg7[%swap3A_9] {strides = array<i32>} : memref<10080xf32, #tpu.memory_space<vmem>>, vector<16xf32>,
    tpu.vector_store %arg7[%swap3A_9], %broadcast_in_dim3A_3 {strides = array<i32>} : memref<10080xf32, #tpu.memory_space<vmem>>, vector<16xf32>,
    %swap3A_11 = arith.constant 10048 : index
    %swap3A_12 = tpu.vector_load %arg7[%swap3A_11] {strides = array<i32>} : memref<10080xf32, #tpu.memory_space<vmem>>, vector<16xf32>,
    tpu.vector_store %arg7[%swap3A_11], %broadcast_in_dim3A_3 {strides = array<i32>} : memref<10080xf32, #tpu.memory_space<vmem>>, vector<16xf32>,
    %swap3A_13 = arith.constant 10064 : index
    %swap3A_14 = tpu.vector_load %arg7[%swap3A_13] {strides = array<i32>} : memref<10080xf32, #tpu.memory_space<vmem>>, vector<16xf32>,
    tpu.vector_store %arg7[%swap3A_13], %broadcast_in_dim3A_3 {strides = array<i32>} : memref<10080xf32, #tpu.memory_space<vmem>>, vector<16xf32>,
    %swap3A_15 = arith.constant 1008 : index
    %swap3A_16 = tpu.vector_load %arg8[%swap3A_15] {strides = array<i32>} : memref<1024xf32, #tpu.memory_space<vmem>>, vector<16xf32>,
    tpu.vector_store %arg8[%swap3A_15], %broadcast_in_dim3A_3 {strides = array<i32>} : memref<1024xf32, #tpu.memory_space<vmem>>, vector<16xf32>,
    %add3A_17 = arith.constant 32 : i32
    %add3A_18 = arith.addi %mul3A_2, %add3A_17 : i32
    %while3A = arith.constant 0 : i32
    %while3A_19 = arith.subi %add3A_18, %mul3A_2 : i32
    %while3A_20 = arith.addi %mul3A_2, %while3A_19 : i32
    %while3A_21 = arith.constant 1 : i32
    %while3A_22 = arith.divsi %while3A_19, %while3A_21 : i32
    %while3A_23 = arith.muli %while3A_22, %while3A_21 : i32
    %while3A_24 = arith.addi %mul3A_2, %while3A_23 : i32
    %while3A_25 = arith.constant 1 : i32
    %while3A_26 = scf.for %while3A_127 = %mul3A_2 to %while3A_24 step %while3A_25 iter_args(%while3A_128 = %while3A) -> (i32)  : i32 {
      "tpu.region"() ({
        %run_scoped3A = tpu.sem_alloc : memref<!tpu.dma_semaphore, #tpu.memory_space<semaphore_mem>>
        %dma_start3A_397 = arith.constant 0 : i32
        %dma_start3A_398 = tpu.memref_slice %arg2[%while3A_127, %dma_start3A_397] : memref<1024x100000xf32, #tpu.memory_space<hbm>> -> memref<1x100000xf32, #tpu.memory_space<hbm>>
        %dma_start3A_399 = tpu.memref_squeeze %dma_start3A_398 : memref<1x100000xf32, #tpu.memory_space<hbm>> -> memref<100000xf32, #tpu.memory_space<hbm>>
        %dma_start3A_400 = arith.constant 0 : i32
        %dma_start3A_401 = tpu.memref_slice %arg2[%while3A_127, %dma_start3A_400] : memref<1024x100000xf32, #tpu.memory_space<hbm>> -> memref<1x100000xf32, #tpu.memory_space<hbm>>
        %dma_start3A_402 = tpu.memref_squeeze %dma_start3A_401 : memref<1x100000xf32, #tpu.memory_space<hbm>> -> memref<100000xf32, #tpu.memory_space<hbm>>
        tpu.enqueue_dma source(%dma_start3A_402 : memref<100000xf32, #tpu.memory_space<hbm>>) target(%arg6 : memref<100000xf32, #tpu.memory_space<vmem>>) target_semaphore(%run_scoped3A : memref<!tpu.dma_semaphore, #tpu.memory_space<semaphore_mem>>)
        %dma_wait3A_403 = arith.constant 0 : i32
        %dma_wait3A_404 = tpu.memref_slice %arg2[%while3A_127, %dma_wait3A_403] : memref<1024x100000xf32, #tpu.memory_space<hbm>> -> memref<1x100000xf32, #tpu.memory_space<hbm>>
        %dma_wait3A_405 = tpu.memref_squeeze %dma_wait3A_404 : memref<1x100000xf32, #tpu.memory_space<hbm>> -> memref<100000xf32, #tpu.memory_space<hbm>>
        %dma_wait3A_406 = arith.constant 0 : i32
        %dma_wait3A_407 = tpu.memref_slice %arg2[%while3A_127, %dma_wait3A_406] : memref<1024x100000xf32, #tpu.memory_space<hbm>> -> memref<1x100000xf32, #tpu.memory_space<hbm>>
        %dma_wait3A_408 = tpu.memref_squeeze %dma_wait3A_407 : memref<1x100000xf32, #tpu.memory_space<hbm>> -> memref<100000xf32, #tpu.memory_space<hbm>>
        tpu.wait_dma2 semaphore(%run_scoped3A : memref<!tpu.dma_semaphore, #tpu.memory_space<semaphore_mem>>) src(%dma_wait3A_408 : memref<100000xf32, #tpu.memory_space<hbm>>) dst(%arg6 : memref<100000xf32, #tpu.memory_space<vmem>>)
        tpu.yield
      }) : () -> ()
      %scan3A = arith.constant 0 : i32
      %scan3A_129 = arith.constant 0 : i32
      %scan3A_130 = arith.constant 125 : i32
      %scan3A_131 = arith.addi %scan3A_129, %scan3A_130 : i32
      %scan3A_132 = arith.constant 1 : i32
      %scan3A_133 = scf.for %scan3A_397 = %scan3A_129 to %scan3A_131 step %scan3A_132 iter_args(%scan3A_398 = %scan3A) -> (i32)  : i32 {
        %mul3A_399 = arith.constant 5 : i32
        %mul3A_400 = arith.muli %scan3A_397, %mul3A_399 : i32
        %add3A_401 = arith.constant 0 : i32
        %add3A_402 = arith.addi %mul3A_400, %add3A_401 : i32
        %mul3A_403 = arith.constant 160 : i32
        %mul3A_404 = arith.muli %add3A_402, %mul3A_403 : i32
        %get3A = arith.index_cast %mul3A_404 : i32 to index
        %get3A_405 = tpu.vector_load %arg6[%get3A] {strides = array<i32>} : memref<100000xf32, #tpu.memory_space<vmem>>, vector<16xf32>,
        %add3A_406 = arith.constant 16 : i32
        %add3A_407 = arith.addi %mul3A_404, %add3A_406 : i32
        %get3A_408 = arith.index_cast %add3A_407 : i32 to index
        %get3A_409 = tpu.vector_load %arg6[%get3A_408] {strides = array<i32>} : memref<100000xf32, #tpu.memory_space<vmem>>, vector<16xf32>,
        %max3A_410 = arith.maximumf %get3A_405, %get3A_409 : vector<16xf32>
        %add3A_411 = arith.constant 32 : i32
        %add3A_412 = arith.addi %mul3A_404, %add3A_411 : i32
        %get3A_413 = arith.index_cast %add3A_412 : i32 to index
        %get3A_414 = tpu.vector_load %arg6[%get3A_413] {strides = array<i32>} : memref<100000xf32, #tpu.memory_space<vmem>>, vector<16xf32>,
        %max3A_415 = arith.maximumf %max3A_410, %get3A_414 : vector<16xf32>
        %add3A_416 = arith.constant 48 : i32
        %add3A_417 = arith.addi %mul3A_404, %add3A_416 : i32
        %get3A_418 = arith.index_cast %add3A_417 : i32 to index
        %get3A_419 = tpu.vector_load %arg6[%get3A_418] {strides = array<i32>} : memref<100000xf32, #tpu.memory_space<vmem>>, vector<16xf32>,
        %max3A_420 = arith.maximumf %max3A_415, %get3A_419 : vector<16xf32>
        %add3A_421 = arith.constant 64 : i32
        %add3A_422 = arith.addi %mul3A_404, %add3A_421 : i32
        %get3A_423 = arith.index_cast %add3A_422 : i32 to index
        %get3A_424 = tpu.vector_load %arg6[%get3A_423] {strides = array<i32>} : memref<100000xf32, #tpu.memory_space<vmem>>, vector<16xf32>,
        %max3A_425 = arith.maximumf %max3A_420, %get3A_424 : vector<16xf32>
        %add3A_426 = arith.constant 80 : i32
        %add3A_427 = arith.addi %mul3A_404, %add3A_426 : i32
        %get3A_428 = arith.index_cast %add3A_427 : i32 to index
        %get3A_429 = tpu.vector_load %arg6[%get3A_428] {strides = array<i32>} : memref<100000xf32, #tpu.memory_space<vmem>>, vector<16xf32>,
        %max3A_430 = arith.maximumf %max3A_425, %get3A_429 : vector<16xf32>
        %add3A_431 = arith.constant 96 : i32
        %add3A_432 = arith.addi %mul3A_404, %add3A_431 : i32
        %get3A_433 = arith.index_cast %add3A_432 : i32 to index
        %get3A_434 = tpu.vector_load %arg6[%get3A_433] {strides = array<i32>} : memref<100000xf32, #tpu.memory_space<vmem>>, vector<16xf32>,
        %max3A_435 = arith.maximumf %max3A_430, %get3A_434 : vector<16xf32>
        %add3A_436 = arith.constant 112 : i32
        %add3A_437 = arith.addi %mul3A_404, %add3A_436 : i32
        %get3A_438 = arith.index_cast %add3A_437 : i32 to index
        %get3A_439 = tpu.vector_load %arg6[%get3A_438] {strides = array<i32>} : memref<100000xf32, #tpu.memory_space<vmem>>, vector<16xf32>,
        %max3A_440 = arith.maximumf %max3A_435, %get3A_439 : vector<16xf32>
        %add3A_441 = arith.constant 128 : i32
        %add3A_442 = arith.addi %mul3A_404, %add3A_441 : i32
        %get3A_443 = arith.index_cast %add3A_442 : i32 to index
        %get3A_444 = tpu.vector_load %arg6[%get3A_443] {strides = array<i32>} : memref<100000xf32, #tpu.memory_space<vmem>>, vector<16xf32>,
        %max3A_445 = arith.maximumf %max3A_440, %get3A_444 : vector<16xf32>
        %add3A_446 = arith.constant 144 : i32
        %add3A_447 = arith.addi %mul3A_404, %add3A_446 : i32
        %get3A_448 = arith.index_cast %add3A_447 : i32 to index
        %get3A_449 = tpu.vector_load %arg6[%get3A_448] {strides = array<i32>} : memref<100000xf32, #tpu.memory_space<vmem>>, vector<16xf32>,
        %max3A_450 = arith.maximumf %max3A_445, %get3A_449 : vector<16xf32>
        %mul3A_451 = arith.constant 16 : i32
        %mul3A_452 = arith.muli %add3A_402, %mul3A_451 : i32
        %swap3A_453 = arith.index_cast %mul3A_452 : i32 to index
        %swap3A_454 = tpu.vector_load %arg7[%swap3A_453] {strides = array<i32>} : memref<10080xf32, #tpu.memory_space<vmem>>, vector<16xf32>,
        tpu.vector_store %arg7[%swap3A_453], %max3A_450 {strides = array<i32>} : memref<10080xf32, #tpu.memory_space<vmem>>, vector<16xf32>,
        %mul3A_455 = arith.constant 5 : i32
        %mul3A_456 = arith.muli %scan3A_397, %mul3A_455 : i32
        %add3A_457 = arith.constant 1 : i32
        %add3A_458 = arith.addi %mul3A_456, %add3A_457 : i32
        %mul3A_459 = arith.constant 160 : i32
        %mul3A_460 = arith.muli %add3A_458, %mul3A_459 : i32
        %get3A_461 = arith.index_cast %mul3A_460 : i32 to index
        %get3A_462 = tpu.vector_load %arg6[%get3A_461] {strides = array<i32>} : memref<100000xf32, #tpu.memory_space<vmem>>, vector<16xf32>,
        %add3A_463 = arith.constant 16 : i32
        %add3A_464 = arith.addi %mul3A_460, %add3A_463 : i32
        %get3A_465 = arith.index_cast %add3A_464 : i32 to index
        %get3A_466 = tpu.vector_load %arg6[%get3A_465] {strides = array<i32>} : memref<100000xf32, #tpu.memory_space<vmem>>, vector<16xf32>,
        %max3A_467 = arith.maximumf %get3A_462, %get3A_466 : vector<16xf32>
        %add3A_468 = arith.constant 32 : i32
        %add3A_469 = arith.addi %mul3A_460, %add3A_468 : i32
        %get3A_470 = arith.index_cast %add3A_469 : i32 to index
        %get3A_471 = tpu.vector_load %arg6[%get3A_470] {strides = array<i32>} : memref<100000xf32, #tpu.memory_space<vmem>>, vector<16xf32>,
        %max3A_472 = arith.maximumf %max3A_467, %get3A_471 : vector<16xf32>
        %add3A_473 = arith.constant 48 : i32
        %add3A_474 = arith.addi %mul3A_460, %add3A_473 : i32
        %get3A_475 = arith.index_cast %add3A_474 : i32 to index
        %get3A_476 = tpu.vector_load %arg6[%get3A_475] {strides = array<i32>} : memref<100000xf32, #tpu.memory_space<vmem>>, vector<16xf32>,
        %max3A_477 = arith.maximumf %max3A_472, %get3A_476 : vector<16xf32>
        %add3A_478 = arith.constant 64 : i32
        %add3A_479 = arith.addi %mul3A_460, %add3A_478 : i32
        %get3A_480 = arith.index_cast %add3A_479 : i32 to index
        %get3A_481 = tpu.vector_load %arg6[%get3A_480] {strides = array<i32>} : memref<100000xf32, #tpu.memory_space<vmem>>, vector<16xf32>,
        %max3A_482 = arith.maximumf %max3A_477, %get3A_481 : vector<16xf32>
        %add3A_483 = arith.constant 80 : i32
        %add3A_484 = arith.addi %mul3A_460, %add3A_483 : i32
        %get3A_485 = arith.index_cast %add3A_484 : i32 to index
        %get3A_486 = tpu.vector_load %arg6[%get3A_485] {strides = array<i32>} : memref<100000xf32, #tpu.memory_space<vmem>>, vector<16xf32>,
        %max3A_487 = arith.maximumf %max3A_482, %get3A_486 : vector<16xf32>
        %add3A_488 = arith.constant 96 : i32
        %add3A_489 = arith.addi %mul3A_460, %add3A_488 : i32
        %get3A_490 = arith.index_cast %add3A_489 : i32 to index
        %get3A_491 = tpu.vector_load %arg6[%get3A_490] {strides = array<i32>} : memref<100000xf32, #tpu.memory_space<vmem>>, vector<16xf32>,
        %max3A_492 = arith.maximumf %max3A_487, %get3A_491 : vector<16xf32>
        %add3A_493 = arith.constant 112 : i32
        %add3A_494 = arith.addi %mul3A_460, %add3A_493 : i32
        %get3A_495 = arith.index_cast %add3A_494 : i32 to index
        %get3A_496 = tpu.vector_load %arg6[%get3A_495] {strides = array<i32>} : memref<100000xf32, #tpu.memory_space<vmem>>, vector<16xf32>,
        %max3A_497 = arith.maximumf %max3A_492, %get3A_496 : vector<16xf32>
        %add3A_498 = arith.constant 128 : i32
        %add3A_499 = arith.addi %mul3A_460, %add3A_498 : i32
        %get3A_500 = arith.index_cast %add3A_499 : i32 to index
        %get3A_501 = tpu.vector_load %arg6[%get3A_500] {strides = array<i32>} : memref<100000xf32, #tpu.memory_space<vmem>>, vector<16xf32>,
        %max3A_502 = arith.maximumf %max3A_497, %get3A_501 : vector<16xf32>
        %add3A_503 = arith.constant 144 : i32
        %add3A_504 = arith.addi %mul3A_460, %add3A_503 : i32
        %get3A_505 = arith.index_cast %add3A_504 : i32 to index
        %get3A_506 = tpu.vector_load %arg6[%get3A_505] {strides = array<i32>} : memref<100000xf32, #tpu.memory_space<vmem>>, vector<16xf32>,
        %max3A_507 = arith.maximumf %max3A_502, %get3A_506 : vector<16xf32>
        %mul3A_508 = arith.constant 16 : i32
        %mul3A_509 = arith.muli %add3A_458, %mul3A_508 : i32
        %swap3A_510 = arith.index_cast %mul3A_509 : i32 to index
        %swap3A_511 = tpu.vector_load %arg7[%swap3A_510] {strides = array<i32>} : memref<10080xf32, #tpu.memory_space<vmem>>, vector<16xf32>,
        tpu.vector_store %arg7[%swap3A_510], %max3A_507 {strides = array<i32>} : memref<10080xf32, #tpu.memory_space<vmem>>, vector<16xf32>,
        %mul3A_512 = arith.constant 5 : i32
        %mul3A_513 = arith.muli %scan3A_397, %mul3A_512 : i32
        %add3A_514 = arith.constant 2 : i32
        %add3A_515 = arith.addi %mul3A_513, %add3A_514 : i32
        %mul3A_516 = arith.constant 160 : i32
        %mul3A_517 = arith.muli %add3A_515, %mul3A_516 : i32
        %get3A_518 = arith.index_cast %mul3A_517 : i32 to index
        %get3A_519 = tpu.vector_load %arg6[%get3A_518] {strides = array<i32>} : memref<100000xf32, #tpu.memory_space<vmem>>, vector<16xf32>,
        %add3A_520 = arith.constant 16 : i32
        %add3A_521 = arith.addi %mul3A_517, %add3A_520 : i32
        %get3A_522 = arith.index_cast %add3A_521 : i32 to index
        %get3A_523 = tpu.vector_load %arg6[%get3A_522] {strides = array<i32>} : memref<100000xf32, #tpu.memory_space<vmem>>, vector<16xf32>,
        %max3A_524 = arith.maximumf %get3A_519, %get3A_523 : vector<16xf32>
        %add3A_525 = arith.constant 32 : i32
        %add3A_526 = arith.addi %mul3A_517, %add3A_525 : i32
        %get3A_527 = arith.index_cast %add3A_526 : i32 to index
        %get3A_528 = tpu.vector_load %arg6[%get3A_527] {strides = array<i32>} : memref<100000xf32, #tpu.memory_space<vmem>>, vector<16xf32>,
        %max3A_529 = arith.maximumf %max3A_524, %get3A_528 : vector<16xf32>
        %add3A_530 = arith.constant 48 : i32
        %add3A_531 = arith.addi %mul3A_517, %add3A_530 : i32
        %get3A_532 = arith.index_cast %add3A_531 : i32 to index
        %get3A_533 = tpu.vector_load %arg6[%get3A_532] {strides = array<i32>} : memref<100000xf32, #tpu.memory_space<vmem>>, vector<16xf32>,
        %max3A_534 = arith.maximumf %max3A_529, %get3A_533 : vector<16xf32>
        %add3A_535 = arith.constant 64 : i32
        %add3A_536 = arith.addi %mul3A_517, %add3A_535 : i32
        %get3A_537 = arith.index_cast %add3A_536 : i32 to index
        %get3A_538 = tpu.vector_load %arg6[%get3A_537] {strides = array<i32>} : memref<100000xf32, #tpu.memory_space<vmem>>, vector<16xf32>,
        %max3A_539 = arith.maximumf %max3A_534, %get3A_538 : vector<16xf32>
        %add3A_540 = arith.constant 80 : i32
        %add3A_541 = arith.addi %mul3A_517, %add3A_540 : i32
        %get3A_542 = arith.index_cast %add3A_541 : i32 to index
        %get3A_543 = tpu.vector_load %arg6[%get3A_542] {strides = array<i32>} : memref<100000xf32, #tpu.memory_space<vmem>>, vector<16xf32>,
        %max3A_544 = arith.maximumf %max3A_539, %get3A_543 : vector<16xf32>
        %add3A_545 = arith.constant 96 : i32
        %add3A_546 = arith.addi %mul3A_517, %add3A_545 : i32
        %get3A_547 = arith.index_cast %add3A_546 : i32 to index
        %get3A_548 = tpu.vector_load %arg6[%get3A_547] {strides = array<i32>} : memref<100000xf32, #tpu.memory_space<vmem>>, vector<16xf32>,
        %max3A_549 = arith.maximumf %max3A_544, %get3A_548 : vector<16xf32>
        %add3A_550 = arith.constant 112 : i32
        %add3A_551 = arith.addi %mul3A_517, %add3A_550 : i32
        %get3A_552 = arith.index_cast %add3A_551 : i32 to index
        %get3A_553 = tpu.vector_load %arg6[%get3A_552] {strides = array<i32>} : memref<100000xf32, #tpu.memory_space<vmem>>, vector<16xf32>,
        %max3A_554 = arith.maximumf %max3A_549, %get3A_553 : vector<16xf32>
        %add3A_555 = arith.constant 128 : i32
        %add3A_556 = arith.addi %mul3A_517, %add3A_555 : i32
        %get3A_557 = arith.index_cast %add3A_556 : i32 to index
        %get3A_558 = tpu.vector_load %arg6[%get3A_557] {strides = array<i32>} : memref<100000xf32, #tpu.memory_space<vmem>>, vector<16xf32>,
        %max3A_559 = arith.maximumf %max3A_554, %get3A_558 : vector<16xf32>
        %add3A_560 = arith.constant 144 : i32
        %add3A_561 = arith.addi %mul3A_517, %add3A_560 : i32
        %get3A_562 = arith.index_cast %add3A_561 : i32 to index
        %get3A_563 = tpu.vector_load %arg6[%get3A_562] {strides = array<i32>} : memref<100000xf32, #tpu.memory_space<vmem>>, vector<16xf32>,
        %max3A_564 = arith.maximumf %max3A_559, %get3A_563 : vector<16xf32>
        %mul3A_565 = arith.constant 16 : i32
        %mul3A_566 = arith.muli %add3A_515, %mul3A_565 : i32
        %swap3A_567 = arith.index_cast %mul3A_566 : i32 to index
        %swap3A_568 = tpu.vector_load %arg7[%swap3A_567] {strides = array<i32>} : memref<10080xf32, #tpu.memory_space<vmem>>, vector<16xf32>,
        tpu.vector_store %arg7[%swap3A_567], %max3A_564 {strides = array<i32>} : memref<10080xf32, #tpu.memory_space<vmem>>, vector<16xf32>,
        %mul3A_569 = arith.constant 5 : i32
        %mul3A_570 = arith.muli %scan3A_397, %mul3A_569 : i32
        %add3A_571 = arith.constant 3 : i32
        %add3A_572 = arith.addi %mul3A_570, %add3A_571 : i32
        %mul3A_573 = arith.constant 160 : i32
        %mul3A_574 = arith.muli %add3A_572, %mul3A_573 : i32
        %get3A_575 = arith.index_cast %mul3A_574 : i32 to index
        %get3A_576 = tpu.vector_load %arg6[%get3A_575] {strides = array<i32>} : memref<100000xf32, #tpu.memory_space<vmem>>, vector<16xf32>,
        %add3A_577 = arith.constant 16 : i32
        %add3A_578 = arith.addi %mul3A_574, %add3A_577 : i32
        %get3A_579 = arith.index_cast %add3A_578 : i32 to index
        %get3A_580 = tpu.vector_load %arg6[%get3A_579] {strides = array<i32>} : memref<100000xf32, #tpu.memory_space<vmem>>, vector<16xf32>,
        %max3A_581 = arith.maximumf %get3A_576, %get3A_580 : vector<16xf32>
        %add3A_582 = arith.constant 32 : i32
        %add3A_583 = arith.addi %mul3A_574, %add3A_582 : i32
        %get3A_584 = arith.index_cast %add3A_583 : i32 to index
        %get3A_585 = tpu.vector_load %arg6[%get3A_584] {strides = array<i32>} : memref<100000xf32, #tpu.memory_space<vmem>>, vector<16xf32>,
        %max3A_586 = arith.maximumf %max3A_581, %get3A_585 : vector<16xf32>
        %add3A_587 = arith.constant 48 : i32
        %add3A_588 = arith.addi %mul3A_574, %add3A_587 : i32
        %get3A_589 = arith.index_cast %add3A_588 : i32 to index
        %get3A_590 = tpu.vector_load %arg6[%get3A_589] {strides = array<i32>} : memref<100000xf32, #tpu.memory_space<vmem>>, vector<16xf32>,
        %max3A_591 = arith.maximumf %max3A_586, %get3A_590 : vector<16xf32>
        %add3A_592 = arith.constant 64 : i32
        %add3A_593 = arith.addi %mul3A_574, %add3A_592 : i32
        %get3A_594 = arith.index_cast %add3A_593 : i32 to index
        %get3A_595 = tpu.vector_load %arg6[%get3A_594] {strides = array<i32>} : memref<100000xf32, #tpu.memory_space<vmem>>, vector<16xf32>,
        %max3A_596 = arith.maximumf %max3A_591, %get3A_595 : vector<16xf32>
        %add3A_597 = arith.constant 80 : i32
        %add3A_598 = arith.addi %mul3A_574, %add3A_597 : i32
        %get3A_599 = arith.index_cast %add3A_598 : i32 to index
        %get3A_600 = tpu.vector_load %arg6[%get3A_599] {strides = array<i32>} : memref<100000xf32, #tpu.memory_space<vmem>>, vector<16xf32>,
        %max3A_601 = arith.maximumf %max3A_596, %get3A_600 : vector<16xf32>
        %add3A_602 = arith.constant 96 : i32
        %add3A_603 = arith.addi %mul3A_574, %add3A_602 : i32
        %get3A_604 = arith.index_cast %add3A_603 : i32 to index
        %get3A_605 = tpu.vector_load %arg6[%get3A_604] {strides = array<i32>} : memref<100000xf32, #tpu.memory_space<vmem>>, vector<16xf32>,
        %max3A_606 = arith.maximumf %max3A_601, %get3A_605 : vector<16xf32>
        %add3A_607 = arith.constant 112 : i32
        %add3A_608 = arith.addi %mul3A_574, %add3A_607 : i32
        %get3A_609 = arith.index_cast %add3A_608 : i32 to index
        %get3A_610 = tpu.vector_load %arg6[%get3A_609] {strides = array<i32>} : memref<100000xf32, #tpu.memory_space<vmem>>, vector<16xf32>,
        %max3A_611 = arith.maximumf %max3A_606, %get3A_610 : vector<16xf32>
        %add3A_612 = arith.constant 128 : i32
        %add3A_613 = arith.addi %mul3A_574, %add3A_612 : i32
        %get3A_614 = arith.index_cast %add3A_613 : i32 to index
        %get3A_615 = tpu.vector_load %arg6[%get3A_614] {strides = array<i32>} : memref<100000xf32, #tpu.memory_space<vmem>>, vector<16xf32>,
        %max3A_616 = arith.maximumf %max3A_611, %get3A_615 : vector<16xf32>
        %add3A_617 = arith.constant 144 : i32
        %add3A_618 = arith.addi %mul3A_574, %add3A_617 : i32
        %get3A_619 = arith.index_cast %add3A_618 : i32 to index
        %get3A_620 = tpu.vector_load %arg6[%get3A_619] {strides = array<i32>} : memref<100000xf32, #tpu.memory_space<vmem>>, vector<16xf32>,
        %max3A_621 = arith.maximumf %max3A_616, %get3A_620 : vector<16xf32>
        %mul3A_622 = arith.constant 16 : i32
        %mul3A_623 = arith.muli %add3A_572, %mul3A_622 : i32
        %swap3A_624 = arith.index_cast %mul3A_623 : i32 to index
        %swap3A_625 = tpu.vector_load %arg7[%swap3A_624] {strides = array<i32>} : memref<10080xf32, #tpu.memory_space<vmem>>, vector<16xf32>,
        tpu.vector_store %arg7[%swap3A_624], %max3A_621 {strides = array<i32>} : memref<10080xf32, #tpu.memory_space<vmem>>, vector<16xf32>,
        %mul3A_626 = arith.constant 5 : i32
        %mul3A_627 = arith.muli %scan3A_397, %mul3A_626 : i32
        %add3A_628 = arith.constant 4 : i32
        %add3A_629 = arith.addi %mul3A_627, %add3A_628 : i32
        %mul3A_630 = arith.constant 160 : i32
        %mul3A_631 = arith.muli %add3A_629, %mul3A_630 : i32
        %get3A_632 = arith.index_cast %mul3A_631 : i32 to index
        %get3A_633 = tpu.vector_load %arg6[%get3A_632] {strides = array<i32>} : memref<100000xf32, #tpu.memory_space<vmem>>, vector<16xf32>,
        %add3A_634 = arith.constant 16 : i32
        %add3A_635 = arith.addi %mul3A_631, %add3A_634 : i32
        %get3A_636 = arith.index_cast %add3A_635 : i32 to index
        %get3A_637 = tpu.vector_load %arg6[%get3A_636] {strides = array<i32>} : memref<100000xf32, #tpu.memory_space<vmem>>, vector<16xf32>,
        %max3A_638 = arith.maximumf %get3A_633, %get3A_637 : vector<16xf32>
        %add3A_639 = arith.constant 32 : i32
        %add3A_640 = arith.addi %mul3A_631, %add3A_639 : i32
        %get3A_641 = arith.index_cast %add3A_640 : i32 to index
        %get3A_642 = tpu.vector_load %arg6[%get3A_641] {strides = array<i32>} : memref<100000xf32, #tpu.memory_space<vmem>>, vector<16xf32>,
        %max3A_643 = arith.maximumf %max3A_638, %get3A_642 : vector<16xf32>
        %add3A_644 = arith.constant 48 : i32
        %add3A_645 = arith.addi %mul3A_631, %add3A_644 : i32
        %get3A_646 = arith.index_cast %add3A_645 : i32 to index
        %get3A_647 = tpu.vector_load %arg6[%get3A_646] {strides = array<i32>} : memref<100000xf32, #tpu.memory_space<vmem>>, vector<16xf32>,
        %max3A_648 = arith.maximumf %max3A_643, %get3A_647 : vector<16xf32>
        %add3A_649 = arith.constant 64 : i32
        %add3A_650 = arith.addi %mul3A_631, %add3A_649 : i32
        %get3A_651 = arith.index_cast %add3A_650 : i32 to index
        %get3A_652 = tpu.vector_load %arg6[%get3A_651] {strides = array<i32>} : memref<100000xf32, #tpu.memory_space<vmem>>, vector<16xf32>,
        %max3A_653 = arith.maximumf %max3A_648, %get3A_652 : vector<16xf32>
        %add3A_654 = arith.constant 80 : i32
        %add3A_655 = arith.addi %mul3A_631, %add3A_654 : i32
        %get3A_656 = arith.index_cast %add3A_655 : i32 to index
        %get3A_657 = tpu.vector_load %arg6[%get3A_656] {strides = array<i32>} : memref<100000xf32, #tpu.memory_space<vmem>>, vector<16xf32>,
        %max3A_658 = arith.maximumf %max3A_653, %get3A_657 : vector<16xf32>
        %add3A_659 = arith.constant 96 : i32
        %add3A_660 = arith.addi %mul3A_631, %add3A_659 : i32
        %get3A_661 = arith.index_cast %add3A_660 : i32 to index
        %get3A_662 = tpu.vector_load %arg6[%get3A_661] {strides = array<i32>} : memref<100000xf32, #tpu.memory_space<vmem>>, vector<16xf32>,
        %max3A_663 = arith.maximumf %max3A_658, %get3A_662 : vector<16xf32>
        %add3A_664 = arith.constant 112 : i32
        %add3A_665 = arith.addi %mul3A_631, %add3A_664 : i32
        %get3A_666 = arith.index_cast %add3A_665 : i32 to index
        %get3A_667 = tpu.vector_load %arg6[%get3A_666] {strides = array<i32>} : memref<100000xf32, #tpu.memory_space<vmem>>, vector<16xf32>,
        %max3A_668 = arith.maximumf %max3A_663, %get3A_667 : vector<16xf32>
        %add3A_669 = arith.constant 128 : i32
        %add3A_670 = arith.addi %mul3A_631, %add3A_669 : i32
        %get3A_671 = arith.index_cast %add3A_670 : i32 to index
        %get3A_672 = tpu.vector_load %arg6[%get3A_671] {strides = array<i32>} : memref<100000xf32, #tpu.memory_space<vmem>>, vector<16xf32>,
        %max3A_673 = arith.maximumf %max3A_668, %get3A_672 : vector<16xf32>
        %add3A_674 = arith.constant 144 : i32
        %add3A_675 = arith.addi %mul3A_631, %add3A_674 : i32
        %get3A_676 = arith.index_cast %add3A_675 : i32 to index
        %get3A_677 = tpu.vector_load %arg6[%get3A_676] {strides = array<i32>} : memref<100000xf32, #tpu.memory_space<vmem>>, vector<16xf32>,
        %max3A_678 = arith.maximumf %max3A_673, %get3A_677 : vector<16xf32>
        %mul3A_679 = arith.constant 16 : i32
        %mul3A_680 = arith.muli %add3A_629, %mul3A_679 : i32
        %swap3A_681 = arith.index_cast %mul3A_680 : i32 to index
        %swap3A_682 = tpu.vector_load %arg7[%swap3A_681] {strides = array<i32>} : memref<10080xf32, #tpu.memory_space<vmem>>, vector<16xf32>,
        tpu.vector_store %arg7[%swap3A_681], %max3A_678 {strides = array<i32>} : memref<10080xf32, #tpu.memory_space<vmem>>, vector<16xf32>,
        %scan3A_683 = arith.constant 0 : i32
        scf.yield %scan3A_683 : i32
      }
      %scan3A_134 = arith.constant 125 : i32
      %scan3A_135 = arith.constant 0 : i32
      %scan3A_136 = arith.constant 0 : i32
      %scan3A_137 = arith.constant 21 : i32
      %scan3A_138 = arith.addi %scan3A_136, %scan3A_137 : i32
      %scan3A_139 = arith.constant 1 : i32
      %scan3A_140 = scf.for %scan3A_397 = %scan3A_136 to %scan3A_138 step %scan3A_139 iter_args(%scan3A_398 = %scan3A_135) -> (i32)  : i32 {
        %mul3A_399 = arith.constant 3 : i32
        %mul3A_400 = arith.muli %scan3A_397, %mul3A_399 : i32
        %add3A_401 = arith.constant 0 : i32
        %add3A_402 = arith.addi %mul3A_400, %add3A_401 : i32
        %mul3A_403 = arith.constant 160 : i32
        %mul3A_404 = arith.muli %add3A_402, %mul3A_403 : i32
        %get3A = arith.index_cast %mul3A_404 : i32 to index
        %get3A_405 = tpu.vector_load %arg7[%get3A] {strides = array<i32>} : memref<10080xf32, #tpu.memory_space<vmem>>, vector<16xf32>,
        %add3A_406 = arith.constant 16 : i32
        %add3A_407 = arith.addi %mul3A_404, %add3A_406 : i32
        %get3A_408 = arith.index_cast %add3A_407 : i32 to index
        %get3A_409 = tpu.vector_load %arg7[%get3A_408] {strides = array<i32>} : memref<10080xf32, #tpu.memory_space<vmem>>, vector<16xf32>,
        %max3A_410 = arith.maximumf %get3A_405, %get3A_409 : vector<16xf32>
        %add3A_411 = arith.constant 32 : i32
        %add3A_412 = arith.addi %mul3A_404, %add3A_411 : i32
        %get3A_413 = arith.index_cast %add3A_412 : i32 to index
        %get3A_414 = tpu.vector_load %arg7[%get3A_413] {strides = array<i32>} : memref<10080xf32, #tpu.memory_space<vmem>>, vector<16xf32>,
        %max3A_415 = arith.maximumf %max3A_410, %get3A_414 : vector<16xf32>
        %add3A_416 = arith.constant 48 : i32
        %add3A_417 = arith.addi %mul3A_404, %add3A_416 : i32
        %get3A_418 = arith.index_cast %add3A_417 : i32 to index
        %get3A_419 = tpu.vector_load %arg7[%get3A_418] {strides = array<i32>} : memref<10080xf32, #tpu.memory_space<vmem>>, vector<16xf32>,
        %max3A_420 = arith.maximumf %max3A_415, %get3A_419 : vector<16xf32>
        %add3A_421 = arith.constant 64 : i32
        %add3A_422 = arith.addi %mul3A_404, %add3A_421 : i32
        %get3A_423 = arith.index_cast %add3A_422 : i32 to index
        %get3A_424 = tpu.vector_load %arg7[%get3A_423] {strides = array<i32>} : memref<10080xf32, #tpu.memory_space<vmem>>, vector<16xf32>,
        %max3A_425 = arith.maximumf %max3A_420, %get3A_424 : vector<16xf32>
        %add3A_426 = arith.constant 80 : i32
        %add3A_427 = arith.addi %mul3A_404, %add3A_426 : i32
        %get3A_428 = arith.index_cast %add3A_427 : i32 to index
        %get3A_429 = tpu.vector_load %arg7[%get3A_428] {strides = array<i32>} : memref<10080xf32, #tpu.memory_space<vmem>>, vector<16xf32>,
        %max3A_430 = arith.maximumf %max3A_425, %get3A_429 : vector<16xf32>
        %add3A_431 = arith.constant 96 : i32
        %add3A_432 = arith.addi %mul3A_404, %add3A_431 : i32
        %get3A_433 = arith.index_cast %add3A_432 : i32 to index
        %get3A_434 = tpu.vector_load %arg7[%get3A_433] {strides = array<i32>} : memref<10080xf32, #tpu.memory_space<vmem>>, vector<16xf32>,
        %max3A_435 = arith.maximumf %max3A_430, %get3A_434 : vector<16xf32>
        %add3A_436 = arith.constant 112 : i32
        %add3A_437 = arith.addi %mul3A_404, %add3A_436 : i32
        %get3A_438 = arith.index_cast %add3A_437 : i32 to index
        %get3A_439 = tpu.vector_load %arg7[%get3A_438] {strides = array<i32>} : memref<10080xf32, #tpu.memory_space<vmem>>, vector<16xf32>,
        %max3A_440 = arith.maximumf %max3A_435, %get3A_439 : vector<16xf32>
        %add3A_441 = arith.constant 128 : i32
        %add3A_442 = arith.addi %mul3A_404, %add3A_441 : i32
        %get3A_443 = arith.index_cast %add3A_442 : i32 to index
        %get3A_444 = tpu.vector_load %arg7[%get3A_443] {strides = array<i32>} : memref<10080xf32, #tpu.memory_space<vmem>>, vector<16xf32>,
        %max3A_445 = arith.maximumf %max3A_440, %get3A_444 : vector<16xf32>
        %add3A_446 = arith.constant 144 : i32
        %add3A_447 = arith.addi %mul3A_404, %add3A_446 : i32
        %get3A_448 = arith.index_cast %add3A_447 : i32 to index
        %get3A_449 = tpu.vector_load %arg7[%get3A_448] {strides = array<i32>} : memref<10080xf32, #tpu.memory_space<vmem>>, vector<16xf32>,
        %max3A_450 = arith.maximumf %max3A_445, %get3A_449 : vector<16xf32>
        %mul3A_451 = arith.constant 16 : i32
        %mul3A_452 = arith.muli %add3A_402, %mul3A_451 : i32
        %swap3A_453 = arith.index_cast %mul3A_452 : i32 to index
        %swap3A_454 = tpu.vector_load %arg8[%swap3A_453] {strides = array<i32>} : memref<1024xf32, #tpu.memory_space<vmem>>, vector<16xf32>,
        tpu.vector_store %arg8[%swap3A_453], %max3A_450 {strides = array<i32>} : memref<1024xf32, #tpu.memory_space<vmem>>, vector<16xf32>,
        %mul3A_455 = arith.constant 3 : i32
        %mul3A_456 = arith.muli %scan3A_397, %mul3A_455 : i32
        %add3A_457 = arith.constant 1 : i32
        %add3A_458 = arith.addi %mul3A_456, %add3A_457 : i32
        %mul3A_459 = arith.constant 160 : i32
        %mul3A_460 = arith.muli %add3A_458, %mul3A_459 : i32
        %get3A_461 = arith.index_cast %mul3A_460 : i32 to index
        %get3A_462 = tpu.vector_load %arg7[%get3A_461] {strides = array<i32>} : memref<10080xf32, #tpu.memory_space<vmem>>, vector<16xf32>,
        %add3A_463 = arith.constant 16 : i32
        %add3A_464 = arith.addi %mul3A_460, %add3A_463 : i32
        %get3A_465 = arith.index_cast %add3A_464 : i32 to index
        %get3A_466 = tpu.vector_load %arg7[%get3A_465] {strides = array<i32>} : memref<10080xf32, #tpu.memory_space<vmem>>, vector<16xf32>,
        %max3A_467 = arith.maximumf %get3A_462, %get3A_466 : vector<16xf32>
        %add3A_468 = arith.constant 32 : i32
        %add3A_469 = arith.addi %mul3A_460, %add3A_468 : i32
        %get3A_470 = arith.index_cast %add3A_469 : i32 to index
        %get3A_471 = tpu.vector_load %arg7[%get3A_470] {strides = array<i32>} : memref<10080xf32, #tpu.memory_space<vmem>>, vector<16xf32>,
        %max3A_472 = arith.maximumf %max3A_467, %get3A_471 : vector<16xf32>
        %add3A_473 = arith.constant 48 : i32
        %add3A_474 = arith.addi %mul3A_460, %add3A_473 : i32
        %get3A_475 = arith.index_cast %add3A_474 : i32 to index
        %get3A_476 = tpu.vector_load %arg7[%get3A_475] {strides = array<i32>} : memref<10080xf32, #tpu.memory_space<vmem>>, vector<16xf32>,
        %max3A_477 = arith.maximumf %max3A_472, %get3A_476 : vector<16xf32>
        %add3A_478 = arith.constant 64 : i32
        %add3A_479 = arith.addi %mul3A_460, %add3A_478 : i32
        %get3A_480 = arith.index_cast %add3A_479 : i32 to index
        %get3A_481 = tpu.vector_load %arg7[%get3A_480] {strides = array<i32>} : memref<10080xf32, #tpu.memory_space<vmem>>, vector<16xf32>,
        %max3A_482 = arith.maximumf %max3A_477, %get3A_481 : vector<16xf32>
        %add3A_483 = arith.constant 80 : i32
        %add3A_484 = arith.addi %mul3A_460, %add3A_483 : i32
        %get3A_485 = arith.index_cast %add3A_484 : i32 to index
        %get3A_486 = tpu.vector_load %arg7[%get3A_485] {strides = array<i32>} : memref<10080xf32, #tpu.memory_space<vmem>>, vector<16xf32>,
        %max3A_487 = arith.maximumf %max3A_482, %get3A_486 : vector<16xf32>
        %add3A_488 = arith.constant 96 : i32
        %add3A_489 = arith.addi %mul3A_460, %add3A_488 : i32
        %get3A_490 = arith.index_cast %add3A_489 : i32 to index
        %get3A_491 = tpu.vector_load %arg7[%get3A_490] {strides = array<i32>} : memref<10080xf32, #tpu.memory_space<vmem>>, vector<16xf32>,
        %max3A_492 = arith.maximumf %max3A_487, %get3A_491 : vector<16xf32>
        %add3A_493 = arith.constant 112 : i32
        %add3A_494 = arith.addi %mul3A_460, %add3A_493 : i32
        %get3A_495 = arith.index_cast %add3A_494 : i32 to index
        %get3A_496 = tpu.vector_load %arg7[%get3A_495] {strides = array<i32>} : memref<10080xf32, #tpu.memory_space<vmem>>, vector<16xf32>,
        %max3A_497 = arith.maximumf %max3A_492, %get3A_496 : vector<16xf32>
        %add3A_498 = arith.constant 128 : i32
        %add3A_499 = arith.addi %mul3A_460, %add3A_498 : i32
        %get3A_500 = arith.index_cast %add3A_499 : i32 to index
        %get3A_501 = tpu.vector_load %arg7[%get3A_500] {strides = array<i32>} : memref<10080xf32, #tpu.memory_space<vmem>>, vector<16xf32>,
        %max3A_502 = arith.maximumf %max3A_497, %get3A_501 : vector<16xf32>
        %add3A_503 = arith.constant 144 : i32
        %add3A_504 = arith.addi %mul3A_460, %add3A_503 : i32
        %get3A_505 = arith.index_cast %add3A_504 : i32 to index
        %get3A_506 = tpu.vector_load %arg7[%get3A_505] {strides = array<i32>} : memref<10080xf32, #tpu.memory_space<vmem>>, vector<16xf32>,
        %max3A_507 = arith.maximumf %max3A_502, %get3A_506 : vector<16xf32>
        %mul3A_508 = arith.constant 16 : i32
        %mul3A_509 = arith.muli %add3A_458, %mul3A_508 : i32
        %swap3A_510 = arith.index_cast %mul3A_509 : i32 to index
        %swap3A_511 = tpu.vector_load %arg8[%swap3A_510] {strides = array<i32>} : memref<1024xf32, #tpu.memory_space<vmem>>, vector<16xf32>,
        tpu.vector_store %arg8[%swap3A_510], %max3A_507 {strides = array<i32>} : memref<1024xf32, #tpu.memory_space<vmem>>, vector<16xf32>,
        %mul3A_512 = arith.constant 3 : i32
        %mul3A_513 = arith.muli %scan3A_397, %mul3A_512 : i32
        %add3A_514 = arith.constant 2 : i32
        %add3A_515 = arith.addi %mul3A_513, %add3A_514 : i32
        %mul3A_516 = arith.constant 160 : i32
        %mul3A_517 = arith.muli %add3A_515, %mul3A_516 : i32
        %get3A_518 = arith.index_cast %mul3A_517 : i32 to index
        %get3A_519 = tpu.vector_load %arg7[%get3A_518] {strides = array<i32>} : memref<10080xf32, #tpu.memory_space<vmem>>, vector<16xf32>,
        %add3A_520 = arith.constant 16 : i32
        %add3A_521 = arith.addi %mul3A_517, %add3A_520 : i32
        %get3A_522 = arith.index_cast %add3A_521 : i32 to index
        %get3A_523 = tpu.vector_load %arg7[%get3A_522] {strides = array<i32>} : memref<10080xf32, #tpu.memory_space<vmem>>, vector<16xf32>,
        %max3A_524 = arith.maximumf %get3A_519, %get3A_523 : vector<16xf32>
        %add3A_525 = arith.constant 32 : i32
        %add3A_526 = arith.addi %mul3A_517, %add3A_525 : i32
        %get3A_527 = arith.index_cast %add3A_526 : i32 to index
        %get3A_528 = tpu.vector_load %arg7[%get3A_527] {strides = array<i32>} : memref<10080xf32, #tpu.memory_space<vmem>>, vector<16xf32>,
        %max3A_529 = arith.maximumf %max3A_524, %get3A_528 : vector<16xf32>
        %add3A_530 = arith.constant 48 : i32
        %add3A_531 = arith.addi %mul3A_517, %add3A_530 : i32
        %get3A_532 = arith.index_cast %add3A_531 : i32 to index
        %get3A_533 = tpu.vector_load %arg7[%get3A_532] {strides = array<i32>} : memref<10080xf32, #tpu.memory_space<vmem>>, vector<16xf32>,
        %max3A_534 = arith.maximumf %max3A_529, %get3A_533 : vector<16xf32>
        %add3A_535 = arith.constant 64 : i32
        %add3A_536 = arith.addi %mul3A_517, %add3A_535 : i32
        %get3A_537 = arith.index_cast %add3A_536 : i32 to index
        %get3A_538 = tpu.vector_load %arg7[%get3A_537] {strides = array<i32>} : memref<10080xf32, #tpu.memory_space<vmem>>, vector<16xf32>,
        %max3A_539 = arith.maximumf %max3A_534, %get3A_538 : vector<16xf32>
        %add3A_540 = arith.constant 80 : i32
        %add3A_541 = arith.addi %mul3A_517, %add3A_540 : i32
        %get3A_542 = arith.index_cast %add3A_541 : i32 to index
        %get3A_543 = tpu.vector_load %arg7[%get3A_542] {strides = array<i32>} : memref<10080xf32, #tpu.memory_space<vmem>>, vector<16xf32>,
        %max3A_544 = arith.maximumf %max3A_539, %get3A_543 : vector<16xf32>
        %add3A_545 = arith.constant 96 : i32
        %add3A_546 = arith.addi %mul3A_517, %add3A_545 : i32
        %get3A_547 = arith.index_cast %add3A_546 : i32 to index
        %get3A_548 = tpu.vector_load %arg7[%get3A_547] {strides = array<i32>} : memref<10080xf32, #tpu.memory_space<vmem>>, vector<16xf32>,
        %max3A_549 = arith.maximumf %max3A_544, %get3A_548 : vector<16xf32>
        %add3A_550 = arith.constant 112 : i32
        %add3A_551 = arith.addi %mul3A_517, %add3A_550 : i32
        %get3A_552 = arith.index_cast %add3A_551 : i32 to index
        %get3A_553 = tpu.vector_load %arg7[%get3A_552] {strides = array<i32>} : memref<10080xf32, #tpu.memory_space<vmem>>, vector<16xf32>,
        %max3A_554 = arith.maximumf %max3A_549, %get3A_553 : vector<16xf32>
        %add3A_555 = arith.constant 128 : i32
        %add3A_556 = arith.addi %mul3A_517, %add3A_555 : i32
        %get3A_557 = arith.index_cast %add3A_556 : i32 to index
        %get3A_558 = tpu.vector_load %arg7[%get3A_557] {strides = array<i32>} : memref<10080xf32, #tpu.memory_space<vmem>>, vector<16xf32>,
        %max3A_559 = arith.maximumf %max3A_554, %get3A_558 : vector<16xf32>
        %add3A_560 = arith.constant 144 : i32
        %add3A_561 = arith.addi %mul3A_517, %add3A_560 : i32
        %get3A_562 = arith.index_cast %add3A_561 : i32 to index
        %get3A_563 = tpu.vector_load %arg7[%get3A_562] {strides = array<i32>} : memref<10080xf32, #tpu.memory_space<vmem>>, vector<16xf32>,
        %max3A_564 = arith.maximumf %max3A_559, %get3A_563 : vector<16xf32>
        %mul3A_565 = arith.constant 16 : i32
        %mul3A_566 = arith.muli %add3A_515, %mul3A_565 : i32
        %swap3A_567 = arith.index_cast %mul3A_566 : i32 to index
        %swap3A_568 = tpu.vector_load %arg8[%swap3A_567] {strides = array<i32>} : memref<1024xf32, #tpu.memory_space<vmem>>, vector<16xf32>,
        tpu.vector_store %arg8[%swap3A_567], %max3A_564 {strides = array<i32>} : memref<1024xf32, #tpu.memory_space<vmem>>, vector<16xf32>,
        %scan3A_569 = arith.constant 0 : i32
        scf.yield %scan3A_569 : i32
      }
      %scan3A_141 = arith.constant 21 : i32
      %scan3A_142 = arith.constant 0 : i32
      %scan3A_143 = arith.constant 0 : i32
      %scan3A_144 = arith.constant 64 : i32
      %scan3A_145 = arith.addi %scan3A_143, %scan3A_144 : i32
      %scan3A_146 = arith.constant 1 : i32
      %scan3A_147:6 = scf.for %scan3A_397 = %scan3A_143 to %scan3A_145 step %scan3A_146 iter_args(%scan3A_398 = %broadcast_in_dim3A_3, %scan3A_399 = %scan3A_142, %scan3A_400 = %broadcast_in_dim3A_3, %scan3A_401 = %broadcast_in_dim3A_5, %scan3A_402 = %broadcast_in_dim3A_3, %scan3A_403 = %broadcast_in_dim3A_5) -> (vector<16xf32>, i32, vector<16xf32>, vector<16xi32>, vector<16xf32>, vector<16xi32>)  : i32 {
        %mul3A_404 = arith.constant 16 : i32
        %mul3A_405 = arith.muli %scan3A_397, %mul3A_404 : i32
        %get3A = arith.index_cast %mul3A_405 : i32 to index
        %get3A_406 = tpu.vector_load %arg8[%get3A] {strides = array<i32>} : memref<1024xf32, #tpu.memory_space<vmem>>, vector<16xf32>,
        %ge3A = arith.cmpf oge, %get3A_406, %scan3A_398 : vector<16xf32>
        %swap3A_407 = arith.index_cast %scan3A_399 : i32 to index
        %swap3A_408 = tpu.vector_load %arg9[%swap3A_407] masked %ge3A {strides = array<i32>} : memref<512xf32, #tpu.memory_space<vmem>>, vector<16xf32>, vector<16xi1>
        tpu.vector_store %arg9[%swap3A_407], %get3A_406 masked %ge3A {strides = array<i32>} : memref<512xf32, #tpu.memory_space<vmem>>, vector<16xf32>, vector<16xi1>
        %mul3A_409 = arith.constant 16 : i32
        %mul3A_410 = arith.muli %scan3A_397, %mul3A_409 : i32
        %add3A_411 = vector.broadcast %mul3A_410 : i32 to vector<16xi32>
        %add3A_412 = arith.addi %add3A_411, %iota3A : vector<16xi32>
        %swap3A_413 = arith.index_cast %scan3A_399 : i32 to index
        %swap3A_414 = tpu.vector_load %arg10[%swap3A_413] masked %ge3A {strides = array<i32>} : memref<512xi32, #tpu.memory_space<vmem>>, vector<16xi32>, vector<16xi1>
        tpu.vector_store %arg10[%swap3A_413], %add3A_412 masked %ge3A {strides = array<i32>} : memref<512xi32, #tpu.memory_space<vmem>>, vector<16xi32>, vector<16xi1>
        %all_reduce_population_count3A = tpu.all_reduce %ge3A {dim = 0 : i64, kind = #tpu.reduction_kind<sum>} : vector<16xi1> -> vector<16xi32>
        %slice3A_415 = vector.extract_strided_slice %all_reduce_population_count3A {offsets = [0], sizes = [1], strides = [1]} : vector<16xi32> to vector<1xi32>
        %squeeze3A_416 = vector.extract %slice3A_415[0] : i32 from vector<1xi32>
        %add3A_417 = arith.addi %scan3A_399, %squeeze3A_416 : i32
        %ge3A_418 = arith.constant 224 : i32
        %ge3A_419 = arith.cmpi sge, %add3A_417, %ge3A_418 : i32
        %convert_element_type3A = arith.extui %ge3A_419 : i1 to i32
        %cond3A = arith.constant 0 : i32
        %cond3A_420 = arith.cmpi ne, %convert_element_type3A, %cond3A : i32
        %cond3A_421:6 = scf.if %cond3A_420 -> (vector<16xf32>, i32, vector<16xf32>, vector<16xi32>, vector<16xf32>, vector<16xi32>) {
          %add3A_422 = arith.constant 15 : i32
          %add3A_423 = arith.addi %add3A_417, %add3A_422 : i32
          %jit3A_424 = arith.constant 16 : i32
          %div3A_425 = arith.divsi %add3A_423, %jit3A_424 : i32
          %sign3A_426 = arith.constant 0 : i32
          %sign3A_427 = arith.cmpi sgt, %add3A_423, %sign3A_426 : i32
          %sign3A_428 = arith.extui %sign3A_427 : i1 to i32
          %sign3A_429 = arith.constant 0 : i32
          %sign3A_430 = arith.cmpi slt, %add3A_423, %sign3A_429 : i32
          %sign3A_431 = arith.extui %sign3A_430 : i1 to i32
          %sign3A_432 = arith.subi %sign3A_428, %sign3A_431 : i32
          %sign3A_433 = arith.constant 0 : i32
          %sign3A_434 = arith.cmpi sgt, %jit3A_424, %sign3A_433 : i32
          %sign3A_435 = arith.extui %sign3A_434 : i1 to i32
          %sign3A_436 = arith.constant 0 : i32
          %sign3A_437 = arith.cmpi slt, %jit3A_424, %sign3A_436 : i32
          %sign3A_438 = arith.extui %sign3A_437 : i1 to i32
          %sign3A_439 = arith.subi %sign3A_435, %sign3A_438 : i32
          %ne3A_440 = arith.cmpi ne, %sign3A_432, %sign3A_439 : i32
          %rem3A_441 = arith.remsi %add3A_423, %jit3A_424 : i32
          %ne3A_442 = arith.constant 0 : i32
          %ne3A_443 = arith.cmpi ne, %rem3A_441, %ne3A_442 : i32
          %and3A_444 = arith.andi %ne3A_440, %ne3A_443 : i1
          %sub3A_445 = arith.constant 1 : i32
          %sub3A_446 = arith.subi %div3A_425, %sub3A_445 : i32
          %select_n3A_447 = arith.select %and3A_444, %sub3A_446, %div3A_425 : i32
          %while3A_448 = arith.constant 0 : i32
          %while3A_449 = arith.subi %select_n3A_447, %while3A_448 : i32
          %while3A_450 = arith.addi %while3A_448, %while3A_449 : i32
          %while3A_451 = arith.constant 1 : i32
          %while3A_452 = arith.divsi %while3A_449, %while3A_451 : i32
          %while3A_453 = arith.muli %while3A_452, %while3A_451 : i32
          %while3A_454 = arith.addi %while3A_448, %while3A_453 : i32
          %while3A_455 = arith.constant 1 : i32
          %while3A_456:4 = scf.for %while3A_463 = %while3A_448 to %while3A_454 step %while3A_455 iter_args(%while3A_464 = %scan3A_400, %while3A_465 = %scan3A_401, %while3A_466 = %scan3A_402, %while3A_467 = %scan3A_403) -> (vector<16xf32>, vector<16xi32>, vector<16xf32>, vector<16xi32>)  : i32 {
            %mul3A_468 = arith.constant 16 : i32
            %mul3A_469 = arith.muli %while3A_463, %mul3A_468 : i32
            %get3A_470 = arith.index_cast %mul3A_469 : i32 to index
            %get3A_471 = tpu.vector_load %arg9[%get3A_470] {strides = array<i32>} : memref<512xf32, #tpu.memory_space<vmem>>, vector<16xf32>,
            %mul3A_472 = arith.constant 16 : i32
            %mul3A_473 = arith.muli %while3A_463, %mul3A_472 : i32
            %get3A_474 = arith.index_cast %mul3A_473 : i32 to index
            %get3A_475 = tpu.vector_load %arg10[%get3A_474] {strides = array<i32>} : memref<512xi32, #tpu.memory_space<vmem>>, vector<16xi32>,
            %mul3A_476 = arith.constant 16 : i32
            %mul3A_477 = arith.muli %while3A_463, %mul3A_476 : i32
            %add3A_478 = vector.broadcast %mul3A_477 : i32 to vector<16xi32>
            %add3A_479 = arith.addi %iota3A, %add3A_478 : vector<16xi32>
            %lt3A = vector.broadcast %add3A_417 : i32 to vector<16xi32>
            %lt3A_480 = arith.cmpi slt, %add3A_479, %lt3A : vector<16xi32>
            %jit3A_481 = arith.constant -1.000000e+30 : f32
            %broadcast_in_dim3A_482 = vector.broadcast %jit3A_481 : f32 to vector<16xf32>
            %select_n3A_483 = arith.select %lt3A_480, %get3A_471, %broadcast_in_dim3A_482 : vector<16xi1>, vector<16xf32>
            %masked_sort3A_484 = arith.constant dense<true> : vector<16xi1>
            %masked_sort3A_485, %masked_sort3A_486, %masked_sort3A_487 = tpu.sort %select_n3A_483, %get3A_475 masked %masked_sort3A_484 {descending = true} : (vector<16xf32>, vector<16xi32>, vector<16xi1>) -> (vector<16xi1>, vector<16xf32>, vector<16xi32>)
            %rev3A_488 = arith.constant 15 : i32
            %rev3A_489 = vector.broadcast %rev3A_488 : i32 to vector<16xi32>
            %rev3A_490 = tpu.iota {dimensions = array<i32: 0>} : vector<16xi32>
            %rev3A_491 = arith.subi %rev3A_489, %rev3A_490 : vector<16xi32>
            %rev3A_492 = tpu.dynamic_gather %masked_sort3A_486[%rev3A_491] in [0] : vector<16xf32>, vector<16xi32> -> vector<16xf32>
            %rev3A_493 = arith.constant 15 : i32
            %rev3A_494 = vector.broadcast %rev3A_493 : i32 to vector<16xi32>
            %rev3A_495 = tpu.iota {dimensions = array<i32: 0>} : vector<16xi32>
            %rev3A_496 = arith.subi %rev3A_494, %rev3A_495 : vector<16xi32>
            %rev3A_497 = tpu.dynamic_gather %masked_sort3A_487[%rev3A_496] in [0] : vector<16xi32>, vector<16xi32> -> vector<16xi32>
            %ge3A_498 = arith.cmpf oge, %while3A_466, %rev3A_492 : vector<16xf32>
            %select_n3A_499 = arith.select %ge3A_498, %while3A_466, %rev3A_492 : vector<16xi1>, vector<16xf32>
            %select_n3A_500 = arith.select %ge3A_498, %while3A_467, %rev3A_497 : vector<16xi1>, vector<16xi32>
            %masked_sort3A_501 = arith.constant dense<true> : vector<16xi1>
            %masked_sort3A_502, %masked_sort3A_503, %masked_sort3A_504 = tpu.sort %select_n3A_499, %select_n3A_500 masked %masked_sort3A_501 {descending = true} : (vector<16xf32>, vector<16xi32>, vector<16xi1>) -> (vector<16xi1>, vector<16xf32>, vector<16xi32>)
            %rev3A_505 = arith.constant 15 : i32
            %rev3A_506 = vector.broadcast %rev3A_505 : i32 to vector<16xi32>
            %rev3A_507 = tpu.iota {dimensions = array<i32: 0>} : vector<16xi32>
            %rev3A_508 = arith.subi %rev3A_506, %rev3A_507 : vector<16xi32>
            %rev3A_509 = tpu.dynamic_gather %masked_sort3A_503[%rev3A_508] in [0] : vector<16xf32>, vector<16xi32> -> vector<16xf32>
            %rev3A_510 = arith.constant 15 : i32
            %rev3A_511 = vector.broadcast %rev3A_510 : i32 to vector<16xi32>
            %rev3A_512 = tpu.iota {dimensions = array<i32: 0>} : vector<16xi32>
            %rev3A_513 = arith.subi %rev3A_511, %rev3A_512 : vector<16xi32>
            %rev3A_514 = tpu.dynamic_gather %masked_sort3A_504[%rev3A_513] in [0] : vector<16xi32>, vector<16xi32> -> vector<16xi32>
            %ge3A_515 = arith.cmpf oge, %while3A_464, %rev3A_509 : vector<16xf32>
            %select_n3A_516 = arith.select %ge3A_515, %while3A_464, %rev3A_509 : vector<16xi1>, vector<16xf32>
            %select_n3A_517 = arith.select %ge3A_515, %while3A_465, %rev3A_514 : vector<16xi1>, vector<16xi32>
            %select_n3A_518 = arith.select %ge3A_515, %rev3A_509, %while3A_464 : vector<16xi1>, vector<16xf32>
            %select_n3A_519 = arith.select %ge3A_515, %rev3A_514, %while3A_465 : vector<16xi1>, vector<16xi32>
            %masked_sort3A_520 = arith.constant dense<true> : vector<16xi1>
            %masked_sort3A_521, %masked_sort3A_522, %masked_sort3A_523 = tpu.sort %select_n3A_516, %select_n3A_517 masked %masked_sort3A_520 {descending = true} : (vector<16xf32>, vector<16xi32>, vector<16xi1>) -> (vector<16xi1>, vector<16xf32>, vector<16xi32>)
            %masked_sort3A_524 = arith.constant dense<true> : vector<16xi1>
            %masked_sort3A_525, %masked_sort3A_526, %masked_sort3A_527 = tpu.sort %select_n3A_518, %select_n3A_519 masked %masked_sort3A_524 {descending = true} : (vector<16xf32>, vector<16xi32>, vector<16xi1>) -> (vector<16xi1>, vector<16xf32>, vector<16xi32>)
            scf.yield %masked_sort3A_522, %masked_sort3A_523, %masked_sort3A_526, %masked_sort3A_527 : vector<16xf32>, vector<16xi32>, vector<16xf32>, vector<16xi32>
          }
          %while3A_457 = arith.constant 1 : i32
          %while3A_458:4 = scf.for %while3A_463 = %while3A_454 to %while3A_450 step %while3A_457 iter_args(%while3A_464 = %while3A_456#0, %while3A_465 = %while3A_456#1, %while3A_466 = %while3A_456#2, %while3A_467 = %while3A_456#3) -> (vector<16xf32>, vector<16xi32>, vector<16xf32>, vector<16xi32>)  : i32 {
            %mul3A_468 = arith.constant 16 : i32
            %mul3A_469 = arith.muli %while3A_463, %mul3A_468 : i32
            %get3A_470 = arith.index_cast %mul3A_469 : i32 to index
            %get3A_471 = tpu.vector_load %arg9[%get3A_470] {strides = array<i32>} : memref<512xf32, #tpu.memory_space<vmem>>, vector<16xf32>,
            %mul3A_472 = arith.constant 16 : i32
            %mul3A_473 = arith.muli %while3A_463, %mul3A_472 : i32
            %get3A_474 = arith.index_cast %mul3A_473 : i32 to index
            %get3A_475 = tpu.vector_load %arg10[%get3A_474] {strides = array<i32>} : memref<512xi32, #tpu.memory_space<vmem>>, vector<16xi32>,
            %mul3A_476 = arith.constant 16 : i32
            %mul3A_477 = arith.muli %while3A_463, %mul3A_476 : i32
            %add3A_478 = vector.broadcast %mul3A_477 : i32 to vector<16xi32>
            %add3A_479 = arith.addi %iota3A, %add3A_478 : vector<16xi32>
            %lt3A = vector.broadcast %add3A_417 : i32 to vector<16xi32>
            %lt3A_480 = arith.cmpi slt, %add3A_479, %lt3A : vector<16xi32>
            %jit3A_481 = arith.constant -1.000000e+30 : f32
            %broadcast_in_dim3A_482 = vector.broadcast %jit3A_481 : f32 to vector<16xf32>
            %select_n3A_483 = arith.select %lt3A_480, %get3A_471, %broadcast_in_dim3A_482 : vector<16xi1>, vector<16xf32>
            %masked_sort3A_484 = arith.constant dense<true> : vector<16xi1>
            %masked_sort3A_485, %masked_sort3A_486, %masked_sort3A_487 = tpu.sort %select_n3A_483, %get3A_475 masked %masked_sort3A_484 {descending = true} : (vector<16xf32>, vector<16xi32>, vector<16xi1>) -> (vector<16xi1>, vector<16xf32>, vector<16xi32>)
            %rev3A_488 = arith.constant 15 : i32
            %rev3A_489 = vector.broadcast %rev3A_488 : i32 to vector<16xi32>
            %rev3A_490 = tpu.iota {dimensions = array<i32: 0>} : vector<16xi32>
            %rev3A_491 = arith.subi %rev3A_489, %rev3A_490 : vector<16xi32>
            %rev3A_492 = tpu.dynamic_gather %masked_sort3A_486[%rev3A_491] in [0] : vector<16xf32>, vector<16xi32> -> vector<16xf32>
            %rev3A_493 = arith.constant 15 : i32
            %rev3A_494 = vector.broadcast %rev3A_493 : i32 to vector<16xi32>
            %rev3A_495 = tpu.iota {dimensions = array<i32: 0>} : vector<16xi32>
            %rev3A_496 = arith.subi %rev3A_494, %rev3A_495 : vector<16xi32>
            %rev3A_497 = tpu.dynamic_gather %masked_sort3A_487[%rev3A_496] in [0] : vector<16xi32>, vector<16xi32> -> vector<16xi32>
            %ge3A_498 = arith.cmpf oge, %while3A_466, %rev3A_492 : vector<16xf32>
            %select_n3A_499 = arith.select %ge3A_498, %while3A_466, %rev3A_492 : vector<16xi1>, vector<16xf32>
            %select_n3A_500 = arith.select %ge3A_498, %while3A_467, %rev3A_497 : vector<16xi1>, vector<16xi32>
            %masked_sort3A_501 = arith.constant dense<true> : vector<16xi1>
            %masked_sort3A_502, %masked_sort3A_503, %masked_sort3A_504 = tpu.sort %select_n3A_499, %select_n3A_500 masked %masked_sort3A_501 {descending = true} : (vector<16xf32>, vector<16xi32>, vector<16xi1>) -> (vector<16xi1>, vector<16xf32>, vector<16xi32>)
            %rev3A_505 = arith.constant 15 : i32
            %rev3A_506 = vector.broadcast %rev3A_505 : i32 to vector<16xi32>
            %rev3A_507 = tpu.iota {dimensions = array<i32: 0>} : vector<16xi32>
            %rev3A_508 = arith.subi %rev3A_506, %rev3A_507 : vector<16xi32>
            %rev3A_509 = tpu.dynamic_gather %masked_sort3A_503[%rev3A_508] in [0] : vector<16xf32>, vector<16xi32> -> vector<16xf32>
            %rev3A_510 = arith.constant 15 : i32
            %rev3A_511 = vector.broadcast %rev3A_510 : i32 to vector<16xi32>
            %rev3A_512 = tpu.iota {dimensions = array<i32: 0>} : vector<16xi32>
            %rev3A_513 = arith.subi %rev3A_511, %rev3A_512 : vector<16xi32>
            %rev3A_514 = tpu.dynamic_gather %masked_sort3A_504[%rev3A_513] in [0] : vector<16xi32>, vector<16xi32> -> vector<16xi32>
            %ge3A_515 = arith.cmpf oge, %while3A_464, %rev3A_509 : vector<16xf32>
            %select_n3A_516 = arith.select %ge3A_515, %while3A_464, %rev3A_509 : vector<16xi1>, vector<16xf32>
            %select_n3A_517 = arith.select %ge3A_515, %while3A_465, %rev3A_514 : vector<16xi1>, vector<16xi32>
            %select_n3A_518 = arith.select %ge3A_515, %rev3A_509, %while3A_464 : vector<16xi1>, vector<16xf32>
            %select_n3A_519 = arith.select %ge3A_515, %rev3A_514, %while3A_465 : vector<16xi1>, vector<16xi32>
            %masked_sort3A_520 = arith.constant dense<true> : vector<16xi1>
            %masked_sort3A_521, %masked_sort3A_522, %masked_sort3A_523 = tpu.sort %select_n3A_516, %select_n3A_517 masked %masked_sort3A_520 {descending = true} : (vector<16xf32>, vector<16xi32>, vector<16xi1>) -> (vector<16xi1>, vector<16xf32>, vector<16xi32>)
            %masked_sort3A_524 = arith.constant dense<true> : vector<16xi1>
            %masked_sort3A_525, %masked_sort3A_526, %masked_sort3A_527 = tpu.sort %select_n3A_518, %select_n3A_519 masked %masked_sort3A_524 {descending = true} : (vector<16xf32>, vector<16xi32>, vector<16xi1>) -> (vector<16xi1>, vector<16xf32>, vector<16xi32>)
            scf.yield %masked_sort3A_522, %masked_sort3A_523, %masked_sort3A_526, %masked_sort3A_527 : vector<16xf32>, vector<16xi32>, vector<16xf32>, vector<16xi32>
          }
          %slice3A_459 = vector.extract_strided_slice %while3A_458#2 {offsets = [15], sizes = [1], strides = [1]} : vector<16xf32> to vector<1xf32>
          %squeeze3A_460 = vector.extract %slice3A_459[0] : f32 from vector<1xf32>
          %broadcast_in_dim3A_461 = vector.broadcast %squeeze3A_460 : f32 to vector<16xf32>
          %cond3A_462 = arith.constant 0 : i32
          scf.yield %broadcast_in_dim3A_461, %cond3A_462, %while3A_458#0, %while3A_458#1, %while3A_458#2, %while3A_458#3 : vector<16xf32>, i32, vector<16xf32>, vector<16xi32>, vector<16xf32>, vector<16xi32>
        } else {
          scf.yield %scan3A_398, %add3A_417, %scan3A_400, %scan3A_401, %scan3A_402, %scan3A_403 : vector<16xf32>, i32, vector<16xf32>, vector<16xi32>, vector<16xf32>, vector<16xi32>
        }
        scf.yield %cond3A_421#0, %cond3A_421#1, %cond3A_421#2, %cond3A_421#3, %cond3A_421#4, %cond3A_421#5 : vector<16xf32>, i32, vector<16xf32>, vector<16xi32>, vector<16xf32>, vector<16xi32>
      }
      %scan3A_148 = arith.constant 64 : i32
      %add3A_149 = arith.constant 15 : i32
      %add3A_150 = arith.addi %scan3A_147#1, %add3A_149 : i32
      %jit3A = arith.constant 16 : i32
      %div3A = arith.divsi %add3A_150, %jit3A : i32
      %sign3A = arith.constant 0 : i32
      %sign3A_151 = arith.cmpi sgt, %add3A_150, %sign3A : i32
      %sign3A_152 = arith.extui %sign3A_151 : i1 to i32
      %sign3A_153 = arith.constant 0 : i32
      %sign3A_154 = arith.cmpi slt, %add3A_150, %sign3A_153 : i32
      %sign3A_155 = arith.extui %sign3A_154 : i1 to i32
      %sign3A_156 = arith.subi %sign3A_152, %sign3A_155 : i32
      %sign3A_157 = arith.constant 0 : i32
      %sign3A_158 = arith.cmpi sgt, %jit3A, %sign3A_157 : i32
      %sign3A_159 = arith.extui %sign3A_158 : i1 to i32
      %sign3A_160 = arith.constant 0 : i32
      %sign3A_161 = arith.cmpi slt, %jit3A, %sign3A_160 : i32
      %sign3A_162 = arith.extui %sign3A_161 : i1 to i32
      %sign3A_163 = arith.subi %sign3A_159, %sign3A_162 : i32
      %ne3A = arith.cmpi ne, %sign3A_156, %sign3A_163 : i32
      %rem3A = arith.remsi %add3A_150, %jit3A : i32
      %ne3A_164 = arith.constant 0 : i32
      %ne3A_165 = arith.cmpi ne, %rem3A, %ne3A_164 : i32
      %and3A = arith.andi %ne3A, %ne3A_165 : i1
      %sub3A = arith.constant 1 : i32
      %sub3A_166 = arith.subi %div3A, %sub3A : i32
      %select_n3A = arith.select %and3A, %sub3A_166, %div3A : i32
      %while3A_167 = arith.constant 0 : i32
      %while3A_168 = arith.subi %select_n3A, %while3A_167 : i32
      %while3A_169 = arith.addi %while3A_167, %while3A_168 : i32
      %while3A_170 = arith.constant 1 : i32
      %while3A_171 = arith.divsi %while3A_168, %while3A_170 : i32
      %while3A_172 = arith.muli %while3A_171, %while3A_170 : i32
      %while3A_173 = arith.addi %while3A_167, %while3A_172 : i32
      %while3A_174 = arith.constant 1 : i32
      %while3A_175:4 = scf.for %while3A_397 = %while3A_167 to %while3A_173 step %while3A_174 iter_args(%while3A_398 = %scan3A_147#2, %while3A_399 = %scan3A_147#3, %while3A_400 = %scan3A_147#4, %while3A_401 = %scan3A_147#5) -> (vector<16xf32>, vector<16xi32>, vector<16xf32>, vector<16xi32>)  : i32 {
        %mul3A_402 = arith.constant 16 : i32
        %mul3A_403 = arith.muli %while3A_397, %mul3A_402 : i32
        %get3A = arith.index_cast %mul3A_403 : i32 to index
        %get3A_404 = tpu.vector_load %arg9[%get3A] {strides = array<i32>} : memref<512xf32, #tpu.memory_space<vmem>>, vector<16xf32>,
        %mul3A_405 = arith.constant 16 : i32
        %mul3A_406 = arith.muli %while3A_397, %mul3A_405 : i32
        %get3A_407 = arith.index_cast %mul3A_406 : i32 to index
        %get3A_408 = tpu.vector_load %arg10[%get3A_407] {strides = array<i32>} : memref<512xi32, #tpu.memory_space<vmem>>, vector<16xi32>,
        %mul3A_409 = arith.constant 16 : i32
        %mul3A_410 = arith.muli %while3A_397, %mul3A_409 : i32
        %add3A_411 = vector.broadcast %mul3A_410 : i32 to vector<16xi32>
        %add3A_412 = arith.addi %iota3A, %add3A_411 : vector<16xi32>
        %lt3A = vector.broadcast %scan3A_147#1 : i32 to vector<16xi32>
        %lt3A_413 = arith.cmpi slt, %add3A_412, %lt3A : vector<16xi32>
        %jit3A_414 = arith.constant -1.000000e+30 : f32
        %broadcast_in_dim3A_415 = vector.broadcast %jit3A_414 : f32 to vector<16xf32>
        %select_n3A_416 = arith.select %lt3A_413, %get3A_404, %broadcast_in_dim3A_415 : vector<16xi1>, vector<16xf32>
        %masked_sort3A_417 = arith.constant dense<true> : vector<16xi1>
        %masked_sort3A_418, %masked_sort3A_419, %masked_sort3A_420 = tpu.sort %select_n3A_416, %get3A_408 masked %masked_sort3A_417 {descending = true} : (vector<16xf32>, vector<16xi32>, vector<16xi1>) -> (vector<16xi1>, vector<16xf32>, vector<16xi32>)
        %rev3A_421 = arith.constant 15 : i32
        %rev3A_422 = vector.broadcast %rev3A_421 : i32 to vector<16xi32>
        %rev3A_423 = tpu.iota {dimensions = array<i32: 0>} : vector<16xi32>
        %rev3A_424 = arith.subi %rev3A_422, %rev3A_423 : vector<16xi32>
        %rev3A_425 = tpu.dynamic_gather %masked_sort3A_419[%rev3A_424] in [0] : vector<16xf32>, vector<16xi32> -> vector<16xf32>
        %rev3A_426 = arith.constant 15 : i32
        %rev3A_427 = vector.broadcast %rev3A_426 : i32 to vector<16xi32>
        %rev3A_428 = tpu.iota {dimensions = array<i32: 0>} : vector<16xi32>
        %rev3A_429 = arith.subi %rev3A_427, %rev3A_428 : vector<16xi32>
        %rev3A_430 = tpu.dynamic_gather %masked_sort3A_420[%rev3A_429] in [0] : vector<16xi32>, vector<16xi32> -> vector<16xi32>
        %ge3A = arith.cmpf oge, %while3A_400, %rev3A_425 : vector<16xf32>
        %select_n3A_431 = arith.select %ge3A, %while3A_400, %rev3A_425 : vector<16xi1>, vector<16xf32>
        %select_n3A_432 = arith.select %ge3A, %while3A_401, %rev3A_430 : vector<16xi1>, vector<16xi32>
        %masked_sort3A_433 = arith.constant dense<true> : vector<16xi1>
        %masked_sort3A_434, %masked_sort3A_435, %masked_sort3A_436 = tpu.sort %select_n3A_431, %select_n3A_432 masked %masked_sort3A_433 {descending = true} : (vector<16xf32>, vector<16xi32>, vector<16xi1>) -> (vector<16xi1>, vector<16xf32>, vector<16xi32>)
        %rev3A_437 = arith.constant 15 : i32
        %rev3A_438 = vector.broadcast %rev3A_437 : i32 to vector<16xi32>
        %rev3A_439 = tpu.iota {dimensions = array<i32: 0>} : vector<16xi32>
        %rev3A_440 = arith.subi %rev3A_438, %rev3A_439 : vector<16xi32>
        %rev3A_441 = tpu.dynamic_gather %masked_sort3A_435[%rev3A_440] in [0] : vector<16xf32>, vector<16xi32> -> vector<16xf32>
        %rev3A_442 = arith.constant 15 : i32
        %rev3A_443 = vector.broadcast %rev3A_442 : i32 to vector<16xi32>
        %rev3A_444 = tpu.iota {dimensions = array<i32: 0>} : vector<16xi32>
        %rev3A_445 = arith.subi %rev3A_443, %rev3A_444 : vector<16xi32>
        %rev3A_446 = tpu.dynamic_gather %masked_sort3A_436[%rev3A_445] in [0] : vector<16xi32>, vector<16xi32> -> vector<16xi32>
        %ge3A_447 = arith.cmpf oge, %while3A_398, %rev3A_441 : vector<16xf32>
        %select_n3A_448 = arith.select %ge3A_447, %while3A_398, %rev3A_441 : vector<16xi1>, vector<16xf32>
        %select_n3A_449 = arith.select %ge3A_447, %while3A_399, %rev3A_446 : vector<16xi1>, vector<16xi32>
        %select_n3A_450 = arith.select %ge3A_447, %rev3A_441, %while3A_398 : vector<16xi1>, vector<16xf32>
        %select_n3A_451 = arith.select %ge3A_447, %rev3A_446, %while3A_399 : vector<16xi1>, vector<16xi32>
        %masked_sort3A_452 = arith.constant dense<true> : vector<16xi1>
        %masked_sort3A_453, %masked_sort3A_454, %masked_sort3A_455 = tpu.sort %select_n3A_448, %select_n3A_449 masked %masked_sort3A_452 {descending = true} : (vector<16xf32>, vector<16xi32>, vector<16xi1>) -> (vector<16xi1>, vector<16xf32>, vector<16xi32>)
        %masked_sort3A_456 = arith.constant dense<true> : vector<16xi1>
        %masked_sort3A_457, %masked_sort3A_458, %masked_sort3A_459 = tpu.sort %select_n3A_450, %select_n3A_451 masked %masked_sort3A_456 {descending = true} : (vector<16xf32>, vector<16xi32>, vector<16xi1>) -> (vector<16xi1>, vector<16xf32>, vector<16xi32>)
        scf.yield %masked_sort3A_454, %masked_sort3A_455, %masked_sort3A_458, %masked_sort3A_459 : vector<16xf32>, vector<16xi32>, vector<16xf32>, vector<16xi32>
      }
      %while3A_176 = arith.constant 1 : i32
      %while3A_177:4 = scf.for %while3A_397 = %while3A_173 to %while3A_169 step %while3A_176 iter_args(%while3A_398 = %while3A_175#0, %while3A_399 = %while3A_175#1, %while3A_400 = %while3A_175#2, %while3A_401 = %while3A_175#3) -> (vector<16xf32>, vector<16xi32>, vector<16xf32>, vector<16xi32>)  : i32 {
        %mul3A_402 = arith.constant 16 : i32
        %mul3A_403 = arith.muli %while3A_397, %mul3A_402 : i32
        %get3A = arith.index_cast %mul3A_403 : i32 to index
        %get3A_404 = tpu.vector_load %arg9[%get3A] {strides = array<i32>} : memref<512xf32, #tpu.memory_space<vmem>>, vector<16xf32>,
        %mul3A_405 = arith.constant 16 : i32
        %mul3A_406 = arith.muli %while3A_397, %mul3A_405 : i32
        %get3A_407 = arith.index_cast %mul3A_406 : i32 to index
        %get3A_408 = tpu.vector_load %arg10[%get3A_407] {strides = array<i32>} : memref<512xi32, #tpu.memory_space<vmem>>, vector<16xi32>,
        %mul3A_409 = arith.constant 16 : i32
        %mul3A_410 = arith.muli %while3A_397, %mul3A_409 : i32
        %add3A_411 = vector.broadcast %mul3A_410 : i32 to vector<16xi32>
        %add3A_412 = arith.addi %iota3A, %add3A_411 : vector<16xi32>
        %lt3A = vector.broadcast %scan3A_147#1 : i32 to vector<16xi32>
        %lt3A_413 = arith.cmpi slt, %add3A_412, %lt3A : vector<16xi32>
        %jit3A_414 = arith.constant -1.000000e+30 : f32
        %broadcast_in_dim3A_415 = vector.broadcast %jit3A_414 : f32 to vector<16xf32>
        %select_n3A_416 = arith.select %lt3A_413, %get3A_404, %broadcast_in_dim3A_415 : vector<16xi1>, vector<16xf32>
        %masked_sort3A_417 = arith.constant dense<true> : vector<16xi1>
        %masked_sort3A_418, %masked_sort3A_419, %masked_sort3A_420 = tpu.sort %select_n3A_416, %get3A_408 masked %masked_sort3A_417 {descending = true} : (vector<16xf32>, vector<16xi32>, vector<16xi1>) -> (vector<16xi1>, vector<16xf32>, vector<16xi32>)
        %rev3A_421 = arith.constant 15 : i32
        %rev3A_422 = vector.broadcast %rev3A_421 : i32 to vector<16xi32>
        %rev3A_423 = tpu.iota {dimensions = array<i32: 0>} : vector<16xi32>
        %rev3A_424 = arith.subi %rev3A_422, %rev3A_423 : vector<16xi32>
        %rev3A_425 = tpu.dynamic_gather %masked_sort3A_419[%rev3A_424] in [0] : vector<16xf32>, vector<16xi32> -> vector<16xf32>
        %rev3A_426 = arith.constant 15 : i32
        %rev3A_427 = vector.broadcast %rev3A_426 : i32 to vector<16xi32>
        %rev3A_428 = tpu.iota {dimensions = array<i32: 0>} : vector<16xi32>
        %rev3A_429 = arith.subi %rev3A_427, %rev3A_428 : vector<16xi32>
        %rev3A_430 = tpu.dynamic_gather %masked_sort3A_420[%rev3A_429] in [0] : vector<16xi32>, vector<16xi32> -> vector<16xi32>
        %ge3A = arith.cmpf oge, %while3A_400, %rev3A_425 : vector<16xf32>
        %select_n3A_431 = arith.select %ge3A, %while3A_400, %rev3A_425 : vector<16xi1>, vector<16xf32>
        %select_n3A_432 = arith.select %ge3A, %while3A_401, %rev3A_430 : vector<16xi1>, vector<16xi32>
        %masked_sort3A_433 = arith.constant dense<true> : vector<16xi1>
        %masked_sort3A_434, %masked_sort3A_435, %masked_sort3A_436 = tpu.sort %select_n3A_431, %select_n3A_432 masked %masked_sort3A_433 {descending = true} : (vector<16xf32>, vector<16xi32>, vector<16xi1>) -> (vector<16xi1>, vector<16xf32>, vector<16xi32>)
        %rev3A_437 = arith.constant 15 : i32
        %rev3A_438 = vector.broadcast %rev3A_437 : i32 to vector<16xi32>
        %rev3A_439 = tpu.iota {dimensions = array<i32: 0>} : vector<16xi32>
        %rev3A_440 = arith.subi %rev3A_438, %rev3A_439 : vector<16xi32>
        %rev3A_441 = tpu.dynamic_gather %masked_sort3A_435[%rev3A_440] in [0] : vector<16xf32>, vector<16xi32> -> vector<16xf32>
        %rev3A_442 = arith.constant 15 : i32
        %rev3A_443 = vector.broadcast %rev3A_442 : i32 to vector<16xi32>
        %rev3A_444 = tpu.iota {dimensions = array<i32: 0>} : vector<16xi32>
        %rev3A_445 = arith.subi %rev3A_443, %rev3A_444 : vector<16xi32>
        %rev3A_446 = tpu.dynamic_gather %masked_sort3A_436[%rev3A_445] in [0] : vector<16xi32>, vector<16xi32> -> vector<16xi32>
        %ge3A_447 = arith.cmpf oge, %while3A_398, %rev3A_441 : vector<16xf32>
        %select_n3A_448 = arith.select %ge3A_447, %while3A_398, %rev3A_441 : vector<16xi1>, vector<16xf32>
        %select_n3A_449 = arith.select %ge3A_447, %while3A_399, %rev3A_446 : vector<16xi1>, vector<16xi32>
        %select_n3A_450 = arith.select %ge3A_447, %rev3A_441, %while3A_398 : vector<16xi1>, vector<16xf32>
        %select_n3A_451 = arith.select %ge3A_447, %rev3A_446, %while3A_399 : vector<16xi1>, vector<16xi32>
        %masked_sort3A_452 = arith.constant dense<true> : vector<16xi1>
        %masked_sort3A_453, %masked_sort3A_454, %masked_sort3A_455 = tpu.sort %select_n3A_448, %select_n3A_449 masked %masked_sort3A_452 {descending = true} : (vector<16xf32>, vector<16xi32>, vector<16xi1>) -> (vector<16xi1>, vector<16xf32>, vector<16xi32>)
        %masked_sort3A_456 = arith.constant dense<true> : vector<16xi1>
        %masked_sort3A_457, %masked_sort3A_458, %masked_sort3A_459 = tpu.sort %select_n3A_450, %select_n3A_451 masked %masked_sort3A_456 {descending = true} : (vector<16xf32>, vector<16xi32>, vector<16xi1>) -> (vector<16xi1>, vector<16xf32>, vector<16xi32>)
        scf.yield %masked_sort3A_454, %masked_sort3A_455, %masked_sort3A_458, %masked_sort3A_459 : vector<16xf32>, vector<16xi32>, vector<16xf32>, vector<16xi32>
      }
      %shift_right_logical3A = arith.constant 4 : i32
      %shift_right_logical3A_178 = vector.broadcast %shift_right_logical3A : i32 to vector<16xi32>
      %shift_right_logical3A_179 = arith.shrui %while3A_177#1, %shift_right_logical3A_178 : vector<16xi32>
      %shift_right_logical3A_180 = arith.constant 4 : i32
      %shift_right_logical3A_181 = vector.broadcast %shift_right_logical3A_180 : i32 to vector<16xi32>
      %shift_right_logical3A_182 = arith.shrui %while3A_177#3, %shift_right_logical3A_181 : vector<16xi32>
      %masked_sort3A = arith.constant dense<true> : vector<16xi1>
      %masked_sort3A_183 = arith.constant -2147483648 : i32
      %masked_sort3A_184 = vector.broadcast %masked_sort3A_183 : i32 to vector<16xi32>
      %masked_sort3A_185 = arith.xori %shift_right_logical3A_179, %masked_sort3A_184 : vector<16xi32>
      %masked_sort3A_186, %masked_sort3A_187, %masked_sort3A_188 = tpu.sort %masked_sort3A_185, %shift_right_logical3A_179 masked %masked_sort3A : (vector<16xi32>, vector<16xi32>, vector<16xi1>) -> (vector<16xi1>, vector<16xi32>, vector<16xi32>)
      %masked_sort3A_189 = arith.xori %masked_sort3A_187, %masked_sort3A_184 : vector<16xi32>
      %masked_sort3A_190 = arith.constant dense<true> : vector<16xi1>
      %masked_sort3A_191 = arith.constant -2147483648 : i32
      %masked_sort3A_192 = vector.broadcast %masked_sort3A_191 : i32 to vector<16xi32>
      %masked_sort3A_193 = arith.xori %shift_right_logical3A_182, %masked_sort3A_192 : vector<16xi32>
      %masked_sort3A_194, %masked_sort3A_195, %masked_sort3A_196 = tpu.sort %masked_sort3A_193, %shift_right_logical3A_182 masked %masked_sort3A_190 : (vector<16xi32>, vector<16xi32>, vector<16xi1>) -> (vector<16xi1>, vector<16xi32>, vector<16xi32>)
      %masked_sort3A_197 = arith.xori %masked_sort3A_195, %masked_sort3A_192 : vector<16xi32>
      %rev3A = arith.constant 15 : i32
      %rev3A_198 = vector.broadcast %rev3A : i32 to vector<16xi32>
      %rev3A_199 = tpu.iota {dimensions = array<i32: 0>} : vector<16xi32>
      %rev3A_200 = arith.subi %rev3A_198, %rev3A_199 : vector<16xi32>
      %rev3A_201 = tpu.dynamic_gather %masked_sort3A_197[%rev3A_200] in [0] : vector<16xi32>, vector<16xi32> -> vector<16xi32>
      %min3A = arith.minsi %masked_sort3A_189, %rev3A_201 : vector<16xi32>
      %max3A = arith.maxsi %masked_sort3A_189, %rev3A_201 : vector<16xi32>
      %masked_sort3A_202 = arith.constant dense<true> : vector<16xi1>
      %masked_sort3A_203 = arith.constant -2147483648 : i32
      %masked_sort3A_204 = vector.broadcast %masked_sort3A_203 : i32 to vector<16xi32>
      %masked_sort3A_205 = arith.xori %min3A, %masked_sort3A_204 : vector<16xi32>
      %masked_sort3A_206, %masked_sort3A_207, %masked_sort3A_208 = tpu.sort %masked_sort3A_205, %min3A masked %masked_sort3A_202 : (vector<16xi32>, vector<16xi32>, vector<16xi1>) -> (vector<16xi1>, vector<16xi32>, vector<16xi32>)
      %masked_sort3A_209 = arith.xori %masked_sort3A_207, %masked_sort3A_204 : vector<16xi32>
      %masked_sort3A_210 = arith.constant dense<true> : vector<16xi1>
      %masked_sort3A_211 = arith.constant -2147483648 : i32
      %masked_sort3A_212 = vector.broadcast %masked_sort3A_211 : i32 to vector<16xi32>
      %masked_sort3A_213 = arith.xori %max3A, %masked_sort3A_212 : vector<16xi32>
      %masked_sort3A_214, %masked_sort3A_215, %masked_sort3A_216 = tpu.sort %masked_sort3A_213, %max3A masked %masked_sort3A_210 : (vector<16xi32>, vector<16xi32>, vector<16xi1>) -> (vector<16xi1>, vector<16xi32>, vector<16xi32>)
      %masked_sort3A_217 = arith.xori %masked_sort3A_215, %masked_sort3A_212 : vector<16xi32>
      %swap3A_218 = arith.constant 0 : index
      %swap3A_219 = tpu.vector_load %arg11[%swap3A_218] {strides = array<i32>} : memref<48xi32, #tpu.memory_space<vmem>>, vector<16xi32>,
      tpu.vector_store %arg11[%swap3A_218], %masked_sort3A_209 {strides = array<i32>} : memref<48xi32, #tpu.memory_space<vmem>>, vector<16xi32>,
      %swap3A_220 = arith.constant 16 : index
      %swap3A_221 = tpu.vector_load %arg11[%swap3A_220] {strides = array<i32>} : memref<48xi32, #tpu.memory_space<vmem>>, vector<16xi32>,
      tpu.vector_store %arg11[%swap3A_220], %masked_sort3A_217 {strides = array<i32>} : memref<48xi32, #tpu.memory_space<vmem>>, vector<16xi32>,
      %swap3A_222 = arith.constant 32 : index
      %swap3A_223 = tpu.vector_load %arg11[%swap3A_222] {strides = array<i32>} : memref<48xi32, #tpu.memory_space<vmem>>, vector<16xi32>,
      tpu.vector_store %arg11[%swap3A_222], %masked_sort3A_217 {strides = array<i32>} : memref<48xi32, #tpu.memory_space<vmem>>, vector<16xi32>,
      %slice3A = vector.extract_strided_slice %while3A_177#2 {offsets = [13], sizes = [1], strides = [1]} : vector<16xf32> to vector<1xf32>
      %squeeze3A = vector.extract %slice3A[0] : f32 from vector<1xf32>
      %broadcast_in_dim3A_224 = vector.broadcast %squeeze3A : f32 to vector<16xf32>
      %scan3A_225 = arith.constant 0 : i32
      %scan3A_226 = arith.constant -1 : i32
      %scan3A_227 = arith.constant 0 : i32
      %scan3A_228 = arith.constant 32 : i32
      %scan3A_229 = arith.addi %scan3A_227, %scan3A_228 : i32
      %scan3A_230 = arith.constant 1 : i32
      %scan3A_231:2 = scf.for %scan3A_397 = %scan3A_227 to %scan3A_229 step %scan3A_230 iter_args(%scan3A_398 = %scan3A_225, %scan3A_399 = %scan3A_226) -> (i32, i32)  : i32 {
        %get3A = arith.index_cast %scan3A_397 : i32 to index
        %get3A_400 = tpu.vector_load %arg11[%get3A] {strides = array<i32>} : memref<48xi32, #tpu.memory_space<vmem>>, vector<16xi32>,
        %slice3A_401 = vector.extract_strided_slice %get3A_400 {offsets = [0], sizes = [1], strides = [1]} : vector<16xi32> to vector<1xi32>
        %squeeze3A_402 = vector.extract %slice3A_401[0] : i32 from vector<1xi32>
        %ne3A_403 = arith.cmpi ne, %squeeze3A_402, %scan3A_399 : i32
        %broadcast_in_dim3A_404 = vector.broadcast %ne3A_403 : i1 to vector<16xi1>
        %min3A_405 = arith.constant 336 : i32
        %min3A_406 = arith.minsi %scan3A_398, %min3A_405 : i32
        %mul3A_407 = arith.constant 160 : i32
        %mul3A_408 = arith.muli %squeeze3A_402, %mul3A_407 : i32
        %add3A_409 = arith.constant 0 : i32
        %add3A_410 = arith.addi %mul3A_408, %add3A_409 : i32
        %get3A_411 = arith.index_cast %add3A_410 : i32 to index
        %get3A_412 = tpu.vector_load %arg7[%get3A_411] {strides = array<i32>} : memref<10080xf32, #tpu.memory_space<vmem>>, vector<16xf32>,
        %ge3A = arith.cmpf oge, %get3A_412, %broadcast_in_dim3A_224 : vector<16xf32>
        %and3A_413 = arith.andi %ge3A, %broadcast_in_dim3A_404 : vector<16xi1>
        %swap3A_414 = arith.index_cast %min3A_406 : i32 to index
        %swap3A_415 = tpu.vector_load %arg9[%swap3A_414] masked %and3A_413 {strides = array<i32>} : memref<512xf32, #tpu.memory_space<vmem>>, vector<16xf32>, vector<16xi1>
        tpu.vector_store %arg9[%swap3A_414], %get3A_412 masked %and3A_413 {strides = array<i32>} : memref<512xf32, #tpu.memory_space<vmem>>, vector<16xf32>, vector<16xi1>
        %add3A_416 = vector.broadcast %add3A_410 : i32 to vector<16xi32>
        %add3A_417 = arith.addi %add3A_416, %iota3A : vector<16xi32>
        %swap3A_418 = arith.index_cast %min3A_406 : i32 to index
        %swap3A_419 = tpu.vector_load %arg10[%swap3A_418] masked %and3A_413 {strides = array<i32>} : memref<512xi32, #tpu.memory_space<vmem>>, vector<16xi32>, vector<16xi1>
        tpu.vector_store %arg10[%swap3A_418], %add3A_417 masked %and3A_413 {strides = array<i32>} : memref<512xi32, #tpu.memory_space<vmem>>, vector<16xi32>, vector<16xi1>
        %all_reduce_population_count3A = tpu.all_reduce %and3A_413 {dim = 0 : i64, kind = #tpu.reduction_kind<sum>} : vector<16xi1> -> vector<16xi32>
        %slice3A_420 = vector.extract_strided_slice %all_reduce_population_count3A {offsets = [0], sizes = [1], strides = [1]} : vector<16xi32> to vector<1xi32>
        %squeeze3A_421 = vector.extract %slice3A_420[0] : i32 from vector<1xi32>
        %add3A_422 = arith.addi %min3A_406, %squeeze3A_421 : i32
        %mul3A_423 = arith.constant 160 : i32
        %mul3A_424 = arith.muli %squeeze3A_402, %mul3A_423 : i32
        %add3A_425 = arith.constant 16 : i32
        %add3A_426 = arith.addi %mul3A_424, %add3A_425 : i32
        %get3A_427 = arith.index_cast %add3A_426 : i32 to index
        %get3A_428 = tpu.vector_load %arg7[%get3A_427] {strides = array<i32>} : memref<10080xf32, #tpu.memory_space<vmem>>, vector<16xf32>,
        %ge3A_429 = arith.cmpf oge, %get3A_428, %broadcast_in_dim3A_224 : vector<16xf32>
        %and3A_430 = arith.andi %ge3A_429, %broadcast_in_dim3A_404 : vector<16xi1>
        %swap3A_431 = arith.index_cast %add3A_422 : i32 to index
        %swap3A_432 = tpu.vector_load %arg9[%swap3A_431] masked %and3A_430 {strides = array<i32>} : memref<512xf32, #tpu.memory_space<vmem>>, vector<16xf32>, vector<16xi1>
        tpu.vector_store %arg9[%swap3A_431], %get3A_428 masked %and3A_430 {strides = array<i32>} : memref<512xf32, #tpu.memory_space<vmem>>, vector<16xf32>, vector<16xi1>
        %add3A_433 = vector.broadcast %add3A_426 : i32 to vector<16xi32>
        %add3A_434 = arith.addi %add3A_433, %iota3A : vector<16xi32>
        %swap3A_435 = arith.index_cast %add3A_422 : i32 to index
        %swap3A_436 = tpu.vector_load %arg10[%swap3A_435] masked %and3A_430 {strides = array<i32>} : memref<512xi32, #tpu.memory_space<vmem>>, vector<16xi32>, vector<16xi1>
        tpu.vector_store %arg10[%swap3A_435], %add3A_434 masked %and3A_430 {strides = array<i32>} : memref<512xi32, #tpu.memory_space<vmem>>, vector<16xi32>, vector<16xi1>
        %all_reduce_population_count3A_437 = tpu.all_reduce %and3A_430 {dim = 0 : i64, kind = #tpu.reduction_kind<sum>} : vector<16xi1> -> vector<16xi32>
        %slice3A_438 = vector.extract_strided_slice %all_reduce_population_count3A_437 {offsets = [0], sizes = [1], strides = [1]} : vector<16xi32> to vector<1xi32>
        %squeeze3A_439 = vector.extract %slice3A_438[0] : i32 from vector<1xi32>
        %add3A_440 = arith.addi %add3A_422, %squeeze3A_439 : i32
        %mul3A_441 = arith.constant 160 : i32
        %mul3A_442 = arith.muli %squeeze3A_402, %mul3A_441 : i32
        %add3A_443 = arith.constant 32 : i32
        %add3A_444 = arith.addi %mul3A_442, %add3A_443 : i32
        %get3A_445 = arith.index_cast %add3A_444 : i32 to index
        %get3A_446 = tpu.vector_load %arg7[%get3A_445] {strides = array<i32>} : memref<10080xf32, #tpu.memory_space<vmem>>, vector<16xf32>,
        %ge3A_447 = arith.cmpf oge, %get3A_446, %broadcast_in_dim3A_224 : vector<16xf32>
        %and3A_448 = arith.andi %ge3A_447, %broadcast_in_dim3A_404 : vector<16xi1>
        %swap3A_449 = arith.index_cast %add3A_440 : i32 to index
        %swap3A_450 = tpu.vector_load %arg9[%swap3A_449] masked %and3A_448 {strides = array<i32>} : memref<512xf32, #tpu.memory_space<vmem>>, vector<16xf32>, vector<16xi1>
        tpu.vector_store %arg9[%swap3A_449], %get3A_446 masked %and3A_448 {strides = array<i32>} : memref<512xf32, #tpu.memory_space<vmem>>, vector<16xf32>, vector<16xi1>
        %add3A_451 = vector.broadcast %add3A_444 : i32 to vector<16xi32>
        %add3A_452 = arith.addi %add3A_451, %iota3A : vector<16xi32>
        %swap3A_453 = arith.index_cast %add3A_440 : i32 to index
        %swap3A_454 = tpu.vector_load %arg10[%swap3A_453] masked %and3A_448 {strides = array<i32>} : memref<512xi32, #tpu.memory_space<vmem>>, vector<16xi32>, vector<16xi1>
        tpu.vector_store %arg10[%swap3A_453], %add3A_452 masked %and3A_448 {strides = array<i32>} : memref<512xi32, #tpu.memory_space<vmem>>, vector<16xi32>, vector<16xi1>
        %all_reduce_population_count3A_455 = tpu.all_reduce %and3A_448 {dim = 0 : i64, kind = #tpu.reduction_kind<sum>} : vector<16xi1> -> vector<16xi32>
        %slice3A_456 = vector.extract_strided_slice %all_reduce_population_count3A_455 {offsets = [0], sizes = [1], strides = [1]} : vector<16xi32> to vector<1xi32>
        %squeeze3A_457 = vector.extract %slice3A_456[0] : i32 from vector<1xi32>
        %add3A_458 = arith.addi %add3A_440, %squeeze3A_457 : i32
        %mul3A_459 = arith.constant 160 : i32
        %mul3A_460 = arith.muli %squeeze3A_402, %mul3A_459 : i32
        %add3A_461 = arith.constant 48 : i32
        %add3A_462 = arith.addi %mul3A_460, %add3A_461 : i32
        %get3A_463 = arith.index_cast %add3A_462 : i32 to index
        %get3A_464 = tpu.vector_load %arg7[%get3A_463] {strides = array<i32>} : memref<10080xf32, #tpu.memory_space<vmem>>, vector<16xf32>,
        %ge3A_465 = arith.cmpf oge, %get3A_464, %broadcast_in_dim3A_224 : vector<16xf32>
        %and3A_466 = arith.andi %ge3A_465, %broadcast_in_dim3A_404 : vector<16xi1>
        %swap3A_467 = arith.index_cast %add3A_458 : i32 to index
        %swap3A_468 = tpu.vector_load %arg9[%swap3A_467] masked %and3A_466 {strides = array<i32>} : memref<512xf32, #tpu.memory_space<vmem>>, vector<16xf32>, vector<16xi1>
        tpu.vector_store %arg9[%swap3A_467], %get3A_464 masked %and3A_466 {strides = array<i32>} : memref<512xf32, #tpu.memory_space<vmem>>, vector<16xf32>, vector<16xi1>
        %add3A_469 = vector.broadcast %add3A_462 : i32 to vector<16xi32>
        %add3A_470 = arith.addi %add3A_469, %iota3A : vector<16xi32>
        %swap3A_471 = arith.index_cast %add3A_458 : i32 to index
        %swap3A_472 = tpu.vector_load %arg10[%swap3A_471] masked %and3A_466 {strides = array<i32>} : memref<512xi32, #tpu.memory_space<vmem>>, vector<16xi32>, vector<16xi1>
        tpu.vector_store %arg10[%swap3A_471], %add3A_470 masked %and3A_466 {strides = array<i32>} : memref<512xi32, #tpu.memory_space<vmem>>, vector<16xi32>, vector<16xi1>
        %all_reduce_population_count3A_473 = tpu.all_reduce %and3A_466 {dim = 0 : i64, kind = #tpu.reduction_kind<sum>} : vector<16xi1> -> vector<16xi32>
        %slice3A_474 = vector.extract_strided_slice %all_reduce_population_count3A_473 {offsets = [0], sizes = [1], strides = [1]} : vector<16xi32> to vector<1xi32>
        %squeeze3A_475 = vector.extract %slice3A_474[0] : i32 from vector<1xi32>
        %add3A_476 = arith.addi %add3A_458, %squeeze3A_475 : i32
        %mul3A_477 = arith.constant 160 : i32
        %mul3A_478 = arith.muli %squeeze3A_402, %mul3A_477 : i32
        %add3A_479 = arith.constant 64 : i32
        %add3A_480 = arith.addi %mul3A_478, %add3A_479 : i32
        %get3A_481 = arith.index_cast %add3A_480 : i32 to index
        %get3A_482 = tpu.vector_load %arg7[%get3A_481] {strides = array<i32>} : memref<10080xf32, #tpu.memory_space<vmem>>, vector<16xf32>,
        %ge3A_483 = arith.cmpf oge, %get3A_482, %broadcast_in_dim3A_224 : vector<16xf32>
        %and3A_484 = arith.andi %ge3A_483, %broadcast_in_dim3A_404 : vector<16xi1>
        %swap3A_485 = arith.index_cast %add3A_476 : i32 to index
        %swap3A_486 = tpu.vector_load %arg9[%swap3A_485] masked %and3A_484 {strides = array<i32>} : memref<512xf32, #tpu.memory_space<vmem>>, vector<16xf32>, vector<16xi1>
        tpu.vector_store %arg9[%swap3A_485], %get3A_482 masked %and3A_484 {strides = array<i32>} : memref<512xf32, #tpu.memory_space<vmem>>, vector<16xf32>, vector<16xi1>
        %add3A_487 = vector.broadcast %add3A_480 : i32 to vector<16xi32>
        %add3A_488 = arith.addi %add3A_487, %iota3A : vector<16xi32>
        %swap3A_489 = arith.index_cast %add3A_476 : i32 to index
        %swap3A_490 = tpu.vector_load %arg10[%swap3A_489] masked %and3A_484 {strides = array<i32>} : memref<512xi32, #tpu.memory_space<vmem>>, vector<16xi32>, vector<16xi1>
        tpu.vector_store %arg10[%swap3A_489], %add3A_488 masked %and3A_484 {strides = array<i32>} : memref<512xi32, #tpu.memory_space<vmem>>, vector<16xi32>, vector<16xi1>
        %all_reduce_population_count3A_491 = tpu.all_reduce %and3A_484 {dim = 0 : i64, kind = #tpu.reduction_kind<sum>} : vector<16xi1> -> vector<16xi32>
        %slice3A_492 = vector.extract_strided_slice %all_reduce_population_count3A_491 {offsets = [0], sizes = [1], strides = [1]} : vector<16xi32> to vector<1xi32>
        %squeeze3A_493 = vector.extract %slice3A_492[0] : i32 from vector<1xi32>
        %add3A_494 = arith.addi %add3A_476, %squeeze3A_493 : i32
        %mul3A_495 = arith.constant 160 : i32
        %mul3A_496 = arith.muli %squeeze3A_402, %mul3A_495 : i32
        %add3A_497 = arith.constant 80 : i32
        %add3A_498 = arith.addi %mul3A_496, %add3A_497 : i32
        %get3A_499 = arith.index_cast %add3A_498 : i32 to index
        %get3A_500 = tpu.vector_load %arg7[%get3A_499] {strides = array<i32>} : memref<10080xf32, #tpu.memory_space<vmem>>, vector<16xf32>,
        %ge3A_501 = arith.cmpf oge, %get3A_500, %broadcast_in_dim3A_224 : vector<16xf32>
        %and3A_502 = arith.andi %ge3A_501, %broadcast_in_dim3A_404 : vector<16xi1>
        %swap3A_503 = arith.index_cast %add3A_494 : i32 to index
        %swap3A_504 = tpu.vector_load %arg9[%swap3A_503] masked %and3A_502 {strides = array<i32>} : memref<512xf32, #tpu.memory_space<vmem>>, vector<16xf32>, vector<16xi1>
        tpu.vector_store %arg9[%swap3A_503], %get3A_500 masked %and3A_502 {strides = array<i32>} : memref<512xf32, #tpu.memory_space<vmem>>, vector<16xf32>, vector<16xi1>
        %add3A_505 = vector.broadcast %add3A_498 : i32 to vector<16xi32>
        %add3A_506 = arith.addi %add3A_505, %iota3A : vector<16xi32>
        %swap3A_507 = arith.index_cast %add3A_494 : i32 to index
        %swap3A_508 = tpu.vector_load %arg10[%swap3A_507] masked %and3A_502 {strides = array<i32>} : memref<512xi32, #tpu.memory_space<vmem>>, vector<16xi32>, vector<16xi1>
        tpu.vector_store %arg10[%swap3A_507], %add3A_506 masked %and3A_502 {strides = array<i32>} : memref<512xi32, #tpu.memory_space<vmem>>, vector<16xi32>, vector<16xi1>
        %all_reduce_population_count3A_509 = tpu.all_reduce %and3A_502 {dim = 0 : i64, kind = #tpu.reduction_kind<sum>} : vector<16xi1> -> vector<16xi32>
        %slice3A_510 = vector.extract_strided_slice %all_reduce_population_count3A_509 {offsets = [0], sizes = [1], strides = [1]} : vector<16xi32> to vector<1xi32>
        %squeeze3A_511 = vector.extract %slice3A_510[0] : i32 from vector<1xi32>
        %add3A_512 = arith.addi %add3A_494, %squeeze3A_511 : i32
        %mul3A_513 = arith.constant 160 : i32
        %mul3A_514 = arith.muli %squeeze3A_402, %mul3A_513 : i32
        %add3A_515 = arith.constant 96 : i32
        %add3A_516 = arith.addi %mul3A_514, %add3A_515 : i32
        %get3A_517 = arith.index_cast %add3A_516 : i32 to index
        %get3A_518 = tpu.vector_load %arg7[%get3A_517] {strides = array<i32>} : memref<10080xf32, #tpu.memory_space<vmem>>, vector<16xf32>,
        %ge3A_519 = arith.cmpf oge, %get3A_518, %broadcast_in_dim3A_224 : vector<16xf32>
        %and3A_520 = arith.andi %ge3A_519, %broadcast_in_dim3A_404 : vector<16xi1>
        %swap3A_521 = arith.index_cast %add3A_512 : i32 to index
        %swap3A_522 = tpu.vector_load %arg9[%swap3A_521] masked %and3A_520 {strides = array<i32>} : memref<512xf32, #tpu.memory_space<vmem>>, vector<16xf32>, vector<16xi1>
        tpu.vector_store %arg9[%swap3A_521], %get3A_518 masked %and3A_520 {strides = array<i32>} : memref<512xf32, #tpu.memory_space<vmem>>, vector<16xf32>, vector<16xi1>
        %add3A_523 = vector.broadcast %add3A_516 : i32 to vector<16xi32>
        %add3A_524 = arith.addi %add3A_523, %iota3A : vector<16xi32>
        %swap3A_525 = arith.index_cast %add3A_512 : i32 to index
        %swap3A_526 = tpu.vector_load %arg10[%swap3A_525] masked %and3A_520 {strides = array<i32>} : memref<512xi32, #tpu.memory_space<vmem>>, vector<16xi32>, vector<16xi1>
        tpu.vector_store %arg10[%swap3A_525], %add3A_524 masked %and3A_520 {strides = array<i32>} : memref<512xi32, #tpu.memory_space<vmem>>, vector<16xi32>, vector<16xi1>
        %all_reduce_population_count3A_527 = tpu.all_reduce %and3A_520 {dim = 0 : i64, kind = #tpu.reduction_kind<sum>} : vector<16xi1> -> vector<16xi32>
        %slice3A_528 = vector.extract_strided_slice %all_reduce_population_count3A_527 {offsets = [0], sizes = [1], strides = [1]} : vector<16xi32> to vector<1xi32>
        %squeeze3A_529 = vector.extract %slice3A_528[0] : i32 from vector<1xi32>
        %add3A_530 = arith.addi %add3A_512, %squeeze3A_529 : i32
        %mul3A_531 = arith.constant 160 : i32
        %mul3A_532 = arith.muli %squeeze3A_402, %mul3A_531 : i32
        %add3A_533 = arith.constant 112 : i32
        %add3A_534 = arith.addi %mul3A_532, %add3A_533 : i32
        %get3A_535 = arith.index_cast %add3A_534 : i32 to index
        %get3A_536 = tpu.vector_load %arg7[%get3A_535] {strides = array<i32>} : memref<10080xf32, #tpu.memory_space<vmem>>, vector<16xf32>,
        %ge3A_537 = arith.cmpf oge, %get3A_536, %broadcast_in_dim3A_224 : vector<16xf32>
        %and3A_538 = arith.andi %ge3A_537, %broadcast_in_dim3A_404 : vector<16xi1>
        %swap3A_539 = arith.index_cast %add3A_530 : i32 to index
        %swap3A_540 = tpu.vector_load %arg9[%swap3A_539] masked %and3A_538 {strides = array<i32>} : memref<512xf32, #tpu.memory_space<vmem>>, vector<16xf32>, vector<16xi1>
        tpu.vector_store %arg9[%swap3A_539], %get3A_536 masked %and3A_538 {strides = array<i32>} : memref<512xf32, #tpu.memory_space<vmem>>, vector<16xf32>, vector<16xi1>
        %add3A_541 = vector.broadcast %add3A_534 : i32 to vector<16xi32>
        %add3A_542 = arith.addi %add3A_541, %iota3A : vector<16xi32>
        %swap3A_543 = arith.index_cast %add3A_530 : i32 to index
        %swap3A_544 = tpu.vector_load %arg10[%swap3A_543] masked %and3A_538 {strides = array<i32>} : memref<512xi32, #tpu.memory_space<vmem>>, vector<16xi32>, vector<16xi1>
        tpu.vector_store %arg10[%swap3A_543], %add3A_542 masked %and3A_538 {strides = array<i32>} : memref<512xi32, #tpu.memory_space<vmem>>, vector<16xi32>, vector<16xi1>
        %all_reduce_population_count3A_545 = tpu.all_reduce %and3A_538 {dim = 0 : i64, kind = #tpu.reduction_kind<sum>} : vector<16xi1> -> vector<16xi32>
        %slice3A_546 = vector.extract_strided_slice %all_reduce_population_count3A_545 {offsets = [0], sizes = [1], strides = [1]} : vector<16xi32> to vector<1xi32>
        %squeeze3A_547 = vector.extract %slice3A_546[0] : i32 from vector<1xi32>
        %add3A_548 = arith.addi %add3A_530, %squeeze3A_547 : i32
        %mul3A_549 = arith.constant 160 : i32
        %mul3A_550 = arith.muli %squeeze3A_402, %mul3A_549 : i32
        %add3A_551 = arith.constant 128 : i32
        %add3A_552 = arith.addi %mul3A_550, %add3A_551 : i32
        %get3A_553 = arith.index_cast %add3A_552 : i32 to index
        %get3A_554 = tpu.vector_load %arg7[%get3A_553] {strides = array<i32>} : memref<10080xf32, #tpu.memory_space<vmem>>, vector<16xf32>,
        %ge3A_555 = arith.cmpf oge, %get3A_554, %broadcast_in_dim3A_224 : vector<16xf32>
        %and3A_556 = arith.andi %ge3A_555, %broadcast_in_dim3A_404 : vector<16xi1>
        %swap3A_557 = arith.index_cast %add3A_548 : i32 to index
        %swap3A_558 = tpu.vector_load %arg9[%swap3A_557] masked %and3A_556 {strides = array<i32>} : memref<512xf32, #tpu.memory_space<vmem>>, vector<16xf32>, vector<16xi1>
        tpu.vector_store %arg9[%swap3A_557], %get3A_554 masked %and3A_556 {strides = array<i32>} : memref<512xf32, #tpu.memory_space<vmem>>, vector<16xf32>, vector<16xi1>
        %add3A_559 = vector.broadcast %add3A_552 : i32 to vector<16xi32>
        %add3A_560 = arith.addi %add3A_559, %iota3A : vector<16xi32>
        %swap3A_561 = arith.index_cast %add3A_548 : i32 to index
        %swap3A_562 = tpu.vector_load %arg10[%swap3A_561] masked %and3A_556 {strides = array<i32>} : memref<512xi32, #tpu.memory_space<vmem>>, vector<16xi32>, vector<16xi1>
        tpu.vector_store %arg10[%swap3A_561], %add3A_560 masked %and3A_556 {strides = array<i32>} : memref<512xi32, #tpu.memory_space<vmem>>, vector<16xi32>, vector<16xi1>
        %all_reduce_population_count3A_563 = tpu.all_reduce %and3A_556 {dim = 0 : i64, kind = #tpu.reduction_kind<sum>} : vector<16xi1> -> vector<16xi32>
        %slice3A_564 = vector.extract_strided_slice %all_reduce_population_count3A_563 {offsets = [0], sizes = [1], strides = [1]} : vector<16xi32> to vector<1xi32>
        %squeeze3A_565 = vector.extract %slice3A_564[0] : i32 from vector<1xi32>
        %add3A_566 = arith.addi %add3A_548, %squeeze3A_565 : i32
        %mul3A_567 = arith.constant 160 : i32
        %mul3A_568 = arith.muli %squeeze3A_402, %mul3A_567 : i32
        %add3A_569 = arith.constant 144 : i32
        %add3A_570 = arith.addi %mul3A_568, %add3A_569 : i32
        %get3A_571 = arith.index_cast %add3A_570 : i32 to index
        %get3A_572 = tpu.vector_load %arg7[%get3A_571] {strides = array<i32>} : memref<10080xf32, #tpu.memory_space<vmem>>, vector<16xf32>,
        %ge3A_573 = arith.cmpf oge, %get3A_572, %broadcast_in_dim3A_224 : vector<16xf32>
        %and3A_574 = arith.andi %ge3A_573, %broadcast_in_dim3A_404 : vector<16xi1>
        %swap3A_575 = arith.index_cast %add3A_566 : i32 to index
        %swap3A_576 = tpu.vector_load %arg9[%swap3A_575] masked %and3A_574 {strides = array<i32>} : memref<512xf32, #tpu.memory_space<vmem>>, vector<16xf32>, vector<16xi1>
        tpu.vector_store %arg9[%swap3A_575], %get3A_572 masked %and3A_574 {strides = array<i32>} : memref<512xf32, #tpu.memory_space<vmem>>, vector<16xf32>, vector<16xi1>
        %add3A_577 = vector.broadcast %add3A_570 : i32 to vector<16xi32>
        %add3A_578 = arith.addi %add3A_577, %iota3A : vector<16xi32>
        %swap3A_579 = arith.index_cast %add3A_566 : i32 to index
        %swap3A_580 = tpu.vector_load %arg10[%swap3A_579] masked %and3A_574 {strides = array<i32>} : memref<512xi32, #tpu.memory_space<vmem>>, vector<16xi32>, vector<16xi1>
        tpu.vector_store %arg10[%swap3A_579], %add3A_578 masked %and3A_574 {strides = array<i32>} : memref<512xi32, #tpu.memory_space<vmem>>, vector<16xi32>, vector<16xi1>
        %all_reduce_population_count3A_581 = tpu.all_reduce %and3A_574 {dim = 0 : i64, kind = #tpu.reduction_kind<sum>} : vector<16xi1> -> vector<16xi32>
        %slice3A_582 = vector.extract_strided_slice %all_reduce_population_count3A_581 {offsets = [0], sizes = [1], strides = [1]} : vector<16xi32> to vector<1xi32>
        %squeeze3A_583 = vector.extract %slice3A_582[0] : i32 from vector<1xi32>
        %add3A_584 = arith.addi %add3A_566, %squeeze3A_583 : i32
        scf.yield %add3A_584, %squeeze3A_402 : i32, i32
      }
      %scan3A_232 = arith.constant 32 : i32
      %add3A_233 = arith.constant 15 : i32
      %add3A_234 = arith.addi %scan3A_231#0, %add3A_233 : i32
      %jit3A_235 = arith.constant 16 : i32
      %div3A_236 = arith.divsi %add3A_234, %jit3A_235 : i32
      %sign3A_237 = arith.constant 0 : i32
      %sign3A_238 = arith.cmpi sgt, %add3A_234, %sign3A_237 : i32
      %sign3A_239 = arith.extui %sign3A_238 : i1 to i32
      %sign3A_240 = arith.constant 0 : i32
      %sign3A_241 = arith.cmpi slt, %add3A_234, %sign3A_240 : i32
      %sign3A_242 = arith.extui %sign3A_241 : i1 to i32
      %sign3A_243 = arith.subi %sign3A_239, %sign3A_242 : i32
      %sign3A_244 = arith.constant 0 : i32
      %sign3A_245 = arith.cmpi sgt, %jit3A_235, %sign3A_244 : i32
      %sign3A_246 = arith.extui %sign3A_245 : i1 to i32
      %sign3A_247 = arith.constant 0 : i32
      %sign3A_248 = arith.cmpi slt, %jit3A_235, %sign3A_247 : i32
      %sign3A_249 = arith.extui %sign3A_248 : i1 to i32
      %sign3A_250 = arith.subi %sign3A_246, %sign3A_249 : i32
      %ne3A_251 = arith.cmpi ne, %sign3A_243, %sign3A_250 : i32
      %rem3A_252 = arith.remsi %add3A_234, %jit3A_235 : i32
      %ne3A_253 = arith.constant 0 : i32
      %ne3A_254 = arith.cmpi ne, %rem3A_252, %ne3A_253 : i32
      %and3A_255 = arith.andi %ne3A_251, %ne3A_254 : i1
      %sub3A_256 = arith.constant 1 : i32
      %sub3A_257 = arith.subi %div3A_236, %sub3A_256 : i32
      %select_n3A_258 = arith.select %and3A_255, %sub3A_257, %div3A_236 : i32
      %while3A_259 = arith.constant 0 : i32
      %while3A_260 = arith.subi %select_n3A_258, %while3A_259 : i32
      %while3A_261 = arith.addi %while3A_259, %while3A_260 : i32
      %while3A_262 = arith.constant 1 : i32
      %while3A_263 = arith.divsi %while3A_260, %while3A_262 : i32
      %while3A_264 = arith.muli %while3A_263, %while3A_262 : i32
      %while3A_265 = arith.addi %while3A_259, %while3A_264 : i32
      %while3A_266 = arith.constant 1 : i32
      %while3A_267:4 = scf.for %while3A_397 = %while3A_259 to %while3A_265 step %while3A_266 iter_args(%while3A_398 = %broadcast_in_dim3A_3, %while3A_399 = %broadcast_in_dim3A_5, %while3A_400 = %broadcast_in_dim3A_3, %while3A_401 = %broadcast_in_dim3A_5) -> (vector<16xf32>, vector<16xi32>, vector<16xf32>, vector<16xi32>)  : i32 {
        %mul3A_402 = arith.constant 16 : i32
        %mul3A_403 = arith.muli %while3A_397, %mul3A_402 : i32
        %get3A = arith.index_cast %mul3A_403 : i32 to index
        %get3A_404 = tpu.vector_load %arg9[%get3A] {strides = array<i32>} : memref<512xf32, #tpu.memory_space<vmem>>, vector<16xf32>,
        %mul3A_405 = arith.constant 16 : i32
        %mul3A_406 = arith.muli %while3A_397, %mul3A_405 : i32
        %get3A_407 = arith.index_cast %mul3A_406 : i32 to index
        %get3A_408 = tpu.vector_load %arg10[%get3A_407] {strides = array<i32>} : memref<512xi32, #tpu.memory_space<vmem>>, vector<16xi32>,
        %mul3A_409 = arith.constant 16 : i32
        %mul3A_410 = arith.muli %while3A_397, %mul3A_409 : i32
        %add3A_411 = vector.broadcast %mul3A_410 : i32 to vector<16xi32>
        %add3A_412 = arith.addi %iota3A, %add3A_411 : vector<16xi32>
        %lt3A = vector.broadcast %scan3A_231#0 : i32 to vector<16xi32>
        %lt3A_413 = arith.cmpi slt, %add3A_412, %lt3A : vector<16xi32>
        %jit3A_414 = arith.constant -1.000000e+30 : f32
        %broadcast_in_dim3A_415 = vector.broadcast %jit3A_414 : f32 to vector<16xf32>
        %select_n3A_416 = arith.select %lt3A_413, %get3A_404, %broadcast_in_dim3A_415 : vector<16xi1>, vector<16xf32>
        %masked_sort3A_417 = arith.constant dense<true> : vector<16xi1>
        %masked_sort3A_418, %masked_sort3A_419, %masked_sort3A_420 = tpu.sort %select_n3A_416, %get3A_408 masked %masked_sort3A_417 {descending = true} : (vector<16xf32>, vector<16xi32>, vector<16xi1>) -> (vector<16xi1>, vector<16xf32>, vector<16xi32>)
        %rev3A_421 = arith.constant 15 : i32
        %rev3A_422 = vector.broadcast %rev3A_421 : i32 to vector<16xi32>
        %rev3A_423 = tpu.iota {dimensions = array<i32: 0>} : vector<16xi32>
        %rev3A_424 = arith.subi %rev3A_422, %rev3A_423 : vector<16xi32>
        %rev3A_425 = tpu.dynamic_gather %masked_sort3A_419[%rev3A_424] in [0] : vector<16xf32>, vector<16xi32> -> vector<16xf32>
        %rev3A_426 = arith.constant 15 : i32
        %rev3A_427 = vector.broadcast %rev3A_426 : i32 to vector<16xi32>
        %rev3A_428 = tpu.iota {dimensions = array<i32: 0>} : vector<16xi32>
        %rev3A_429 = arith.subi %rev3A_427, %rev3A_428 : vector<16xi32>
        %rev3A_430 = tpu.dynamic_gather %masked_sort3A_420[%rev3A_429] in [0] : vector<16xi32>, vector<16xi32> -> vector<16xi32>
        %ge3A = arith.cmpf oge, %while3A_400, %rev3A_425 : vector<16xf32>
        %select_n3A_431 = arith.select %ge3A, %while3A_400, %rev3A_425 : vector<16xi1>, vector<16xf32>
        %select_n3A_432 = arith.select %ge3A, %while3A_401, %rev3A_430 : vector<16xi1>, vector<16xi32>
        %masked_sort3A_433 = arith.constant dense<true> : vector<16xi1>
        %masked_sort3A_434, %masked_sort3A_435, %masked_sort3A_436 = tpu.sort %select_n3A_431, %select_n3A_432 masked %masked_sort3A_433 {descending = true} : (vector<16xf32>, vector<16xi32>, vector<16xi1>) -> (vector<16xi1>, vector<16xf32>, vector<16xi32>)
        %rev3A_437 = arith.constant 15 : i32
        %rev3A_438 = vector.broadcast %rev3A_437 : i32 to vector<16xi32>
        %rev3A_439 = tpu.iota {dimensions = array<i32: 0>} : vector<16xi32>
        %rev3A_440 = arith.subi %rev3A_438, %rev3A_439 : vector<16xi32>
        %rev3A_441 = tpu.dynamic_gather %masked_sort3A_435[%rev3A_440] in [0] : vector<16xf32>, vector<16xi32> -> vector<16xf32>
        %rev3A_442 = arith.constant 15 : i32
        %rev3A_443 = vector.broadcast %rev3A_442 : i32 to vector<16xi32>
        %rev3A_444 = tpu.iota {dimensions = array<i32: 0>} : vector<16xi32>
        %rev3A_445 = arith.subi %rev3A_443, %rev3A_444 : vector<16xi32>
        %rev3A_446 = tpu.dynamic_gather %masked_sort3A_436[%rev3A_445] in [0] : vector<16xi32>, vector<16xi32> -> vector<16xi32>
        %ge3A_447 = arith.cmpf oge, %while3A_398, %rev3A_441 : vector<16xf32>
        %select_n3A_448 = arith.select %ge3A_447, %while3A_398, %rev3A_441 : vector<16xi1>, vector<16xf32>
        %select_n3A_449 = arith.select %ge3A_447, %while3A_399, %rev3A_446 : vector<16xi1>, vector<16xi32>
        %select_n3A_450 = arith.select %ge3A_447, %rev3A_441, %while3A_398 : vector<16xi1>, vector<16xf32>
        %select_n3A_451 = arith.select %ge3A_447, %rev3A_446, %while3A_399 : vector<16xi1>, vector<16xi32>
        %masked_sort3A_452 = arith.constant dense<true> : vector<16xi1>
        %masked_sort3A_453, %masked_sort3A_454, %masked_sort3A_455 = tpu.sort %select_n3A_448, %select_n3A_449 masked %masked_sort3A_452 {descending = true} : (vector<16xf32>, vector<16xi32>, vector<16xi1>) -> (vector<16xi1>, vector<16xf32>, vector<16xi32>)
        %masked_sort3A_456 = arith.constant dense<true> : vector<16xi1>
        %masked_sort3A_457, %masked_sort3A_458, %masked_sort3A_459 = tpu.sort %select_n3A_450, %select_n3A_451 masked %masked_sort3A_456 {descending = true} : (vector<16xf32>, vector<16xi32>, vector<16xi1>) -> (vector<16xi1>, vector<16xf32>, vector<16xi32>)
        scf.yield %masked_sort3A_454, %masked_sort3A_455, %masked_sort3A_458, %masked_sort3A_459 : vector<16xf32>, vector<16xi32>, vector<16xf32>, vector<16xi32>
      }
      %while3A_268 = arith.constant 1 : i32
      %while3A_269:4 = scf.for %while3A_397 = %while3A_265 to %while3A_261 step %while3A_268 iter_args(%while3A_398 = %while3A_267#0, %while3A_399 = %while3A_267#1, %while3A_400 = %while3A_267#2, %while3A_401 = %while3A_267#3) -> (vector<16xf32>, vector<16xi32>, vector<16xf32>, vector<16xi32>)  : i32 {
        %mul3A_402 = arith.constant 16 : i32
        %mul3A_403 = arith.muli %while3A_397, %mul3A_402 : i32
        %get3A = arith.index_cast %mul3A_403 : i32 to index
        %get3A_404 = tpu.vector_load %arg9[%get3A] {strides = array<i32>} : memref<512xf32, #tpu.memory_space<vmem>>, vector<16xf32>,
        %mul3A_405 = arith.constant 16 : i32
        %mul3A_406 = arith.muli %while3A_397, %mul3A_405 : i32
        %get3A_407 = arith.index_cast %mul3A_406 : i32 to index
        %get3A_408 = tpu.vector_load %arg10[%get3A_407] {strides = array<i32>} : memref<512xi32, #tpu.memory_space<vmem>>, vector<16xi32>,
        %mul3A_409 = arith.constant 16 : i32
        %mul3A_410 = arith.muli %while3A_397, %mul3A_409 : i32
        %add3A_411 = vector.broadcast %mul3A_410 : i32 to vector<16xi32>
        %add3A_412 = arith.addi %iota3A, %add3A_411 : vector<16xi32>
        %lt3A = vector.broadcast %scan3A_231#0 : i32 to vector<16xi32>
        %lt3A_413 = arith.cmpi slt, %add3A_412, %lt3A : vector<16xi32>
        %jit3A_414 = arith.constant -1.000000e+30 : f32
        %broadcast_in_dim3A_415 = vector.broadcast %jit3A_414 : f32 to vector<16xf32>
        %select_n3A_416 = arith.select %lt3A_413, %get3A_404, %broadcast_in_dim3A_415 : vector<16xi1>, vector<16xf32>
        %masked_sort3A_417 = arith.constant dense<true> : vector<16xi1>
        %masked_sort3A_418, %masked_sort3A_419, %masked_sort3A_420 = tpu.sort %select_n3A_416, %get3A_408 masked %masked_sort3A_417 {descending = true} : (vector<16xf32>, vector<16xi32>, vector<16xi1>) -> (vector<16xi1>, vector<16xf32>, vector<16xi32>)
        %rev3A_421 = arith.constant 15 : i32
        %rev3A_422 = vector.broadcast %rev3A_421 : i32 to vector<16xi32>
        %rev3A_423 = tpu.iota {dimensions = array<i32: 0>} : vector<16xi32>
        %rev3A_424 = arith.subi %rev3A_422, %rev3A_423 : vector<16xi32>
        %rev3A_425 = tpu.dynamic_gather %masked_sort3A_419[%rev3A_424] in [0] : vector<16xf32>, vector<16xi32> -> vector<16xf32>
        %rev3A_426 = arith.constant 15 : i32
        %rev3A_427 = vector.broadcast %rev3A_426 : i32 to vector<16xi32>
        %rev3A_428 = tpu.iota {dimensions = array<i32: 0>} : vector<16xi32>
        %rev3A_429 = arith.subi %rev3A_427, %rev3A_428 : vector<16xi32>
        %rev3A_430 = tpu.dynamic_gather %masked_sort3A_420[%rev3A_429] in [0] : vector<16xi32>, vector<16xi32> -> vector<16xi32>
        %ge3A = arith.cmpf oge, %while3A_400, %rev3A_425 : vector<16xf32>
        %select_n3A_431 = arith.select %ge3A, %while3A_400, %rev3A_425 : vector<16xi1>, vector<16xf32>
        %select_n3A_432 = arith.select %ge3A, %while3A_401, %rev3A_430 : vector<16xi1>, vector<16xi32>
        %masked_sort3A_433 = arith.constant dense<true> : vector<16xi1>
        %masked_sort3A_434, %masked_sort3A_435, %masked_sort3A_436 = tpu.sort %select_n3A_431, %select_n3A_432 masked %masked_sort3A_433 {descending = true} : (vector<16xf32>, vector<16xi32>, vector<16xi1>) -> (vector<16xi1>, vector<16xf32>, vector<16xi32>)
        %rev3A_437 = arith.constant 15 : i32
        %rev3A_438 = vector.broadcast %rev3A_437 : i32 to vector<16xi32>
        %rev3A_439 = tpu.iota {dimensions = array<i32: 0>} : vector<16xi32>
        %rev3A_440 = arith.subi %rev3A_438, %rev3A_439 : vector<16xi32>
        %rev3A_441 = tpu.dynamic_gather %masked_sort3A_435[%rev3A_440] in [0] : vector<16xf32>, vector<16xi32> -> vector<16xf32>
        %rev3A_442 = arith.constant 15 : i32
        %rev3A_443 = vector.broadcast %rev3A_442 : i32 to vector<16xi32>
        %rev3A_444 = tpu.iota {dimensions = array<i32: 0>} : vector<16xi32>
        %rev3A_445 = arith.subi %rev3A_443, %rev3A_444 : vector<16xi32>
        %rev3A_446 = tpu.dynamic_gather %masked_sort3A_436[%rev3A_445] in [0] : vector<16xi32>, vector<16xi32> -> vector<16xi32>
        %ge3A_447 = arith.cmpf oge, %while3A_398, %rev3A_441 : vector<16xf32>
        %select_n3A_448 = arith.select %ge3A_447, %while3A_398, %rev3A_441 : vector<16xi1>, vector<16xf32>
        %select_n3A_449 = arith.select %ge3A_447, %while3A_399, %rev3A_446 : vector<16xi1>, vector<16xi32>
        %select_n3A_450 = arith.select %ge3A_447, %rev3A_441, %while3A_398 : vector<16xi1>, vector<16xf32>
        %select_n3A_451 = arith.select %ge3A_447, %rev3A_446, %while3A_399 : vector<16xi1>, vector<16xi32>
        %masked_sort3A_452 = arith.constant dense<true> : vector<16xi1>
        %masked_sort3A_453, %masked_sort3A_454, %masked_sort3A_455 = tpu.sort %select_n3A_448, %select_n3A_449 masked %masked_sort3A_452 {descending = true} : (vector<16xf32>, vector<16xi32>, vector<16xi1>) -> (vector<16xi1>, vector<16xf32>, vector<16xi32>)
        %masked_sort3A_456 = arith.constant dense<true> : vector<16xi1>
        %masked_sort3A_457, %masked_sort3A_458, %masked_sort3A_459 = tpu.sort %select_n3A_450, %select_n3A_451 masked %masked_sort3A_456 {descending = true} : (vector<16xf32>, vector<16xi32>, vector<16xi1>) -> (vector<16xi1>, vector<16xf32>, vector<16xi32>)
        scf.yield %masked_sort3A_454, %masked_sort3A_455, %masked_sort3A_458, %masked_sort3A_459 : vector<16xf32>, vector<16xi32>, vector<16xf32>, vector<16xi32>
      }
      %shift_right_logical3A_270 = arith.constant 4 : i32
      %shift_right_logical3A_271 = vector.broadcast %shift_right_logical3A_270 : i32 to vector<16xi32>
      %shift_right_logical3A_272 = arith.shrui %while3A_269#1, %shift_right_logical3A_271 : vector<16xi32>
      %shift_right_logical3A_273 = arith.constant 4 : i32
      %shift_right_logical3A_274 = vector.broadcast %shift_right_logical3A_273 : i32 to vector<16xi32>
      %shift_right_logical3A_275 = arith.shrui %while3A_269#3, %shift_right_logical3A_274 : vector<16xi32>
      %masked_sort3A_276 = arith.constant dense<true> : vector<16xi1>
      %masked_sort3A_277 = arith.constant -2147483648 : i32
      %masked_sort3A_278 = vector.broadcast %masked_sort3A_277 : i32 to vector<16xi32>
      %masked_sort3A_279 = arith.xori %shift_right_logical3A_272, %masked_sort3A_278 : vector<16xi32>
      %masked_sort3A_280, %masked_sort3A_281, %masked_sort3A_282 = tpu.sort %masked_sort3A_279, %shift_right_logical3A_272 masked %masked_sort3A_276 : (vector<16xi32>, vector<16xi32>, vector<16xi1>) -> (vector<16xi1>, vector<16xi32>, vector<16xi32>)
      %masked_sort3A_283 = arith.xori %masked_sort3A_281, %masked_sort3A_278 : vector<16xi32>
      %masked_sort3A_284 = arith.constant dense<true> : vector<16xi1>
      %masked_sort3A_285 = arith.constant -2147483648 : i32
      %masked_sort3A_286 = vector.broadcast %masked_sort3A_285 : i32 to vector<16xi32>
      %masked_sort3A_287 = arith.xori %shift_right_logical3A_275, %masked_sort3A_286 : vector<16xi32>
      %masked_sort3A_288, %masked_sort3A_289, %masked_sort3A_290 = tpu.sort %masked_sort3A_287, %shift_right_logical3A_275 masked %masked_sort3A_284 : (vector<16xi32>, vector<16xi32>, vector<16xi1>) -> (vector<16xi1>, vector<16xi32>, vector<16xi32>)
      %masked_sort3A_291 = arith.xori %masked_sort3A_289, %masked_sort3A_286 : vector<16xi32>
      %rev3A_292 = arith.constant 15 : i32
      %rev3A_293 = vector.broadcast %rev3A_292 : i32 to vector<16xi32>
      %rev3A_294 = tpu.iota {dimensions = array<i32: 0>} : vector<16xi32>
      %rev3A_295 = arith.subi %rev3A_293, %rev3A_294 : vector<16xi32>
      %rev3A_296 = tpu.dynamic_gather %masked_sort3A_291[%rev3A_295] in [0] : vector<16xi32>, vector<16xi32> -> vector<16xi32>
      %min3A_297 = arith.minsi %masked_sort3A_283, %rev3A_296 : vector<16xi32>
      %max3A_298 = arith.maxsi %masked_sort3A_283, %rev3A_296 : vector<16xi32>
      %masked_sort3A_299 = arith.constant dense<true> : vector<16xi1>
      %masked_sort3A_300 = arith.constant -2147483648 : i32
      %masked_sort3A_301 = vector.broadcast %masked_sort3A_300 : i32 to vector<16xi32>
      %masked_sort3A_302 = arith.xori %min3A_297, %masked_sort3A_301 : vector<16xi32>
      %masked_sort3A_303, %masked_sort3A_304, %masked_sort3A_305 = tpu.sort %masked_sort3A_302, %min3A_297 masked %masked_sort3A_299 : (vector<16xi32>, vector<16xi32>, vector<16xi1>) -> (vector<16xi1>, vector<16xi32>, vector<16xi32>)
      %masked_sort3A_306 = arith.xori %masked_sort3A_304, %masked_sort3A_301 : vector<16xi32>
      %masked_sort3A_307 = arith.constant dense<true> : vector<16xi1>
      %masked_sort3A_308 = arith.constant -2147483648 : i32
      %masked_sort3A_309 = vector.broadcast %masked_sort3A_308 : i32 to vector<16xi32>
      %masked_sort3A_310 = arith.xori %max3A_298, %masked_sort3A_309 : vector<16xi32>
      %masked_sort3A_311, %masked_sort3A_312, %masked_sort3A_313 = tpu.sort %masked_sort3A_310, %max3A_298 masked %masked_sort3A_307 : (vector<16xi32>, vector<16xi32>, vector<16xi1>) -> (vector<16xi1>, vector<16xi32>, vector<16xi32>)
      %masked_sort3A_314 = arith.xori %masked_sort3A_312, %masked_sort3A_309 : vector<16xi32>
      %swap3A_315 = arith.constant 0 : index
      %swap3A_316 = tpu.vector_load %arg11[%swap3A_315] {strides = array<i32>} : memref<48xi32, #tpu.memory_space<vmem>>, vector<16xi32>,
      tpu.vector_store %arg11[%swap3A_315], %masked_sort3A_306 {strides = array<i32>} : memref<48xi32, #tpu.memory_space<vmem>>, vector<16xi32>,
      %swap3A_317 = arith.constant 16 : index
      %swap3A_318 = tpu.vector_load %arg11[%swap3A_317] {strides = array<i32>} : memref<48xi32, #tpu.memory_space<vmem>>, vector<16xi32>,
      tpu.vector_store %arg11[%swap3A_317], %masked_sort3A_314 {strides = array<i32>} : memref<48xi32, #tpu.memory_space<vmem>>, vector<16xi32>,
      %swap3A_319 = arith.constant 32 : index
      %swap3A_320 = tpu.vector_load %arg11[%swap3A_319] {strides = array<i32>} : memref<48xi32, #tpu.memory_space<vmem>>, vector<16xi32>,
      tpu.vector_store %arg11[%swap3A_319], %masked_sort3A_314 {strides = array<i32>} : memref<48xi32, #tpu.memory_space<vmem>>, vector<16xi32>,
      %slice3A_321 = vector.extract_strided_slice %while3A_269#2 {offsets = [13], sizes = [1], strides = [1]} : vector<16xf32> to vector<1xf32>
      %squeeze3A_322 = vector.extract %slice3A_321[0] : f32 from vector<1xf32>
      %broadcast_in_dim3A_323 = vector.broadcast %squeeze3A_322 : f32 to vector<16xf32>
      %scan3A_324 = arith.constant 0 : i32
      %scan3A_325 = arith.constant -1 : i32
      %scan3A_326 = arith.constant 0 : i32
      %scan3A_327 = arith.constant 32 : i32
      %scan3A_328 = arith.addi %scan3A_326, %scan3A_327 : i32
      %scan3A_329 = arith.constant 1 : i32
      %scan3A_330:2 = scf.for %scan3A_397 = %scan3A_326 to %scan3A_328 step %scan3A_329 iter_args(%scan3A_398 = %scan3A_324, %scan3A_399 = %scan3A_325) -> (i32, i32)  : i32 {
        %get3A = arith.index_cast %scan3A_397 : i32 to index
        %get3A_400 = tpu.vector_load %arg11[%get3A] {strides = array<i32>} : memref<48xi32, #tpu.memory_space<vmem>>, vector<16xi32>,
        %slice3A_401 = vector.extract_strided_slice %get3A_400 {offsets = [0], sizes = [1], strides = [1]} : vector<16xi32> to vector<1xi32>
        %squeeze3A_402 = vector.extract %slice3A_401[0] : i32 from vector<1xi32>
        %ne3A_403 = arith.cmpi ne, %squeeze3A_402, %scan3A_399 : i32
        %broadcast_in_dim3A_404 = vector.broadcast %ne3A_403 : i1 to vector<16xi1>
        %min3A_405 = arith.constant 336 : i32
        %min3A_406 = arith.minsi %scan3A_398, %min3A_405 : i32
        %mul3A_407 = arith.constant 160 : i32
        %mul3A_408 = arith.muli %squeeze3A_402, %mul3A_407 : i32
        %add3A_409 = arith.constant 0 : i32
        %add3A_410 = arith.addi %mul3A_408, %add3A_409 : i32
        %get3A_411 = arith.index_cast %add3A_410 : i32 to index
        %get3A_412 = tpu.vector_load %arg6[%get3A_411] {strides = array<i32>} : memref<100000xf32, #tpu.memory_space<vmem>>, vector<16xf32>,
        %ge3A = arith.cmpf oge, %get3A_412, %broadcast_in_dim3A_323 : vector<16xf32>
        %and3A_413 = arith.andi %ge3A, %broadcast_in_dim3A_404 : vector<16xi1>
        %swap3A_414 = arith.index_cast %min3A_406 : i32 to index
        %swap3A_415 = tpu.vector_load %arg9[%swap3A_414] masked %and3A_413 {strides = array<i32>} : memref<512xf32, #tpu.memory_space<vmem>>, vector<16xf32>, vector<16xi1>
        tpu.vector_store %arg9[%swap3A_414], %get3A_412 masked %and3A_413 {strides = array<i32>} : memref<512xf32, #tpu.memory_space<vmem>>, vector<16xf32>, vector<16xi1>
        %add3A_416 = vector.broadcast %add3A_410 : i32 to vector<16xi32>
        %add3A_417 = arith.addi %add3A_416, %iota3A : vector<16xi32>
        %swap3A_418 = arith.index_cast %min3A_406 : i32 to index
        %swap3A_419 = tpu.vector_load %arg10[%swap3A_418] masked %and3A_413 {strides = array<i32>} : memref<512xi32, #tpu.memory_space<vmem>>, vector<16xi32>, vector<16xi1>
        tpu.vector_store %arg10[%swap3A_418], %add3A_417 masked %and3A_413 {strides = array<i32>} : memref<512xi32, #tpu.memory_space<vmem>>, vector<16xi32>, vector<16xi1>
        %all_reduce_population_count3A = tpu.all_reduce %and3A_413 {dim = 0 : i64, kind = #tpu.reduction_kind<sum>} : vector<16xi1> -> vector<16xi32>
        %slice3A_420 = vector.extract_strided_slice %all_reduce_population_count3A {offsets = [0], sizes = [1], strides = [1]} : vector<16xi32> to vector<1xi32>
        %squeeze3A_421 = vector.extract %slice3A_420[0] : i32 from vector<1xi32>
        %add3A_422 = arith.addi %min3A_406, %squeeze3A_421 : i32
        %mul3A_423 = arith.constant 160 : i32
        %mul3A_424 = arith.muli %squeeze3A_402, %mul3A_423 : i32
        %add3A_425 = arith.constant 16 : i32
        %add3A_426 = arith.addi %mul3A_424, %add3A_425 : i32
        %get3A_427 = arith.index_cast %add3A_426 : i32 to index
        %get3A_428 = tpu.vector_load %arg6[%get3A_427] {strides = array<i32>} : memref<100000xf32, #tpu.memory_space<vmem>>, vector<16xf32>,
        %ge3A_429 = arith.cmpf oge, %get3A_428, %broadcast_in_dim3A_323 : vector<16xf32>
        %and3A_430 = arith.andi %ge3A_429, %broadcast_in_dim3A_404 : vector<16xi1>
        %swap3A_431 = arith.index_cast %add3A_422 : i32 to index
        %swap3A_432 = tpu.vector_load %arg9[%swap3A_431] masked %and3A_430 {strides = array<i32>} : memref<512xf32, #tpu.memory_space<vmem>>, vector<16xf32>, vector<16xi1>
        tpu.vector_store %arg9[%swap3A_431], %get3A_428 masked %and3A_430 {strides = array<i32>} : memref<512xf32, #tpu.memory_space<vmem>>, vector<16xf32>, vector<16xi1>
        %add3A_433 = vector.broadcast %add3A_426 : i32 to vector<16xi32>
        %add3A_434 = arith.addi %add3A_433, %iota3A : vector<16xi32>
        %swap3A_435 = arith.index_cast %add3A_422 : i32 to index
        %swap3A_436 = tpu.vector_load %arg10[%swap3A_435] masked %and3A_430 {strides = array<i32>} : memref<512xi32, #tpu.memory_space<vmem>>, vector<16xi32>, vector<16xi1>
        tpu.vector_store %arg10[%swap3A_435], %add3A_434 masked %and3A_430 {strides = array<i32>} : memref<512xi32, #tpu.memory_space<vmem>>, vector<16xi32>, vector<16xi1>
        %all_reduce_population_count3A_437 = tpu.all_reduce %and3A_430 {dim = 0 : i64, kind = #tpu.reduction_kind<sum>} : vector<16xi1> -> vector<16xi32>
        %slice3A_438 = vector.extract_strided_slice %all_reduce_population_count3A_437 {offsets = [0], sizes = [1], strides = [1]} : vector<16xi32> to vector<1xi32>
        %squeeze3A_439 = vector.extract %slice3A_438[0] : i32 from vector<1xi32>
        %add3A_440 = arith.addi %add3A_422, %squeeze3A_439 : i32
        %mul3A_441 = arith.constant 160 : i32
        %mul3A_442 = arith.muli %squeeze3A_402, %mul3A_441 : i32
        %add3A_443 = arith.constant 32 : i32
        %add3A_444 = arith.addi %mul3A_442, %add3A_443 : i32
        %get3A_445 = arith.index_cast %add3A_444 : i32 to index
        %get3A_446 = tpu.vector_load %arg6[%get3A_445] {strides = array<i32>} : memref<100000xf32, #tpu.memory_space<vmem>>, vector<16xf32>,
        %ge3A_447 = arith.cmpf oge, %get3A_446, %broadcast_in_dim3A_323 : vector<16xf32>
        %and3A_448 = arith.andi %ge3A_447, %broadcast_in_dim3A_404 : vector<16xi1>
        %swap3A_449 = arith.index_cast %add3A_440 : i32 to index
        %swap3A_450 = tpu.vector_load %arg9[%swap3A_449] masked %and3A_448 {strides = array<i32>} : memref<512xf32, #tpu.memory_space<vmem>>, vector<16xf32>, vector<16xi1>
        tpu.vector_store %arg9[%swap3A_449], %get3A_446 masked %and3A_448 {strides = array<i32>} : memref<512xf32, #tpu.memory_space<vmem>>, vector<16xf32>, vector<16xi1>
        %add3A_451 = vector.broadcast %add3A_444 : i32 to vector<16xi32>
        %add3A_452 = arith.addi %add3A_451, %iota3A : vector<16xi32>
        %swap3A_453 = arith.index_cast %add3A_440 : i32 to index
        %swap3A_454 = tpu.vector_load %arg10[%swap3A_453] masked %and3A_448 {strides = array<i32>} : memref<512xi32, #tpu.memory_space<vmem>>, vector<16xi32>, vector<16xi1>
        tpu.vector_store %arg10[%swap3A_453], %add3A_452 masked %and3A_448 {strides = array<i32>} : memref<512xi32, #tpu.memory_space<vmem>>, vector<16xi32>, vector<16xi1>
        %all_reduce_population_count3A_455 = tpu.all_reduce %and3A_448 {dim = 0 : i64, kind = #tpu.reduction_kind<sum>} : vector<16xi1> -> vector<16xi32>
        %slice3A_456 = vector.extract_strided_slice %all_reduce_population_count3A_455 {offsets = [0], sizes = [1], strides = [1]} : vector<16xi32> to vector<1xi32>
        %squeeze3A_457 = vector.extract %slice3A_456[0] : i32 from vector<1xi32>
        %add3A_458 = arith.addi %add3A_440, %squeeze3A_457 : i32
        %mul3A_459 = arith.constant 160 : i32
        %mul3A_460 = arith.muli %squeeze3A_402, %mul3A_459 : i32
        %add3A_461 = arith.constant 48 : i32
        %add3A_462 = arith.addi %mul3A_460, %add3A_461 : i32
        %get3A_463 = arith.index_cast %add3A_462 : i32 to index
        %get3A_464 = tpu.vector_load %arg6[%get3A_463] {strides = array<i32>} : memref<100000xf32, #tpu.memory_space<vmem>>, vector<16xf32>,
        %ge3A_465 = arith.cmpf oge, %get3A_464, %broadcast_in_dim3A_323 : vector<16xf32>
        %and3A_466 = arith.andi %ge3A_465, %broadcast_in_dim3A_404 : vector<16xi1>
        %swap3A_467 = arith.index_cast %add3A_458 : i32 to index
        %swap3A_468 = tpu.vector_load %arg9[%swap3A_467] masked %and3A_466 {strides = array<i32>} : memref<512xf32, #tpu.memory_space<vmem>>, vector<16xf32>, vector<16xi1>
        tpu.vector_store %arg9[%swap3A_467], %get3A_464 masked %and3A_466 {strides = array<i32>} : memref<512xf32, #tpu.memory_space<vmem>>, vector<16xf32>, vector<16xi1>
        %add3A_469 = vector.broadcast %add3A_462 : i32 to vector<16xi32>
        %add3A_470 = arith.addi %add3A_469, %iota3A : vector<16xi32>
        %swap3A_471 = arith.index_cast %add3A_458 : i32 to index
        %swap3A_472 = tpu.vector_load %arg10[%swap3A_471] masked %and3A_466 {strides = array<i32>} : memref<512xi32, #tpu.memory_space<vmem>>, vector<16xi32>, vector<16xi1>
        tpu.vector_store %arg10[%swap3A_471], %add3A_470 masked %and3A_466 {strides = array<i32>} : memref<512xi32, #tpu.memory_space<vmem>>, vector<16xi32>, vector<16xi1>
        %all_reduce_population_count3A_473 = tpu.all_reduce %and3A_466 {dim = 0 : i64, kind = #tpu.reduction_kind<sum>} : vector<16xi1> -> vector<16xi32>
        %slice3A_474 = vector.extract_strided_slice %all_reduce_population_count3A_473 {offsets = [0], sizes = [1], strides = [1]} : vector<16xi32> to vector<1xi32>
        %squeeze3A_475 = vector.extract %slice3A_474[0] : i32 from vector<1xi32>
        %add3A_476 = arith.addi %add3A_458, %squeeze3A_475 : i32
        %mul3A_477 = arith.constant 160 : i32
        %mul3A_478 = arith.muli %squeeze3A_402, %mul3A_477 : i32
        %add3A_479 = arith.constant 64 : i32
        %add3A_480 = arith.addi %mul3A_478, %add3A_479 : i32
        %get3A_481 = arith.index_cast %add3A_480 : i32 to index
        %get3A_482 = tpu.vector_load %arg6[%get3A_481] {strides = array<i32>} : memref<100000xf32, #tpu.memory_space<vmem>>, vector<16xf32>,
        %ge3A_483 = arith.cmpf oge, %get3A_482, %broadcast_in_dim3A_323 : vector<16xf32>
        %and3A_484 = arith.andi %ge3A_483, %broadcast_in_dim3A_404 : vector<16xi1>
        %swap3A_485 = arith.index_cast %add3A_476 : i32 to index
        %swap3A_486 = tpu.vector_load %arg9[%swap3A_485] masked %and3A_484 {strides = array<i32>} : memref<512xf32, #tpu.memory_space<vmem>>, vector<16xf32>, vector<16xi1>
        tpu.vector_store %arg9[%swap3A_485], %get3A_482 masked %and3A_484 {strides = array<i32>} : memref<512xf32, #tpu.memory_space<vmem>>, vector<16xf32>, vector<16xi1>
        %add3A_487 = vector.broadcast %add3A_480 : i32 to vector<16xi32>
        %add3A_488 = arith.addi %add3A_487, %iota3A : vector<16xi32>
        %swap3A_489 = arith.index_cast %add3A_476 : i32 to index
        %swap3A_490 = tpu.vector_load %arg10[%swap3A_489] masked %and3A_484 {strides = array<i32>} : memref<512xi32, #tpu.memory_space<vmem>>, vector<16xi32>, vector<16xi1>
        tpu.vector_store %arg10[%swap3A_489], %add3A_488 masked %and3A_484 {strides = array<i32>} : memref<512xi32, #tpu.memory_space<vmem>>, vector<16xi32>, vector<16xi1>
        %all_reduce_population_count3A_491 = tpu.all_reduce %and3A_484 {dim = 0 : i64, kind = #tpu.reduction_kind<sum>} : vector<16xi1> -> vector<16xi32>
        %slice3A_492 = vector.extract_strided_slice %all_reduce_population_count3A_491 {offsets = [0], sizes = [1], strides = [1]} : vector<16xi32> to vector<1xi32>
        %squeeze3A_493 = vector.extract %slice3A_492[0] : i32 from vector<1xi32>
        %add3A_494 = arith.addi %add3A_476, %squeeze3A_493 : i32
        %mul3A_495 = arith.constant 160 : i32
        %mul3A_496 = arith.muli %squeeze3A_402, %mul3A_495 : i32
        %add3A_497 = arith.constant 80 : i32
        %add3A_498 = arith.addi %mul3A_496, %add3A_497 : i32
        %get3A_499 = arith.index_cast %add3A_498 : i32 to index
        %get3A_500 = tpu.vector_load %arg6[%get3A_499] {strides = array<i32>} : memref<100000xf32, #tpu.memory_space<vmem>>, vector<16xf32>,
        %ge3A_501 = arith.cmpf oge, %get3A_500, %broadcast_in_dim3A_323 : vector<16xf32>
        %and3A_502 = arith.andi %ge3A_501, %broadcast_in_dim3A_404 : vector<16xi1>
        %swap3A_503 = arith.index_cast %add3A_494 : i32 to index
        %swap3A_504 = tpu.vector_load %arg9[%swap3A_503] masked %and3A_502 {strides = array<i32>} : memref<512xf32, #tpu.memory_space<vmem>>, vector<16xf32>, vector<16xi1>
        tpu.vector_store %arg9[%swap3A_503], %get3A_500 masked %and3A_502 {strides = array<i32>} : memref<512xf32, #tpu.memory_space<vmem>>, vector<16xf32>, vector<16xi1>
        %add3A_505 = vector.broadcast %add3A_498 : i32 to vector<16xi32>
        %add3A_506 = arith.addi %add3A_505, %iota3A : vector<16xi32>
        %swap3A_507 = arith.index_cast %add3A_494 : i32 to index
        %swap3A_508 = tpu.vector_load %arg10[%swap3A_507] masked %and3A_502 {strides = array<i32>} : memref<512xi32, #tpu.memory_space<vmem>>, vector<16xi32>, vector<16xi1>
        tpu.vector_store %arg10[%swap3A_507], %add3A_506 masked %and3A_502 {strides = array<i32>} : memref<512xi32, #tpu.memory_space<vmem>>, vector<16xi32>, vector<16xi1>
        %all_reduce_population_count3A_509 = tpu.all_reduce %and3A_502 {dim = 0 : i64, kind = #tpu.reduction_kind<sum>} : vector<16xi1> -> vector<16xi32>
        %slice3A_510 = vector.extract_strided_slice %all_reduce_population_count3A_509 {offsets = [0], sizes = [1], strides = [1]} : vector<16xi32> to vector<1xi32>
        %squeeze3A_511 = vector.extract %slice3A_510[0] : i32 from vector<1xi32>
        %add3A_512 = arith.addi %add3A_494, %squeeze3A_511 : i32
        %mul3A_513 = arith.constant 160 : i32
        %mul3A_514 = arith.muli %squeeze3A_402, %mul3A_513 : i32
        %add3A_515 = arith.constant 96 : i32
        %add3A_516 = arith.addi %mul3A_514, %add3A_515 : i32
        %get3A_517 = arith.index_cast %add3A_516 : i32 to index
        %get3A_518 = tpu.vector_load %arg6[%get3A_517] {strides = array<i32>} : memref<100000xf32, #tpu.memory_space<vmem>>, vector<16xf32>,
        %ge3A_519 = arith.cmpf oge, %get3A_518, %broadcast_in_dim3A_323 : vector<16xf32>
        %and3A_520 = arith.andi %ge3A_519, %broadcast_in_dim3A_404 : vector<16xi1>
        %swap3A_521 = arith.index_cast %add3A_512 : i32 to index
        %swap3A_522 = tpu.vector_load %arg9[%swap3A_521] masked %and3A_520 {strides = array<i32>} : memref<512xf32, #tpu.memory_space<vmem>>, vector<16xf32>, vector<16xi1>
        tpu.vector_store %arg9[%swap3A_521], %get3A_518 masked %and3A_520 {strides = array<i32>} : memref<512xf32, #tpu.memory_space<vmem>>, vector<16xf32>, vector<16xi1>
        %add3A_523 = vector.broadcast %add3A_516 : i32 to vector<16xi32>
        %add3A_524 = arith.addi %add3A_523, %iota3A : vector<16xi32>
        %swap3A_525 = arith.index_cast %add3A_512 : i32 to index
        %swap3A_526 = tpu.vector_load %arg10[%swap3A_525] masked %and3A_520 {strides = array<i32>} : memref<512xi32, #tpu.memory_space<vmem>>, vector<16xi32>, vector<16xi1>
        tpu.vector_store %arg10[%swap3A_525], %add3A_524 masked %and3A_520 {strides = array<i32>} : memref<512xi32, #tpu.memory_space<vmem>>, vector<16xi32>, vector<16xi1>
        %all_reduce_population_count3A_527 = tpu.all_reduce %and3A_520 {dim = 0 : i64, kind = #tpu.reduction_kind<sum>} : vector<16xi1> -> vector<16xi32>
        %slice3A_528 = vector.extract_strided_slice %all_reduce_population_count3A_527 {offsets = [0], sizes = [1], strides = [1]} : vector<16xi32> to vector<1xi32>
        %squeeze3A_529 = vector.extract %slice3A_528[0] : i32 from vector<1xi32>
        %add3A_530 = arith.addi %add3A_512, %squeeze3A_529 : i32
        %mul3A_531 = arith.constant 160 : i32
        %mul3A_532 = arith.muli %squeeze3A_402, %mul3A_531 : i32
        %add3A_533 = arith.constant 112 : i32
        %add3A_534 = arith.addi %mul3A_532, %add3A_533 : i32
        %get3A_535 = arith.index_cast %add3A_534 : i32 to index
        %get3A_536 = tpu.vector_load %arg6[%get3A_535] {strides = array<i32>} : memref<100000xf32, #tpu.memory_space<vmem>>, vector<16xf32>,
        %ge3A_537 = arith.cmpf oge, %get3A_536, %broadcast_in_dim3A_323 : vector<16xf32>
        %and3A_538 = arith.andi %ge3A_537, %broadcast_in_dim3A_404 : vector<16xi1>
        %swap3A_539 = arith.index_cast %add3A_530 : i32 to index
        %swap3A_540 = tpu.vector_load %arg9[%swap3A_539] masked %and3A_538 {strides = array<i32>} : memref<512xf32, #tpu.memory_space<vmem>>, vector<16xf32>, vector<16xi1>
        tpu.vector_store %arg9[%swap3A_539], %get3A_536 masked %and3A_538 {strides = array<i32>} : memref<512xf32, #tpu.memory_space<vmem>>, vector<16xf32>, vector<16xi1>
        %add3A_541 = vector.broadcast %add3A_534 : i32 to vector<16xi32>
        %add3A_542 = arith.addi %add3A_541, %iota3A : vector<16xi32>
        %swap3A_543 = arith.index_cast %add3A_530 : i32 to index
        %swap3A_544 = tpu.vector_load %arg10[%swap3A_543] masked %and3A_538 {strides = array<i32>} : memref<512xi32, #tpu.memory_space<vmem>>, vector<16xi32>, vector<16xi1>
        tpu.vector_store %arg10[%swap3A_543], %add3A_542 masked %and3A_538 {strides = array<i32>} : memref<512xi32, #tpu.memory_space<vmem>>, vector<16xi32>, vector<16xi1>
        %all_reduce_population_count3A_545 = tpu.all_reduce %and3A_538 {dim = 0 : i64, kind = #tpu.reduction_kind<sum>} : vector<16xi1> -> vector<16xi32>
        %slice3A_546 = vector.extract_strided_slice %all_reduce_population_count3A_545 {offsets = [0], sizes = [1], strides = [1]} : vector<16xi32> to vector<1xi32>
        %squeeze3A_547 = vector.extract %slice3A_546[0] : i32 from vector<1xi32>
        %add3A_548 = arith.addi %add3A_530, %squeeze3A_547 : i32
        %mul3A_549 = arith.constant 160 : i32
        %mul3A_550 = arith.muli %squeeze3A_402, %mul3A_549 : i32
        %add3A_551 = arith.constant 128 : i32
        %add3A_552 = arith.addi %mul3A_550, %add3A_551 : i32
        %get3A_553 = arith.index_cast %add3A_552 : i32 to index
        %get3A_554 = tpu.vector_load %arg6[%get3A_553] {strides = array<i32>} : memref<100000xf32, #tpu.memory_space<vmem>>, vector<16xf32>,
        %ge3A_555 = arith.cmpf oge, %get3A_554, %broadcast_in_dim3A_323 : vector<16xf32>
        %and3A_556 = arith.andi %ge3A_555, %broadcast_in_dim3A_404 : vector<16xi1>
        %swap3A_557 = arith.index_cast %add3A_548 : i32 to index
        %swap3A_558 = tpu.vector_load %arg9[%swap3A_557] masked %and3A_556 {strides = array<i32>} : memref<512xf32, #tpu.memory_space<vmem>>, vector<16xf32>, vector<16xi1>
        tpu.vector_store %arg9[%swap3A_557], %get3A_554 masked %and3A_556 {strides = array<i32>} : memref<512xf32, #tpu.memory_space<vmem>>, vector<16xf32>, vector<16xi1>
        %add3A_559 = vector.broadcast %add3A_552 : i32 to vector<16xi32>
        %add3A_560 = arith.addi %add3A_559, %iota3A : vector<16xi32>
        %swap3A_561 = arith.index_cast %add3A_548 : i32 to index
        %swap3A_562 = tpu.vector_load %arg10[%swap3A_561] masked %and3A_556 {strides = array<i32>} : memref<512xi32, #tpu.memory_space<vmem>>, vector<16xi32>, vector<16xi1>
        tpu.vector_store %arg10[%swap3A_561], %add3A_560 masked %and3A_556 {strides = array<i32>} : memref<512xi32, #tpu.memory_space<vmem>>, vector<16xi32>, vector<16xi1>
        %all_reduce_population_count3A_563 = tpu.all_reduce %and3A_556 {dim = 0 : i64, kind = #tpu.reduction_kind<sum>} : vector<16xi1> -> vector<16xi32>
        %slice3A_564 = vector.extract_strided_slice %all_reduce_population_count3A_563 {offsets = [0], sizes = [1], strides = [1]} : vector<16xi32> to vector<1xi32>
        %squeeze3A_565 = vector.extract %slice3A_564[0] : i32 from vector<1xi32>
        %add3A_566 = arith.addi %add3A_548, %squeeze3A_565 : i32
        %mul3A_567 = arith.constant 160 : i32
        %mul3A_568 = arith.muli %squeeze3A_402, %mul3A_567 : i32
        %add3A_569 = arith.constant 144 : i32
        %add3A_570 = arith.addi %mul3A_568, %add3A_569 : i32
        %get3A_571 = arith.index_cast %add3A_570 : i32 to index
        %get3A_572 = tpu.vector_load %arg6[%get3A_571] {strides = array<i32>} : memref<100000xf32, #tpu.memory_space<vmem>>, vector<16xf32>,
        %ge3A_573 = arith.cmpf oge, %get3A_572, %broadcast_in_dim3A_323 : vector<16xf32>
        %and3A_574 = arith.andi %ge3A_573, %broadcast_in_dim3A_404 : vector<16xi1>
        %swap3A_575 = arith.index_cast %add3A_566 : i32 to index
        %swap3A_576 = tpu.vector_load %arg9[%swap3A_575] masked %and3A_574 {strides = array<i32>} : memref<512xf32, #tpu.memory_space<vmem>>, vector<16xf32>, vector<16xi1>
        tpu.vector_store %arg9[%swap3A_575], %get3A_572 masked %and3A_574 {strides = array<i32>} : memref<512xf32, #tpu.memory_space<vmem>>, vector<16xf32>, vector<16xi1>
        %add3A_577 = vector.broadcast %add3A_570 : i32 to vector<16xi32>
        %add3A_578 = arith.addi %add3A_577, %iota3A : vector<16xi32>
        %swap3A_579 = arith.index_cast %add3A_566 : i32 to index
        %swap3A_580 = tpu.vector_load %arg10[%swap3A_579] masked %and3A_574 {strides = array<i32>} : memref<512xi32, #tpu.memory_space<vmem>>, vector<16xi32>, vector<16xi1>
        tpu.vector_store %arg10[%swap3A_579], %add3A_578 masked %and3A_574 {strides = array<i32>} : memref<512xi32, #tpu.memory_space<vmem>>, vector<16xi32>, vector<16xi1>
        %all_reduce_population_count3A_581 = tpu.all_reduce %and3A_574 {dim = 0 : i64, kind = #tpu.reduction_kind<sum>} : vector<16xi1> -> vector<16xi32>
        %slice3A_582 = vector.extract_strided_slice %all_reduce_population_count3A_581 {offsets = [0], sizes = [1], strides = [1]} : vector<16xi32> to vector<1xi32>
        %squeeze3A_583 = vector.extract %slice3A_582[0] : i32 from vector<1xi32>
        %add3A_584 = arith.addi %add3A_566, %squeeze3A_583 : i32
        scf.yield %add3A_584, %squeeze3A_402 : i32, i32
      }
      %scan3A_331 = arith.constant 32 : i32
      %add3A_332 = arith.constant 15 : i32
      %add3A_333 = arith.addi %scan3A_330#0, %add3A_332 : i32
      %jit3A_334 = arith.constant 16 : i32
      %div3A_335 = arith.divsi %add3A_333, %jit3A_334 : i32
      %sign3A_336 = arith.constant 0 : i32
      %sign3A_337 = arith.cmpi sgt, %add3A_333, %sign3A_336 : i32
      %sign3A_338 = arith.extui %sign3A_337 : i1 to i32
      %sign3A_339 = arith.constant 0 : i32
      %sign3A_340 = arith.cmpi slt, %add3A_333, %sign3A_339 : i32
      %sign3A_341 = arith.extui %sign3A_340 : i1 to i32
      %sign3A_342 = arith.subi %sign3A_338, %sign3A_341 : i32
      %sign3A_343 = arith.constant 0 : i32
      %sign3A_344 = arith.cmpi sgt, %jit3A_334, %sign3A_343 : i32
      %sign3A_345 = arith.extui %sign3A_344 : i1 to i32
      %sign3A_346 = arith.constant 0 : i32
      %sign3A_347 = arith.cmpi slt, %jit3A_334, %sign3A_346 : i32
      %sign3A_348 = arith.extui %sign3A_347 : i1 to i32
      %sign3A_349 = arith.subi %sign3A_345, %sign3A_348 : i32
      %ne3A_350 = arith.cmpi ne, %sign3A_342, %sign3A_349 : i32
      %rem3A_351 = arith.remsi %add3A_333, %jit3A_334 : i32
      %ne3A_352 = arith.constant 0 : i32
      %ne3A_353 = arith.cmpi ne, %rem3A_351, %ne3A_352 : i32
      %and3A_354 = arith.andi %ne3A_350, %ne3A_353 : i1
      %sub3A_355 = arith.constant 1 : i32
      %sub3A_356 = arith.subi %div3A_335, %sub3A_355 : i32
      %select_n3A_357 = arith.select %and3A_354, %sub3A_356, %div3A_335 : i32
      %while3A_358 = arith.constant 0 : i32
      %while3A_359 = arith.subi %select_n3A_357, %while3A_358 : i32
      %while3A_360 = arith.addi %while3A_358, %while3A_359 : i32
      %while3A_361 = arith.constant 1 : i32
      %while3A_362 = arith.divsi %while3A_359, %while3A_361 : i32
      %while3A_363 = arith.muli %while3A_362, %while3A_361 : i32
      %while3A_364 = arith.addi %while3A_358, %while3A_363 : i32
      %while3A_365 = arith.constant 1 : i32
      %while3A_366:4 = scf.for %while3A_397 = %while3A_358 to %while3A_364 step %while3A_365 iter_args(%while3A_398 = %broadcast_in_dim3A_3, %while3A_399 = %broadcast_in_dim3A_5, %while3A_400 = %broadcast_in_dim3A_3, %while3A_401 = %broadcast_in_dim3A_5) -> (vector<16xf32>, vector<16xi32>, vector<16xf32>, vector<16xi32>)  : i32 {
        %mul3A_402 = arith.constant 16 : i32
        %mul3A_403 = arith.muli %while3A_397, %mul3A_402 : i32
        %get3A = arith.index_cast %mul3A_403 : i32 to index
        %get3A_404 = tpu.vector_load %arg9[%get3A] {strides = array<i32>} : memref<512xf32, #tpu.memory_space<vmem>>, vector<16xf32>,
        %mul3A_405 = arith.constant 16 : i32
        %mul3A_406 = arith.muli %while3A_397, %mul3A_405 : i32
        %get3A_407 = arith.index_cast %mul3A_406 : i32 to index
        %get3A_408 = tpu.vector_load %arg10[%get3A_407] {strides = array<i32>} : memref<512xi32, #tpu.memory_space<vmem>>, vector<16xi32>,
        %mul3A_409 = arith.constant 16 : i32
        %mul3A_410 = arith.muli %while3A_397, %mul3A_409 : i32
        %add3A_411 = vector.broadcast %mul3A_410 : i32 to vector<16xi32>
        %add3A_412 = arith.addi %iota3A, %add3A_411 : vector<16xi32>
        %lt3A = vector.broadcast %scan3A_330#0 : i32 to vector<16xi32>
        %lt3A_413 = arith.cmpi slt, %add3A_412, %lt3A : vector<16xi32>
        %jit3A_414 = arith.constant -1.000000e+30 : f32
        %broadcast_in_dim3A_415 = vector.broadcast %jit3A_414 : f32 to vector<16xf32>
        %select_n3A_416 = arith.select %lt3A_413, %get3A_404, %broadcast_in_dim3A_415 : vector<16xi1>, vector<16xf32>
        %masked_sort3A_417 = arith.constant dense<true> : vector<16xi1>
        %masked_sort3A_418, %masked_sort3A_419, %masked_sort3A_420 = tpu.sort %select_n3A_416, %get3A_408 masked %masked_sort3A_417 {descending = true} : (vector<16xf32>, vector<16xi32>, vector<16xi1>) -> (vector<16xi1>, vector<16xf32>, vector<16xi32>)
        %rev3A_421 = arith.constant 15 : i32
        %rev3A_422 = vector.broadcast %rev3A_421 : i32 to vector<16xi32>
        %rev3A_423 = tpu.iota {dimensions = array<i32: 0>} : vector<16xi32>
        %rev3A_424 = arith.subi %rev3A_422, %rev3A_423 : vector<16xi32>
        %rev3A_425 = tpu.dynamic_gather %masked_sort3A_419[%rev3A_424] in [0] : vector<16xf32>, vector<16xi32> -> vector<16xf32>
        %rev3A_426 = arith.constant 15 : i32
        %rev3A_427 = vector.broadcast %rev3A_426 : i32 to vector<16xi32>
        %rev3A_428 = tpu.iota {dimensions = array<i32: 0>} : vector<16xi32>
        %rev3A_429 = arith.subi %rev3A_427, %rev3A_428 : vector<16xi32>
        %rev3A_430 = tpu.dynamic_gather %masked_sort3A_420[%rev3A_429] in [0] : vector<16xi32>, vector<16xi32> -> vector<16xi32>
        %ge3A = arith.cmpf oge, %while3A_400, %rev3A_425 : vector<16xf32>
        %select_n3A_431 = arith.select %ge3A, %while3A_400, %rev3A_425 : vector<16xi1>, vector<16xf32>
        %select_n3A_432 = arith.select %ge3A, %while3A_401, %rev3A_430 : vector<16xi1>, vector<16xi32>
        %masked_sort3A_433 = arith.constant dense<true> : vector<16xi1>
        %masked_sort3A_434, %masked_sort3A_435, %masked_sort3A_436 = tpu.sort %select_n3A_431, %select_n3A_432 masked %masked_sort3A_433 {descending = true} : (vector<16xf32>, vector<16xi32>, vector<16xi1>) -> (vector<16xi1>, vector<16xf32>, vector<16xi32>)
        %rev3A_437 = arith.constant 15 : i32
        %rev3A_438 = vector.broadcast %rev3A_437 : i32 to vector<16xi32>
        %rev3A_439 = tpu.iota {dimensions = array<i32: 0>} : vector<16xi32>
        %rev3A_440 = arith.subi %rev3A_438, %rev3A_439 : vector<16xi32>
        %rev3A_441 = tpu.dynamic_gather %masked_sort3A_435[%rev3A_440] in [0] : vector<16xf32>, vector<16xi32> -> vector<16xf32>
        %rev3A_442 = arith.constant 15 : i32
        %rev3A_443 = vector.broadcast %rev3A_442 : i32 to vector<16xi32>
        %rev3A_444 = tpu.iota {dimensions = array<i32: 0>} : vector<16xi32>
        %rev3A_445 = arith.subi %rev3A_443, %rev3A_444 : vector<16xi32>
        %rev3A_446 = tpu.dynamic_gather %masked_sort3A_436[%rev3A_445] in [0] : vector<16xi32>, vector<16xi32> -> vector<16xi32>
        %ge3A_447 = arith.cmpf oge, %while3A_398, %rev3A_441 : vector<16xf32>
        %select_n3A_448 = arith.select %ge3A_447, %while3A_398, %rev3A_441 : vector<16xi1>, vector<16xf32>
        %select_n3A_449 = arith.select %ge3A_447, %while3A_399, %rev3A_446 : vector<16xi1>, vector<16xi32>
        %select_n3A_450 = arith.select %ge3A_447, %rev3A_441, %while3A_398 : vector<16xi1>, vector<16xf32>
        %select_n3A_451 = arith.select %ge3A_447, %rev3A_446, %while3A_399 : vector<16xi1>, vector<16xi32>
        %masked_sort3A_452 = arith.constant dense<true> : vector<16xi1>
        %masked_sort3A_453, %masked_sort3A_454, %masked_sort3A_455 = tpu.sort %select_n3A_448, %select_n3A_449 masked %masked_sort3A_452 {descending = true} : (vector<16xf32>, vector<16xi32>, vector<16xi1>) -> (vector<16xi1>, vector<16xf32>, vector<16xi32>)
        %masked_sort3A_456 = arith.constant dense<true> : vector<16xi1>
        %masked_sort3A_457, %masked_sort3A_458, %masked_sort3A_459 = tpu.sort %select_n3A_450, %select_n3A_451 masked %masked_sort3A_456 {descending = true} : (vector<16xf32>, vector<16xi32>, vector<16xi1>) -> (vector<16xi1>, vector<16xf32>, vector<16xi32>)
        scf.yield %masked_sort3A_454, %masked_sort3A_455, %masked_sort3A_458, %masked_sort3A_459 : vector<16xf32>, vector<16xi32>, vector<16xf32>, vector<16xi32>
      }
      %while3A_367 = arith.constant 1 : i32
      %while3A_368:4 = scf.for %while3A_397 = %while3A_364 to %while3A_360 step %while3A_367 iter_args(%while3A_398 = %while3A_366#0, %while3A_399 = %while3A_366#1, %while3A_400 = %while3A_366#2, %while3A_401 = %while3A_366#3) -> (vector<16xf32>, vector<16xi32>, vector<16xf32>, vector<16xi32>)  : i32 {
        %mul3A_402 = arith.constant 16 : i32
        %mul3A_403 = arith.muli %while3A_397, %mul3A_402 : i32
        %get3A = arith.index_cast %mul3A_403 : i32 to index
        %get3A_404 = tpu.vector_load %arg9[%get3A] {strides = array<i32>} : memref<512xf32, #tpu.memory_space<vmem>>, vector<16xf32>,
        %mul3A_405 = arith.constant 16 : i32
        %mul3A_406 = arith.muli %while3A_397, %mul3A_405 : i32
        %get3A_407 = arith.index_cast %mul3A_406 : i32 to index
        %get3A_408 = tpu.vector_load %arg10[%get3A_407] {strides = array<i32>} : memref<512xi32, #tpu.memory_space<vmem>>, vector<16xi32>,
        %mul3A_409 = arith.constant 16 : i32
        %mul3A_410 = arith.muli %while3A_397, %mul3A_409 : i32
        %add3A_411 = vector.broadcast %mul3A_410 : i32 to vector<16xi32>
        %add3A_412 = arith.addi %iota3A, %add3A_411 : vector<16xi32>
        %lt3A = vector.broadcast %scan3A_330#0 : i32 to vector<16xi32>
        %lt3A_413 = arith.cmpi slt, %add3A_412, %lt3A : vector<16xi32>
        %jit3A_414 = arith.constant -1.000000e+30 : f32
        %broadcast_in_dim3A_415 = vector.broadcast %jit3A_414 : f32 to vector<16xf32>
        %select_n3A_416 = arith.select %lt3A_413, %get3A_404, %broadcast_in_dim3A_415 : vector<16xi1>, vector<16xf32>
        %masked_sort3A_417 = arith.constant dense<true> : vector<16xi1>
        %masked_sort3A_418, %masked_sort3A_419, %masked_sort3A_420 = tpu.sort %select_n3A_416, %get3A_408 masked %masked_sort3A_417 {descending = true} : (vector<16xf32>, vector<16xi32>, vector<16xi1>) -> (vector<16xi1>, vector<16xf32>, vector<16xi32>)
        %rev3A_421 = arith.constant 15 : i32
        %rev3A_422 = vector.broadcast %rev3A_421 : i32 to vector<16xi32>
        %rev3A_423 = tpu.iota {dimensions = array<i32: 0>} : vector<16xi32>
        %rev3A_424 = arith.subi %rev3A_422, %rev3A_423 : vector<16xi32>
        %rev3A_425 = tpu.dynamic_gather %masked_sort3A_419[%rev3A_424] in [0] : vector<16xf32>, vector<16xi32> -> vector<16xf32>
        %rev3A_426 = arith.constant 15 : i32
        %rev3A_427 = vector.broadcast %rev3A_426 : i32 to vector<16xi32>
        %rev3A_428 = tpu.iota {dimensions = array<i32: 0>} : vector<16xi32>
        %rev3A_429 = arith.subi %rev3A_427, %rev3A_428 : vector<16xi32>
        %rev3A_430 = tpu.dynamic_gather %masked_sort3A_420[%rev3A_429] in [0] : vector<16xi32>, vector<16xi32> -> vector<16xi32>
        %ge3A = arith.cmpf oge, %while3A_400, %rev3A_425 : vector<16xf32>
        %select_n3A_431 = arith.select %ge3A, %while3A_400, %rev3A_425 : vector<16xi1>, vector<16xf32>
        %select_n3A_432 = arith.select %ge3A, %while3A_401, %rev3A_430 : vector<16xi1>, vector<16xi32>
        %masked_sort3A_433 = arith.constant dense<true> : vector<16xi1>
        %masked_sort3A_434, %masked_sort3A_435, %masked_sort3A_436 = tpu.sort %select_n3A_431, %select_n3A_432 masked %masked_sort3A_433 {descending = true} : (vector<16xf32>, vector<16xi32>, vector<16xi1>) -> (vector<16xi1>, vector<16xf32>, vector<16xi32>)
        %rev3A_437 = arith.constant 15 : i32
        %rev3A_438 = vector.broadcast %rev3A_437 : i32 to vector<16xi32>
        %rev3A_439 = tpu.iota {dimensions = array<i32: 0>} : vector<16xi32>
        %rev3A_440 = arith.subi %rev3A_438, %rev3A_439 : vector<16xi32>
        %rev3A_441 = tpu.dynamic_gather %masked_sort3A_435[%rev3A_440] in [0] : vector<16xf32>, vector<16xi32> -> vector<16xf32>
        %rev3A_442 = arith.constant 15 : i32
        %rev3A_443 = vector.broadcast %rev3A_442 : i32 to vector<16xi32>
        %rev3A_444 = tpu.iota {dimensions = array<i32: 0>} : vector<16xi32>
        %rev3A_445 = arith.subi %rev3A_443, %rev3A_444 : vector<16xi32>
        %rev3A_446 = tpu.dynamic_gather %masked_sort3A_436[%rev3A_445] in [0] : vector<16xi32>, vector<16xi32> -> vector<16xi32>
        %ge3A_447 = arith.cmpf oge, %while3A_398, %rev3A_441 : vector<16xf32>
        %select_n3A_448 = arith.select %ge3A_447, %while3A_398, %rev3A_441 : vector<16xi1>, vector<16xf32>
        %select_n3A_449 = arith.select %ge3A_447, %while3A_399, %rev3A_446 : vector<16xi1>, vector<16xi32>
        %select_n3A_450 = arith.select %ge3A_447, %rev3A_441, %while3A_398 : vector<16xi1>, vector<16xf32>
        %select_n3A_451 = arith.select %ge3A_447, %rev3A_446, %while3A_399 : vector<16xi1>, vector<16xi32>
        %masked_sort3A_452 = arith.constant dense<true> : vector<16xi1>
        %masked_sort3A_453, %masked_sort3A_454, %masked_sort3A_455 = tpu.sort %select_n3A_448, %select_n3A_449 masked %masked_sort3A_452 {descending = true} : (vector<16xf32>, vector<16xi32>, vector<16xi1>) -> (vector<16xi1>, vector<16xf32>, vector<16xi32>)
        %masked_sort3A_456 = arith.constant dense<true> : vector<16xi1>
        %masked_sort3A_457, %masked_sort3A_458, %masked_sort3A_459 = tpu.sort %select_n3A_450, %select_n3A_451 masked %masked_sort3A_456 {descending = true} : (vector<16xf32>, vector<16xi32>, vector<16xi1>) -> (vector<16xi1>, vector<16xf32>, vector<16xi32>)
        scf.yield %masked_sort3A_454, %masked_sort3A_455, %masked_sort3A_458, %masked_sort3A_459 : vector<16xf32>, vector<16xi32>, vector<16xf32>, vector<16xi32>
      }
      %sub3A_369 = arith.subi %while3A_127, %mul3A_2 : i32
      %mul3A_370 = arith.constant 100000 : i32
      %mul3A_371 = arith.muli %while3A_127, %mul3A_370 : i32
      %mul3A_372 = arith.constant 32 : i32
      %mul3A_373 = arith.muli %sub3A_369, %mul3A_372 : i32
      %swap3A_374 = arith.index_cast %mul3A_373 : i32 to index
      %swap3A_375 = tpu.vector_load %arg12[%swap3A_374] {strides = array<i32>} : memref<1024xf32, #tpu.memory_space<vmem>>, vector<16xf32>,
      tpu.vector_store %arg12[%swap3A_374], %while3A_368#0 {strides = array<i32>} : memref<1024xf32, #tpu.memory_space<vmem>>, vector<16xf32>,
      %mul3A_376 = arith.constant 32 : i32
      %mul3A_377 = arith.muli %sub3A_369, %mul3A_376 : i32
      %add3A_378 = arith.constant 16 : i32
      %add3A_379 = arith.addi %mul3A_377, %add3A_378 : i32
      %swap3A_380 = arith.index_cast %add3A_379 : i32 to index
      %swap3A_381 = tpu.vector_load %arg12[%swap3A_380] {strides = array<i32>} : memref<1024xf32, #tpu.memory_space<vmem>>, vector<16xf32>,
      tpu.vector_store %arg12[%swap3A_380], %while3A_368#2 {strides = array<i32>} : memref<1024xf32, #tpu.memory_space<vmem>>, vector<16xf32>,
      %add3A_382 = vector.broadcast %mul3A_371 : i32 to vector<16xi32>
      %add3A_383 = arith.addi %while3A_368#1, %add3A_382 : vector<16xi32>
      %mul3A_384 = arith.constant 32 : i32
      %mul3A_385 = arith.muli %sub3A_369, %mul3A_384 : i32
      %swap3A_386 = arith.index_cast %mul3A_385 : i32 to index
      %swap3A_387 = tpu.vector_load %arg13[%swap3A_386] {strides = array<i32>} : memref<1024xi32, #tpu.memory_space<vmem>>, vector<16xi32>,
      tpu.vector_store %arg13[%swap3A_386], %add3A_383 {strides = array<i32>} : memref<1024xi32, #tpu.memory_space<vmem>>, vector<16xi32>,
      %add3A_388 = vector.broadcast %mul3A_371 : i32 to vector<16xi32>
      %add3A_389 = arith.addi %while3A_368#3, %add3A_388 : vector<16xi32>
      %mul3A_390 = arith.constant 32 : i32
      %mul3A_391 = arith.muli %sub3A_369, %mul3A_390 : i32
      %add3A_392 = arith.constant 16 : i32
      %add3A_393 = arith.addi %mul3A_391, %add3A_392 : i32
      %swap3A_394 = arith.index_cast %add3A_393 : i32 to index
      %swap3A_395 = tpu.vector_load %arg13[%swap3A_394] {strides = array<i32>} : memref<1024xi32, #tpu.memory_space<vmem>>, vector<16xi32>,
      tpu.vector_store %arg13[%swap3A_394], %add3A_389 {strides = array<i32>} : memref<1024xi32, #tpu.memory_space<vmem>>, vector<16xi32>,
      %while3A_396 = arith.constant 0 : i32
      scf.yield %while3A_396 : i32
    }
    %while3A_27 = arith.constant 1 : i32
    %while3A_28 = scf.for %while3A_127 = %while3A_24 to %while3A_20 step %while3A_27 iter_args(%while3A_128 = %while3A_26) -> (i32)  : i32 {
      "tpu.region"() ({
        %run_scoped3A = tpu.sem_alloc : memref<!tpu.dma_semaphore, #tpu.memory_space<semaphore_mem>>
        %dma_start3A_397 = arith.constant 0 : i32
        %dma_start3A_398 = tpu.memref_slice %arg2[%while3A_127, %dma_start3A_397] : memref<1024x100000xf32, #tpu.memory_space<hbm>> -> memref<1x100000xf32, #tpu.memory_space<hbm>>
        %dma_start3A_399 = tpu.memref_squeeze %dma_start3A_398 : memref<1x100000xf32, #tpu.memory_space<hbm>> -> memref<100000xf32, #tpu.memory_space<hbm>>
        %dma_start3A_400 = arith.constant 0 : i32
        %dma_start3A_401 = tpu.memref_slice %arg2[%while3A_127, %dma_start3A_400] : memref<1024x100000xf32, #tpu.memory_space<hbm>> -> memref<1x100000xf32, #tpu.memory_space<hbm>>
        %dma_start3A_402 = tpu.memref_squeeze %dma_start3A_401 : memref<1x100000xf32, #tpu.memory_space<hbm>> -> memref<100000xf32, #tpu.memory_space<hbm>>
        tpu.enqueue_dma source(%dma_start3A_402 : memref<100000xf32, #tpu.memory_space<hbm>>) target(%arg6 : memref<100000xf32, #tpu.memory_space<vmem>>) target_semaphore(%run_scoped3A : memref<!tpu.dma_semaphore, #tpu.memory_space<semaphore_mem>>)
        %dma_wait3A_403 = arith.constant 0 : i32
        %dma_wait3A_404 = tpu.memref_slice %arg2[%while3A_127, %dma_wait3A_403] : memref<1024x100000xf32, #tpu.memory_space<hbm>> -> memref<1x100000xf32, #tpu.memory_space<hbm>>
        %dma_wait3A_405 = tpu.memref_squeeze %dma_wait3A_404 : memref<1x100000xf32, #tpu.memory_space<hbm>> -> memref<100000xf32, #tpu.memory_space<hbm>>
        %dma_wait3A_406 = arith.constant 0 : i32
        %dma_wait3A_407 = tpu.memref_slice %arg2[%while3A_127, %dma_wait3A_406] : memref<1024x100000xf32, #tpu.memory_space<hbm>> -> memref<1x100000xf32, #tpu.memory_space<hbm>>
        %dma_wait3A_408 = tpu.memref_squeeze %dma_wait3A_407 : memref<1x100000xf32, #tpu.memory_space<hbm>> -> memref<100000xf32, #tpu.memory_space<hbm>>
        tpu.wait_dma2 semaphore(%run_scoped3A : memref<!tpu.dma_semaphore, #tpu.memory_space<semaphore_mem>>) src(%dma_wait3A_408 : memref<100000xf32, #tpu.memory_space<hbm>>) dst(%arg6 : memref<100000xf32, #tpu.memory_space<vmem>>)
        tpu.yield
      }) : () -> ()
      %scan3A = arith.constant 0 : i32
      %scan3A_129 = arith.constant 0 : i32
      %scan3A_130 = arith.constant 125 : i32
      %scan3A_131 = arith.addi %scan3A_129, %scan3A_130 : i32
      %scan3A_132 = arith.constant 1 : i32
      %scan3A_133 = scf.for %scan3A_397 = %scan3A_129 to %scan3A_131 step %scan3A_132 iter_args(%scan3A_398 = %scan3A) -> (i32)  : i32 {
        %mul3A_399 = arith.constant 5 : i32
        %mul3A_400 = arith.muli %scan3A_397, %mul3A_399 : i32
        %add3A_401 = arith.constant 0 : i32
        %add3A_402 = arith.addi %mul3A_400, %add3A_401 : i32
        %mul3A_403 = arith.constant 160 : i32
        %mul3A_404 = arith.muli %add3A_402, %mul3A_403 : i32
        %get3A = arith.index_cast %mul3A_404 : i32 to index
        %get3A_405 = tpu.vector_load %arg6[%get3A] {strides = array<i32>} : memref<100000xf32, #tpu.memory_space<vmem>>, vector<16xf32>,
        %add3A_406 = arith.constant 16 : i32
        %add3A_407 = arith.addi %mul3A_404, %add3A_406 : i32
        %get3A_408 = arith.index_cast %add3A_407 : i32 to index
        %get3A_409 = tpu.vector_load %arg6[%get3A_408] {strides = array<i32>} : memref<100000xf32, #tpu.memory_space<vmem>>, vector<16xf32>,
        %max3A_410 = arith.maximumf %get3A_405, %get3A_409 : vector<16xf32>
        %add3A_411 = arith.constant 32 : i32
        %add3A_412 = arith.addi %mul3A_404, %add3A_411 : i32
        %get3A_413 = arith.index_cast %add3A_412 : i32 to index
        %get3A_414 = tpu.vector_load %arg6[%get3A_413] {strides = array<i32>} : memref<100000xf32, #tpu.memory_space<vmem>>, vector<16xf32>,
        %max3A_415 = arith.maximumf %max3A_410, %get3A_414 : vector<16xf32>
        %add3A_416 = arith.constant 48 : i32
        %add3A_417 = arith.addi %mul3A_404, %add3A_416 : i32
        %get3A_418 = arith.index_cast %add3A_417 : i32 to index
        %get3A_419 = tpu.vector_load %arg6[%get3A_418] {strides = array<i32>} : memref<100000xf32, #tpu.memory_space<vmem>>, vector<16xf32>,
        %max3A_420 = arith.maximumf %max3A_415, %get3A_419 : vector<16xf32>
        %add3A_421 = arith.constant 64 : i32
        %add3A_422 = arith.addi %mul3A_404, %add3A_421 : i32
        %get3A_423 = arith.index_cast %add3A_422 : i32 to index
        %get3A_424 = tpu.vector_load %arg6[%get3A_423] {strides = array<i32>} : memref<100000xf32, #tpu.memory_space<vmem>>, vector<16xf32>,
        %max3A_425 = arith.maximumf %max3A_420, %get3A_424 : vector<16xf32>
        %add3A_426 = arith.constant 80 : i32
        %add3A_427 = arith.addi %mul3A_404, %add3A_426 : i32
        %get3A_428 = arith.index_cast %add3A_427 : i32 to index
        %get3A_429 = tpu.vector_load %arg6[%get3A_428] {strides = array<i32>} : memref<100000xf32, #tpu.memory_space<vmem>>, vector<16xf32>,
        %max3A_430 = arith.maximumf %max3A_425, %get3A_429 : vector<16xf32>
        %add3A_431 = arith.constant 96 : i32
        %add3A_432 = arith.addi %mul3A_404, %add3A_431 : i32
        %get3A_433 = arith.index_cast %add3A_432 : i32 to index
        %get3A_434 = tpu.vector_load %arg6[%get3A_433] {strides = array<i32>} : memref<100000xf32, #tpu.memory_space<vmem>>, vector<16xf32>,
        %max3A_435 = arith.maximumf %max3A_430, %get3A_434 : vector<16xf32>
        %add3A_436 = arith.constant 112 : i32
        %add3A_437 = arith.addi %mul3A_404, %add3A_436 : i32
        %get3A_438 = arith.index_cast %add3A_437 : i32 to index
        %get3A_439 = tpu.vector_load %arg6[%get3A_438] {strides = array<i32>} : memref<100000xf32, #tpu.memory_space<vmem>>, vector<16xf32>,
        %max3A_440 = arith.maximumf %max3A_435, %get3A_439 : vector<16xf32>
        %add3A_441 = arith.constant 128 : i32
        %add3A_442 = arith.addi %mul3A_404, %add3A_441 : i32
        %get3A_443 = arith.index_cast %add3A_442 : i32 to index
        %get3A_444 = tpu.vector_load %arg6[%get3A_443] {strides = array<i32>} : memref<100000xf32, #tpu.memory_space<vmem>>, vector<16xf32>,
        %max3A_445 = arith.maximumf %max3A_440, %get3A_444 : vector<16xf32>
        %add3A_446 = arith.constant 144 : i32
        %add3A_447 = arith.addi %mul3A_404, %add3A_446 : i32
        %get3A_448 = arith.index_cast %add3A_447 : i32 to index
        %get3A_449 = tpu.vector_load %arg6[%get3A_448] {strides = array<i32>} : memref<100000xf32, #tpu.memory_space<vmem>>, vector<16xf32>,
        %max3A_450 = arith.maximumf %max3A_445, %get3A_449 : vector<16xf32>
        %mul3A_451 = arith.constant 16 : i32
        %mul3A_452 = arith.muli %add3A_402, %mul3A_451 : i32
        %swap3A_453 = arith.index_cast %mul3A_452 : i32 to index
        %swap3A_454 = tpu.vector_load %arg7[%swap3A_453] {strides = array<i32>} : memref<10080xf32, #tpu.memory_space<vmem>>, vector<16xf32>,
        tpu.vector_store %arg7[%swap3A_453], %max3A_450 {strides = array<i32>} : memref<10080xf32, #tpu.memory_space<vmem>>, vector<16xf32>,
        %mul3A_455 = arith.constant 5 : i32
        %mul3A_456 = arith.muli %scan3A_397, %mul3A_455 : i32
        %add3A_457 = arith.constant 1 : i32
        %add3A_458 = arith.addi %mul3A_456, %add3A_457 : i32
        %mul3A_459 = arith.constant 160 : i32
        %mul3A_460 = arith.muli %add3A_458, %mul3A_459 : i32
        %get3A_461 = arith.index_cast %mul3A_460 : i32 to index
        %get3A_462 = tpu.vector_load %arg6[%get3A_461] {strides = array<i32>} : memref<100000xf32, #tpu.memory_space<vmem>>, vector<16xf32>,
        %add3A_463 = arith.constant 16 : i32
        %add3A_464 = arith.addi %mul3A_460, %add3A_463 : i32
        %get3A_465 = arith.index_cast %add3A_464 : i32 to index
        %get3A_466 = tpu.vector_load %arg6[%get3A_465] {strides = array<i32>} : memref<100000xf32, #tpu.memory_space<vmem>>, vector<16xf32>,
        %max3A_467 = arith.maximumf %get3A_462, %get3A_466 : vector<16xf32>
        %add3A_468 = arith.constant 32 : i32
        %add3A_469 = arith.addi %mul3A_460, %add3A_468 : i32
        %get3A_470 = arith.index_cast %add3A_469 : i32 to index
        %get3A_471 = tpu.vector_load %arg6[%get3A_470] {strides = array<i32>} : memref<100000xf32, #tpu.memory_space<vmem>>, vector<16xf32>,
        %max3A_472 = arith.maximumf %max3A_467, %get3A_471 : vector<16xf32>
        %add3A_473 = arith.constant 48 : i32
        %add3A_474 = arith.addi %mul3A_460, %add3A_473 : i32
        %get3A_475 = arith.index_cast %add3A_474 : i32 to index
        %get3A_476 = tpu.vector_load %arg6[%get3A_475] {strides = array<i32>} : memref<100000xf32, #tpu.memory_space<vmem>>, vector<16xf32>,
        %max3A_477 = arith.maximumf %max3A_472, %get3A_476 : vector<16xf32>
        %add3A_478 = arith.constant 64 : i32
        %add3A_479 = arith.addi %mul3A_460, %add3A_478 : i32
        %get3A_480 = arith.index_cast %add3A_479 : i32 to index
        %get3A_481 = tpu.vector_load %arg6[%get3A_480] {strides = array<i32>} : memref<100000xf32, #tpu.memory_space<vmem>>, vector<16xf32>,
        %max3A_482 = arith.maximumf %max3A_477, %get3A_481 : vector<16xf32>
        %add3A_483 = arith.constant 80 : i32
        %add3A_484 = arith.addi %mul3A_460, %add3A_483 : i32
        %get3A_485 = arith.index_cast %add3A_484 : i32 to index
        %get3A_486 = tpu.vector_load %arg6[%get3A_485] {strides = array<i32>} : memref<100000xf32, #tpu.memory_space<vmem>>, vector<16xf32>,
        %max3A_487 = arith.maximumf %max3A_482, %get3A_486 : vector<16xf32>
        %add3A_488 = arith.constant 96 : i32
        %add3A_489 = arith.addi %mul3A_460, %add3A_488 : i32
        %get3A_490 = arith.index_cast %add3A_489 : i32 to index
        %get3A_491 = tpu.vector_load %arg6[%get3A_490] {strides = array<i32>} : memref<100000xf32, #tpu.memory_space<vmem>>, vector<16xf32>,
        %max3A_492 = arith.maximumf %max3A_487, %get3A_491 : vector<16xf32>
        %add3A_493 = arith.constant 112 : i32
        %add3A_494 = arith.addi %mul3A_460, %add3A_493 : i32
        %get3A_495 = arith.index_cast %add3A_494 : i32 to index
        %get3A_496 = tpu.vector_load %arg6[%get3A_495] {strides = array<i32>} : memref<100000xf32, #tpu.memory_space<vmem>>, vector<16xf32>,
        %max3A_497 = arith.maximumf %max3A_492, %get3A_496 : vector<16xf32>
        %add3A_498 = arith.constant 128 : i32
        %add3A_499 = arith.addi %mul3A_460, %add3A_498 : i32
        %get3A_500 = arith.index_cast %add3A_499 : i32 to index
        %get3A_501 = tpu.vector_load %arg6[%get3A_500] {strides = array<i32>} : memref<100000xf32, #tpu.memory_space<vmem>>, vector<16xf32>,
        %max3A_502 = arith.maximumf %max3A_497, %get3A_501 : vector<16xf32>
        %add3A_503 = arith.constant 144 : i32
        %add3A_504 = arith.addi %mul3A_460, %add3A_503 : i32
        %get3A_505 = arith.index_cast %add3A_504 : i32 to index
        %get3A_506 = tpu.vector_load %arg6[%get3A_505] {strides = array<i32>} : memref<100000xf32, #tpu.memory_space<vmem>>, vector<16xf32>,
        %max3A_507 = arith.maximumf %max3A_502, %get3A_506 : vector<16xf32>
        %mul3A_508 = arith.constant 16 : i32
        %mul3A_509 = arith.muli %add3A_458, %mul3A_508 : i32
        %swap3A_510 = arith.index_cast %mul3A_509 : i32 to index
        %swap3A_511 = tpu.vector_load %arg7[%swap3A_510] {strides = array<i32>} : memref<10080xf32, #tpu.memory_space<vmem>>, vector<16xf32>,
        tpu.vector_store %arg7[%swap3A_510], %max3A_507 {strides = array<i32>} : memref<10080xf32, #tpu.memory_space<vmem>>, vector<16xf32>,
        %mul3A_512 = arith.constant 5 : i32
        %mul3A_513 = arith.muli %scan3A_397, %mul3A_512 : i32
        %add3A_514 = arith.constant 2 : i32
        %add3A_515 = arith.addi %mul3A_513, %add3A_514 : i32
        %mul3A_516 = arith.constant 160 : i32
        %mul3A_517 = arith.muli %add3A_515, %mul3A_516 : i32
        %get3A_518 = arith.index_cast %mul3A_517 : i32 to index
        %get3A_519 = tpu.vector_load %arg6[%get3A_518] {strides = array<i32>} : memref<100000xf32, #tpu.memory_space<vmem>>, vector<16xf32>,
        %add3A_520 = arith.constant 16 : i32
        %add3A_521 = arith.addi %mul3A_517, %add3A_520 : i32
        %get3A_522 = arith.index_cast %add3A_521 : i32 to index
        %get3A_523 = tpu.vector_load %arg6[%get3A_522] {strides = array<i32>} : memref<100000xf32, #tpu.memory_space<vmem>>, vector<16xf32>,
        %max3A_524 = arith.maximumf %get3A_519, %get3A_523 : vector<16xf32>
        %add3A_525 = arith.constant 32 : i32
        %add3A_526 = arith.addi %mul3A_517, %add3A_525 : i32
        %get3A_527 = arith.index_cast %add3A_526 : i32 to index
        %get3A_528 = tpu.vector_load %arg6[%get3A_527] {strides = array<i32>} : memref<100000xf32, #tpu.memory_space<vmem>>, vector<16xf32>,
        %max3A_529 = arith.maximumf %max3A_524, %get3A_528 : vector<16xf32>
        %add3A_530 = arith.constant 48 : i32
        %add3A_531 = arith.addi %mul3A_517, %add3A_530 : i32
        %get3A_532 = arith.index_cast %add3A_531 : i32 to index
        %get3A_533 = tpu.vector_load %arg6[%get3A_532] {strides = array<i32>} : memref<100000xf32, #tpu.memory_space<vmem>>, vector<16xf32>,
        %max3A_534 = arith.maximumf %max3A_529, %get3A_533 : vector<16xf32>
        %add3A_535 = arith.constant 64 : i32
        %add3A_536 = arith.addi %mul3A_517, %add3A_535 : i32
        %get3A_537 = arith.index_cast %add3A_536 : i32 to index
        %get3A_538 = tpu.vector_load %arg6[%get3A_537] {strides = array<i32>} : memref<100000xf32, #tpu.memory_space<vmem>>, vector<16xf32>,
        %max3A_539 = arith.maximumf %max3A_534, %get3A_538 : vector<16xf32>
        %add3A_540 = arith.constant 80 : i32
        %add3A_541 = arith.addi %mul3A_517, %add3A_540 : i32
        %get3A_542 = arith.index_cast %add3A_541 : i32 to index
        %get3A_543 = tpu.vector_load %arg6[%get3A_542] {strides = array<i32>} : memref<100000xf32, #tpu.memory_space<vmem>>, vector<16xf32>,
        %max3A_544 = arith.maximumf %max3A_539, %get3A_543 : vector<16xf32>
        %add3A_545 = arith.constant 96 : i32
        %add3A_546 = arith.addi %mul3A_517, %add3A_545 : i32
        %get3A_547 = arith.index_cast %add3A_546 : i32 to index
        %get3A_548 = tpu.vector_load %arg6[%get3A_547] {strides = array<i32>} : memref<100000xf32, #tpu.memory_space<vmem>>, vector<16xf32>,
        %max3A_549 = arith.maximumf %max3A_544, %get3A_548 : vector<16xf32>
        %add3A_550 = arith.constant 112 : i32
        %add3A_551 = arith.addi %mul3A_517, %add3A_550 : i32
        %get3A_552 = arith.index_cast %add3A_551 : i32 to index
        %get3A_553 = tpu.vector_load %arg6[%get3A_552] {strides = array<i32>} : memref<100000xf32, #tpu.memory_space<vmem>>, vector<16xf32>,
        %max3A_554 = arith.maximumf %max3A_549, %get3A_553 : vector<16xf32>
        %add3A_555 = arith.constant 128 : i32
        %add3A_556 = arith.addi %mul3A_517, %add3A_555 : i32
        %get3A_557 = arith.index_cast %add3A_556 : i32 to index
        %get3A_558 = tpu.vector_load %arg6[%get3A_557] {strides = array<i32>} : memref<100000xf32, #tpu.memory_space<vmem>>, vector<16xf32>,
        %max3A_559 = arith.maximumf %max3A_554, %get3A_558 : vector<16xf32>
        %add3A_560 = arith.constant 144 : i32
        %add3A_561 = arith.addi %mul3A_517, %add3A_560 : i32
        %get3A_562 = arith.index_cast %add3A_561 : i32 to index
        %get3A_563 = tpu.vector_load %arg6[%get3A_562] {strides = array<i32>} : memref<100000xf32, #tpu.memory_space<vmem>>, vector<16xf32>,
        %max3A_564 = arith.maximumf %max3A_559, %get3A_563 : vector<16xf32>
        %mul3A_565 = arith.constant 16 : i32
        %mul3A_566 = arith.muli %add3A_515, %mul3A_565 : i32
        %swap3A_567 = arith.index_cast %mul3A_566 : i32 to index
        %swap3A_568 = tpu.vector_load %arg7[%swap3A_567] {strides = array<i32>} : memref<10080xf32, #tpu.memory_space<vmem>>, vector<16xf32>,
        tpu.vector_store %arg7[%swap3A_567], %max3A_564 {strides = array<i32>} : memref<10080xf32, #tpu.memory_space<vmem>>, vector<16xf32>,
        %mul3A_569 = arith.constant 5 : i32
        %mul3A_570 = arith.muli %scan3A_397, %mul3A_569 : i32
        %add3A_571 = arith.constant 3 : i32
        %add3A_572 = arith.addi %mul3A_570, %add3A_571 : i32
        %mul3A_573 = arith.constant 160 : i32
        %mul3A_574 = arith.muli %add3A_572, %mul3A_573 : i32
        %get3A_575 = arith.index_cast %mul3A_574 : i32 to index
        %get3A_576 = tpu.vector_load %arg6[%get3A_575] {strides = array<i32>} : memref<100000xf32, #tpu.memory_space<vmem>>, vector<16xf32>,
        %add3A_577 = arith.constant 16 : i32
        %add3A_578 = arith.addi %mul3A_574, %add3A_577 : i32
        %get3A_579 = arith.index_cast %add3A_578 : i32 to index
        %get3A_580 = tpu.vector_load %arg6[%get3A_579] {strides = array<i32>} : memref<100000xf32, #tpu.memory_space<vmem>>, vector<16xf32>,
        %max3A_581 = arith.maximumf %get3A_576, %get3A_580 : vector<16xf32>
        %add3A_582 = arith.constant 32 : i32
        %add3A_583 = arith.addi %mul3A_574, %add3A_582 : i32
        %get3A_584 = arith.index_cast %add3A_583 : i32 to index
        %get3A_585 = tpu.vector_load %arg6[%get3A_584] {strides = array<i32>} : memref<100000xf32, #tpu.memory_space<vmem>>, vector<16xf32>,
        %max3A_586 = arith.maximumf %max3A_581, %get3A_585 : vector<16xf32>
        %add3A_587 = arith.constant 48 : i32
        %add3A_588 = arith.addi %mul3A_574, %add3A_587 : i32
        %get3A_589 = arith.index_cast %add3A_588 : i32 to index
        %get3A_590 = tpu.vector_load %arg6[%get3A_589] {strides = array<i32>} : memref<100000xf32, #tpu.memory_space<vmem>>, vector<16xf32>,
        %max3A_591 = arith.maximumf %max3A_586, %get3A_590 : vector<16xf32>
        %add3A_592 = arith.constant 64 : i32
        %add3A_593 = arith.addi %mul3A_574, %add3A_592 : i32
        %get3A_594 = arith.index_cast %add3A_593 : i32 to index
        %get3A_595 = tpu.vector_load %arg6[%get3A_594] {strides = array<i32>} : memref<100000xf32, #tpu.memory_space<vmem>>, vector<16xf32>,
        %max3A_596 = arith.maximumf %max3A_591, %get3A_595 : vector<16xf32>
        %add3A_597 = arith.constant 80 : i32
        %add3A_598 = arith.addi %mul3A_574, %add3A_597 : i32
        %get3A_599 = arith.index_cast %add3A_598 : i32 to index
        %get3A_600 = tpu.vector_load %arg6[%get3A_599] {strides = array<i32>} : memref<100000xf32, #tpu.memory_space<vmem>>, vector<16xf32>,
        %max3A_601 = arith.maximumf %max3A_596, %get3A_600 : vector<16xf32>
        %add3A_602 = arith.constant 96 : i32
        %add3A_603 = arith.addi %mul3A_574, %add3A_602 : i32
        %get3A_604 = arith.index_cast %add3A_603 : i32 to index
        %get3A_605 = tpu.vector_load %arg6[%get3A_604] {strides = array<i32>} : memref<100000xf32, #tpu.memory_space<vmem>>, vector<16xf32>,
        %max3A_606 = arith.maximumf %max3A_601, %get3A_605 : vector<16xf32>
        %add3A_607 = arith.constant 112 : i32
        %add3A_608 = arith.addi %mul3A_574, %add3A_607 : i32
        %get3A_609 = arith.index_cast %add3A_608 : i32 to index
        %get3A_610 = tpu.vector_load %arg6[%get3A_609] {strides = array<i32>} : memref<100000xf32, #tpu.memory_space<vmem>>, vector<16xf32>,
        %max3A_611 = arith.maximumf %max3A_606, %get3A_610 : vector<16xf32>
        %add3A_612 = arith.constant 128 : i32
        %add3A_613 = arith.addi %mul3A_574, %add3A_612 : i32
        %get3A_614 = arith.index_cast %add3A_613 : i32 to index
        %get3A_615 = tpu.vector_load %arg6[%get3A_614] {strides = array<i32>} : memref<100000xf32, #tpu.memory_space<vmem>>, vector<16xf32>,
        %max3A_616 = arith.maximumf %max3A_611, %get3A_615 : vector<16xf32>
        %add3A_617 = arith.constant 144 : i32
        %add3A_618 = arith.addi %mul3A_574, %add3A_617 : i32
        %get3A_619 = arith.index_cast %add3A_618 : i32 to index
        %get3A_620 = tpu.vector_load %arg6[%get3A_619] {strides = array<i32>} : memref<100000xf32, #tpu.memory_space<vmem>>, vector<16xf32>,
        %max3A_621 = arith.maximumf %max3A_616, %get3A_620 : vector<16xf32>
        %mul3A_622 = arith.constant 16 : i32
        %mul3A_623 = arith.muli %add3A_572, %mul3A_622 : i32
        %swap3A_624 = arith.index_cast %mul3A_623 : i32 to index
        %swap3A_625 = tpu.vector_load %arg7[%swap3A_624] {strides = array<i32>} : memref<10080xf32, #tpu.memory_space<vmem>>, vector<16xf32>,
        tpu.vector_store %arg7[%swap3A_624], %max3A_621 {strides = array<i32>} : memref<10080xf32, #tpu.memory_space<vmem>>, vector<16xf32>,
        %mul3A_626 = arith.constant 5 : i32
        %mul3A_627 = arith.muli %scan3A_397, %mul3A_626 : i32
        %add3A_628 = arith.constant 4 : i32
        %add3A_629 = arith.addi %mul3A_627, %add3A_628 : i32
        %mul3A_630 = arith.constant 160 : i32
        %mul3A_631 = arith.muli %add3A_629, %mul3A_630 : i32
        %get3A_632 = arith.index_cast %mul3A_631 : i32 to index
        %get3A_633 = tpu.vector_load %arg6[%get3A_632] {strides = array<i32>} : memref<100000xf32, #tpu.memory_space<vmem>>, vector<16xf32>,
        %add3A_634 = arith.constant 16 : i32
        %add3A_635 = arith.addi %mul3A_631, %add3A_634 : i32
        %get3A_636 = arith.index_cast %add3A_635 : i32 to index
        %get3A_637 = tpu.vector_load %arg6[%get3A_636] {strides = array<i32>} : memref<100000xf32, #tpu.memory_space<vmem>>, vector<16xf32>,
        %max3A_638 = arith.maximumf %get3A_633, %get3A_637 : vector<16xf32>
        %add3A_639 = arith.constant 32 : i32
        %add3A_640 = arith.addi %mul3A_631, %add3A_639 : i32
        %get3A_641 = arith.index_cast %add3A_640 : i32 to index
        %get3A_642 = tpu.vector_load %arg6[%get3A_641] {strides = array<i32>} : memref<100000xf32, #tpu.memory_space<vmem>>, vector<16xf32>,
        %max3A_643 = arith.maximumf %max3A_638, %get3A_642 : vector<16xf32>
        %add3A_644 = arith.constant 48 : i32
        %add3A_645 = arith.addi %mul3A_631, %add3A_644 : i32
        %get3A_646 = arith.index_cast %add3A_645 : i32 to index
        %get3A_647 = tpu.vector_load %arg6[%get3A_646] {strides = array<i32>} : memref<100000xf32, #tpu.memory_space<vmem>>, vector<16xf32>,
        %max3A_648 = arith.maximumf %max3A_643, %get3A_647 : vector<16xf32>
        %add3A_649 = arith.constant 64 : i32
        %add3A_650 = arith.addi %mul3A_631, %add3A_649 : i32
        %get3A_651 = arith.index_cast %add3A_650 : i32 to index
        %get3A_652 = tpu.vector_load %arg6[%get3A_651] {strides = array<i32>} : memref<100000xf32, #tpu.memory_space<vmem>>, vector<16xf32>,
        %max3A_653 = arith.maximumf %max3A_648, %get3A_652 : vector<16xf32>
        %add3A_654 = arith.constant 80 : i32
        %add3A_655 = arith.addi %mul3A_631, %add3A_654 : i32
        %get3A_656 = arith.index_cast %add3A_655 : i32 to index
        %get3A_657 = tpu.vector_load %arg6[%get3A_656] {strides = array<i32>} : memref<100000xf32, #tpu.memory_space<vmem>>, vector<16xf32>,
        %max3A_658 = arith.maximumf %max3A_653, %get3A_657 : vector<16xf32>
        %add3A_659 = arith.constant 96 : i32
        %add3A_660 = arith.addi %mul3A_631, %add3A_659 : i32
        %get3A_661 = arith.index_cast %add3A_660 : i32 to index
        %get3A_662 = tpu.vector_load %arg6[%get3A_661] {strides = array<i32>} : memref<100000xf32, #tpu.memory_space<vmem>>, vector<16xf32>,
        %max3A_663 = arith.maximumf %max3A_658, %get3A_662 : vector<16xf32>
        %add3A_664 = arith.constant 112 : i32
        %add3A_665 = arith.addi %mul3A_631, %add3A_664 : i32
        %get3A_666 = arith.index_cast %add3A_665 : i32 to index
        %get3A_667 = tpu.vector_load %arg6[%get3A_666] {strides = array<i32>} : memref<100000xf32, #tpu.memory_space<vmem>>, vector<16xf32>,
        %max3A_668 = arith.maximumf %max3A_663, %get3A_667 : vector<16xf32>
        %add3A_669 = arith.constant 128 : i32
        %add3A_670 = arith.addi %mul3A_631, %add3A_669 : i32
        %get3A_671 = arith.index_cast %add3A_670 : i32 to index
        %get3A_672 = tpu.vector_load %arg6[%get3A_671] {strides = array<i32>} : memref<100000xf32, #tpu.memory_space<vmem>>, vector<16xf32>,
        %max3A_673 = arith.maximumf %max3A_668, %get3A_672 : vector<16xf32>
        %add3A_674 = arith.constant 144 : i32
        %add3A_675 = arith.addi %mul3A_631, %add3A_674 : i32
        %get3A_676 = arith.index_cast %add3A_675 : i32 to index
        %get3A_677 = tpu.vector_load %arg6[%get3A_676] {strides = array<i32>} : memref<100000xf32, #tpu.memory_space<vmem>>, vector<16xf32>,
        %max3A_678 = arith.maximumf %max3A_673, %get3A_677 : vector<16xf32>
        %mul3A_679 = arith.constant 16 : i32
        %mul3A_680 = arith.muli %add3A_629, %mul3A_679 : i32
        %swap3A_681 = arith.index_cast %mul3A_680 : i32 to index
        %swap3A_682 = tpu.vector_load %arg7[%swap3A_681] {strides = array<i32>} : memref<10080xf32, #tpu.memory_space<vmem>>, vector<16xf32>,
        tpu.vector_store %arg7[%swap3A_681], %max3A_678 {strides = array<i32>} : memref<10080xf32, #tpu.memory_space<vmem>>, vector<16xf32>,
        %scan3A_683 = arith.constant 0 : i32
        scf.yield %scan3A_683 : i32
      }
      %scan3A_134 = arith.constant 125 : i32
      %scan3A_135 = arith.constant 0 : i32
      %scan3A_136 = arith.constant 0 : i32
      %scan3A_137 = arith.constant 21 : i32
      %scan3A_138 = arith.addi %scan3A_136, %scan3A_137 : i32
      %scan3A_139 = arith.constant 1 : i32
      %scan3A_140 = scf.for %scan3A_397 = %scan3A_136 to %scan3A_138 step %scan3A_139 iter_args(%scan3A_398 = %scan3A_135) -> (i32)  : i32 {
        %mul3A_399 = arith.constant 3 : i32
        %mul3A_400 = arith.muli %scan3A_397, %mul3A_399 : i32
        %add3A_401 = arith.constant 0 : i32
        %add3A_402 = arith.addi %mul3A_400, %add3A_401 : i32
        %mul3A_403 = arith.constant 160 : i32
        %mul3A_404 = arith.muli %add3A_402, %mul3A_403 : i32
        %get3A = arith.index_cast %mul3A_404 : i32 to index
        %get3A_405 = tpu.vector_load %arg7[%get3A] {strides = array<i32>} : memref<10080xf32, #tpu.memory_space<vmem>>, vector<16xf32>,
        %add3A_406 = arith.constant 16 : i32
        %add3A_407 = arith.addi %mul3A_404, %add3A_406 : i32
        %get3A_408 = arith.index_cast %add3A_407 : i32 to index
        %get3A_409 = tpu.vector_load %arg7[%get3A_408] {strides = array<i32>} : memref<10080xf32, #tpu.memory_space<vmem>>, vector<16xf32>,
        %max3A_410 = arith.maximumf %get3A_405, %get3A_409 : vector<16xf32>
        %add3A_411 = arith.constant 32 : i32
        %add3A_412 = arith.addi %mul3A_404, %add3A_411 : i32
        %get3A_413 = arith.index_cast %add3A_412 : i32 to index
        %get3A_414 = tpu.vector_load %arg7[%get3A_413] {strides = array<i32>} : memref<10080xf32, #tpu.memory_space<vmem>>, vector<16xf32>,
        %max3A_415 = arith.maximumf %max3A_410, %get3A_414 : vector<16xf32>
        %add3A_416 = arith.constant 48 : i32
        %add3A_417 = arith.addi %mul3A_404, %add3A_416 : i32
        %get3A_418 = arith.index_cast %add3A_417 : i32 to index
        %get3A_419 = tpu.vector_load %arg7[%get3A_418] {strides = array<i32>} : memref<10080xf32, #tpu.memory_space<vmem>>, vector<16xf32>,
        %max3A_420 = arith.maximumf %max3A_415, %get3A_419 : vector<16xf32>
        %add3A_421 = arith.constant 64 : i32
        %add3A_422 = arith.addi %mul3A_404, %add3A_421 : i32
        %get3A_423 = arith.index_cast %add3A_422 : i32 to index
        %get3A_424 = tpu.vector_load %arg7[%get3A_423] {strides = array<i32>} : memref<10080xf32, #tpu.memory_space<vmem>>, vector<16xf32>,
        %max3A_425 = arith.maximumf %max3A_420, %get3A_424 : vector<16xf32>
        %add3A_426 = arith.constant 80 : i32
        %add3A_427 = arith.addi %mul3A_404, %add3A_426 : i32
        %get3A_428 = arith.index_cast %add3A_427 : i32 to index
        %get3A_429 = tpu.vector_load %arg7[%get3A_428] {strides = array<i32>} : memref<10080xf32, #tpu.memory_space<vmem>>, vector<16xf32>,
        %max3A_430 = arith.maximumf %max3A_425, %get3A_429 : vector<16xf32>
        %add3A_431 = arith.constant 96 : i32
        %add3A_432 = arith.addi %mul3A_404, %add3A_431 : i32
        %get3A_433 = arith.index_cast %add3A_432 : i32 to index
        %get3A_434 = tpu.vector_load %arg7[%get3A_433] {strides = array<i32>} : memref<10080xf32, #tpu.memory_space<vmem>>, vector<16xf32>,
        %max3A_435 = arith.maximumf %max3A_430, %get3A_434 : vector<16xf32>
        %add3A_436 = arith.constant 112 : i32
        %add3A_437 = arith.addi %mul3A_404, %add3A_436 : i32
        %get3A_438 = arith.index_cast %add3A_437 : i32 to index
        %get3A_439 = tpu.vector_load %arg7[%get3A_438] {strides = array<i32>} : memref<10080xf32, #tpu.memory_space<vmem>>, vector<16xf32>,
        %max3A_440 = arith.maximumf %max3A_435, %get3A_439 : vector<16xf32>
        %add3A_441 = arith.constant 128 : i32
        %add3A_442 = arith.addi %mul3A_404, %add3A_441 : i32
        %get3A_443 = arith.index_cast %add3A_442 : i32 to index
        %get3A_444 = tpu.vector_load %arg7[%get3A_443] {strides = array<i32>} : memref<10080xf32, #tpu.memory_space<vmem>>, vector<16xf32>,
        %max3A_445 = arith.maximumf %max3A_440, %get3A_444 : vector<16xf32>
        %add3A_446 = arith.constant 144 : i32
        %add3A_447 = arith.addi %mul3A_404, %add3A_446 : i32
        %get3A_448 = arith.index_cast %add3A_447 : i32 to index
        %get3A_449 = tpu.vector_load %arg7[%get3A_448] {strides = array<i32>} : memref<10080xf32, #tpu.memory_space<vmem>>, vector<16xf32>,
        %max3A_450 = arith.maximumf %max3A_445, %get3A_449 : vector<16xf32>
        %mul3A_451 = arith.constant 16 : i32
        %mul3A_452 = arith.muli %add3A_402, %mul3A_451 : i32
        %swap3A_453 = arith.index_cast %mul3A_452 : i32 to index
        %swap3A_454 = tpu.vector_load %arg8[%swap3A_453] {strides = array<i32>} : memref<1024xf32, #tpu.memory_space<vmem>>, vector<16xf32>,
        tpu.vector_store %arg8[%swap3A_453], %max3A_450 {strides = array<i32>} : memref<1024xf32, #tpu.memory_space<vmem>>, vector<16xf32>,
        %mul3A_455 = arith.constant 3 : i32
        %mul3A_456 = arith.muli %scan3A_397, %mul3A_455 : i32
        %add3A_457 = arith.constant 1 : i32
        %add3A_458 = arith.addi %mul3A_456, %add3A_457 : i32
        %mul3A_459 = arith.constant 160 : i32
        %mul3A_460 = arith.muli %add3A_458, %mul3A_459 : i32
        %get3A_461 = arith.index_cast %mul3A_460 : i32 to index
        %get3A_462 = tpu.vector_load %arg7[%get3A_461] {strides = array<i32>} : memref<10080xf32, #tpu.memory_space<vmem>>, vector<16xf32>,
        %add3A_463 = arith.constant 16 : i32
        %add3A_464 = arith.addi %mul3A_460, %add3A_463 : i32
        %get3A_465 = arith.index_cast %add3A_464 : i32 to index
        %get3A_466 = tpu.vector_load %arg7[%get3A_465] {strides = array<i32>} : memref<10080xf32, #tpu.memory_space<vmem>>, vector<16xf32>,
        %max3A_467 = arith.maximumf %get3A_462, %get3A_466 : vector<16xf32>
        %add3A_468 = arith.constant 32 : i32
        %add3A_469 = arith.addi %mul3A_460, %add3A_468 : i32
        %get3A_470 = arith.index_cast %add3A_469 : i32 to index
        %get3A_471 = tpu.vector_load %arg7[%get3A_470] {strides = array<i32>} : memref<10080xf32, #tpu.memory_space<vmem>>, vector<16xf32>,
        %max3A_472 = arith.maximumf %max3A_467, %get3A_471 : vector<16xf32>
        %add3A_473 = arith.constant 48 : i32
        %add3A_474 = arith.addi %mul3A_460, %add3A_473 : i32
        %get3A_475 = arith.index_cast %add3A_474 : i32 to index
        %get3A_476 = tpu.vector_load %arg7[%get3A_475] {strides = array<i32>} : memref<10080xf32, #tpu.memory_space<vmem>>, vector<16xf32>,
        %max3A_477 = arith.maximumf %max3A_472, %get3A_476 : vector<16xf32>
        %add3A_478 = arith.constant 64 : i32
        %add3A_479 = arith.addi %mul3A_460, %add3A_478 : i32
        %get3A_480 = arith.index_cast %add3A_479 : i32 to index
        %get3A_481 = tpu.vector_load %arg7[%get3A_480] {strides = array<i32>} : memref<10080xf32, #tpu.memory_space<vmem>>, vector<16xf32>,
        %max3A_482 = arith.maximumf %max3A_477, %get3A_481 : vector<16xf32>
        %add3A_483 = arith.constant 80 : i32
        %add3A_484 = arith.addi %mul3A_460, %add3A_483 : i32
        %get3A_485 = arith.index_cast %add3A_484 : i32 to index
        %get3A_486 = tpu.vector_load %arg7[%get3A_485] {strides = array<i32>} : memref<10080xf32, #tpu.memory_space<vmem>>, vector<16xf32>,
        %max3A_487 = arith.maximumf %max3A_482, %get3A_486 : vector<16xf32>
        %add3A_488 = arith.constant 96 : i32
        %add3A_489 = arith.addi %mul3A_460, %add3A_488 : i32
        %get3A_490 = arith.index_cast %add3A_489 : i32 to index
        %get3A_491 = tpu.vector_load %arg7[%get3A_490] {strides = array<i32>} : memref<10080xf32, #tpu.memory_space<vmem>>, vector<16xf32>,
        %max3A_492 = arith.maximumf %max3A_487, %get3A_491 : vector<16xf32>
        %add3A_493 = arith.constant 112 : i32
        %add3A_494 = arith.addi %mul3A_460, %add3A_493 : i32
        %get3A_495 = arith.index_cast %add3A_494 : i32 to index
        %get3A_496 = tpu.vector_load %arg7[%get3A_495] {strides = array<i32>} : memref<10080xf32, #tpu.memory_space<vmem>>, vector<16xf32>,
        %max3A_497 = arith.maximumf %max3A_492, %get3A_496 : vector<16xf32>
        %add3A_498 = arith.constant 128 : i32
        %add3A_499 = arith.addi %mul3A_460, %add3A_498 : i32
        %get3A_500 = arith.index_cast %add3A_499 : i32 to index
        %get3A_501 = tpu.vector_load %arg7[%get3A_500] {strides = array<i32>} : memref<10080xf32, #tpu.memory_space<vmem>>, vector<16xf32>,
        %max3A_502 = arith.maximumf %max3A_497, %get3A_501 : vector<16xf32>
        %add3A_503 = arith.constant 144 : i32
        %add3A_504 = arith.addi %mul3A_460, %add3A_503 : i32
        %get3A_505 = arith.index_cast %add3A_504 : i32 to index
        %get3A_506 = tpu.vector_load %arg7[%get3A_505] {strides = array<i32>} : memref<10080xf32, #tpu.memory_space<vmem>>, vector<16xf32>,
        %max3A_507 = arith.maximumf %max3A_502, %get3A_506 : vector<16xf32>
        %mul3A_508 = arith.constant 16 : i32
        %mul3A_509 = arith.muli %add3A_458, %mul3A_508 : i32
        %swap3A_510 = arith.index_cast %mul3A_509 : i32 to index
        %swap3A_511 = tpu.vector_load %arg8[%swap3A_510] {strides = array<i32>} : memref<1024xf32, #tpu.memory_space<vmem>>, vector<16xf32>,
        tpu.vector_store %arg8[%swap3A_510], %max3A_507 {strides = array<i32>} : memref<1024xf32, #tpu.memory_space<vmem>>, vector<16xf32>,
        %mul3A_512 = arith.constant 3 : i32
        %mul3A_513 = arith.muli %scan3A_397, %mul3A_512 : i32
        %add3A_514 = arith.constant 2 : i32
        %add3A_515 = arith.addi %mul3A_513, %add3A_514 : i32
        %mul3A_516 = arith.constant 160 : i32
        %mul3A_517 = arith.muli %add3A_515, %mul3A_516 : i32
        %get3A_518 = arith.index_cast %mul3A_517 : i32 to index
        %get3A_519 = tpu.vector_load %arg7[%get3A_518] {strides = array<i32>} : memref<10080xf32, #tpu.memory_space<vmem>>, vector<16xf32>,
        %add3A_520 = arith.constant 16 : i32
        %add3A_521 = arith.addi %mul3A_517, %add3A_520 : i32
        %get3A_522 = arith.index_cast %add3A_521 : i32 to index
        %get3A_523 = tpu.vector_load %arg7[%get3A_522] {strides = array<i32>} : memref<10080xf32, #tpu.memory_space<vmem>>, vector<16xf32>,
        %max3A_524 = arith.maximumf %get3A_519, %get3A_523 : vector<16xf32>
        %add3A_525 = arith.constant 32 : i32
        %add3A_526 = arith.addi %mul3A_517, %add3A_525 : i32
        %get3A_527 = arith.index_cast %add3A_526 : i32 to index
        %get3A_528 = tpu.vector_load %arg7[%get3A_527] {strides = array<i32>} : memref<10080xf32, #tpu.memory_space<vmem>>, vector<16xf32>,
        %max3A_529 = arith.maximumf %max3A_524, %get3A_528 : vector<16xf32>
        %add3A_530 = arith.constant 48 : i32
        %add3A_531 = arith.addi %mul3A_517, %add3A_530 : i32
        %get3A_532 = arith.index_cast %add3A_531 : i32 to index
        %get3A_533 = tpu.vector_load %arg7[%get3A_532] {strides = array<i32>} : memref<10080xf32, #tpu.memory_space<vmem>>, vector<16xf32>,
        %max3A_534 = arith.maximumf %max3A_529, %get3A_533 : vector<16xf32>
        %add3A_535 = arith.constant 64 : i32
        %add3A_536 = arith.addi %mul3A_517, %add3A_535 : i32
        %get3A_537 = arith.index_cast %add3A_536 : i32 to index
        %get3A_538 = tpu.vector_load %arg7[%get3A_537] {strides = array<i32>} : memref<10080xf32, #tpu.memory_space<vmem>>, vector<16xf32>,
        %max3A_539 = arith.maximumf %max3A_534, %get3A_538 : vector<16xf32>
        %add3A_540 = arith.constant 80 : i32
        %add3A_541 = arith.addi %mul3A_517, %add3A_540 : i32
        %get3A_542 = arith.index_cast %add3A_541 : i32 to index
        %get3A_543 = tpu.vector_load %arg7[%get3A_542] {strides = array<i32>} : memref<10080xf32, #tpu.memory_space<vmem>>, vector<16xf32>,
        %max3A_544 = arith.maximumf %max3A_539, %get3A_543 : vector<16xf32>
        %add3A_545 = arith.constant 96 : i32
        %add3A_546 = arith.addi %mul3A_517, %add3A_545 : i32
        %get3A_547 = arith.index_cast %add3A_546 : i32 to index
        %get3A_548 = tpu.vector_load %arg7[%get3A_547] {strides = array<i32>} : memref<10080xf32, #tpu.memory_space<vmem>>, vector<16xf32>,
        %max3A_549 = arith.maximumf %max3A_544, %get3A_548 : vector<16xf32>
        %add3A_550 = arith.constant 112 : i32
        %add3A_551 = arith.addi %mul3A_517, %add3A_550 : i32
        %get3A_552 = arith.index_cast %add3A_551 : i32 to index
        %get3A_553 = tpu.vector_load %arg7[%get3A_552] {strides = array<i32>} : memref<10080xf32, #tpu.memory_space<vmem>>, vector<16xf32>,
        %max3A_554 = arith.maximumf %max3A_549, %get3A_553 : vector<16xf32>
        %add3A_555 = arith.constant 128 : i32
        %add3A_556 = arith.addi %mul3A_517, %add3A_555 : i32
        %get3A_557 = arith.index_cast %add3A_556 : i32 to index
        %get3A_558 = tpu.vector_load %arg7[%get3A_557] {strides = array<i32>} : memref<10080xf32, #tpu.memory_space<vmem>>, vector<16xf32>,
        %max3A_559 = arith.maximumf %max3A_554, %get3A_558 : vector<16xf32>
        %add3A_560 = arith.constant 144 : i32
        %add3A_561 = arith.addi %mul3A_517, %add3A_560 : i32
        %get3A_562 = arith.index_cast %add3A_561 : i32 to index
        %get3A_563 = tpu.vector_load %arg7[%get3A_562] {strides = array<i32>} : memref<10080xf32, #tpu.memory_space<vmem>>, vector<16xf32>,
        %max3A_564 = arith.maximumf %max3A_559, %get3A_563 : vector<16xf32>
        %mul3A_565 = arith.constant 16 : i32
        %mul3A_566 = arith.muli %add3A_515, %mul3A_565 : i32
        %swap3A_567 = arith.index_cast %mul3A_566 : i32 to index
        %swap3A_568 = tpu.vector_load %arg8[%swap3A_567] {strides = array<i32>} : memref<1024xf32, #tpu.memory_space<vmem>>, vector<16xf32>,
        tpu.vector_store %arg8[%swap3A_567], %max3A_564 {strides = array<i32>} : memref<1024xf32, #tpu.memory_space<vmem>>, vector<16xf32>,
        %scan3A_569 = arith.constant 0 : i32
        scf.yield %scan3A_569 : i32
      }
      %scan3A_141 = arith.constant 21 : i32
      %scan3A_142 = arith.constant 0 : i32
      %scan3A_143 = arith.constant 0 : i32
      %scan3A_144 = arith.constant 64 : i32
      %scan3A_145 = arith.addi %scan3A_143, %scan3A_144 : i32
      %scan3A_146 = arith.constant 1 : i32
      %scan3A_147:6 = scf.for %scan3A_397 = %scan3A_143 to %scan3A_145 step %scan3A_146 iter_args(%scan3A_398 = %broadcast_in_dim3A_3, %scan3A_399 = %scan3A_142, %scan3A_400 = %broadcast_in_dim3A_3, %scan3A_401 = %broadcast_in_dim3A_5, %scan3A_402 = %broadcast_in_dim3A_3, %scan3A_403 = %broadcast_in_dim3A_5) -> (vector<16xf32>, i32, vector<16xf32>, vector<16xi32>, vector<16xf32>, vector<16xi32>)  : i32 {
        %mul3A_404 = arith.constant 16 : i32
        %mul3A_405 = arith.muli %scan3A_397, %mul3A_404 : i32
        %get3A = arith.index_cast %mul3A_405 : i32 to index
        %get3A_406 = tpu.vector_load %arg8[%get3A] {strides = array<i32>} : memref<1024xf32, #tpu.memory_space<vmem>>, vector<16xf32>,
        %ge3A = arith.cmpf oge, %get3A_406, %scan3A_398 : vector<16xf32>
        %swap3A_407 = arith.index_cast %scan3A_399 : i32 to index
        %swap3A_408 = tpu.vector_load %arg9[%swap3A_407] masked %ge3A {strides = array<i32>} : memref<512xf32, #tpu.memory_space<vmem>>, vector<16xf32>, vector<16xi1>
        tpu.vector_store %arg9[%swap3A_407], %get3A_406 masked %ge3A {strides = array<i32>} : memref<512xf32, #tpu.memory_space<vmem>>, vector<16xf32>, vector<16xi1>
        %mul3A_409 = arith.constant 16 : i32
        %mul3A_410 = arith.muli %scan3A_397, %mul3A_409 : i32
        %add3A_411 = vector.broadcast %mul3A_410 : i32 to vector<16xi32>
        %add3A_412 = arith.addi %add3A_411, %iota3A : vector<16xi32>
        %swap3A_413 = arith.index_cast %scan3A_399 : i32 to index
        %swap3A_414 = tpu.vector_load %arg10[%swap3A_413] masked %ge3A {strides = array<i32>} : memref<512xi32, #tpu.memory_space<vmem>>, vector<16xi32>, vector<16xi1>
        tpu.vector_store %arg10[%swap3A_413], %add3A_412 masked %ge3A {strides = array<i32>} : memref<512xi32, #tpu.memory_space<vmem>>, vector<16xi32>, vector<16xi1>
        %all_reduce_population_count3A = tpu.all_reduce %ge3A {dim = 0 : i64, kind = #tpu.reduction_kind<sum>} : vector<16xi1> -> vector<16xi32>
        %slice3A_415 = vector.extract_strided_slice %all_reduce_population_count3A {offsets = [0], sizes = [1], strides = [1]} : vector<16xi32> to vector<1xi32>
        %squeeze3A_416 = vector.extract %slice3A_415[0] : i32 from vector<1xi32>
        %add3A_417 = arith.addi %scan3A_399, %squeeze3A_416 : i32
        %ge3A_418 = arith.constant 224 : i32
        %ge3A_419 = arith.cmpi sge, %add3A_417, %ge3A_418 : i32
        %convert_element_type3A = arith.extui %ge3A_419 : i1 to i32
        %cond3A = arith.constant 0 : i32
        %cond3A_420 = arith.cmpi ne, %convert_element_type3A, %cond3A : i32
        %cond3A_421:6 = scf.if %cond3A_420 -> (vector<16xf32>, i32, vector<16xf32>, vector<16xi32>, vector<16xf32>, vector<16xi32>) {
          %add3A_422 = arith.constant 15 : i32
          %add3A_423 = arith.addi %add3A_417, %add3A_422 : i32
          %jit3A_424 = arith.constant 16 : i32
          %div3A_425 = arith.divsi %add3A_423, %jit3A_424 : i32
          %sign3A_426 = arith.constant 0 : i32
          %sign3A_427 = arith.cmpi sgt, %add3A_423, %sign3A_426 : i32
          %sign3A_428 = arith.extui %sign3A_427 : i1 to i32
          %sign3A_429 = arith.constant 0 : i32
          %sign3A_430 = arith.cmpi slt, %add3A_423, %sign3A_429 : i32
          %sign3A_431 = arith.extui %sign3A_430 : i1 to i32
          %sign3A_432 = arith.subi %sign3A_428, %sign3A_431 : i32
          %sign3A_433 = arith.constant 0 : i32
          %sign3A_434 = arith.cmpi sgt, %jit3A_424, %sign3A_433 : i32
          %sign3A_435 = arith.extui %sign3A_434 : i1 to i32
          %sign3A_436 = arith.constant 0 : i32
          %sign3A_437 = arith.cmpi slt, %jit3A_424, %sign3A_436 : i32
          %sign3A_438 = arith.extui %sign3A_437 : i1 to i32
          %sign3A_439 = arith.subi %sign3A_435, %sign3A_438 : i32
          %ne3A_440 = arith.cmpi ne, %sign3A_432, %sign3A_439 : i32
          %rem3A_441 = arith.remsi %add3A_423, %jit3A_424 : i32
          %ne3A_442 = arith.constant 0 : i32
          %ne3A_443 = arith.cmpi ne, %rem3A_441, %ne3A_442 : i32
          %and3A_444 = arith.andi %ne3A_440, %ne3A_443 : i1
          %sub3A_445 = arith.constant 1 : i32
          %sub3A_446 = arith.subi %div3A_425, %sub3A_445 : i32
          %select_n3A_447 = arith.select %and3A_444, %sub3A_446, %div3A_425 : i32
          %while3A_448 = arith.constant 0 : i32
          %while3A_449 = arith.subi %select_n3A_447, %while3A_448 : i32
          %while3A_450 = arith.addi %while3A_448, %while3A_449 : i32
          %while3A_451 = arith.constant 1 : i32
          %while3A_452 = arith.divsi %while3A_449, %while3A_451 : i32
          %while3A_453 = arith.muli %while3A_452, %while3A_451 : i32
          %while3A_454 = arith.addi %while3A_448, %while3A_453 : i32
          %while3A_455 = arith.constant 1 : i32
          %while3A_456:4 = scf.for %while3A_463 = %while3A_448 to %while3A_454 step %while3A_455 iter_args(%while3A_464 = %scan3A_400, %while3A_465 = %scan3A_401, %while3A_466 = %scan3A_402, %while3A_467 = %scan3A_403) -> (vector<16xf32>, vector<16xi32>, vector<16xf32>, vector<16xi32>)  : i32 {
            %mul3A_468 = arith.constant 16 : i32
            %mul3A_469 = arith.muli %while3A_463, %mul3A_468 : i32
            %get3A_470 = arith.index_cast %mul3A_469 : i32 to index
            %get3A_471 = tpu.vector_load %arg9[%get3A_470] {strides = array<i32>} : memref<512xf32, #tpu.memory_space<vmem>>, vector<16xf32>,
            %mul3A_472 = arith.constant 16 : i32
            %mul3A_473 = arith.muli %while3A_463, %mul3A_472 : i32
            %get3A_474 = arith.index_cast %mul3A_473 : i32 to index
            %get3A_475 = tpu.vector_load %arg10[%get3A_474] {strides = array<i32>} : memref<512xi32, #tpu.memory_space<vmem>>, vector<16xi32>,
            %mul3A_476 = arith.constant 16 : i32
            %mul3A_477 = arith.muli %while3A_463, %mul3A_476 : i32
            %add3A_478 = vector.broadcast %mul3A_477 : i32 to vector<16xi32>
            %add3A_479 = arith.addi %iota3A, %add3A_478 : vector<16xi32>
            %lt3A = vector.broadcast %add3A_417 : i32 to vector<16xi32>
            %lt3A_480 = arith.cmpi slt, %add3A_479, %lt3A : vector<16xi32>
            %jit3A_481 = arith.constant -1.000000e+30 : f32
            %broadcast_in_dim3A_482 = vector.broadcast %jit3A_481 : f32 to vector<16xf32>
            %select_n3A_483 = arith.select %lt3A_480, %get3A_471, %broadcast_in_dim3A_482 : vector<16xi1>, vector<16xf32>
            %masked_sort3A_484 = arith.constant dense<true> : vector<16xi1>
            %masked_sort3A_485, %masked_sort3A_486, %masked_sort3A_487 = tpu.sort %select_n3A_483, %get3A_475 masked %masked_sort3A_484 {descending = true} : (vector<16xf32>, vector<16xi32>, vector<16xi1>) -> (vector<16xi1>, vector<16xf32>, vector<16xi32>)
            %rev3A_488 = arith.constant 15 : i32
            %rev3A_489 = vector.broadcast %rev3A_488 : i32 to vector<16xi32>
            %rev3A_490 = tpu.iota {dimensions = array<i32: 0>} : vector<16xi32>
            %rev3A_491 = arith.subi %rev3A_489, %rev3A_490 : vector<16xi32>
            %rev3A_492 = tpu.dynamic_gather %masked_sort3A_486[%rev3A_491] in [0] : vector<16xf32>, vector<16xi32> -> vector<16xf32>
            %rev3A_493 = arith.constant 15 : i32
            %rev3A_494 = vector.broadcast %rev3A_493 : i32 to vector<16xi32>
            %rev3A_495 = tpu.iota {dimensions = array<i32: 0>} : vector<16xi32>
            %rev3A_496 = arith.subi %rev3A_494, %rev3A_495 : vector<16xi32>
            %rev3A_497 = tpu.dynamic_gather %masked_sort3A_487[%rev3A_496] in [0] : vector<16xi32>, vector<16xi32> -> vector<16xi32>
            %ge3A_498 = arith.cmpf oge, %while3A_466, %rev3A_492 : vector<16xf32>
            %select_n3A_499 = arith.select %ge3A_498, %while3A_466, %rev3A_492 : vector<16xi1>, vector<16xf32>
            %select_n3A_500 = arith.select %ge3A_498, %while3A_467, %rev3A_497 : vector<16xi1>, vector<16xi32>
            %masked_sort3A_501 = arith.constant dense<true> : vector<16xi1>
            %masked_sort3A_502, %masked_sort3A_503, %masked_sort3A_504 = tpu.sort %select_n3A_499, %select_n3A_500 masked %masked_sort3A_501 {descending = true} : (vector<16xf32>, vector<16xi32>, vector<16xi1>) -> (vector<16xi1>, vector<16xf32>, vector<16xi32>)
            %rev3A_505 = arith.constant 15 : i32
            %rev3A_506 = vector.broadcast %rev3A_505 : i32 to vector<16xi32>
            %rev3A_507 = tpu.iota {dimensions = array<i32: 0>} : vector<16xi32>
            %rev3A_508 = arith.subi %rev3A_506, %rev3A_507 : vector<16xi32>
            %rev3A_509 = tpu.dynamic_gather %masked_sort3A_503[%rev3A_508] in [0] : vector<16xf32>, vector<16xi32> -> vector<16xf32>
            %rev3A_510 = arith.constant 15 : i32
            %rev3A_511 = vector.broadcast %rev3A_510 : i32 to vector<16xi32>
            %rev3A_512 = tpu.iota {dimensions = array<i32: 0>} : vector<16xi32>
            %rev3A_513 = arith.subi %rev3A_511, %rev3A_512 : vector<16xi32>
            %rev3A_514 = tpu.dynamic_gather %masked_sort3A_504[%rev3A_513] in [0] : vector<16xi32>, vector<16xi32> -> vector<16xi32>
            %ge3A_515 = arith.cmpf oge, %while3A_464, %rev3A_509 : vector<16xf32>
            %select_n3A_516 = arith.select %ge3A_515, %while3A_464, %rev3A_509 : vector<16xi1>, vector<16xf32>
            %select_n3A_517 = arith.select %ge3A_515, %while3A_465, %rev3A_514 : vector<16xi1>, vector<16xi32>
            %select_n3A_518 = arith.select %ge3A_515, %rev3A_509, %while3A_464 : vector<16xi1>, vector<16xf32>
            %select_n3A_519 = arith.select %ge3A_515, %rev3A_514, %while3A_465 : vector<16xi1>, vector<16xi32>
            %masked_sort3A_520 = arith.constant dense<true> : vector<16xi1>
            %masked_sort3A_521, %masked_sort3A_522, %masked_sort3A_523 = tpu.sort %select_n3A_516, %select_n3A_517 masked %masked_sort3A_520 {descending = true} : (vector<16xf32>, vector<16xi32>, vector<16xi1>) -> (vector<16xi1>, vector<16xf32>, vector<16xi32>)
            %masked_sort3A_524 = arith.constant dense<true> : vector<16xi1>
            %masked_sort3A_525, %masked_sort3A_526, %masked_sort3A_527 = tpu.sort %select_n3A_518, %select_n3A_519 masked %masked_sort3A_524 {descending = true} : (vector<16xf32>, vector<16xi32>, vector<16xi1>) -> (vector<16xi1>, vector<16xf32>, vector<16xi32>)
            scf.yield %masked_sort3A_522, %masked_sort3A_523, %masked_sort3A_526, %masked_sort3A_527 : vector<16xf32>, vector<16xi32>, vector<16xf32>, vector<16xi32>
          }
          %while3A_457 = arith.constant 1 : i32
          %while3A_458:4 = scf.for %while3A_463 = %while3A_454 to %while3A_450 step %while3A_457 iter_args(%while3A_464 = %while3A_456#0, %while3A_465 = %while3A_456#1, %while3A_466 = %while3A_456#2, %while3A_467 = %while3A_456#3) -> (vector<16xf32>, vector<16xi32>, vector<16xf32>, vector<16xi32>)  : i32 {
            %mul3A_468 = arith.constant 16 : i32
            %mul3A_469 = arith.muli %while3A_463, %mul3A_468 : i32
            %get3A_470 = arith.index_cast %mul3A_469 : i32 to index
            %get3A_471 = tpu.vector_load %arg9[%get3A_470] {strides = array<i32>} : memref<512xf32, #tpu.memory_space<vmem>>, vector<16xf32>,
            %mul3A_472 = arith.constant 16 : i32
            %mul3A_473 = arith.muli %while3A_463, %mul3A_472 : i32
            %get3A_474 = arith.index_cast %mul3A_473 : i32 to index
            %get3A_475 = tpu.vector_load %arg10[%get3A_474] {strides = array<i32>} : memref<512xi32, #tpu.memory_space<vmem>>, vector<16xi32>,
            %mul3A_476 = arith.constant 16 : i32
            %mul3A_477 = arith.muli %while3A_463, %mul3A_476 : i32
            %add3A_478 = vector.broadcast %mul3A_477 : i32 to vector<16xi32>
            %add3A_479 = arith.addi %iota3A, %add3A_478 : vector<16xi32>
            %lt3A = vector.broadcast %add3A_417 : i32 to vector<16xi32>
            %lt3A_480 = arith.cmpi slt, %add3A_479, %lt3A : vector<16xi32>
            %jit3A_481 = arith.constant -1.000000e+30 : f32
            %broadcast_in_dim3A_482 = vector.broadcast %jit3A_481 : f32 to vector<16xf32>
            %select_n3A_483 = arith.select %lt3A_480, %get3A_471, %broadcast_in_dim3A_482 : vector<16xi1>, vector<16xf32>
            %masked_sort3A_484 = arith.constant dense<true> : vector<16xi1>
            %masked_sort3A_485, %masked_sort3A_486, %masked_sort3A_487 = tpu.sort %select_n3A_483, %get3A_475 masked %masked_sort3A_484 {descending = true} : (vector<16xf32>, vector<16xi32>, vector<16xi1>) -> (vector<16xi1>, vector<16xf32>, vector<16xi32>)
            %rev3A_488 = arith.constant 15 : i32
            %rev3A_489 = vector.broadcast %rev3A_488 : i32 to vector<16xi32>
            %rev3A_490 = tpu.iota {dimensions = array<i32: 0>} : vector<16xi32>
            %rev3A_491 = arith.subi %rev3A_489, %rev3A_490 : vector<16xi32>
            %rev3A_492 = tpu.dynamic_gather %masked_sort3A_486[%rev3A_491] in [0] : vector<16xf32>, vector<16xi32> -> vector<16xf32>
            %rev3A_493 = arith.constant 15 : i32
            %rev3A_494 = vector.broadcast %rev3A_493 : i32 to vector<16xi32>
            %rev3A_495 = tpu.iota {dimensions = array<i32: 0>} : vector<16xi32>
            %rev3A_496 = arith.subi %rev3A_494, %rev3A_495 : vector<16xi32>
            %rev3A_497 = tpu.dynamic_gather %masked_sort3A_487[%rev3A_496] in [0] : vector<16xi32>, vector<16xi32> -> vector<16xi32>
            %ge3A_498 = arith.cmpf oge, %while3A_466, %rev3A_492 : vector<16xf32>
            %select_n3A_499 = arith.select %ge3A_498, %while3A_466, %rev3A_492 : vector<16xi1>, vector<16xf32>
            %select_n3A_500 = arith.select %ge3A_498, %while3A_467, %rev3A_497 : vector<16xi1>, vector<16xi32>
            %masked_sort3A_501 = arith.constant dense<true> : vector<16xi1>
            %masked_sort3A_502, %masked_sort3A_503, %masked_sort3A_504 = tpu.sort %select_n3A_499, %select_n3A_500 masked %masked_sort3A_501 {descending = true} : (vector<16xf32>, vector<16xi32>, vector<16xi1>) -> (vector<16xi1>, vector<16xf32>, vector<16xi32>)
            %rev3A_505 = arith.constant 15 : i32
            %rev3A_506 = vector.broadcast %rev3A_505 : i32 to vector<16xi32>
            %rev3A_507 = tpu.iota {dimensions = array<i32: 0>} : vector<16xi32>
            %rev3A_508 = arith.subi %rev3A_506, %rev3A_507 : vector<16xi32>
            %rev3A_509 = tpu.dynamic_gather %masked_sort3A_503[%rev3A_508] in [0] : vector<16xf32>, vector<16xi32> -> vector<16xf32>
            %rev3A_510 = arith.constant 15 : i32
            %rev3A_511 = vector.broadcast %rev3A_510 : i32 to vector<16xi32>
            %rev3A_512 = tpu.iota {dimensions = array<i32: 0>} : vector<16xi32>
            %rev3A_513 = arith.subi %rev3A_511, %rev3A_512 : vector<16xi32>
            %rev3A_514 = tpu.dynamic_gather %masked_sort3A_504[%rev3A_513] in [0] : vector<16xi32>, vector<16xi32> -> vector<16xi32>
            %ge3A_515 = arith.cmpf oge, %while3A_464, %rev3A_509 : vector<16xf32>
            %select_n3A_516 = arith.select %ge3A_515, %while3A_464, %rev3A_509 : vector<16xi1>, vector<16xf32>
            %select_n3A_517 = arith.select %ge3A_515, %while3A_465, %rev3A_514 : vector<16xi1>, vector<16xi32>
            %select_n3A_518 = arith.select %ge3A_515, %rev3A_509, %while3A_464 : vector<16xi1>, vector<16xf32>
            %select_n3A_519 = arith.select %ge3A_515, %rev3A_514, %while3A_465 : vector<16xi1>, vector<16xi32>
            %masked_sort3A_520 = arith.constant dense<true> : vector<16xi1>
            %masked_sort3A_521, %masked_sort3A_522, %masked_sort3A_523 = tpu.sort %select_n3A_516, %select_n3A_517 masked %masked_sort3A_520 {descending = true} : (vector<16xf32>, vector<16xi32>, vector<16xi1>) -> (vector<16xi1>, vector<16xf32>, vector<16xi32>)
            %masked_sort3A_524 = arith.constant dense<true> : vector<16xi1>
            %masked_sort3A_525, %masked_sort3A_526, %masked_sort3A_527 = tpu.sort %select_n3A_518, %select_n3A_519 masked %masked_sort3A_524 {descending = true} : (vector<16xf32>, vector<16xi32>, vector<16xi1>) -> (vector<16xi1>, vector<16xf32>, vector<16xi32>)
            scf.yield %masked_sort3A_522, %masked_sort3A_523, %masked_sort3A_526, %masked_sort3A_527 : vector<16xf32>, vector<16xi32>, vector<16xf32>, vector<16xi32>
          }
          %slice3A_459 = vector.extract_strided_slice %while3A_458#2 {offsets = [15], sizes = [1], strides = [1]} : vector<16xf32> to vector<1xf32>
          %squeeze3A_460 = vector.extract %slice3A_459[0] : f32 from vector<1xf32>
          %broadcast_in_dim3A_461 = vector.broadcast %squeeze3A_460 : f32 to vector<16xf32>
          %cond3A_462 = arith.constant 0 : i32
          scf.yield %broadcast_in_dim3A_461, %cond3A_462, %while3A_458#0, %while3A_458#1, %while3A_458#2, %while3A_458#3 : vector<16xf32>, i32, vector<16xf32>, vector<16xi32>, vector<16xf32>, vector<16xi32>
        } else {
          scf.yield %scan3A_398, %add3A_417, %scan3A_400, %scan3A_401, %scan3A_402, %scan3A_403 : vector<16xf32>, i32, vector<16xf32>, vector<16xi32>, vector<16xf32>, vector<16xi32>
        }
        scf.yield %cond3A_421#0, %cond3A_421#1, %cond3A_421#2, %cond3A_421#3, %cond3A_421#4, %cond3A_421#5 : vector<16xf32>, i32, vector<16xf32>, vector<16xi32>, vector<16xf32>, vector<16xi32>
      }
      %scan3A_148 = arith.constant 64 : i32
      %add3A_149 = arith.constant 15 : i32
      %add3A_150 = arith.addi %scan3A_147#1, %add3A_149 : i32
      %jit3A = arith.constant 16 : i32
      %div3A = arith.divsi %add3A_150, %jit3A : i32
      %sign3A = arith.constant 0 : i32
      %sign3A_151 = arith.cmpi sgt, %add3A_150, %sign3A : i32
      %sign3A_152 = arith.extui %sign3A_151 : i1 to i32
      %sign3A_153 = arith.constant 0 : i32
      %sign3A_154 = arith.cmpi slt, %add3A_150, %sign3A_153 : i32
      %sign3A_155 = arith.extui %sign3A_154 : i1 to i32
      %sign3A_156 = arith.subi %sign3A_152, %sign3A_155 : i32
      %sign3A_157 = arith.constant 0 : i32
      %sign3A_158 = arith.cmpi sgt, %jit3A, %sign3A_157 : i32
      %sign3A_159 = arith.extui %sign3A_158 : i1 to i32
      %sign3A_160 = arith.constant 0 : i32
      %sign3A_161 = arith.cmpi slt, %jit3A, %sign3A_160 : i32
      %sign3A_162 = arith.extui %sign3A_161 : i1 to i32
      %sign3A_163 = arith.subi %sign3A_159, %sign3A_162 : i32
      %ne3A = arith.cmpi ne, %sign3A_156, %sign3A_163 : i32
      %rem3A = arith.remsi %add3A_150, %jit3A : i32
      %ne3A_164 = arith.constant 0 : i32
      %ne3A_165 = arith.cmpi ne, %rem3A, %ne3A_164 : i32
      %and3A = arith.andi %ne3A, %ne3A_165 : i1
      %sub3A = arith.constant 1 : i32
      %sub3A_166 = arith.subi %div3A, %sub3A : i32
      %select_n3A = arith.select %and3A, %sub3A_166, %div3A : i32
      %while3A_167 = arith.constant 0 : i32
      %while3A_168 = arith.subi %select_n3A, %while3A_167 : i32
      %while3A_169 = arith.addi %while3A_167, %while3A_168 : i32
      %while3A_170 = arith.constant 1 : i32
      %while3A_171 = arith.divsi %while3A_168, %while3A_170 : i32
      %while3A_172 = arith.muli %while3A_171, %while3A_170 : i32
      %while3A_173 = arith.addi %while3A_167, %while3A_172 : i32
      %while3A_174 = arith.constant 1 : i32
      %while3A_175:4 = scf.for %while3A_397 = %while3A_167 to %while3A_173 step %while3A_174 iter_args(%while3A_398 = %scan3A_147#2, %while3A_399 = %scan3A_147#3, %while3A_400 = %scan3A_147#4, %while3A_401 = %scan3A_147#5) -> (vector<16xf32>, vector<16xi32>, vector<16xf32>, vector<16xi32>)  : i32 {
        %mul3A_402 = arith.constant 16 : i32
        %mul3A_403 = arith.muli %while3A_397, %mul3A_402 : i32
        %get3A = arith.index_cast %mul3A_403 : i32 to index
        %get3A_404 = tpu.vector_load %arg9[%get3A] {strides = array<i32>} : memref<512xf32, #tpu.memory_space<vmem>>, vector<16xf32>,
        %mul3A_405 = arith.constant 16 : i32
        %mul3A_406 = arith.muli %while3A_397, %mul3A_405 : i32
        %get3A_407 = arith.index_cast %mul3A_406 : i32 to index
        %get3A_408 = tpu.vector_load %arg10[%get3A_407] {strides = array<i32>} : memref<512xi32, #tpu.memory_space<vmem>>, vector<16xi32>,
        %mul3A_409 = arith.constant 16 : i32
        %mul3A_410 = arith.muli %while3A_397, %mul3A_409 : i32
        %add3A_411 = vector.broadcast %mul3A_410 : i32 to vector<16xi32>
        %add3A_412 = arith.addi %iota3A, %add3A_411 : vector<16xi32>
        %lt3A = vector.broadcast %scan3A_147#1 : i32 to vector<16xi32>
        %lt3A_413 = arith.cmpi slt, %add3A_412, %lt3A : vector<16xi32>
        %jit3A_414 = arith.constant -1.000000e+30 : f32
        %broadcast_in_dim3A_415 = vector.broadcast %jit3A_414 : f32 to vector<16xf32>
        %select_n3A_416 = arith.select %lt3A_413, %get3A_404, %broadcast_in_dim3A_415 : vector<16xi1>, vector<16xf32>
        %masked_sort3A_417 = arith.constant dense<true> : vector<16xi1>
        %masked_sort3A_418, %masked_sort3A_419, %masked_sort3A_420 = tpu.sort %select_n3A_416, %get3A_408 masked %masked_sort3A_417 {descending = true} : (vector<16xf32>, vector<16xi32>, vector<16xi1>) -> (vector<16xi1>, vector<16xf32>, vector<16xi32>)
        %rev3A_421 = arith.constant 15 : i32
        %rev3A_422 = vector.broadcast %rev3A_421 : i32 to vector<16xi32>
        %rev3A_423 = tpu.iota {dimensions = array<i32: 0>} : vector<16xi32>
        %rev3A_424 = arith.subi %rev3A_422, %rev3A_423 : vector<16xi32>
        %rev3A_425 = tpu.dynamic_gather %masked_sort3A_419[%rev3A_424] in [0] : vector<16xf32>, vector<16xi32> -> vector<16xf32>
        %rev3A_426 = arith.constant 15 : i32
        %rev3A_427 = vector.broadcast %rev3A_426 : i32 to vector<16xi32>
        %rev3A_428 = tpu.iota {dimensions = array<i32: 0>} : vector<16xi32>
        %rev3A_429 = arith.subi %rev3A_427, %rev3A_428 : vector<16xi32>
        %rev3A_430 = tpu.dynamic_gather %masked_sort3A_420[%rev3A_429] in [0] : vector<16xi32>, vector<16xi32> -> vector<16xi32>
        %ge3A = arith.cmpf oge, %while3A_400, %rev3A_425 : vector<16xf32>
        %select_n3A_431 = arith.select %ge3A, %while3A_400, %rev3A_425 : vector<16xi1>, vector<16xf32>
        %select_n3A_432 = arith.select %ge3A, %while3A_401, %rev3A_430 : vector<16xi1>, vector<16xi32>
        %masked_sort3A_433 = arith.constant dense<true> : vector<16xi1>
        %masked_sort3A_434, %masked_sort3A_435, %masked_sort3A_436 = tpu.sort %select_n3A_431, %select_n3A_432 masked %masked_sort3A_433 {descending = true} : (vector<16xf32>, vector<16xi32>, vector<16xi1>) -> (vector<16xi1>, vector<16xf32>, vector<16xi32>)
        %rev3A_437 = arith.constant 15 : i32
        %rev3A_438 = vector.broadcast %rev3A_437 : i32 to vector<16xi32>
        %rev3A_439 = tpu.iota {dimensions = array<i32: 0>} : vector<16xi32>
        %rev3A_440 = arith.subi %rev3A_438, %rev3A_439 : vector<16xi32>
        %rev3A_441 = tpu.dynamic_gather %masked_sort3A_435[%rev3A_440] in [0] : vector<16xf32>, vector<16xi32> -> vector<16xf32>
        %rev3A_442 = arith.constant 15 : i32
        %rev3A_443 = vector.broadcast %rev3A_442 : i32 to vector<16xi32>
        %rev3A_444 = tpu.iota {dimensions = array<i32: 0>} : vector<16xi32>
        %rev3A_445 = arith.subi %rev3A_443, %rev3A_444 : vector<16xi32>
        %rev3A_446 = tpu.dynamic_gather %masked_sort3A_436[%rev3A_445] in [0] : vector<16xi32>, vector<16xi32> -> vector<16xi32>
        %ge3A_447 = arith.cmpf oge, %while3A_398, %rev3A_441 : vector<16xf32>
        %select_n3A_448 = arith.select %ge3A_447, %while3A_398, %rev3A_441 : vector<16xi1>, vector<16xf32>
        %select_n3A_449 = arith.select %ge3A_447, %while3A_399, %rev3A_446 : vector<16xi1>, vector<16xi32>
        %select_n3A_450 = arith.select %ge3A_447, %rev3A_441, %while3A_398 : vector<16xi1>, vector<16xf32>
        %select_n3A_451 = arith.select %ge3A_447, %rev3A_446, %while3A_399 : vector<16xi1>, vector<16xi32>
        %masked_sort3A_452 = arith.constant dense<true> : vector<16xi1>
        %masked_sort3A_453, %masked_sort3A_454, %masked_sort3A_455 = tpu.sort %select_n3A_448, %select_n3A_449 masked %masked_sort3A_452 {descending = true} : (vector<16xf32>, vector<16xi32>, vector<16xi1>) -> (vector<16xi1>, vector<16xf32>, vector<16xi32>)
        %masked_sort3A_456 = arith.constant dense<true> : vector<16xi1>
        %masked_sort3A_457, %masked_sort3A_458, %masked_sort3A_459 = tpu.sort %select_n3A_450, %select_n3A_451 masked %masked_sort3A_456 {descending = true} : (vector<16xf32>, vector<16xi32>, vector<16xi1>) -> (vector<16xi1>, vector<16xf32>, vector<16xi32>)
        scf.yield %masked_sort3A_454, %masked_sort3A_455, %masked_sort3A_458, %masked_sort3A_459 : vector<16xf32>, vector<16xi32>, vector<16xf32>, vector<16xi32>
      }
      %while3A_176 = arith.constant 1 : i32
      %while3A_177:4 = scf.for %while3A_397 = %while3A_173 to %while3A_169 step %while3A_176 iter_args(%while3A_398 = %while3A_175#0, %while3A_399 = %while3A_175#1, %while3A_400 = %while3A_175#2, %while3A_401 = %while3A_175#3) -> (vector<16xf32>, vector<16xi32>, vector<16xf32>, vector<16xi32>)  : i32 {
        %mul3A_402 = arith.constant 16 : i32
        %mul3A_403 = arith.muli %while3A_397, %mul3A_402 : i32
        %get3A = arith.index_cast %mul3A_403 : i32 to index
        %get3A_404 = tpu.vector_load %arg9[%get3A] {strides = array<i32>} : memref<512xf32, #tpu.memory_space<vmem>>, vector<16xf32>,
        %mul3A_405 = arith.constant 16 : i32
        %mul3A_406 = arith.muli %while3A_397, %mul3A_405 : i32
        %get3A_407 = arith.index_cast %mul3A_406 : i32 to index
        %get3A_408 = tpu.vector_load %arg10[%get3A_407] {strides = array<i32>} : memref<512xi32, #tpu.memory_space<vmem>>, vector<16xi32>,
        %mul3A_409 = arith.constant 16 : i32
        %mul3A_410 = arith.muli %while3A_397, %mul3A_409 : i32
        %add3A_411 = vector.broadcast %mul3A_410 : i32 to vector<16xi32>
        %add3A_412 = arith.addi %iota3A, %add3A_411 : vector<16xi32>
        %lt3A = vector.broadcast %scan3A_147#1 : i32 to vector<16xi32>
        %lt3A_413 = arith.cmpi slt, %add3A_412, %lt3A : vector<16xi32>
        %jit3A_414 = arith.constant -1.000000e+30 : f32
        %broadcast_in_dim3A_415 = vector.broadcast %jit3A_414 : f32 to vector<16xf32>
        %select_n3A_416 = arith.select %lt3A_413, %get3A_404, %broadcast_in_dim3A_415 : vector<16xi1>, vector<16xf32>
        %masked_sort3A_417 = arith.constant dense<true> : vector<16xi1>
        %masked_sort3A_418, %masked_sort3A_419, %masked_sort3A_420 = tpu.sort %select_n3A_416, %get3A_408 masked %masked_sort3A_417 {descending = true} : (vector<16xf32>, vector<16xi32>, vector<16xi1>) -> (vector<16xi1>, vector<16xf32>, vector<16xi32>)
        %rev3A_421 = arith.constant 15 : i32
        %rev3A_422 = vector.broadcast %rev3A_421 : i32 to vector<16xi32>
        %rev3A_423 = tpu.iota {dimensions = array<i32: 0>} : vector<16xi32>
        %rev3A_424 = arith.subi %rev3A_422, %rev3A_423 : vector<16xi32>
        %rev3A_425 = tpu.dynamic_gather %masked_sort3A_419[%rev3A_424] in [0] : vector<16xf32>, vector<16xi32> -> vector<16xf32>
        %rev3A_426 = arith.constant 15 : i32
        %rev3A_427 = vector.broadcast %rev3A_426 : i32 to vector<16xi32>
        %rev3A_428 = tpu.iota {dimensions = array<i32: 0>} : vector<16xi32>
        %rev3A_429 = arith.subi %rev3A_427, %rev3A_428 : vector<16xi32>
        %rev3A_430 = tpu.dynamic_gather %masked_sort3A_420[%rev3A_429] in [0] : vector<16xi32>, vector<16xi32> -> vector<16xi32>
        %ge3A = arith.cmpf oge, %while3A_400, %rev3A_425 : vector<16xf32>
        %select_n3A_431 = arith.select %ge3A, %while3A_400, %rev3A_425 : vector<16xi1>, vector<16xf32>
        %select_n3A_432 = arith.select %ge3A, %while3A_401, %rev3A_430 : vector<16xi1>, vector<16xi32>
        %masked_sort3A_433 = arith.constant dense<true> : vector<16xi1>
        %masked_sort3A_434, %masked_sort3A_435, %masked_sort3A_436 = tpu.sort %select_n3A_431, %select_n3A_432 masked %masked_sort3A_433 {descending = true} : (vector<16xf32>, vector<16xi32>, vector<16xi1>) -> (vector<16xi1>, vector<16xf32>, vector<16xi32>)
        %rev3A_437 = arith.constant 15 : i32
        %rev3A_438 = vector.broadcast %rev3A_437 : i32 to vector<16xi32>
        %rev3A_439 = tpu.iota {dimensions = array<i32: 0>} : vector<16xi32>
        %rev3A_440 = arith.subi %rev3A_438, %rev3A_439 : vector<16xi32>
        %rev3A_441 = tpu.dynamic_gather %masked_sort3A_435[%rev3A_440] in [0] : vector<16xf32>, vector<16xi32> -> vector<16xf32>
        %rev3A_442 = arith.constant 15 : i32
        %rev3A_443 = vector.broadcast %rev3A_442 : i32 to vector<16xi32>
        %rev3A_444 = tpu.iota {dimensions = array<i32: 0>} : vector<16xi32>
        %rev3A_445 = arith.subi %rev3A_443, %rev3A_444 : vector<16xi32>
        %rev3A_446 = tpu.dynamic_gather %masked_sort3A_436[%rev3A_445] in [0] : vector<16xi32>, vector<16xi32> -> vector<16xi32>
        %ge3A_447 = arith.cmpf oge, %while3A_398, %rev3A_441 : vector<16xf32>
        %select_n3A_448 = arith.select %ge3A_447, %while3A_398, %rev3A_441 : vector<16xi1>, vector<16xf32>
        %select_n3A_449 = arith.select %ge3A_447, %while3A_399, %rev3A_446 : vector<16xi1>, vector<16xi32>
        %select_n3A_450 = arith.select %ge3A_447, %rev3A_441, %while3A_398 : vector<16xi1>, vector<16xf32>
        %select_n3A_451 = arith.select %ge3A_447, %rev3A_446, %while3A_399 : vector<16xi1>, vector<16xi32>
        %masked_sort3A_452 = arith.constant dense<true> : vector<16xi1>
        %masked_sort3A_453, %masked_sort3A_454, %masked_sort3A_455 = tpu.sort %select_n3A_448, %select_n3A_449 masked %masked_sort3A_452 {descending = true} : (vector<16xf32>, vector<16xi32>, vector<16xi1>) -> (vector<16xi1>, vector<16xf32>, vector<16xi32>)
        %masked_sort3A_456 = arith.constant dense<true> : vector<16xi1>
        %masked_sort3A_457, %masked_sort3A_458, %masked_sort3A_459 = tpu.sort %select_n3A_450, %select_n3A_451 masked %masked_sort3A_456 {descending = true} : (vector<16xf32>, vector<16xi32>, vector<16xi1>) -> (vector<16xi1>, vector<16xf32>, vector<16xi32>)
        scf.yield %masked_sort3A_454, %masked_sort3A_455, %masked_sort3A_458, %masked_sort3A_459 : vector<16xf32>, vector<16xi32>, vector<16xf32>, vector<16xi32>
      }
      %shift_right_logical3A = arith.constant 4 : i32
      %shift_right_logical3A_178 = vector.broadcast %shift_right_logical3A : i32 to vector<16xi32>
      %shift_right_logical3A_179 = arith.shrui %while3A_177#1, %shift_right_logical3A_178 : vector<16xi32>
      %shift_right_logical3A_180 = arith.constant 4 : i32
      %shift_right_logical3A_181 = vector.broadcast %shift_right_logical3A_180 : i32 to vector<16xi32>
      %shift_right_logical3A_182 = arith.shrui %while3A_177#3, %shift_right_logical3A_181 : vector<16xi32>
      %masked_sort3A = arith.constant dense<true> : vector<16xi1>
      %masked_sort3A_183 = arith.constant -2147483648 : i32
      %masked_sort3A_184 = vector.broadcast %masked_sort3A_183 : i32 to vector<16xi32>
      %masked_sort3A_185 = arith.xori %shift_right_logical3A_179, %masked_sort3A_184 : vector<16xi32>
      %masked_sort3A_186, %masked_sort3A_187, %masked_sort3A_188 = tpu.sort %masked_sort3A_185, %shift_right_logical3A_179 masked %masked_sort3A : (vector<16xi32>, vector<16xi32>, vector<16xi1>) -> (vector<16xi1>, vector<16xi32>, vector<16xi32>)
      %masked_sort3A_189 = arith.xori %masked_sort3A_187, %masked_sort3A_184 : vector<16xi32>
      %masked_sort3A_190 = arith.constant dense<true> : vector<16xi1>
      %masked_sort3A_191 = arith.constant -2147483648 : i32
      %masked_sort3A_192 = vector.broadcast %masked_sort3A_191 : i32 to vector<16xi32>
      %masked_sort3A_193 = arith.xori %shift_right_logical3A_182, %masked_sort3A_192 : vector<16xi32>
      %masked_sort3A_194, %masked_sort3A_195, %masked_sort3A_196 = tpu.sort %masked_sort3A_193, %shift_right_logical3A_182 masked %masked_sort3A_190 : (vector<16xi32>, vector<16xi32>, vector<16xi1>) -> (vector<16xi1>, vector<16xi32>, vector<16xi32>)
      %masked_sort3A_197 = arith.xori %masked_sort3A_195, %masked_sort3A_192 : vector<16xi32>
      %rev3A = arith.constant 15 : i32
      %rev3A_198 = vector.broadcast %rev3A : i32 to vector<16xi32>
      %rev3A_199 = tpu.iota {dimensions = array<i32: 0>} : vector<16xi32>
      %rev3A_200 = arith.subi %rev3A_198, %rev3A_199 : vector<16xi32>
      %rev3A_201 = tpu.dynamic_gather %masked_sort3A_197[%rev3A_200] in [0] : vector<16xi32>, vector<16xi32> -> vector<16xi32>
      %min3A = arith.minsi %masked_sort3A_189, %rev3A_201 : vector<16xi32>
      %max3A = arith.maxsi %masked_sort3A_189, %rev3A_201 : vector<16xi32>
      %masked_sort3A_202 = arith.constant dense<true> : vector<16xi1>
      %masked_sort3A_203 = arith.constant -2147483648 : i32
      %masked_sort3A_204 = vector.broadcast %masked_sort3A_203 : i32 to vector<16xi32>
      %masked_sort3A_205 = arith.xori %min3A, %masked_sort3A_204 : vector<16xi32>
      %masked_sort3A_206, %masked_sort3A_207, %masked_sort3A_208 = tpu.sort %masked_sort3A_205, %min3A masked %masked_sort3A_202 : (vector<16xi32>, vector<16xi32>, vector<16xi1>) -> (vector<16xi1>, vector<16xi32>, vector<16xi32>)
      %masked_sort3A_209 = arith.xori %masked_sort3A_207, %masked_sort3A_204 : vector<16xi32>
      %masked_sort3A_210 = arith.constant dense<true> : vector<16xi1>
      %masked_sort3A_211 = arith.constant -2147483648 : i32
      %masked_sort3A_212 = vector.broadcast %masked_sort3A_211 : i32 to vector<16xi32>
      %masked_sort3A_213 = arith.xori %max3A, %masked_sort3A_212 : vector<16xi32>
      %masked_sort3A_214, %masked_sort3A_215, %masked_sort3A_216 = tpu.sort %masked_sort3A_213, %max3A masked %masked_sort3A_210 : (vector<16xi32>, vector<16xi32>, vector<16xi1>) -> (vector<16xi1>, vector<16xi32>, vector<16xi32>)
      %masked_sort3A_217 = arith.xori %masked_sort3A_215, %masked_sort3A_212 : vector<16xi32>
      %swap3A_218 = arith.constant 0 : index
      %swap3A_219 = tpu.vector_load %arg11[%swap3A_218] {strides = array<i32>} : memref<48xi32, #tpu.memory_space<vmem>>, vector<16xi32>,
      tpu.vector_store %arg11[%swap3A_218], %masked_sort3A_209 {strides = array<i32>} : memref<48xi32, #tpu.memory_space<vmem>>, vector<16xi32>,
      %swap3A_220 = arith.constant 16 : index
      %swap3A_221 = tpu.vector_load %arg11[%swap3A_220] {strides = array<i32>} : memref<48xi32, #tpu.memory_space<vmem>>, vector<16xi32>,
      tpu.vector_store %arg11[%swap3A_220], %masked_sort3A_217 {strides = array<i32>} : memref<48xi32, #tpu.memory_space<vmem>>, vector<16xi32>,
      %swap3A_222 = arith.constant 32 : index
      %swap3A_223 = tpu.vector_load %arg11[%swap3A_222] {strides = array<i32>} : memref<48xi32, #tpu.memory_space<vmem>>, vector<16xi32>,
      tpu.vector_store %arg11[%swap3A_222], %masked_sort3A_217 {strides = array<i32>} : memref<48xi32, #tpu.memory_space<vmem>>, vector<16xi32>,
      %slice3A = vector.extract_strided_slice %while3A_177#2 {offsets = [13], sizes = [1], strides = [1]} : vector<16xf32> to vector<1xf32>
      %squeeze3A = vector.extract %slice3A[0] : f32 from vector<1xf32>
      %broadcast_in_dim3A_224 = vector.broadcast %squeeze3A : f32 to vector<16xf32>
      %scan3A_225 = arith.constant 0 : i32
      %scan3A_226 = arith.constant -1 : i32
      %scan3A_227 = arith.constant 0 : i32
      %scan3A_228 = arith.constant 32 : i32
      %scan3A_229 = arith.addi %scan3A_227, %scan3A_228 : i32
      %scan3A_230 = arith.constant 1 : i32
      %scan3A_231:2 = scf.for %scan3A_397 = %scan3A_227 to %scan3A_229 step %scan3A_230 iter_args(%scan3A_398 = %scan3A_225, %scan3A_399 = %scan3A_226) -> (i32, i32)  : i32 {
        %get3A = arith.index_cast %scan3A_397 : i32 to index
        %get3A_400 = tpu.vector_load %arg11[%get3A] {strides = array<i32>} : memref<48xi32, #tpu.memory_space<vmem>>, vector<16xi32>,
        %slice3A_401 = vector.extract_strided_slice %get3A_400 {offsets = [0], sizes = [1], strides = [1]} : vector<16xi32> to vector<1xi32>
        %squeeze3A_402 = vector.extract %slice3A_401[0] : i32 from vector<1xi32>
        %ne3A_403 = arith.cmpi ne, %squeeze3A_402, %scan3A_399 : i32
        %broadcast_in_dim3A_404 = vector.broadcast %ne3A_403 : i1 to vector<16xi1>
        %min3A_405 = arith.constant 336 : i32
        %min3A_406 = arith.minsi %scan3A_398, %min3A_405 : i32
        %mul3A_407 = arith.constant 160 : i32
        %mul3A_408 = arith.muli %squeeze3A_402, %mul3A_407 : i32
        %add3A_409 = arith.constant 0 : i32
        %add3A_410 = arith.addi %mul3A_408, %add3A_409 : i32
        %get3A_411 = arith.index_cast %add3A_410 : i32 to index
        %get3A_412 = tpu.vector_load %arg7[%get3A_411] {strides = array<i32>} : memref<10080xf32, #tpu.memory_space<vmem>>, vector<16xf32>,
        %ge3A = arith.cmpf oge, %get3A_412, %broadcast_in_dim3A_224 : vector<16xf32>
        %and3A_413 = arith.andi %ge3A, %broadcast_in_dim3A_404 : vector<16xi1>
        %swap3A_414 = arith.index_cast %min3A_406 : i32 to index
        %swap3A_415 = tpu.vector_load %arg9[%swap3A_414] masked %and3A_413 {strides = array<i32>} : memref<512xf32, #tpu.memory_space<vmem>>, vector<16xf32>, vector<16xi1>
        tpu.vector_store %arg9[%swap3A_414], %get3A_412 masked %and3A_413 {strides = array<i32>} : memref<512xf32, #tpu.memory_space<vmem>>, vector<16xf32>, vector<16xi1>
        %add3A_416 = vector.broadcast %add3A_410 : i32 to vector<16xi32>
        %add3A_417 = arith.addi %add3A_416, %iota3A : vector<16xi32>
        %swap3A_418 = arith.index_cast %min3A_406 : i32 to index
        %swap3A_419 = tpu.vector_load %arg10[%swap3A_418] masked %and3A_413 {strides = array<i32>} : memref<512xi32, #tpu.memory_space<vmem>>, vector<16xi32>, vector<16xi1>
        tpu.vector_store %arg10[%swap3A_418], %add3A_417 masked %and3A_413 {strides = array<i32>} : memref<512xi32, #tpu.memory_space<vmem>>, vector<16xi32>, vector<16xi1>
        %all_reduce_population_count3A = tpu.all_reduce %and3A_413 {dim = 0 : i64, kind = #tpu.reduction_kind<sum>} : vector<16xi1> -> vector<16xi32>
        %slice3A_420 = vector.extract_strided_slice %all_reduce_population_count3A {offsets = [0], sizes = [1], strides = [1]} : vector<16xi32> to vector<1xi32>
        %squeeze3A_421 = vector.extract %slice3A_420[0] : i32 from vector<1xi32>
        %add3A_422 = arith.addi %min3A_406, %squeeze3A_421 : i32
        %mul3A_423 = arith.constant 160 : i32
        %mul3A_424 = arith.muli %squeeze3A_402, %mul3A_423 : i32
        %add3A_425 = arith.constant 16 : i32
        %add3A_426 = arith.addi %mul3A_424, %add3A_425 : i32
        %get3A_427 = arith.index_cast %add3A_426 : i32 to index
        %get3A_428 = tpu.vector_load %arg7[%get3A_427] {strides = array<i32>} : memref<10080xf32, #tpu.memory_space<vmem>>, vector<16xf32>,
        %ge3A_429 = arith.cmpf oge, %get3A_428, %broadcast_in_dim3A_224 : vector<16xf32>
        %and3A_430 = arith.andi %ge3A_429, %broadcast_in_dim3A_404 : vector<16xi1>
        %swap3A_431 = arith.index_cast %add3A_422 : i32 to index
        %swap3A_432 = tpu.vector_load %arg9[%swap3A_431] masked %and3A_430 {strides = array<i32>} : memref<512xf32, #tpu.memory_space<vmem>>, vector<16xf32>, vector<16xi1>
        tpu.vector_store %arg9[%swap3A_431], %get3A_428 masked %and3A_430 {strides = array<i32>} : memref<512xf32, #tpu.memory_space<vmem>>, vector<16xf32>, vector<16xi1>
        %add3A_433 = vector.broadcast %add3A_426 : i32 to vector<16xi32>
        %add3A_434 = arith.addi %add3A_433, %iota3A : vector<16xi32>
        %swap3A_435 = arith.index_cast %add3A_422 : i32 to index
        %swap3A_436 = tpu.vector_load %arg10[%swap3A_435] masked %and3A_430 {strides = array<i32>} : memref<512xi32, #tpu.memory_space<vmem>>, vector<16xi32>, vector<16xi1>
        tpu.vector_store %arg10[%swap3A_435], %add3A_434 masked %and3A_430 {strides = array<i32>} : memref<512xi32, #tpu.memory_space<vmem>>, vector<16xi32>, vector<16xi1>
        %all_reduce_population_count3A_437 = tpu.all_reduce %and3A_430 {dim = 0 : i64, kind = #tpu.reduction_kind<sum>} : vector<16xi1> -> vector<16xi32>
        %slice3A_438 = vector.extract_strided_slice %all_reduce_population_count3A_437 {offsets = [0], sizes = [1], strides = [1]} : vector<16xi32> to vector<1xi32>
        %squeeze3A_439 = vector.extract %slice3A_438[0] : i32 from vector<1xi32>
        %add3A_440 = arith.addi %add3A_422, %squeeze3A_439 : i32
        %mul3A_441 = arith.constant 160 : i32
        %mul3A_442 = arith.muli %squeeze3A_402, %mul3A_441 : i32
        %add3A_443 = arith.constant 32 : i32
        %add3A_444 = arith.addi %mul3A_442, %add3A_443 : i32
        %get3A_445 = arith.index_cast %add3A_444 : i32 to index
        %get3A_446 = tpu.vector_load %arg7[%get3A_445] {strides = array<i32>} : memref<10080xf32, #tpu.memory_space<vmem>>, vector<16xf32>,
        %ge3A_447 = arith.cmpf oge, %get3A_446, %broadcast_in_dim3A_224 : vector<16xf32>
        %and3A_448 = arith.andi %ge3A_447, %broadcast_in_dim3A_404 : vector<16xi1>
        %swap3A_449 = arith.index_cast %add3A_440 : i32 to index
        %swap3A_450 = tpu.vector_load %arg9[%swap3A_449] masked %and3A_448 {strides = array<i32>} : memref<512xf32, #tpu.memory_space<vmem>>, vector<16xf32>, vector<16xi1>
        tpu.vector_store %arg9[%swap3A_449], %get3A_446 masked %and3A_448 {strides = array<i32>} : memref<512xf32, #tpu.memory_space<vmem>>, vector<16xf32>, vector<16xi1>
        %add3A_451 = vector.broadcast %add3A_444 : i32 to vector<16xi32>
        %add3A_452 = arith.addi %add3A_451, %iota3A : vector<16xi32>
        %swap3A_453 = arith.index_cast %add3A_440 : i32 to index
        %swap3A_454 = tpu.vector_load %arg10[%swap3A_453] masked %and3A_448 {strides = array<i32>} : memref<512xi32, #tpu.memory_space<vmem>>, vector<16xi32>, vector<16xi1>
        tpu.vector_store %arg10[%swap3A_453], %add3A_452 masked %and3A_448 {strides = array<i32>} : memref<512xi32, #tpu.memory_space<vmem>>, vector<16xi32>, vector<16xi1>
        %all_reduce_population_count3A_455 = tpu.all_reduce %and3A_448 {dim = 0 : i64, kind = #tpu.reduction_kind<sum>} : vector<16xi1> -> vector<16xi32>
        %slice3A_456 = vector.extract_strided_slice %all_reduce_population_count3A_455 {offsets = [0], sizes = [1], strides = [1]} : vector<16xi32> to vector<1xi32>
        %squeeze3A_457 = vector.extract %slice3A_456[0] : i32 from vector<1xi32>
        %add3A_458 = arith.addi %add3A_440, %squeeze3A_457 : i32
        %mul3A_459 = arith.constant 160 : i32
        %mul3A_460 = arith.muli %squeeze3A_402, %mul3A_459 : i32
        %add3A_461 = arith.constant 48 : i32
        %add3A_462 = arith.addi %mul3A_460, %add3A_461 : i32
        %get3A_463 = arith.index_cast %add3A_462 : i32 to index
        %get3A_464 = tpu.vector_load %arg7[%get3A_463] {strides = array<i32>} : memref<10080xf32, #tpu.memory_space<vmem>>, vector<16xf32>,
        %ge3A_465 = arith.cmpf oge, %get3A_464, %broadcast_in_dim3A_224 : vector<16xf32>
        %and3A_466 = arith.andi %ge3A_465, %broadcast_in_dim3A_404 : vector<16xi1>
        %swap3A_467 = arith.index_cast %add3A_458 : i32 to index
        %swap3A_468 = tpu.vector_load %arg9[%swap3A_467] masked %and3A_466 {strides = array<i32>} : memref<512xf32, #tpu.memory_space<vmem>>, vector<16xf32>, vector<16xi1>
        tpu.vector_store %arg9[%swap3A_467], %get3A_464 masked %and3A_466 {strides = array<i32>} : memref<512xf32, #tpu.memory_space<vmem>>, vector<16xf32>, vector<16xi1>
        %add3A_469 = vector.broadcast %add3A_462 : i32 to vector<16xi32>
        %add3A_470 = arith.addi %add3A_469, %iota3A : vector<16xi32>
        %swap3A_471 = arith.index_cast %add3A_458 : i32 to index
        %swap3A_472 = tpu.vector_load %arg10[%swap3A_471] masked %and3A_466 {strides = array<i32>} : memref<512xi32, #tpu.memory_space<vmem>>, vector<16xi32>, vector<16xi1>
        tpu.vector_store %arg10[%swap3A_471], %add3A_470 masked %and3A_466 {strides = array<i32>} : memref<512xi32, #tpu.memory_space<vmem>>, vector<16xi32>, vector<16xi1>
        %all_reduce_population_count3A_473 = tpu.all_reduce %and3A_466 {dim = 0 : i64, kind = #tpu.reduction_kind<sum>} : vector<16xi1> -> vector<16xi32>
        %slice3A_474 = vector.extract_strided_slice %all_reduce_population_count3A_473 {offsets = [0], sizes = [1], strides = [1]} : vector<16xi32> to vector<1xi32>
        %squeeze3A_475 = vector.extract %slice3A_474[0] : i32 from vector<1xi32>
        %add3A_476 = arith.addi %add3A_458, %squeeze3A_475 : i32
        %mul3A_477 = arith.constant 160 : i32
        %mul3A_478 = arith.muli %squeeze3A_402, %mul3A_477 : i32
        %add3A_479 = arith.constant 64 : i32
        %add3A_480 = arith.addi %mul3A_478, %add3A_479 : i32
        %get3A_481 = arith.index_cast %add3A_480 : i32 to index
        %get3A_482 = tpu.vector_load %arg7[%get3A_481] {strides = array<i32>} : memref<10080xf32, #tpu.memory_space<vmem>>, vector<16xf32>,
        %ge3A_483 = arith.cmpf oge, %get3A_482, %broadcast_in_dim3A_224 : vector<16xf32>
        %and3A_484 = arith.andi %ge3A_483, %broadcast_in_dim3A_404 : vector<16xi1>
        %swap3A_485 = arith.index_cast %add3A_476 : i32 to index
        %swap3A_486 = tpu.vector_load %arg9[%swap3A_485] masked %and3A_484 {strides = array<i32>} : memref<512xf32, #tpu.memory_space<vmem>>, vector<16xf32>, vector<16xi1>
        tpu.vector_store %arg9[%swap3A_485], %get3A_482 masked %and3A_484 {strides = array<i32>} : memref<512xf32, #tpu.memory_space<vmem>>, vector<16xf32>, vector<16xi1>
        %add3A_487 = vector.broadcast %add3A_480 : i32 to vector<16xi32>
        %add3A_488 = arith.addi %add3A_487, %iota3A : vector<16xi32>
        %swap3A_489 = arith.index_cast %add3A_476 : i32 to index
        %swap3A_490 = tpu.vector_load %arg10[%swap3A_489] masked %and3A_484 {strides = array<i32>} : memref<512xi32, #tpu.memory_space<vmem>>, vector<16xi32>, vector<16xi1>
        tpu.vector_store %arg10[%swap3A_489], %add3A_488 masked %and3A_484 {strides = array<i32>} : memref<512xi32, #tpu.memory_space<vmem>>, vector<16xi32>, vector<16xi1>
        %all_reduce_population_count3A_491 = tpu.all_reduce %and3A_484 {dim = 0 : i64, kind = #tpu.reduction_kind<sum>} : vector<16xi1> -> vector<16xi32>
        %slice3A_492 = vector.extract_strided_slice %all_reduce_population_count3A_491 {offsets = [0], sizes = [1], strides = [1]} : vector<16xi32> to vector<1xi32>
        %squeeze3A_493 = vector.extract %slice3A_492[0] : i32 from vector<1xi32>
        %add3A_494 = arith.addi %add3A_476, %squeeze3A_493 : i32
        %mul3A_495 = arith.constant 160 : i32
        %mul3A_496 = arith.muli %squeeze3A_402, %mul3A_495 : i32
        %add3A_497 = arith.constant 80 : i32
        %add3A_498 = arith.addi %mul3A_496, %add3A_497 : i32
        %get3A_499 = arith.index_cast %add3A_498 : i32 to index
        %get3A_500 = tpu.vector_load %arg7[%get3A_499] {strides = array<i32>} : memref<10080xf32, #tpu.memory_space<vmem>>, vector<16xf32>,
        %ge3A_501 = arith.cmpf oge, %get3A_500, %broadcast_in_dim3A_224 : vector<16xf32>
        %and3A_502 = arith.andi %ge3A_501, %broadcast_in_dim3A_404 : vector<16xi1>
        %swap3A_503 = arith.index_cast %add3A_494 : i32 to index
        %swap3A_504 = tpu.vector_load %arg9[%swap3A_503] masked %and3A_502 {strides = array<i32>} : memref<512xf32, #tpu.memory_space<vmem>>, vector<16xf32>, vector<16xi1>
        tpu.vector_store %arg9[%swap3A_503], %get3A_500 masked %and3A_502 {strides = array<i32>} : memref<512xf32, #tpu.memory_space<vmem>>, vector<16xf32>, vector<16xi1>
        %add3A_505 = vector.broadcast %add3A_498 : i32 to vector<16xi32>
        %add3A_506 = arith.addi %add3A_505, %iota3A : vector<16xi32>
        %swap3A_507 = arith.index_cast %add3A_494 : i32 to index
        %swap3A_508 = tpu.vector_load %arg10[%swap3A_507] masked %and3A_502 {strides = array<i32>} : memref<512xi32, #tpu.memory_space<vmem>>, vector<16xi32>, vector<16xi1>
        tpu.vector_store %arg10[%swap3A_507], %add3A_506 masked %and3A_502 {strides = array<i32>} : memref<512xi32, #tpu.memory_space<vmem>>, vector<16xi32>, vector<16xi1>
        %all_reduce_population_count3A_509 = tpu.all_reduce %and3A_502 {dim = 0 : i64, kind = #tpu.reduction_kind<sum>} : vector<16xi1> -> vector<16xi32>
        %slice3A_510 = vector.extract_strided_slice %all_reduce_population_count3A_509 {offsets = [0], sizes = [1], strides = [1]} : vector<16xi32> to vector<1xi32>
        %squeeze3A_511 = vector.extract %slice3A_510[0] : i32 from vector<1xi32>
        %add3A_512 = arith.addi %add3A_494, %squeeze3A_511 : i32
        %mul3A_513 = arith.constant 160 : i32
        %mul3A_514 = arith.muli %squeeze3A_402, %mul3A_513 : i32
        %add3A_515 = arith.constant 96 : i32
        %add3A_516 = arith.addi %mul3A_514, %add3A_515 : i32
        %get3A_517 = arith.index_cast %add3A_516 : i32 to index
        %get3A_518 = tpu.vector_load %arg7[%get3A_517] {strides = array<i32>} : memref<10080xf32, #tpu.memory_space<vmem>>, vector<16xf32>,
        %ge3A_519 = arith.cmpf oge, %get3A_518, %broadcast_in_dim3A_224 : vector<16xf32>
        %and3A_520 = arith.andi %ge3A_519, %broadcast_in_dim3A_404 : vector<16xi1>
        %swap3A_521 = arith.index_cast %add3A_512 : i32 to index
        %swap3A_522 = tpu.vector_load %arg9[%swap3A_521] masked %and3A_520 {strides = array<i32>} : memref<512xf32, #tpu.memory_space<vmem>>, vector<16xf32>, vector<16xi1>
        tpu.vector_store %arg9[%swap3A_521], %get3A_518 masked %and3A_520 {strides = array<i32>} : memref<512xf32, #tpu.memory_space<vmem>>, vector<16xf32>, vector<16xi1>
        %add3A_523 = vector.broadcast %add3A_516 : i32 to vector<16xi32>
        %add3A_524 = arith.addi %add3A_523, %iota3A : vector<16xi32>
        %swap3A_525 = arith.index_cast %add3A_512 : i32 to index
        %swap3A_526 = tpu.vector_load %arg10[%swap3A_525] masked %and3A_520 {strides = array<i32>} : memref<512xi32, #tpu.memory_space<vmem>>, vector<16xi32>, vector<16xi1>
        tpu.vector_store %arg10[%swap3A_525], %add3A_524 masked %and3A_520 {strides = array<i32>} : memref<512xi32, #tpu.memory_space<vmem>>, vector<16xi32>, vector<16xi1>
        %all_reduce_population_count3A_527 = tpu.all_reduce %and3A_520 {dim = 0 : i64, kind = #tpu.reduction_kind<sum>} : vector<16xi1> -> vector<16xi32>
        %slice3A_528 = vector.extract_strided_slice %all_reduce_population_count3A_527 {offsets = [0], sizes = [1], strides = [1]} : vector<16xi32> to vector<1xi32>
        %squeeze3A_529 = vector.extract %slice3A_528[0] : i32 from vector<1xi32>
        %add3A_530 = arith.addi %add3A_512, %squeeze3A_529 : i32
        %mul3A_531 = arith.constant 160 : i32
        %mul3A_532 = arith.muli %squeeze3A_402, %mul3A_531 : i32
        %add3A_533 = arith.constant 112 : i32
        %add3A_534 = arith.addi %mul3A_532, %add3A_533 : i32
        %get3A_535 = arith.index_cast %add3A_534 : i32 to index
        %get3A_536 = tpu.vector_load %arg7[%get3A_535] {strides = array<i32>} : memref<10080xf32, #tpu.memory_space<vmem>>, vector<16xf32>,
        %ge3A_537 = arith.cmpf oge, %get3A_536, %broadcast_in_dim3A_224 : vector<16xf32>
        %and3A_538 = arith.andi %ge3A_537, %broadcast_in_dim3A_404 : vector<16xi1>
        %swap3A_539 = arith.index_cast %add3A_530 : i32 to index
        %swap3A_540 = tpu.vector_load %arg9[%swap3A_539] masked %and3A_538 {strides = array<i32>} : memref<512xf32, #tpu.memory_space<vmem>>, vector<16xf32>, vector<16xi1>
        tpu.vector_store %arg9[%swap3A_539], %get3A_536 masked %and3A_538 {strides = array<i32>} : memref<512xf32, #tpu.memory_space<vmem>>, vector<16xf32>, vector<16xi1>
        %add3A_541 = vector.broadcast %add3A_534 : i32 to vector<16xi32>
        %add3A_542 = arith.addi %add3A_541, %iota3A : vector<16xi32>
        %swap3A_543 = arith.index_cast %add3A_530 : i32 to index
        %swap3A_544 = tpu.vector_load %arg10[%swap3A_543] masked %and3A_538 {strides = array<i32>} : memref<512xi32, #tpu.memory_space<vmem>>, vector<16xi32>, vector<16xi1>
        tpu.vector_store %arg10[%swap3A_543], %add3A_542 masked %and3A_538 {strides = array<i32>} : memref<512xi32, #tpu.memory_space<vmem>>, vector<16xi32>, vector<16xi1>
        %all_reduce_population_count3A_545 = tpu.all_reduce %and3A_538 {dim = 0 : i64, kind = #tpu.reduction_kind<sum>} : vector<16xi1> -> vector<16xi32>
        %slice3A_546 = vector.extract_strided_slice %all_reduce_population_count3A_545 {offsets = [0], sizes = [1], strides = [1]} : vector<16xi32> to vector<1xi32>
        %squeeze3A_547 = vector.extract %slice3A_546[0] : i32 from vector<1xi32>
        %add3A_548 = arith.addi %add3A_530, %squeeze3A_547 : i32
        %mul3A_549 = arith.constant 160 : i32
        %mul3A_550 = arith.muli %squeeze3A_402, %mul3A_549 : i32
        %add3A_551 = arith.constant 128 : i32
        %add3A_552 = arith.addi %mul3A_550, %add3A_551 : i32
        %get3A_553 = arith.index_cast %add3A_552 : i32 to index
        %get3A_554 = tpu.vector_load %arg7[%get3A_553] {strides = array<i32>} : memref<10080xf32, #tpu.memory_space<vmem>>, vector<16xf32>,
        %ge3A_555 = arith.cmpf oge, %get3A_554, %broadcast_in_dim3A_224 : vector<16xf32>
        %and3A_556 = arith.andi %ge3A_555, %broadcast_in_dim3A_404 : vector<16xi1>
        %swap3A_557 = arith.index_cast %add3A_548 : i32 to index
        %swap3A_558 = tpu.vector_load %arg9[%swap3A_557] masked %and3A_556 {strides = array<i32>} : memref<512xf32, #tpu.memory_space<vmem>>, vector<16xf32>, vector<16xi1>
        tpu.vector_store %arg9[%swap3A_557], %get3A_554 masked %and3A_556 {strides = array<i32>} : memref<512xf32, #tpu.memory_space<vmem>>, vector<16xf32>, vector<16xi1>
        %add3A_559 = vector.broadcast %add3A_552 : i32 to vector<16xi32>
        %add3A_560 = arith.addi %add3A_559, %iota3A : vector<16xi32>
        %swap3A_561 = arith.index_cast %add3A_548 : i32 to index
        %swap3A_562 = tpu.vector_load %arg10[%swap3A_561] masked %and3A_556 {strides = array<i32>} : memref<512xi32, #tpu.memory_space<vmem>>, vector<16xi32>, vector<16xi1>
        tpu.vector_store %arg10[%swap3A_561], %add3A_560 masked %and3A_556 {strides = array<i32>} : memref<512xi32, #tpu.memory_space<vmem>>, vector<16xi32>, vector<16xi1>
        %all_reduce_population_count3A_563 = tpu.all_reduce %and3A_556 {dim = 0 : i64, kind = #tpu.reduction_kind<sum>} : vector<16xi1> -> vector<16xi32>
        %slice3A_564 = vector.extract_strided_slice %all_reduce_population_count3A_563 {offsets = [0], sizes = [1], strides = [1]} : vector<16xi32> to vector<1xi32>
        %squeeze3A_565 = vector.extract %slice3A_564[0] : i32 from vector<1xi32>
        %add3A_566 = arith.addi %add3A_548, %squeeze3A_565 : i32
        %mul3A_567 = arith.constant 160 : i32
        %mul3A_568 = arith.muli %squeeze3A_402, %mul3A_567 : i32
        %add3A_569 = arith.constant 144 : i32
        %add3A_570 = arith.addi %mul3A_568, %add3A_569 : i32
        %get3A_571 = arith.index_cast %add3A_570 : i32 to index
        %get3A_572 = tpu.vector_load %arg7[%get3A_571] {strides = array<i32>} : memref<10080xf32, #tpu.memory_space<vmem>>, vector<16xf32>,
        %ge3A_573 = arith.cmpf oge, %get3A_572, %broadcast_in_dim3A_224 : vector<16xf32>
        %and3A_574 = arith.andi %ge3A_573, %broadcast_in_dim3A_404 : vector<16xi1>
        %swap3A_575 = arith.index_cast %add3A_566 : i32 to index
        %swap3A_576 = tpu.vector_load %arg9[%swap3A_575] masked %and3A_574 {strides = array<i32>} : memref<512xf32, #tpu.memory_space<vmem>>, vector<16xf32>, vector<16xi1>
        tpu.vector_store %arg9[%swap3A_575], %get3A_572 masked %and3A_574 {strides = array<i32>} : memref<512xf32, #tpu.memory_space<vmem>>, vector<16xf32>, vector<16xi1>
        %add3A_577 = vector.broadcast %add3A_570 : i32 to vector<16xi32>
        %add3A_578 = arith.addi %add3A_577, %iota3A : vector<16xi32>
        %swap3A_579 = arith.index_cast %add3A_566 : i32 to index
        %swap3A_580 = tpu.vector_load %arg10[%swap3A_579] masked %and3A_574 {strides = array<i32>} : memref<512xi32, #tpu.memory_space<vmem>>, vector<16xi32>, vector<16xi1>
        tpu.vector_store %arg10[%swap3A_579], %add3A_578 masked %and3A_574 {strides = array<i32>} : memref<512xi32, #tpu.memory_space<vmem>>, vector<16xi32>, vector<16xi1>
        %all_reduce_population_count3A_581 = tpu.all_reduce %and3A_574 {dim = 0 : i64, kind = #tpu.reduction_kind<sum>} : vector<16xi1> -> vector<16xi32>
        %slice3A_582 = vector.extract_strided_slice %all_reduce_population_count3A_581 {offsets = [0], sizes = [1], strides = [1]} : vector<16xi32> to vector<1xi32>
        %squeeze3A_583 = vector.extract %slice3A_582[0] : i32 from vector<1xi32>
        %add3A_584 = arith.addi %add3A_566, %squeeze3A_583 : i32
        scf.yield %add3A_584, %squeeze3A_402 : i32, i32
      }
      %scan3A_232 = arith.constant 32 : i32
      %add3A_233 = arith.constant 15 : i32
      %add3A_234 = arith.addi %scan3A_231#0, %add3A_233 : i32
      %jit3A_235 = arith.constant 16 : i32
      %div3A_236 = arith.divsi %add3A_234, %jit3A_235 : i32
      %sign3A_237 = arith.constant 0 : i32
      %sign3A_238 = arith.cmpi sgt, %add3A_234, %sign3A_237 : i32
      %sign3A_239 = arith.extui %sign3A_238 : i1 to i32
      %sign3A_240 = arith.constant 0 : i32
      %sign3A_241 = arith.cmpi slt, %add3A_234, %sign3A_240 : i32
      %sign3A_242 = arith.extui %sign3A_241 : i1 to i32
      %sign3A_243 = arith.subi %sign3A_239, %sign3A_242 : i32
      %sign3A_244 = arith.constant 0 : i32
      %sign3A_245 = arith.cmpi sgt, %jit3A_235, %sign3A_244 : i32
      %sign3A_246 = arith.extui %sign3A_245 : i1 to i32
      %sign3A_247 = arith.constant 0 : i32
      %sign3A_248 = arith.cmpi slt, %jit3A_235, %sign3A_247 : i32
      %sign3A_249 = arith.extui %sign3A_248 : i1 to i32
      %sign3A_250 = arith.subi %sign3A_246, %sign3A_249 : i32
      %ne3A_251 = arith.cmpi ne, %sign3A_243, %sign3A_250 : i32
      %rem3A_252 = arith.remsi %add3A_234, %jit3A_235 : i32
      %ne3A_253 = arith.constant 0 : i32
      %ne3A_254 = arith.cmpi ne, %rem3A_252, %ne3A_253 : i32
      %and3A_255 = arith.andi %ne3A_251, %ne3A_254 : i1
      %sub3A_256 = arith.constant 1 : i32
      %sub3A_257 = arith.subi %div3A_236, %sub3A_256 : i32
      %select_n3A_258 = arith.select %and3A_255, %sub3A_257, %div3A_236 : i32
      %while3A_259 = arith.constant 0 : i32
      %while3A_260 = arith.subi %select_n3A_258, %while3A_259 : i32
      %while3A_261 = arith.addi %while3A_259, %while3A_260 : i32
      %while3A_262 = arith.constant 1 : i32
      %while3A_263 = arith.divsi %while3A_260, %while3A_262 : i32
      %while3A_264 = arith.muli %while3A_263, %while3A_262 : i32
      %while3A_265 = arith.addi %while3A_259, %while3A_264 : i32
      %while3A_266 = arith.constant 1 : i32
      %while3A_267:4 = scf.for %while3A_397 = %while3A_259 to %while3A_265 step %while3A_266 iter_args(%while3A_398 = %broadcast_in_dim3A_3, %while3A_399 = %broadcast_in_dim3A_5, %while3A_400 = %broadcast_in_dim3A_3, %while3A_401 = %broadcast_in_dim3A_5) -> (vector<16xf32>, vector<16xi32>, vector<16xf32>, vector<16xi32>)  : i32 {
        %mul3A_402 = arith.constant 16 : i32
        %mul3A_403 = arith.muli %while3A_397, %mul3A_402 : i32
        %get3A = arith.index_cast %mul3A_403 : i32 to index
        %get3A_404 = tpu.vector_load %arg9[%get3A] {strides = array<i32>} : memref<512xf32, #tpu.memory_space<vmem>>, vector<16xf32>,
        %mul3A_405 = arith.constant 16 : i32
        %mul3A_406 = arith.muli %while3A_397, %mul3A_405 : i32
        %get3A_407 = arith.index_cast %mul3A_406 : i32 to index
        %get3A_408 = tpu.vector_load %arg10[%get3A_407] {strides = array<i32>} : memref<512xi32, #tpu.memory_space<vmem>>, vector<16xi32>,
        %mul3A_409 = arith.constant 16 : i32
        %mul3A_410 = arith.muli %while3A_397, %mul3A_409 : i32
        %add3A_411 = vector.broadcast %mul3A_410 : i32 to vector<16xi32>
        %add3A_412 = arith.addi %iota3A, %add3A_411 : vector<16xi32>
        %lt3A = vector.broadcast %scan3A_231#0 : i32 to vector<16xi32>
        %lt3A_413 = arith.cmpi slt, %add3A_412, %lt3A : vector<16xi32>
        %jit3A_414 = arith.constant -1.000000e+30 : f32
        %broadcast_in_dim3A_415 = vector.broadcast %jit3A_414 : f32 to vector<16xf32>
        %select_n3A_416 = arith.select %lt3A_413, %get3A_404, %broadcast_in_dim3A_415 : vector<16xi1>, vector<16xf32>
        %masked_sort3A_417 = arith.constant dense<true> : vector<16xi1>
        %masked_sort3A_418, %masked_sort3A_419, %masked_sort3A_420 = tpu.sort %select_n3A_416, %get3A_408 masked %masked_sort3A_417 {descending = true} : (vector<16xf32>, vector<16xi32>, vector<16xi1>) -> (vector<16xi1>, vector<16xf32>, vector<16xi32>)
        %rev3A_421 = arith.constant 15 : i32
        %rev3A_422 = vector.broadcast %rev3A_421 : i32 to vector<16xi32>
        %rev3A_423 = tpu.iota {dimensions = array<i32: 0>} : vector<16xi32>
        %rev3A_424 = arith.subi %rev3A_422, %rev3A_423 : vector<16xi32>
        %rev3A_425 = tpu.dynamic_gather %masked_sort3A_419[%rev3A_424] in [0] : vector<16xf32>, vector<16xi32> -> vector<16xf32>
        %rev3A_426 = arith.constant 15 : i32
        %rev3A_427 = vector.broadcast %rev3A_426 : i32 to vector<16xi32>
        %rev3A_428 = tpu.iota {dimensions = array<i32: 0>} : vector<16xi32>
        %rev3A_429 = arith.subi %rev3A_427, %rev3A_428 : vector<16xi32>
        %rev3A_430 = tpu.dynamic_gather %masked_sort3A_420[%rev3A_429] in [0] : vector<16xi32>, vector<16xi32> -> vector<16xi32>
        %ge3A = arith.cmpf oge, %while3A_400, %rev3A_425 : vector<16xf32>
        %select_n3A_431 = arith.select %ge3A, %while3A_400, %rev3A_425 : vector<16xi1>, vector<16xf32>
        %select_n3A_432 = arith.select %ge3A, %while3A_401, %rev3A_430 : vector<16xi1>, vector<16xi32>
        %masked_sort3A_433 = arith.constant dense<true> : vector<16xi1>
        %masked_sort3A_434, %masked_sort3A_435, %masked_sort3A_436 = tpu.sort %select_n3A_431, %select_n3A_432 masked %masked_sort3A_433 {descending = true} : (vector<16xf32>, vector<16xi32>, vector<16xi1>) -> (vector<16xi1>, vector<16xf32>, vector<16xi32>)
        %rev3A_437 = arith.constant 15 : i32
        %rev3A_438 = vector.broadcast %rev3A_437 : i32 to vector<16xi32>
        %rev3A_439 = tpu.iota {dimensions = array<i32: 0>} : vector<16xi32>
        %rev3A_440 = arith.subi %rev3A_438, %rev3A_439 : vector<16xi32>
        %rev3A_441 = tpu.dynamic_gather %masked_sort3A_435[%rev3A_440] in [0] : vector<16xf32>, vector<16xi32> -> vector<16xf32>
        %rev3A_442 = arith.constant 15 : i32
        %rev3A_443 = vector.broadcast %rev3A_442 : i32 to vector<16xi32>
        %rev3A_444 = tpu.iota {dimensions = array<i32: 0>} : vector<16xi32>
        %rev3A_445 = arith.subi %rev3A_443, %rev3A_444 : vector<16xi32>
        %rev3A_446 = tpu.dynamic_gather %masked_sort3A_436[%rev3A_445] in [0] : vector<16xi32>, vector<16xi32> -> vector<16xi32>
        %ge3A_447 = arith.cmpf oge, %while3A_398, %rev3A_441 : vector<16xf32>
        %select_n3A_448 = arith.select %ge3A_447, %while3A_398, %rev3A_441 : vector<16xi1>, vector<16xf32>
        %select_n3A_449 = arith.select %ge3A_447, %while3A_399, %rev3A_446 : vector<16xi1>, vector<16xi32>
        %select_n3A_450 = arith.select %ge3A_447, %rev3A_441, %while3A_398 : vector<16xi1>, vector<16xf32>
        %select_n3A_451 = arith.select %ge3A_447, %rev3A_446, %while3A_399 : vector<16xi1>, vector<16xi32>
        %masked_sort3A_452 = arith.constant dense<true> : vector<16xi1>
        %masked_sort3A_453, %masked_sort3A_454, %masked_sort3A_455 = tpu.sort %select_n3A_448, %select_n3A_449 masked %masked_sort3A_452 {descending = true} : (vector<16xf32>, vector<16xi32>, vector<16xi1>) -> (vector<16xi1>, vector<16xf32>, vector<16xi32>)
        %masked_sort3A_456 = arith.constant dense<true> : vector<16xi1>
        %masked_sort3A_457, %masked_sort3A_458, %masked_sort3A_459 = tpu.sort %select_n3A_450, %select_n3A_451 masked %masked_sort3A_456 {descending = true} : (vector<16xf32>, vector<16xi32>, vector<16xi1>) -> (vector<16xi1>, vector<16xf32>, vector<16xi32>)
        scf.yield %masked_sort3A_454, %masked_sort3A_455, %masked_sort3A_458, %masked_sort3A_459 : vector<16xf32>, vector<16xi32>, vector<16xf32>, vector<16xi32>
      }
      %while3A_268 = arith.constant 1 : i32
      %while3A_269:4 = scf.for %while3A_397 = %while3A_265 to %while3A_261 step %while3A_268 iter_args(%while3A_398 = %while3A_267#0, %while3A_399 = %while3A_267#1, %while3A_400 = %while3A_267#2, %while3A_401 = %while3A_267#3) -> (vector<16xf32>, vector<16xi32>, vector<16xf32>, vector<16xi32>)  : i32 {
        %mul3A_402 = arith.constant 16 : i32
        %mul3A_403 = arith.muli %while3A_397, %mul3A_402 : i32
        %get3A = arith.index_cast %mul3A_403 : i32 to index
        %get3A_404 = tpu.vector_load %arg9[%get3A] {strides = array<i32>} : memref<512xf32, #tpu.memory_space<vmem>>, vector<16xf32>,
        %mul3A_405 = arith.constant 16 : i32
        %mul3A_406 = arith.muli %while3A_397, %mul3A_405 : i32
        %get3A_407 = arith.index_cast %mul3A_406 : i32 to index
        %get3A_408 = tpu.vector_load %arg10[%get3A_407] {strides = array<i32>} : memref<512xi32, #tpu.memory_space<vmem>>, vector<16xi32>,
        %mul3A_409 = arith.constant 16 : i32
        %mul3A_410 = arith.muli %while3A_397, %mul3A_409 : i32
        %add3A_411 = vector.broadcast %mul3A_410 : i32 to vector<16xi32>
        %add3A_412 = arith.addi %iota3A, %add3A_411 : vector<16xi32>
        %lt3A = vector.broadcast %scan3A_231#0 : i32 to vector<16xi32>
        %lt3A_413 = arith.cmpi slt, %add3A_412, %lt3A : vector<16xi32>
        %jit3A_414 = arith.constant -1.000000e+30 : f32
        %broadcast_in_dim3A_415 = vector.broadcast %jit3A_414 : f32 to vector<16xf32>
        %select_n3A_416 = arith.select %lt3A_413, %get3A_404, %broadcast_in_dim3A_415 : vector<16xi1>, vector<16xf32>
        %masked_sort3A_417 = arith.constant dense<true> : vector<16xi1>
        %masked_sort3A_418, %masked_sort3A_419, %masked_sort3A_420 = tpu.sort %select_n3A_416, %get3A_408 masked %masked_sort3A_417 {descending = true} : (vector<16xf32>, vector<16xi32>, vector<16xi1>) -> (vector<16xi1>, vector<16xf32>, vector<16xi32>)
        %rev3A_421 = arith.constant 15 : i32
        %rev3A_422 = vector.broadcast %rev3A_421 : i32 to vector<16xi32>
        %rev3A_423 = tpu.iota {dimensions = array<i32: 0>} : vector<16xi32>
        %rev3A_424 = arith.subi %rev3A_422, %rev3A_423 : vector<16xi32>
        %rev3A_425 = tpu.dynamic_gather %masked_sort3A_419[%rev3A_424] in [0] : vector<16xf32>, vector<16xi32> -> vector<16xf32>
        %rev3A_426 = arith.constant 15 : i32
        %rev3A_427 = vector.broadcast %rev3A_426 : i32 to vector<16xi32>
        %rev3A_428 = tpu.iota {dimensions = array<i32: 0>} : vector<16xi32>
        %rev3A_429 = arith.subi %rev3A_427, %rev3A_428 : vector<16xi32>
        %rev3A_430 = tpu.dynamic_gather %masked_sort3A_420[%rev3A_429] in [0] : vector<16xi32>, vector<16xi32> -> vector<16xi32>
        %ge3A = arith.cmpf oge, %while3A_400, %rev3A_425 : vector<16xf32>
        %select_n3A_431 = arith.select %ge3A, %while3A_400, %rev3A_425 : vector<16xi1>, vector<16xf32>
        %select_n3A_432 = arith.select %ge3A, %while3A_401, %rev3A_430 : vector<16xi1>, vector<16xi32>
        %masked_sort3A_433 = arith.constant dense<true> : vector<16xi1>
        %masked_sort3A_434, %masked_sort3A_435, %masked_sort3A_436 = tpu.sort %select_n3A_431, %select_n3A_432 masked %masked_sort3A_433 {descending = true} : (vector<16xf32>, vector<16xi32>, vector<16xi1>) -> (vector<16xi1>, vector<16xf32>, vector<16xi32>)
        %rev3A_437 = arith.constant 15 : i32
        %rev3A_438 = vector.broadcast %rev3A_437 : i32 to vector<16xi32>
        %rev3A_439 = tpu.iota {dimensions = array<i32: 0>} : vector<16xi32>
        %rev3A_440 = arith.subi %rev3A_438, %rev3A_439 : vector<16xi32>
        %rev3A_441 = tpu.dynamic_gather %masked_sort3A_435[%rev3A_440] in [0] : vector<16xf32>, vector<16xi32> -> vector<16xf32>
        %rev3A_442 = arith.constant 15 : i32
        %rev3A_443 = vector.broadcast %rev3A_442 : i32 to vector<16xi32>
        %rev3A_444 = tpu.iota {dimensions = array<i32: 0>} : vector<16xi32>
        %rev3A_445 = arith.subi %rev3A_443, %rev3A_444 : vector<16xi32>
        %rev3A_446 = tpu.dynamic_gather %masked_sort3A_436[%rev3A_445] in [0] : vector<16xi32>, vector<16xi32> -> vector<16xi32>
        %ge3A_447 = arith.cmpf oge, %while3A_398, %rev3A_441 : vector<16xf32>
        %select_n3A_448 = arith.select %ge3A_447, %while3A_398, %rev3A_441 : vector<16xi1>, vector<16xf32>
        %select_n3A_449 = arith.select %ge3A_447, %while3A_399, %rev3A_446 : vector<16xi1>, vector<16xi32>
        %select_n3A_450 = arith.select %ge3A_447, %rev3A_441, %while3A_398 : vector<16xi1>, vector<16xf32>
        %select_n3A_451 = arith.select %ge3A_447, %rev3A_446, %while3A_399 : vector<16xi1>, vector<16xi32>
        %masked_sort3A_452 = arith.constant dense<true> : vector<16xi1>
        %masked_sort3A_453, %masked_sort3A_454, %masked_sort3A_455 = tpu.sort %select_n3A_448, %select_n3A_449 masked %masked_sort3A_452 {descending = true} : (vector<16xf32>, vector<16xi32>, vector<16xi1>) -> (vector<16xi1>, vector<16xf32>, vector<16xi32>)
        %masked_sort3A_456 = arith.constant dense<true> : vector<16xi1>
        %masked_sort3A_457, %masked_sort3A_458, %masked_sort3A_459 = tpu.sort %select_n3A_450, %select_n3A_451 masked %masked_sort3A_456 {descending = true} : (vector<16xf32>, vector<16xi32>, vector<16xi1>) -> (vector<16xi1>, vector<16xf32>, vector<16xi32>)
        scf.yield %masked_sort3A_454, %masked_sort3A_455, %masked_sort3A_458, %masked_sort3A_459 : vector<16xf32>, vector<16xi32>, vector<16xf32>, vector<16xi32>
      }
      %shift_right_logical3A_270 = arith.constant 4 : i32
      %shift_right_logical3A_271 = vector.broadcast %shift_right_logical3A_270 : i32 to vector<16xi32>
      %shift_right_logical3A_272 = arith.shrui %while3A_269#1, %shift_right_logical3A_271 : vector<16xi32>
      %shift_right_logical3A_273 = arith.constant 4 : i32
      %shift_right_logical3A_274 = vector.broadcast %shift_right_logical3A_273 : i32 to vector<16xi32>
      %shift_right_logical3A_275 = arith.shrui %while3A_269#3, %shift_right_logical3A_274 : vector<16xi32>
      %masked_sort3A_276 = arith.constant dense<true> : vector<16xi1>
      %masked_sort3A_277 = arith.constant -2147483648 : i32
      %masked_sort3A_278 = vector.broadcast %masked_sort3A_277 : i32 to vector<16xi32>
      %masked_sort3A_279 = arith.xori %shift_right_logical3A_272, %masked_sort3A_278 : vector<16xi32>
      %masked_sort3A_280, %masked_sort3A_281, %masked_sort3A_282 = tpu.sort %masked_sort3A_279, %shift_right_logical3A_272 masked %masked_sort3A_276 : (vector<16xi32>, vector<16xi32>, vector<16xi1>) -> (vector<16xi1>, vector<16xi32>, vector<16xi32>)
      %masked_sort3A_283 = arith.xori %masked_sort3A_281, %masked_sort3A_278 : vector<16xi32>
      %masked_sort3A_284 = arith.constant dense<true> : vector<16xi1>
      %masked_sort3A_285 = arith.constant -2147483648 : i32
      %masked_sort3A_286 = vector.broadcast %masked_sort3A_285 : i32 to vector<16xi32>
      %masked_sort3A_287 = arith.xori %shift_right_logical3A_275, %masked_sort3A_286 : vector<16xi32>
      %masked_sort3A_288, %masked_sort3A_289, %masked_sort3A_290 = tpu.sort %masked_sort3A_287, %shift_right_logical3A_275 masked %masked_sort3A_284 : (vector<16xi32>, vector<16xi32>, vector<16xi1>) -> (vector<16xi1>, vector<16xi32>, vector<16xi32>)
      %masked_sort3A_291 = arith.xori %masked_sort3A_289, %masked_sort3A_286 : vector<16xi32>
      %rev3A_292 = arith.constant 15 : i32
      %rev3A_293 = vector.broadcast %rev3A_292 : i32 to vector<16xi32>
      %rev3A_294 = tpu.iota {dimensions = array<i32: 0>} : vector<16xi32>
      %rev3A_295 = arith.subi %rev3A_293, %rev3A_294 : vector<16xi32>
      %rev3A_296 = tpu.dynamic_gather %masked_sort3A_291[%rev3A_295] in [0] : vector<16xi32>, vector<16xi32> -> vector<16xi32>
      %min3A_297 = arith.minsi %masked_sort3A_283, %rev3A_296 : vector<16xi32>
      %max3A_298 = arith.maxsi %masked_sort3A_283, %rev3A_296 : vector<16xi32>
      %masked_sort3A_299 = arith.constant dense<true> : vector<16xi1>
      %masked_sort3A_300 = arith.constant -2147483648 : i32
      %masked_sort3A_301 = vector.broadcast %masked_sort3A_300 : i32 to vector<16xi32>
      %masked_sort3A_302 = arith.xori %min3A_297, %masked_sort3A_301 : vector<16xi32>
      %masked_sort3A_303, %masked_sort3A_304, %masked_sort3A_305 = tpu.sort %masked_sort3A_302, %min3A_297 masked %masked_sort3A_299 : (vector<16xi32>, vector<16xi32>, vector<16xi1>) -> (vector<16xi1>, vector<16xi32>, vector<16xi32>)
      %masked_sort3A_306 = arith.xori %masked_sort3A_304, %masked_sort3A_301 : vector<16xi32>
      %masked_sort3A_307 = arith.constant dense<true> : vector<16xi1>
      %masked_sort3A_308 = arith.constant -2147483648 : i32
      %masked_sort3A_309 = vector.broadcast %masked_sort3A_308 : i32 to vector<16xi32>
      %masked_sort3A_310 = arith.xori %max3A_298, %masked_sort3A_309 : vector<16xi32>
      %masked_sort3A_311, %masked_sort3A_312, %masked_sort3A_313 = tpu.sort %masked_sort3A_310, %max3A_298 masked %masked_sort3A_307 : (vector<16xi32>, vector<16xi32>, vector<16xi1>) -> (vector<16xi1>, vector<16xi32>, vector<16xi32>)
      %masked_sort3A_314 = arith.xori %masked_sort3A_312, %masked_sort3A_309 : vector<16xi32>
      %swap3A_315 = arith.constant 0 : index
      %swap3A_316 = tpu.vector_load %arg11[%swap3A_315] {strides = array<i32>} : memref<48xi32, #tpu.memory_space<vmem>>, vector<16xi32>,
      tpu.vector_store %arg11[%swap3A_315], %masked_sort3A_306 {strides = array<i32>} : memref<48xi32, #tpu.memory_space<vmem>>, vector<16xi32>,
      %swap3A_317 = arith.constant 16 : index
      %swap3A_318 = tpu.vector_load %arg11[%swap3A_317] {strides = array<i32>} : memref<48xi32, #tpu.memory_space<vmem>>, vector<16xi32>,
      tpu.vector_store %arg11[%swap3A_317], %masked_sort3A_314 {strides = array<i32>} : memref<48xi32, #tpu.memory_space<vmem>>, vector<16xi32>,
      %swap3A_319 = arith.constant 32 : index
      %swap3A_320 = tpu.vector_load %arg11[%swap3A_319] {strides = array<i32>} : memref<48xi32, #tpu.memory_space<vmem>>, vector<16xi32>,
      tpu.vector_store %arg11[%swap3A_319], %masked_sort3A_314 {strides = array<i32>} : memref<48xi32, #tpu.memory_space<vmem>>, vector<16xi32>,
      %slice3A_321 = vector.extract_strided_slice %while3A_269#2 {offsets = [13], sizes = [1], strides = [1]} : vector<16xf32> to vector<1xf32>
      %squeeze3A_322 = vector.extract %slice3A_321[0] : f32 from vector<1xf32>
      %broadcast_in_dim3A_323 = vector.broadcast %squeeze3A_322 : f32 to vector<16xf32>
      %scan3A_324 = arith.constant 0 : i32
      %scan3A_325 = arith.constant -1 : i32
      %scan3A_326 = arith.constant 0 : i32
      %scan3A_327 = arith.constant 32 : i32
      %scan3A_328 = arith.addi %scan3A_326, %scan3A_327 : i32
      %scan3A_329 = arith.constant 1 : i32
      %scan3A_330:2 = scf.for %scan3A_397 = %scan3A_326 to %scan3A_328 step %scan3A_329 iter_args(%scan3A_398 = %scan3A_324, %scan3A_399 = %scan3A_325) -> (i32, i32)  : i32 {
        %get3A = arith.index_cast %scan3A_397 : i32 to index
        %get3A_400 = tpu.vector_load %arg11[%get3A] {strides = array<i32>} : memref<48xi32, #tpu.memory_space<vmem>>, vector<16xi32>,
        %slice3A_401 = vector.extract_strided_slice %get3A_400 {offsets = [0], sizes = [1], strides = [1]} : vector<16xi32> to vector<1xi32>
        %squeeze3A_402 = vector.extract %slice3A_401[0] : i32 from vector<1xi32>
        %ne3A_403 = arith.cmpi ne, %squeeze3A_402, %scan3A_399 : i32
        %broadcast_in_dim3A_404 = vector.broadcast %ne3A_403 : i1 to vector<16xi1>
        %min3A_405 = arith.constant 336 : i32
        %min3A_406 = arith.minsi %scan3A_398, %min3A_405 : i32
        %mul3A_407 = arith.constant 160 : i32
        %mul3A_408 = arith.muli %squeeze3A_402, %mul3A_407 : i32
        %add3A_409 = arith.constant 0 : i32
        %add3A_410 = arith.addi %mul3A_408, %add3A_409 : i32
        %get3A_411 = arith.index_cast %add3A_410 : i32 to index
        %get3A_412 = tpu.vector_load %arg6[%get3A_411] {strides = array<i32>} : memref<100000xf32, #tpu.memory_space<vmem>>, vector<16xf32>,
        %ge3A = arith.cmpf oge, %get3A_412, %broadcast_in_dim3A_323 : vector<16xf32>
        %and3A_413 = arith.andi %ge3A, %broadcast_in_dim3A_404 : vector<16xi1>
        %swap3A_414 = arith.index_cast %min3A_406 : i32 to index
        %swap3A_415 = tpu.vector_load %arg9[%swap3A_414] masked %and3A_413 {strides = array<i32>} : memref<512xf32, #tpu.memory_space<vmem>>, vector<16xf32>, vector<16xi1>
        tpu.vector_store %arg9[%swap3A_414], %get3A_412 masked %and3A_413 {strides = array<i32>} : memref<512xf32, #tpu.memory_space<vmem>>, vector<16xf32>, vector<16xi1>
        %add3A_416 = vector.broadcast %add3A_410 : i32 to vector<16xi32>
        %add3A_417 = arith.addi %add3A_416, %iota3A : vector<16xi32>
        %swap3A_418 = arith.index_cast %min3A_406 : i32 to index
        %swap3A_419 = tpu.vector_load %arg10[%swap3A_418] masked %and3A_413 {strides = array<i32>} : memref<512xi32, #tpu.memory_space<vmem>>, vector<16xi32>, vector<16xi1>
        tpu.vector_store %arg10[%swap3A_418], %add3A_417 masked %and3A_413 {strides = array<i32>} : memref<512xi32, #tpu.memory_space<vmem>>, vector<16xi32>, vector<16xi1>
        %all_reduce_population_count3A = tpu.all_reduce %and3A_413 {dim = 0 : i64, kind = #tpu.reduction_kind<sum>} : vector<16xi1> -> vector<16xi32>
        %slice3A_420 = vector.extract_strided_slice %all_reduce_population_count3A {offsets = [0], sizes = [1], strides = [1]} : vector<16xi32> to vector<1xi32>
        %squeeze3A_421 = vector.extract %slice3A_420[0] : i32 from vector<1xi32>
        %add3A_422 = arith.addi %min3A_406, %squeeze3A_421 : i32
        %mul3A_423 = arith.constant 160 : i32
        %mul3A_424 = arith.muli %squeeze3A_402, %mul3A_423 : i32
        %add3A_425 = arith.constant 16 : i32
        %add3A_426 = arith.addi %mul3A_424, %add3A_425 : i32
        %get3A_427 = arith.index_cast %add3A_426 : i32 to index
        %get3A_428 = tpu.vector_load %arg6[%get3A_427] {strides = array<i32>} : memref<100000xf32, #tpu.memory_space<vmem>>, vector<16xf32>,
        %ge3A_429 = arith.cmpf oge, %get3A_428, %broadcast_in_dim3A_323 : vector<16xf32>
        %and3A_430 = arith.andi %ge3A_429, %broadcast_in_dim3A_404 : vector<16xi1>
        %swap3A_431 = arith.index_cast %add3A_422 : i32 to index
        %swap3A_432 = tpu.vector_load %arg9[%swap3A_431] masked %and3A_430 {strides = array<i32>} : memref<512xf32, #tpu.memory_space<vmem>>, vector<16xf32>, vector<16xi1>
        tpu.vector_store %arg9[%swap3A_431], %get3A_428 masked %and3A_430 {strides = array<i32>} : memref<512xf32, #tpu.memory_space<vmem>>, vector<16xf32>, vector<16xi1>
        %add3A_433 = vector.broadcast %add3A_426 : i32 to vector<16xi32>
        %add3A_434 = arith.addi %add3A_433, %iota3A : vector<16xi32>
        %swap3A_435 = arith.index_cast %add3A_422 : i32 to index
        %swap3A_436 = tpu.vector_load %arg10[%swap3A_435] masked %and3A_430 {strides = array<i32>} : memref<512xi32, #tpu.memory_space<vmem>>, vector<16xi32>, vector<16xi1>
        tpu.vector_store %arg10[%swap3A_435], %add3A_434 masked %and3A_430 {strides = array<i32>} : memref<512xi32, #tpu.memory_space<vmem>>, vector<16xi32>, vector<16xi1>
        %all_reduce_population_count3A_437 = tpu.all_reduce %and3A_430 {dim = 0 : i64, kind = #tpu.reduction_kind<sum>} : vector<16xi1> -> vector<16xi32>
        %slice3A_438 = vector.extract_strided_slice %all_reduce_population_count3A_437 {offsets = [0], sizes = [1], strides = [1]} : vector<16xi32> to vector<1xi32>
        %squeeze3A_439 = vector.extract %slice3A_438[0] : i32 from vector<1xi32>
        %add3A_440 = arith.addi %add3A_422, %squeeze3A_439 : i32
        %mul3A_441 = arith.constant 160 : i32
        %mul3A_442 = arith.muli %squeeze3A_402, %mul3A_441 : i32
        %add3A_443 = arith.constant 32 : i32
        %add3A_444 = arith.addi %mul3A_442, %add3A_443 : i32
        %get3A_445 = arith.index_cast %add3A_444 : i32 to index
        %get3A_446 = tpu.vector_load %arg6[%get3A_445] {strides = array<i32>} : memref<100000xf32, #tpu.memory_space<vmem>>, vector<16xf32>,
        %ge3A_447 = arith.cmpf oge, %get3A_446, %broadcast_in_dim3A_323 : vector<16xf32>
        %and3A_448 = arith.andi %ge3A_447, %broadcast_in_dim3A_404 : vector<16xi1>
        %swap3A_449 = arith.index_cast %add3A_440 : i32 to index
        %swap3A_450 = tpu.vector_load %arg9[%swap3A_449] masked %and3A_448 {strides = array<i32>} : memref<512xf32, #tpu.memory_space<vmem>>, vector<16xf32>, vector<16xi1>
        tpu.vector_store %arg9[%swap3A_449], %get3A_446 masked %and3A_448 {strides = array<i32>} : memref<512xf32, #tpu.memory_space<vmem>>, vector<16xf32>, vector<16xi1>
        %add3A_451 = vector.broadcast %add3A_444 : i32 to vector<16xi32>
        %add3A_452 = arith.addi %add3A_451, %iota3A : vector<16xi32>
        %swap3A_453 = arith.index_cast %add3A_440 : i32 to index
        %swap3A_454 = tpu.vector_load %arg10[%swap3A_453] masked %and3A_448 {strides = array<i32>} : memref<512xi32, #tpu.memory_space<vmem>>, vector<16xi32>, vector<16xi1>
        tpu.vector_store %arg10[%swap3A_453], %add3A_452 masked %and3A_448 {strides = array<i32>} : memref<512xi32, #tpu.memory_space<vmem>>, vector<16xi32>, vector<16xi1>
        %all_reduce_population_count3A_455 = tpu.all_reduce %and3A_448 {dim = 0 : i64, kind = #tpu.reduction_kind<sum>} : vector<16xi1> -> vector<16xi32>
        %slice3A_456 = vector.extract_strided_slice %all_reduce_population_count3A_455 {offsets = [0], sizes = [1], strides = [1]} : vector<16xi32> to vector<1xi32>
        %squeeze3A_457 = vector.extract %slice3A_456[0] : i32 from vector<1xi32>
        %add3A_458 = arith.addi %add3A_440, %squeeze3A_457 : i32
        %mul3A_459 = arith.constant 160 : i32
        %mul3A_460 = arith.muli %squeeze3A_402, %mul3A_459 : i32
        %add3A_461 = arith.constant 48 : i32
        %add3A_462 = arith.addi %mul3A_460, %add3A_461 : i32
        %get3A_463 = arith.index_cast %add3A_462 : i32 to index
        %get3A_464 = tpu.vector_load %arg6[%get3A_463] {strides = array<i32>} : memref<100000xf32, #tpu.memory_space<vmem>>, vector<16xf32>,
        %ge3A_465 = arith.cmpf oge, %get3A_464, %broadcast_in_dim3A_323 : vector<16xf32>
        %and3A_466 = arith.andi %ge3A_465, %broadcast_in_dim3A_404 : vector<16xi1>
        %swap3A_467 = arith.index_cast %add3A_458 : i32 to index
        %swap3A_468 = tpu.vector_load %arg9[%swap3A_467] masked %and3A_466 {strides = array<i32>} : memref<512xf32, #tpu.memory_space<vmem>>, vector<16xf32>, vector<16xi1>
        tpu.vector_store %arg9[%swap3A_467], %get3A_464 masked %and3A_466 {strides = array<i32>} : memref<512xf32, #tpu.memory_space<vmem>>, vector<16xf32>, vector<16xi1>
        %add3A_469 = vector.broadcast %add3A_462 : i32 to vector<16xi32>
        %add3A_470 = arith.addi %add3A_469, %iota3A : vector<16xi32>
        %swap3A_471 = arith.index_cast %add3A_458 : i32 to index
        %swap3A_472 = tpu.vector_load %arg10[%swap3A_471] masked %and3A_466 {strides = array<i32>} : memref<512xi32, #tpu.memory_space<vmem>>, vector<16xi32>, vector<16xi1>
        tpu.vector_store %arg10[%swap3A_471], %add3A_470 masked %and3A_466 {strides = array<i32>} : memref<512xi32, #tpu.memory_space<vmem>>, vector<16xi32>, vector<16xi1>
        %all_reduce_population_count3A_473 = tpu.all_reduce %and3A_466 {dim = 0 : i64, kind = #tpu.reduction_kind<sum>} : vector<16xi1> -> vector<16xi32>
        %slice3A_474 = vector.extract_strided_slice %all_reduce_population_count3A_473 {offsets = [0], sizes = [1], strides = [1]} : vector<16xi32> to vector<1xi32>
        %squeeze3A_475 = vector.extract %slice3A_474[0] : i32 from vector<1xi32>
        %add3A_476 = arith.addi %add3A_458, %squeeze3A_475 : i32
        %mul3A_477 = arith.constant 160 : i32
        %mul3A_478 = arith.muli %squeeze3A_402, %mul3A_477 : i32
        %add3A_479 = arith.constant 64 : i32
        %add3A_480 = arith.addi %mul3A_478, %add3A_479 : i32
        %get3A_481 = arith.index_cast %add3A_480 : i32 to index
        %get3A_482 = tpu.vector_load %arg6[%get3A_481] {strides = array<i32>} : memref<100000xf32, #tpu.memory_space<vmem>>, vector<16xf32>,
        %ge3A_483 = arith.cmpf oge, %get3A_482, %broadcast_in_dim3A_323 : vector<16xf32>
        %and3A_484 = arith.andi %ge3A_483, %broadcast_in_dim3A_404 : vector<16xi1>
        %swap3A_485 = arith.index_cast %add3A_476 : i32 to index
        %swap3A_486 = tpu.vector_load %arg9[%swap3A_485] masked %and3A_484 {strides = array<i32>} : memref<512xf32, #tpu.memory_space<vmem>>, vector<16xf32>, vector<16xi1>
        tpu.vector_store %arg9[%swap3A_485], %get3A_482 masked %and3A_484 {strides = array<i32>} : memref<512xf32, #tpu.memory_space<vmem>>, vector<16xf32>, vector<16xi1>
        %add3A_487 = vector.broadcast %add3A_480 : i32 to vector<16xi32>
        %add3A_488 = arith.addi %add3A_487, %iota3A : vector<16xi32>
        %swap3A_489 = arith.index_cast %add3A_476 : i32 to index
        %swap3A_490 = tpu.vector_load %arg10[%swap3A_489] masked %and3A_484 {strides = array<i32>} : memref<512xi32, #tpu.memory_space<vmem>>, vector<16xi32>, vector<16xi1>
        tpu.vector_store %arg10[%swap3A_489], %add3A_488 masked %and3A_484 {strides = array<i32>} : memref<512xi32, #tpu.memory_space<vmem>>, vector<16xi32>, vector<16xi1>
        %all_reduce_population_count3A_491 = tpu.all_reduce %and3A_484 {dim = 0 : i64, kind = #tpu.reduction_kind<sum>} : vector<16xi1> -> vector<16xi32>
        %slice3A_492 = vector.extract_strided_slice %all_reduce_population_count3A_491 {offsets = [0], sizes = [1], strides = [1]} : vector<16xi32> to vector<1xi32>
        %squeeze3A_493 = vector.extract %slice3A_492[0] : i32 from vector<1xi32>
        %add3A_494 = arith.addi %add3A_476, %squeeze3A_493 : i32
        %mul3A_495 = arith.constant 160 : i32
        %mul3A_496 = arith.muli %squeeze3A_402, %mul3A_495 : i32
        %add3A_497 = arith.constant 80 : i32
        %add3A_498 = arith.addi %mul3A_496, %add3A_497 : i32
        %get3A_499 = arith.index_cast %add3A_498 : i32 to index
        %get3A_500 = tpu.vector_load %arg6[%get3A_499] {strides = array<i32>} : memref<100000xf32, #tpu.memory_space<vmem>>, vector<16xf32>,
        %ge3A_501 = arith.cmpf oge, %get3A_500, %broadcast_in_dim3A_323 : vector<16xf32>
        %and3A_502 = arith.andi %ge3A_501, %broadcast_in_dim3A_404 : vector<16xi1>
        %swap3A_503 = arith.index_cast %add3A_494 : i32 to index
        %swap3A_504 = tpu.vector_load %arg9[%swap3A_503] masked %and3A_502 {strides = array<i32>} : memref<512xf32, #tpu.memory_space<vmem>>, vector<16xf32>, vector<16xi1>
        tpu.vector_store %arg9[%swap3A_503], %get3A_500 masked %and3A_502 {strides = array<i32>} : memref<512xf32, #tpu.memory_space<vmem>>, vector<16xf32>, vector<16xi1>
        %add3A_505 = vector.broadcast %add3A_498 : i32 to vector<16xi32>
        %add3A_506 = arith.addi %add3A_505, %iota3A : vector<16xi32>
        %swap3A_507 = arith.index_cast %add3A_494 : i32 to index
        %swap3A_508 = tpu.vector_load %arg10[%swap3A_507] masked %and3A_502 {strides = array<i32>} : memref<512xi32, #tpu.memory_space<vmem>>, vector<16xi32>, vector<16xi1>
        tpu.vector_store %arg10[%swap3A_507], %add3A_506 masked %and3A_502 {strides = array<i32>} : memref<512xi32, #tpu.memory_space<vmem>>, vector<16xi32>, vector<16xi1>
        %all_reduce_population_count3A_509 = tpu.all_reduce %and3A_502 {dim = 0 : i64, kind = #tpu.reduction_kind<sum>} : vector<16xi1> -> vector<16xi32>
        %slice3A_510 = vector.extract_strided_slice %all_reduce_population_count3A_509 {offsets = [0], sizes = [1], strides = [1]} : vector<16xi32> to vector<1xi32>
        %squeeze3A_511 = vector.extract %slice3A_510[0] : i32 from vector<1xi32>
        %add3A_512 = arith.addi %add3A_494, %squeeze3A_511 : i32
        %mul3A_513 = arith.constant 160 : i32
        %mul3A_514 = arith.muli %squeeze3A_402, %mul3A_513 : i32
        %add3A_515 = arith.constant 96 : i32
        %add3A_516 = arith.addi %mul3A_514, %add3A_515 : i32
        %get3A_517 = arith.index_cast %add3A_516 : i32 to index
        %get3A_518 = tpu.vector_load %arg6[%get3A_517] {strides = array<i32>} : memref<100000xf32, #tpu.memory_space<vmem>>, vector<16xf32>,
        %ge3A_519 = arith.cmpf oge, %get3A_518, %broadcast_in_dim3A_323 : vector<16xf32>
        %and3A_520 = arith.andi %ge3A_519, %broadcast_in_dim3A_404 : vector<16xi1>
        %swap3A_521 = arith.index_cast %add3A_512 : i32 to index
        %swap3A_522 = tpu.vector_load %arg9[%swap3A_521] masked %and3A_520 {strides = array<i32>} : memref<512xf32, #tpu.memory_space<vmem>>, vector<16xf32>, vector<16xi1>
        tpu.vector_store %arg9[%swap3A_521], %get3A_518 masked %and3A_520 {strides = array<i32>} : memref<512xf32, #tpu.memory_space<vmem>>, vector<16xf32>, vector<16xi1>
        %add3A_523 = vector.broadcast %add3A_516 : i32 to vector<16xi32>
        %add3A_524 = arith.addi %add3A_523, %iota3A : vector<16xi32>
        %swap3A_525 = arith.index_cast %add3A_512 : i32 to index
        %swap3A_526 = tpu.vector_load %arg10[%swap3A_525] masked %and3A_520 {strides = array<i32>} : memref<512xi32, #tpu.memory_space<vmem>>, vector<16xi32>, vector<16xi1>
        tpu.vector_store %arg10[%swap3A_525], %add3A_524 masked %and3A_520 {strides = array<i32>} : memref<512xi32, #tpu.memory_space<vmem>>, vector<16xi32>, vector<16xi1>
        %all_reduce_population_count3A_527 = tpu.all_reduce %and3A_520 {dim = 0 : i64, kind = #tpu.reduction_kind<sum>} : vector<16xi1> -> vector<16xi32>
        %slice3A_528 = vector.extract_strided_slice %all_reduce_population_count3A_527 {offsets = [0], sizes = [1], strides = [1]} : vector<16xi32> to vector<1xi32>
        %squeeze3A_529 = vector.extract %slice3A_528[0] : i32 from vector<1xi32>
        %add3A_530 = arith.addi %add3A_512, %squeeze3A_529 : i32
        %mul3A_531 = arith.constant 160 : i32
        %mul3A_532 = arith.muli %squeeze3A_402, %mul3A_531 : i32
        %add3A_533 = arith.constant 112 : i32
        %add3A_534 = arith.addi %mul3A_532, %add3A_533 : i32
        %get3A_535 = arith.index_cast %add3A_534 : i32 to index
        %get3A_536 = tpu.vector_load %arg6[%get3A_535] {strides = array<i32>} : memref<100000xf32, #tpu.memory_space<vmem>>, vector<16xf32>,
        %ge3A_537 = arith.cmpf oge, %get3A_536, %broadcast_in_dim3A_323 : vector<16xf32>
        %and3A_538 = arith.andi %ge3A_537, %broadcast_in_dim3A_404 : vector<16xi1>
        %swap3A_539 = arith.index_cast %add3A_530 : i32 to index
        %swap3A_540 = tpu.vector_load %arg9[%swap3A_539] masked %and3A_538 {strides = array<i32>} : memref<512xf32, #tpu.memory_space<vmem>>, vector<16xf32>, vector<16xi1>
        tpu.vector_store %arg9[%swap3A_539], %get3A_536 masked %and3A_538 {strides = array<i32>} : memref<512xf32, #tpu.memory_space<vmem>>, vector<16xf32>, vector<16xi1>
        %add3A_541 = vector.broadcast %add3A_534 : i32 to vector<16xi32>
        %add3A_542 = arith.addi %add3A_541, %iota3A : vector<16xi32>
        %swap3A_543 = arith.index_cast %add3A_530 : i32 to index
        %swap3A_544 = tpu.vector_load %arg10[%swap3A_543] masked %and3A_538 {strides = array<i32>} : memref<512xi32, #tpu.memory_space<vmem>>, vector<16xi32>, vector<16xi1>
        tpu.vector_store %arg10[%swap3A_543], %add3A_542 masked %and3A_538 {strides = array<i32>} : memref<512xi32, #tpu.memory_space<vmem>>, vector<16xi32>, vector<16xi1>
        %all_reduce_population_count3A_545 = tpu.all_reduce %and3A_538 {dim = 0 : i64, kind = #tpu.reduction_kind<sum>} : vector<16xi1> -> vector<16xi32>
        %slice3A_546 = vector.extract_strided_slice %all_reduce_population_count3A_545 {offsets = [0], sizes = [1], strides = [1]} : vector<16xi32> to vector<1xi32>
        %squeeze3A_547 = vector.extract %slice3A_546[0] : i32 from vector<1xi32>
        %add3A_548 = arith.addi %add3A_530, %squeeze3A_547 : i32
        %mul3A_549 = arith.constant 160 : i32
        %mul3A_550 = arith.muli %squeeze3A_402, %mul3A_549 : i32
        %add3A_551 = arith.constant 128 : i32
        %add3A_552 = arith.addi %mul3A_550, %add3A_551 : i32
        %get3A_553 = arith.index_cast %add3A_552 : i32 to index
        %get3A_554 = tpu.vector_load %arg6[%get3A_553] {strides = array<i32>} : memref<100000xf32, #tpu.memory_space<vmem>>, vector<16xf32>,
        %ge3A_555 = arith.cmpf oge, %get3A_554, %broadcast_in_dim3A_323 : vector<16xf32>
        %and3A_556 = arith.andi %ge3A_555, %broadcast_in_dim3A_404 : vector<16xi1>
        %swap3A_557 = arith.index_cast %add3A_548 : i32 to index
        %swap3A_558 = tpu.vector_load %arg9[%swap3A_557] masked %and3A_556 {strides = array<i32>} : memref<512xf32, #tpu.memory_space<vmem>>, vector<16xf32>, vector<16xi1>
        tpu.vector_store %arg9[%swap3A_557], %get3A_554 masked %and3A_556 {strides = array<i32>} : memref<512xf32, #tpu.memory_space<vmem>>, vector<16xf32>, vector<16xi1>
        %add3A_559 = vector.broadcast %add3A_552 : i32 to vector<16xi32>
        %add3A_560 = arith.addi %add3A_559, %iota3A : vector<16xi32>
        %swap3A_561 = arith.index_cast %add3A_548 : i32 to index
        %swap3A_562 = tpu.vector_load %arg10[%swap3A_561] masked %and3A_556 {strides = array<i32>} : memref<512xi32, #tpu.memory_space<vmem>>, vector<16xi32>, vector<16xi1>
        tpu.vector_store %arg10[%swap3A_561], %add3A_560 masked %and3A_556 {strides = array<i32>} : memref<512xi32, #tpu.memory_space<vmem>>, vector<16xi32>, vector<16xi1>
        %all_reduce_population_count3A_563 = tpu.all_reduce %and3A_556 {dim = 0 : i64, kind = #tpu.reduction_kind<sum>} : vector<16xi1> -> vector<16xi32>
        %slice3A_564 = vector.extract_strided_slice %all_reduce_population_count3A_563 {offsets = [0], sizes = [1], strides = [1]} : vector<16xi32> to vector<1xi32>
        %squeeze3A_565 = vector.extract %slice3A_564[0] : i32 from vector<1xi32>
        %add3A_566 = arith.addi %add3A_548, %squeeze3A_565 : i32
        %mul3A_567 = arith.constant 160 : i32
        %mul3A_568 = arith.muli %squeeze3A_402, %mul3A_567 : i32
        %add3A_569 = arith.constant 144 : i32
        %add3A_570 = arith.addi %mul3A_568, %add3A_569 : i32
        %get3A_571 = arith.index_cast %add3A_570 : i32 to index
        %get3A_572 = tpu.vector_load %arg6[%get3A_571] {strides = array<i32>} : memref<100000xf32, #tpu.memory_space<vmem>>, vector<16xf32>,
        %ge3A_573 = arith.cmpf oge, %get3A_572, %broadcast_in_dim3A_323 : vector<16xf32>
        %and3A_574 = arith.andi %ge3A_573, %broadcast_in_dim3A_404 : vector<16xi1>
        %swap3A_575 = arith.index_cast %add3A_566 : i32 to index
        %swap3A_576 = tpu.vector_load %arg9[%swap3A_575] masked %and3A_574 {strides = array<i32>} : memref<512xf32, #tpu.memory_space<vmem>>, vector<16xf32>, vector<16xi1>
        tpu.vector_store %arg9[%swap3A_575], %get3A_572 masked %and3A_574 {strides = array<i32>} : memref<512xf32, #tpu.memory_space<vmem>>, vector<16xf32>, vector<16xi1>
        %add3A_577 = vector.broadcast %add3A_570 : i32 to vector<16xi32>
        %add3A_578 = arith.addi %add3A_577, %iota3A : vector<16xi32>
        %swap3A_579 = arith.index_cast %add3A_566 : i32 to index
        %swap3A_580 = tpu.vector_load %arg10[%swap3A_579] masked %and3A_574 {strides = array<i32>} : memref<512xi32, #tpu.memory_space<vmem>>, vector<16xi32>, vector<16xi1>
        tpu.vector_store %arg10[%swap3A_579], %add3A_578 masked %and3A_574 {strides = array<i32>} : memref<512xi32, #tpu.memory_space<vmem>>, vector<16xi32>, vector<16xi1>
        %all_reduce_population_count3A_581 = tpu.all_reduce %and3A_574 {dim = 0 : i64, kind = #tpu.reduction_kind<sum>} : vector<16xi1> -> vector<16xi32>
        %slice3A_582 = vector.extract_strided_slice %all_reduce_population_count3A_581 {offsets = [0], sizes = [1], strides = [1]} : vector<16xi32> to vector<1xi32>
        %squeeze3A_583 = vector.extract %slice3A_582[0] : i32 from vector<1xi32>
        %add3A_584 = arith.addi %add3A_566, %squeeze3A_583 : i32
        scf.yield %add3A_584, %squeeze3A_402 : i32, i32
      }
      %scan3A_331 = arith.constant 32 : i32
      %add3A_332 = arith.constant 15 : i32
      %add3A_333 = arith.addi %scan3A_330#0, %add3A_332 : i32
      %jit3A_334 = arith.constant 16 : i32
      %div3A_335 = arith.divsi %add3A_333, %jit3A_334 : i32
      %sign3A_336 = arith.constant 0 : i32
      %sign3A_337 = arith.cmpi sgt, %add3A_333, %sign3A_336 : i32
      %sign3A_338 = arith.extui %sign3A_337 : i1 to i32
      %sign3A_339 = arith.constant 0 : i32
      %sign3A_340 = arith.cmpi slt, %add3A_333, %sign3A_339 : i32
      %sign3A_341 = arith.extui %sign3A_340 : i1 to i32
      %sign3A_342 = arith.subi %sign3A_338, %sign3A_341 : i32
      %sign3A_343 = arith.constant 0 : i32
      %sign3A_344 = arith.cmpi sgt, %jit3A_334, %sign3A_343 : i32
      %sign3A_345 = arith.extui %sign3A_344 : i1 to i32
      %sign3A_346 = arith.constant 0 : i32
      %sign3A_347 = arith.cmpi slt, %jit3A_334, %sign3A_346 : i32
      %sign3A_348 = arith.extui %sign3A_347 : i1 to i32
      %sign3A_349 = arith.subi %sign3A_345, %sign3A_348 : i32
      %ne3A_350 = arith.cmpi ne, %sign3A_342, %sign3A_349 : i32
      %rem3A_351 = arith.remsi %add3A_333, %jit3A_334 : i32
      %ne3A_352 = arith.constant 0 : i32
      %ne3A_353 = arith.cmpi ne, %rem3A_351, %ne3A_352 : i32
      %and3A_354 = arith.andi %ne3A_350, %ne3A_353 : i1
      %sub3A_355 = arith.constant 1 : i32
      %sub3A_356 = arith.subi %div3A_335, %sub3A_355 : i32
      %select_n3A_357 = arith.select %and3A_354, %sub3A_356, %div3A_335 : i32
      %while3A_358 = arith.constant 0 : i32
      %while3A_359 = arith.subi %select_n3A_357, %while3A_358 : i32
      %while3A_360 = arith.addi %while3A_358, %while3A_359 : i32
      %while3A_361 = arith.constant 1 : i32
      %while3A_362 = arith.divsi %while3A_359, %while3A_361 : i32
      %while3A_363 = arith.muli %while3A_362, %while3A_361 : i32
      %while3A_364 = arith.addi %while3A_358, %while3A_363 : i32
      %while3A_365 = arith.constant 1 : i32
      %while3A_366:4 = scf.for %while3A_397 = %while3A_358 to %while3A_364 step %while3A_365 iter_args(%while3A_398 = %broadcast_in_dim3A_3, %while3A_399 = %broadcast_in_dim3A_5, %while3A_400 = %broadcast_in_dim3A_3, %while3A_401 = %broadcast_in_dim3A_5) -> (vector<16xf32>, vector<16xi32>, vector<16xf32>, vector<16xi32>)  : i32 {
        %mul3A_402 = arith.constant 16 : i32
        %mul3A_403 = arith.muli %while3A_397, %mul3A_402 : i32
        %get3A = arith.index_cast %mul3A_403 : i32 to index
        %get3A_404 = tpu.vector_load %arg9[%get3A] {strides = array<i32>} : memref<512xf32, #tpu.memory_space<vmem>>, vector<16xf32>,
        %mul3A_405 = arith.constant 16 : i32
        %mul3A_406 = arith.muli %while3A_397, %mul3A_405 : i32
        %get3A_407 = arith.index_cast %mul3A_406 : i32 to index
        %get3A_408 = tpu.vector_load %arg10[%get3A_407] {strides = array<i32>} : memref<512xi32, #tpu.memory_space<vmem>>, vector<16xi32>,
        %mul3A_409 = arith.constant 16 : i32
        %mul3A_410 = arith.muli %while3A_397, %mul3A_409 : i32
        %add3A_411 = vector.broadcast %mul3A_410 : i32 to vector<16xi32>
        %add3A_412 = arith.addi %iota3A, %add3A_411 : vector<16xi32>
        %lt3A = vector.broadcast %scan3A_330#0 : i32 to vector<16xi32>
        %lt3A_413 = arith.cmpi slt, %add3A_412, %lt3A : vector<16xi32>
        %jit3A_414 = arith.constant -1.000000e+30 : f32
        %broadcast_in_dim3A_415 = vector.broadcast %jit3A_414 : f32 to vector<16xf32>
        %select_n3A_416 = arith.select %lt3A_413, %get3A_404, %broadcast_in_dim3A_415 : vector<16xi1>, vector<16xf32>
        %masked_sort3A_417 = arith.constant dense<true> : vector<16xi1>
        %masked_sort3A_418, %masked_sort3A_419, %masked_sort3A_420 = tpu.sort %select_n3A_416, %get3A_408 masked %masked_sort3A_417 {descending = true} : (vector<16xf32>, vector<16xi32>, vector<16xi1>) -> (vector<16xi1>, vector<16xf32>, vector<16xi32>)
        %rev3A_421 = arith.constant 15 : i32
        %rev3A_422 = vector.broadcast %rev3A_421 : i32 to vector<16xi32>
        %rev3A_423 = tpu.iota {dimensions = array<i32: 0>} : vector<16xi32>
        %rev3A_424 = arith.subi %rev3A_422, %rev3A_423 : vector<16xi32>
        %rev3A_425 = tpu.dynamic_gather %masked_sort3A_419[%rev3A_424] in [0] : vector<16xf32>, vector<16xi32> -> vector<16xf32>
        %rev3A_426 = arith.constant 15 : i32
        %rev3A_427 = vector.broadcast %rev3A_426 : i32 to vector<16xi32>
        %rev3A_428 = tpu.iota {dimensions = array<i32: 0>} : vector<16xi32>
        %rev3A_429 = arith.subi %rev3A_427, %rev3A_428 : vector<16xi32>
        %rev3A_430 = tpu.dynamic_gather %masked_sort3A_420[%rev3A_429] in [0] : vector<16xi32>, vector<16xi32> -> vector<16xi32>
        %ge3A = arith.cmpf oge, %while3A_400, %rev3A_425 : vector<16xf32>
        %select_n3A_431 = arith.select %ge3A, %while3A_400, %rev3A_425 : vector<16xi1>, vector<16xf32>
        %select_n3A_432 = arith.select %ge3A, %while3A_401, %rev3A_430 : vector<16xi1>, vector<16xi32>
        %masked_sort3A_433 = arith.constant dense<true> : vector<16xi1>
        %masked_sort3A_434, %masked_sort3A_435, %masked_sort3A_436 = tpu.sort %select_n3A_431, %select_n3A_432 masked %masked_sort3A_433 {descending = true} : (vector<16xf32>, vector<16xi32>, vector<16xi1>) -> (vector<16xi1>, vector<16xf32>, vector<16xi32>)
        %rev3A_437 = arith.constant 15 : i32
        %rev3A_438 = vector.broadcast %rev3A_437 : i32 to vector<16xi32>
        %rev3A_439 = tpu.iota {dimensions = array<i32: 0>} : vector<16xi32>
        %rev3A_440 = arith.subi %rev3A_438, %rev3A_439 : vector<16xi32>
        %rev3A_441 = tpu.dynamic_gather %masked_sort3A_435[%rev3A_440] in [0] : vector<16xf32>, vector<16xi32> -> vector<16xf32>
        %rev3A_442 = arith.constant 15 : i32
        %rev3A_443 = vector.broadcast %rev3A_442 : i32 to vector<16xi32>
        %rev3A_444 = tpu.iota {dimensions = array<i32: 0>} : vector<16xi32>
        %rev3A_445 = arith.subi %rev3A_443, %rev3A_444 : vector<16xi32>
        %rev3A_446 = tpu.dynamic_gather %masked_sort3A_436[%rev3A_445] in [0] : vector<16xi32>, vector<16xi32> -> vector<16xi32>
        %ge3A_447 = arith.cmpf oge, %while3A_398, %rev3A_441 : vector<16xf32>
        %select_n3A_448 = arith.select %ge3A_447, %while3A_398, %rev3A_441 : vector<16xi1>, vector<16xf32>
        %select_n3A_449 = arith.select %ge3A_447, %while3A_399, %rev3A_446 : vector<16xi1>, vector<16xi32>
        %select_n3A_450 = arith.select %ge3A_447, %rev3A_441, %while3A_398 : vector<16xi1>, vector<16xf32>
        %select_n3A_451 = arith.select %ge3A_447, %rev3A_446, %while3A_399 : vector<16xi1>, vector<16xi32>
        %masked_sort3A_452 = arith.constant dense<true> : vector<16xi1>
        %masked_sort3A_453, %masked_sort3A_454, %masked_sort3A_455 = tpu.sort %select_n3A_448, %select_n3A_449 masked %masked_sort3A_452 {descending = true} : (vector<16xf32>, vector<16xi32>, vector<16xi1>) -> (vector<16xi1>, vector<16xf32>, vector<16xi32>)
        %masked_sort3A_456 = arith.constant dense<true> : vector<16xi1>
        %masked_sort3A_457, %masked_sort3A_458, %masked_sort3A_459 = tpu.sort %select_n3A_450, %select_n3A_451 masked %masked_sort3A_456 {descending = true} : (vector<16xf32>, vector<16xi32>, vector<16xi1>) -> (vector<16xi1>, vector<16xf32>, vector<16xi32>)
        scf.yield %masked_sort3A_454, %masked_sort3A_455, %masked_sort3A_458, %masked_sort3A_459 : vector<16xf32>, vector<16xi32>, vector<16xf32>, vector<16xi32>
      }
      %while3A_367 = arith.constant 1 : i32
      %while3A_368:4 = scf.for %while3A_397 = %while3A_364 to %while3A_360 step %while3A_367 iter_args(%while3A_398 = %while3A_366#0, %while3A_399 = %while3A_366#1, %while3A_400 = %while3A_366#2, %while3A_401 = %while3A_366#3) -> (vector<16xf32>, vector<16xi32>, vector<16xf32>, vector<16xi32>)  : i32 {
        %mul3A_402 = arith.constant 16 : i32
        %mul3A_403 = arith.muli %while3A_397, %mul3A_402 : i32
        %get3A = arith.index_cast %mul3A_403 : i32 to index
        %get3A_404 = tpu.vector_load %arg9[%get3A] {strides = array<i32>} : memref<512xf32, #tpu.memory_space<vmem>>, vector<16xf32>,
        %mul3A_405 = arith.constant 16 : i32
        %mul3A_406 = arith.muli %while3A_397, %mul3A_405 : i32
        %get3A_407 = arith.index_cast %mul3A_406 : i32 to index
        %get3A_408 = tpu.vector_load %arg10[%get3A_407] {strides = array<i32>} : memref<512xi32, #tpu.memory_space<vmem>>, vector<16xi32>,
        %mul3A_409 = arith.constant 16 : i32
        %mul3A_410 = arith.muli %while3A_397, %mul3A_409 : i32
        %add3A_411 = vector.broadcast %mul3A_410 : i32 to vector<16xi32>
        %add3A_412 = arith.addi %iota3A, %add3A_411 : vector<16xi32>
        %lt3A = vector.broadcast %scan3A_330#0 : i32 to vector<16xi32>
        %lt3A_413 = arith.cmpi slt, %add3A_412, %lt3A : vector<16xi32>
        %jit3A_414 = arith.constant -1.000000e+30 : f32
        %broadcast_in_dim3A_415 = vector.broadcast %jit3A_414 : f32 to vector<16xf32>
        %select_n3A_416 = arith.select %lt3A_413, %get3A_404, %broadcast_in_dim3A_415 : vector<16xi1>, vector<16xf32>
        %masked_sort3A_417 = arith.constant dense<true> : vector<16xi1>
        %masked_sort3A_418, %masked_sort3A_419, %masked_sort3A_420 = tpu.sort %select_n3A_416, %get3A_408 masked %masked_sort3A_417 {descending = true} : (vector<16xf32>, vector<16xi32>, vector<16xi1>) -> (vector<16xi1>, vector<16xf32>, vector<16xi32>)
        %rev3A_421 = arith.constant 15 : i32
        %rev3A_422 = vector.broadcast %rev3A_421 : i32 to vector<16xi32>
        %rev3A_423 = tpu.iota {dimensions = array<i32: 0>} : vector<16xi32>
        %rev3A_424 = arith.subi %rev3A_422, %rev3A_423 : vector<16xi32>
        %rev3A_425 = tpu.dynamic_gather %masked_sort3A_419[%rev3A_424] in [0] : vector<16xf32>, vector<16xi32> -> vector<16xf32>
        %rev3A_426 = arith.constant 15 : i32
        %rev3A_427 = vector.broadcast %rev3A_426 : i32 to vector<16xi32>
        %rev3A_428 = tpu.iota {dimensions = array<i32: 0>} : vector<16xi32>
        %rev3A_429 = arith.subi %rev3A_427, %rev3A_428 : vector<16xi32>
        %rev3A_430 = tpu.dynamic_gather %masked_sort3A_420[%rev3A_429] in [0] : vector<16xi32>, vector<16xi32> -> vector<16xi32>
        %ge3A = arith.cmpf oge, %while3A_400, %rev3A_425 : vector<16xf32>
        %select_n3A_431 = arith.select %ge3A, %while3A_400, %rev3A_425 : vector<16xi1>, vector<16xf32>
        %select_n3A_432 = arith.select %ge3A, %while3A_401, %rev3A_430 : vector<16xi1>, vector<16xi32>
        %masked_sort3A_433 = arith.constant dense<true> : vector<16xi1>
        %masked_sort3A_434, %masked_sort3A_435, %masked_sort3A_436 = tpu.sort %select_n3A_431, %select_n3A_432 masked %masked_sort3A_433 {descending = true} : (vector<16xf32>, vector<16xi32>, vector<16xi1>) -> (vector<16xi1>, vector<16xf32>, vector<16xi32>)
        %rev3A_437 = arith.constant 15 : i32
        %rev3A_438 = vector.broadcast %rev3A_437 : i32 to vector<16xi32>
        %rev3A_439 = tpu.iota {dimensions = array<i32: 0>} : vector<16xi32>
        %rev3A_440 = arith.subi %rev3A_438, %rev3A_439 : vector<16xi32>
        %rev3A_441 = tpu.dynamic_gather %masked_sort3A_435[%rev3A_440] in [0] : vector<16xf32>, vector<16xi32> -> vector<16xf32>
        %rev3A_442 = arith.constant 15 : i32
        %rev3A_443 = vector.broadcast %rev3A_442 : i32 to vector<16xi32>
        %rev3A_444 = tpu.iota {dimensions = array<i32: 0>} : vector<16xi32>
        %rev3A_445 = arith.subi %rev3A_443, %rev3A_444 : vector<16xi32>
        %rev3A_446 = tpu.dynamic_gather %masked_sort3A_436[%rev3A_445] in [0] : vector<16xi32>, vector<16xi32> -> vector<16xi32>
        %ge3A_447 = arith.cmpf oge, %while3A_398, %rev3A_441 : vector<16xf32>
        %select_n3A_448 = arith.select %ge3A_447, %while3A_398, %rev3A_441 : vector<16xi1>, vector<16xf32>
        %select_n3A_449 = arith.select %ge3A_447, %while3A_399, %rev3A_446 : vector<16xi1>, vector<16xi32>
        %select_n3A_450 = arith.select %ge3A_447, %rev3A_441, %while3A_398 : vector<16xi1>, vector<16xf32>
        %select_n3A_451 = arith.select %ge3A_447, %rev3A_446, %while3A_399 : vector<16xi1>, vector<16xi32>
        %masked_sort3A_452 = arith.constant dense<true> : vector<16xi1>
        %masked_sort3A_453, %masked_sort3A_454, %masked_sort3A_455 = tpu.sort %select_n3A_448, %select_n3A_449 masked %masked_sort3A_452 {descending = true} : (vector<16xf32>, vector<16xi32>, vector<16xi1>) -> (vector<16xi1>, vector<16xf32>, vector<16xi32>)
        %masked_sort3A_456 = arith.constant dense<true> : vector<16xi1>
        %masked_sort3A_457, %masked_sort3A_458, %masked_sort3A_459 = tpu.sort %select_n3A_450, %select_n3A_451 masked %masked_sort3A_456 {descending = true} : (vector<16xf32>, vector<16xi32>, vector<16xi1>) -> (vector<16xi1>, vector<16xf32>, vector<16xi32>)
        scf.yield %masked_sort3A_454, %masked_sort3A_455, %masked_sort3A_458, %masked_sort3A_459 : vector<16xf32>, vector<16xi32>, vector<16xf32>, vector<16xi32>
      }
      %sub3A_369 = arith.subi %while3A_127, %mul3A_2 : i32
      %mul3A_370 = arith.constant 100000 : i32
      %mul3A_371 = arith.muli %while3A_127, %mul3A_370 : i32
      %mul3A_372 = arith.constant 32 : i32
      %mul3A_373 = arith.muli %sub3A_369, %mul3A_372 : i32
      %swap3A_374 = arith.index_cast %mul3A_373 : i32 to index
      %swap3A_375 = tpu.vector_load %arg12[%swap3A_374] {strides = array<i32>} : memref<1024xf32, #tpu.memory_space<vmem>>, vector<16xf32>,
      tpu.vector_store %arg12[%swap3A_374], %while3A_368#0 {strides = array<i32>} : memref<1024xf32, #tpu.memory_space<vmem>>, vector<16xf32>,
      %mul3A_376 = arith.constant 32 : i32
      %mul3A_377 = arith.muli %sub3A_369, %mul3A_376 : i32
      %add3A_378 = arith.constant 16 : i32
      %add3A_379 = arith.addi %mul3A_377, %add3A_378 : i32
      %swap3A_380 = arith.index_cast %add3A_379 : i32 to index
      %swap3A_381 = tpu.vector_load %arg12[%swap3A_380] {strides = array<i32>} : memref<1024xf32, #tpu.memory_space<vmem>>, vector<16xf32>,
      tpu.vector_store %arg12[%swap3A_380], %while3A_368#2 {strides = array<i32>} : memref<1024xf32, #tpu.memory_space<vmem>>, vector<16xf32>,
      %add3A_382 = vector.broadcast %mul3A_371 : i32 to vector<16xi32>
      %add3A_383 = arith.addi %while3A_368#1, %add3A_382 : vector<16xi32>
      %mul3A_384 = arith.constant 32 : i32
      %mul3A_385 = arith.muli %sub3A_369, %mul3A_384 : i32
      %swap3A_386 = arith.index_cast %mul3A_385 : i32 to index
      %swap3A_387 = tpu.vector_load %arg13[%swap3A_386] {strides = array<i32>} : memref<1024xi32, #tpu.memory_space<vmem>>, vector<16xi32>,
      tpu.vector_store %arg13[%swap3A_386], %add3A_383 {strides = array<i32>} : memref<1024xi32, #tpu.memory_space<vmem>>, vector<16xi32>,
      %add3A_388 = vector.broadcast %mul3A_371 : i32 to vector<16xi32>
      %add3A_389 = arith.addi %while3A_368#3, %add3A_388 : vector<16xi32>
      %mul3A_390 = arith.constant 32 : i32
      %mul3A_391 = arith.muli %sub3A_369, %mul3A_390 : i32
      %add3A_392 = arith.constant 16 : i32
      %add3A_393 = arith.addi %mul3A_391, %add3A_392 : i32
      %swap3A_394 = arith.index_cast %add3A_393 : i32 to index
      %swap3A_395 = tpu.vector_load %arg13[%swap3A_394] {strides = array<i32>} : memref<1024xi32, #tpu.memory_space<vmem>>, vector<16xi32>,
      tpu.vector_store %arg13[%swap3A_394], %add3A_389 {strides = array<i32>} : memref<1024xi32, #tpu.memory_space<vmem>>, vector<16xi32>,
      %while3A_396 = arith.constant 0 : i32
      scf.yield %while3A_396 : i32
    }
    %dma_start3A = arith.constant 0 : i32
    %dma_start3A_29 = tpu.memref_slice %arg14[%dma_start3A] : memref<1024xf32, #tpu.memory_space<vmem>> -> memref<128xf32, #tpu.memory_space<vmem>>
    %dma_start3A_30 = arith.constant 0 : i32
    %dma_start3A_31 = tpu.memref_slice %arg13[%dma_start3A_30] : memref<1024xi32, #tpu.memory_space<vmem>> -> memref<128xi32, #tpu.memory_space<vmem>>
    %dma_start3A_32 = arith.constant 0 : i32
    %dma_start3A_33 = tpu.memref_slice %arg3[%dma_start3A_32] : memref<102400000xf32, #tpu.memory_space<hbm>> -> memref<102400000xf32, #tpu.memory_space<hbm>>
    tpu.enqueue_indirect_dma source(%dma_start3A_33 : memref<102400000xf32, #tpu.memory_space<hbm>>) target(%dma_start3A_29 : memref<128xf32, #tpu.memory_space<vmem>>) offsets(%dma_start3A_31 : memref<128xi32, #tpu.memory_space<vmem>>) semaphore(%arg15 : memref<!tpu.dma_semaphore, #tpu.memory_space<semaphore_mem>>)
    %dma_start3A_34 = arith.constant 128 : i32
    %dma_start3A_35 = tpu.memref_slice %arg14[%dma_start3A_34] : memref<1024xf32, #tpu.memory_space<vmem>> -> memref<128xf32, #tpu.memory_space<vmem>>
    %dma_start3A_36 = arith.constant 128 : i32
    %dma_start3A_37 = tpu.memref_slice %arg13[%dma_start3A_36] : memref<1024xi32, #tpu.memory_space<vmem>> -> memref<128xi32, #tpu.memory_space<vmem>>
    %dma_start3A_38 = arith.constant 0 : i32
    %dma_start3A_39 = tpu.memref_slice %arg3[%dma_start3A_38] : memref<102400000xf32, #tpu.memory_space<hbm>> -> memref<102400000xf32, #tpu.memory_space<hbm>>
    tpu.enqueue_indirect_dma source(%dma_start3A_39 : memref<102400000xf32, #tpu.memory_space<hbm>>) target(%dma_start3A_35 : memref<128xf32, #tpu.memory_space<vmem>>) offsets(%dma_start3A_37 : memref<128xi32, #tpu.memory_space<vmem>>) semaphore(%arg15 : memref<!tpu.dma_semaphore, #tpu.memory_space<semaphore_mem>>)
    %dma_start3A_40 = arith.constant 256 : i32
    %dma_start3A_41 = tpu.memref_slice %arg14[%dma_start3A_40] : memref<1024xf32, #tpu.memory_space<vmem>> -> memref<128xf32, #tpu.memory_space<vmem>>
    %dma_start3A_42 = arith.constant 256 : i32
    %dma_start3A_43 = tpu.memref_slice %arg13[%dma_start3A_42] : memref<1024xi32, #tpu.memory_space<vmem>> -> memref<128xi32, #tpu.memory_space<vmem>>
    %dma_start3A_44 = arith.constant 0 : i32
    %dma_start3A_45 = tpu.memref_slice %arg3[%dma_start3A_44] : memref<102400000xf32, #tpu.memory_space<hbm>> -> memref<102400000xf32, #tpu.memory_space<hbm>>
    tpu.enqueue_indirect_dma source(%dma_start3A_45 : memref<102400000xf32, #tpu.memory_space<hbm>>) target(%dma_start3A_41 : memref<128xf32, #tpu.memory_space<vmem>>) offsets(%dma_start3A_43 : memref<128xi32, #tpu.memory_space<vmem>>) semaphore(%arg15 : memref<!tpu.dma_semaphore, #tpu.memory_space<semaphore_mem>>)
    %dma_start3A_46 = arith.constant 384 : i32
    %dma_start3A_47 = tpu.memref_slice %arg14[%dma_start3A_46] : memref<1024xf32, #tpu.memory_space<vmem>> -> memref<128xf32, #tpu.memory_space<vmem>>
    %dma_start3A_48 = arith.constant 384 : i32
    %dma_start3A_49 = tpu.memref_slice %arg13[%dma_start3A_48] : memref<1024xi32, #tpu.memory_space<vmem>> -> memref<128xi32, #tpu.memory_space<vmem>>
    %dma_start3A_50 = arith.constant 0 : i32
    %dma_start3A_51 = tpu.memref_slice %arg3[%dma_start3A_50] : memref<102400000xf32, #tpu.memory_space<hbm>> -> memref<102400000xf32, #tpu.memory_space<hbm>>
    tpu.enqueue_indirect_dma source(%dma_start3A_51 : memref<102400000xf32, #tpu.memory_space<hbm>>) target(%dma_start3A_47 : memref<128xf32, #tpu.memory_space<vmem>>) offsets(%dma_start3A_49 : memref<128xi32, #tpu.memory_space<vmem>>) semaphore(%arg15 : memref<!tpu.dma_semaphore, #tpu.memory_space<semaphore_mem>>)
    %dma_start3A_52 = arith.constant 512 : i32
    %dma_start3A_53 = tpu.memref_slice %arg14[%dma_start3A_52] : memref<1024xf32, #tpu.memory_space<vmem>> -> memref<128xf32, #tpu.memory_space<vmem>>
    %dma_start3A_54 = arith.constant 512 : i32
    %dma_start3A_55 = tpu.memref_slice %arg13[%dma_start3A_54] : memref<1024xi32, #tpu.memory_space<vmem>> -> memref<128xi32, #tpu.memory_space<vmem>>
    %dma_start3A_56 = arith.constant 0 : i32
    %dma_start3A_57 = tpu.memref_slice %arg3[%dma_start3A_56] : memref<102400000xf32, #tpu.memory_space<hbm>> -> memref<102400000xf32, #tpu.memory_space<hbm>>
    tpu.enqueue_indirect_dma source(%dma_start3A_57 : memref<102400000xf32, #tpu.memory_space<hbm>>) target(%dma_start3A_53 : memref<128xf32, #tpu.memory_space<vmem>>) offsets(%dma_start3A_55 : memref<128xi32, #tpu.memory_space<vmem>>) semaphore(%arg15 : memref<!tpu.dma_semaphore, #tpu.memory_space<semaphore_mem>>)
    %dma_start3A_58 = arith.constant 640 : i32
    %dma_start3A_59 = tpu.memref_slice %arg14[%dma_start3A_58] : memref<1024xf32, #tpu.memory_space<vmem>> -> memref<128xf32, #tpu.memory_space<vmem>>
    %dma_start3A_60 = arith.constant 640 : i32
    %dma_start3A_61 = tpu.memref_slice %arg13[%dma_start3A_60] : memref<1024xi32, #tpu.memory_space<vmem>> -> memref<128xi32, #tpu.memory_space<vmem>>
    %dma_start3A_62 = arith.constant 0 : i32
    %dma_start3A_63 = tpu.memref_slice %arg3[%dma_start3A_62] : memref<102400000xf32, #tpu.memory_space<hbm>> -> memref<102400000xf32, #tpu.memory_space<hbm>>
    tpu.enqueue_indirect_dma source(%dma_start3A_63 : memref<102400000xf32, #tpu.memory_space<hbm>>) target(%dma_start3A_59 : memref<128xf32, #tpu.memory_space<vmem>>) offsets(%dma_start3A_61 : memref<128xi32, #tpu.memory_space<vmem>>) semaphore(%arg15 : memref<!tpu.dma_semaphore, #tpu.memory_space<semaphore_mem>>)
    %dma_start3A_64 = arith.constant 768 : i32
    %dma_start3A_65 = tpu.memref_slice %arg14[%dma_start3A_64] : memref<1024xf32, #tpu.memory_space<vmem>> -> memref<128xf32, #tpu.memory_space<vmem>>
    %dma_start3A_66 = arith.constant 768 : i32
    %dma_start3A_67 = tpu.memref_slice %arg13[%dma_start3A_66] : memref<1024xi32, #tpu.memory_space<vmem>> -> memref<128xi32, #tpu.memory_space<vmem>>
    %dma_start3A_68 = arith.constant 0 : i32
    %dma_start3A_69 = tpu.memref_slice %arg3[%dma_start3A_68] : memref<102400000xf32, #tpu.memory_space<hbm>> -> memref<102400000xf32, #tpu.memory_space<hbm>>
    tpu.enqueue_indirect_dma source(%dma_start3A_69 : memref<102400000xf32, #tpu.memory_space<hbm>>) target(%dma_start3A_65 : memref<128xf32, #tpu.memory_space<vmem>>) offsets(%dma_start3A_67 : memref<128xi32, #tpu.memory_space<vmem>>) semaphore(%arg15 : memref<!tpu.dma_semaphore, #tpu.memory_space<semaphore_mem>>)
    %dma_start3A_70 = arith.constant 896 : i32
    %dma_start3A_71 = tpu.memref_slice %arg14[%dma_start3A_70] : memref<1024xf32, #tpu.memory_space<vmem>> -> memref<128xf32, #tpu.memory_space<vmem>>
    %dma_start3A_72 = arith.constant 896 : i32
    %dma_start3A_73 = tpu.memref_slice %arg13[%dma_start3A_72] : memref<1024xi32, #tpu.memory_space<vmem>> -> memref<128xi32, #tpu.memory_space<vmem>>
    %dma_start3A_74 = arith.constant 0 : i32
    %dma_start3A_75 = tpu.memref_slice %arg3[%dma_start3A_74] : memref<102400000xf32, #tpu.memory_space<hbm>> -> memref<102400000xf32, #tpu.memory_space<hbm>>
    tpu.enqueue_indirect_dma source(%dma_start3A_75 : memref<102400000xf32, #tpu.memory_space<hbm>>) target(%dma_start3A_71 : memref<128xf32, #tpu.memory_space<vmem>>) offsets(%dma_start3A_73 : memref<128xi32, #tpu.memory_space<vmem>>) semaphore(%arg15 : memref<!tpu.dma_semaphore, #tpu.memory_space<semaphore_mem>>)
    %dma_wait3A = arith.constant 0 : i32
    %dma_wait3A_76 = tpu.memref_slice %arg14[%dma_wait3A] : memref<1024xf32, #tpu.memory_space<vmem>> -> memref<128xf32, #tpu.memory_space<vmem>>
    %dma_wait3A_77 = arith.constant 0 : i32
    %dma_wait3A_78 = tpu.memref_slice %arg13[%dma_wait3A_77] : memref<1024xi32, #tpu.memory_space<vmem>> -> memref<128xi32, #tpu.memory_space<vmem>>
    %dma_wait3A_79 = arith.constant 0 : i32
    %dma_wait3A_80 = tpu.memref_slice %arg3[%dma_wait3A_79] : memref<102400000xf32, #tpu.memory_space<hbm>> -> memref<102400000xf32, #tpu.memory_space<hbm>>
    tpu.wait_indirect_dma semaphore(%arg15 : memref<!tpu.dma_semaphore, #tpu.memory_space<semaphore_mem>>) src(%dma_wait3A_80 : memref<102400000xf32, #tpu.memory_space<hbm>>) dst(%dma_wait3A_76 : memref<128xf32, #tpu.memory_space<vmem>>)
    %dma_wait3A_81 = arith.constant 128 : i32
    %dma_wait3A_82 = tpu.memref_slice %arg14[%dma_wait3A_81] : memref<1024xf32, #tpu.memory_space<vmem>> -> memref<128xf32, #tpu.memory_space<vmem>>
    %dma_wait3A_83 = arith.constant 128 : i32
    %dma_wait3A_84 = tpu.memref_slice %arg13[%dma_wait3A_83] : memref<1024xi32, #tpu.memory_space<vmem>> -> memref<128xi32, #tpu.memory_space<vmem>>
    %dma_wait3A_85 = arith.constant 0 : i32
    %dma_wait3A_86 = tpu.memref_slice %arg3[%dma_wait3A_85] : memref<102400000xf32, #tpu.memory_space<hbm>> -> memref<102400000xf32, #tpu.memory_space<hbm>>
    tpu.wait_indirect_dma semaphore(%arg15 : memref<!tpu.dma_semaphore, #tpu.memory_space<semaphore_mem>>) src(%dma_wait3A_86 : memref<102400000xf32, #tpu.memory_space<hbm>>) dst(%dma_wait3A_82 : memref<128xf32, #tpu.memory_space<vmem>>)
    %dma_wait3A_87 = arith.constant 256 : i32
    %dma_wait3A_88 = tpu.memref_slice %arg14[%dma_wait3A_87] : memref<1024xf32, #tpu.memory_space<vmem>> -> memref<128xf32, #tpu.memory_space<vmem>>
    %dma_wait3A_89 = arith.constant 256 : i32
    %dma_wait3A_90 = tpu.memref_slice %arg13[%dma_wait3A_89] : memref<1024xi32, #tpu.memory_space<vmem>> -> memref<128xi32, #tpu.memory_space<vmem>>
    %dma_wait3A_91 = arith.constant 0 : i32
    %dma_wait3A_92 = tpu.memref_slice %arg3[%dma_wait3A_91] : memref<102400000xf32, #tpu.memory_space<hbm>> -> memref<102400000xf32, #tpu.memory_space<hbm>>
    tpu.wait_indirect_dma semaphore(%arg15 : memref<!tpu.dma_semaphore, #tpu.memory_space<semaphore_mem>>) src(%dma_wait3A_92 : memref<102400000xf32, #tpu.memory_space<hbm>>) dst(%dma_wait3A_88 : memref<128xf32, #tpu.memory_space<vmem>>)
    %dma_wait3A_93 = arith.constant 384 : i32
    %dma_wait3A_94 = tpu.memref_slice %arg14[%dma_wait3A_93] : memref<1024xf32, #tpu.memory_space<vmem>> -> memref<128xf32, #tpu.memory_space<vmem>>
    %dma_wait3A_95 = arith.constant 384 : i32
    %dma_wait3A_96 = tpu.memref_slice %arg13[%dma_wait3A_95] : memref<1024xi32, #tpu.memory_space<vmem>> -> memref<128xi32, #tpu.memory_space<vmem>>
    %dma_wait3A_97 = arith.constant 0 : i32
    %dma_wait3A_98 = tpu.memref_slice %arg3[%dma_wait3A_97] : memref<102400000xf32, #tpu.memory_space<hbm>> -> memref<102400000xf32, #tpu.memory_space<hbm>>
    tpu.wait_indirect_dma semaphore(%arg15 : memref<!tpu.dma_semaphore, #tpu.memory_space<semaphore_mem>>) src(%dma_wait3A_98 : memref<102400000xf32, #tpu.memory_space<hbm>>) dst(%dma_wait3A_94 : memref<128xf32, #tpu.memory_space<vmem>>)
    %dma_wait3A_99 = arith.constant 512 : i32
    %dma_wait3A_100 = tpu.memref_slice %arg14[%dma_wait3A_99] : memref<1024xf32, #tpu.memory_space<vmem>> -> memref<128xf32, #tpu.memory_space<vmem>>
    %dma_wait3A_101 = arith.constant 512 : i32
    %dma_wait3A_102 = tpu.memref_slice %arg13[%dma_wait3A_101] : memref<1024xi32, #tpu.memory_space<vmem>> -> memref<128xi32, #tpu.memory_space<vmem>>
    %dma_wait3A_103 = arith.constant 0 : i32
    %dma_wait3A_104 = tpu.memref_slice %arg3[%dma_wait3A_103] : memref<102400000xf32, #tpu.memory_space<hbm>> -> memref<102400000xf32, #tpu.memory_space<hbm>>
    tpu.wait_indirect_dma semaphore(%arg15 : memref<!tpu.dma_semaphore, #tpu.memory_space<semaphore_mem>>) src(%dma_wait3A_104 : memref<102400000xf32, #tpu.memory_space<hbm>>) dst(%dma_wait3A_100 : memref<128xf32, #tpu.memory_space<vmem>>)
    %dma_wait3A_105 = arith.constant 640 : i32
    %dma_wait3A_106 = tpu.memref_slice %arg14[%dma_wait3A_105] : memref<1024xf32, #tpu.memory_space<vmem>> -> memref<128xf32, #tpu.memory_space<vmem>>
    %dma_wait3A_107 = arith.constant 640 : i32
    %dma_wait3A_108 = tpu.memref_slice %arg13[%dma_wait3A_107] : memref<1024xi32, #tpu.memory_space<vmem>> -> memref<128xi32, #tpu.memory_space<vmem>>
    %dma_wait3A_109 = arith.constant 0 : i32
    %dma_wait3A_110 = tpu.memref_slice %arg3[%dma_wait3A_109] : memref<102400000xf32, #tpu.memory_space<hbm>> -> memref<102400000xf32, #tpu.memory_space<hbm>>
    tpu.wait_indirect_dma semaphore(%arg15 : memref<!tpu.dma_semaphore, #tpu.memory_space<semaphore_mem>>) src(%dma_wait3A_110 : memref<102400000xf32, #tpu.memory_space<hbm>>) dst(%dma_wait3A_106 : memref<128xf32, #tpu.memory_space<vmem>>)
    %dma_wait3A_111 = arith.constant 768 : i32
    %dma_wait3A_112 = tpu.memref_slice %arg14[%dma_wait3A_111] : memref<1024xf32, #tpu.memory_space<vmem>> -> memref<128xf32, #tpu.memory_space<vmem>>
    %dma_wait3A_113 = arith.constant 768 : i32
    %dma_wait3A_114 = tpu.memref_slice %arg13[%dma_wait3A_113] : memref<1024xi32, #tpu.memory_space<vmem>> -> memref<128xi32, #tpu.memory_space<vmem>>
    %dma_wait3A_115 = arith.constant 0 : i32
    %dma_wait3A_116 = tpu.memref_slice %arg3[%dma_wait3A_115] : memref<102400000xf32, #tpu.memory_space<hbm>> -> memref<102400000xf32, #tpu.memory_space<hbm>>
    tpu.wait_indirect_dma semaphore(%arg15 : memref<!tpu.dma_semaphore, #tpu.memory_space<semaphore_mem>>) src(%dma_wait3A_116 : memref<102400000xf32, #tpu.memory_space<hbm>>) dst(%dma_wait3A_112 : memref<128xf32, #tpu.memory_space<vmem>>)
    %dma_wait3A_117 = arith.constant 896 : i32
    %dma_wait3A_118 = tpu.memref_slice %arg14[%dma_wait3A_117] : memref<1024xf32, #tpu.memory_space<vmem>> -> memref<128xf32, #tpu.memory_space<vmem>>
    %dma_wait3A_119 = arith.constant 896 : i32
    %dma_wait3A_120 = tpu.memref_slice %arg13[%dma_wait3A_119] : memref<1024xi32, #tpu.memory_space<vmem>> -> memref<128xi32, #tpu.memory_space<vmem>>
    %dma_wait3A_121 = arith.constant 0 : i32
    %dma_wait3A_122 = tpu.memref_slice %arg3[%dma_wait3A_121] : memref<102400000xf32, #tpu.memory_space<hbm>> -> memref<102400000xf32, #tpu.memory_space<hbm>>
    tpu.wait_indirect_dma semaphore(%arg15 : memref<!tpu.dma_semaphore, #tpu.memory_space<semaphore_mem>>) src(%dma_wait3A_122 : memref<102400000xf32, #tpu.memory_space<hbm>>) dst(%dma_wait3A_118 : memref<128xf32, #tpu.memory_space<vmem>>)
    %mul3A_123 = arith.constant 32 : i32
    %mul3A_124 = arith.muli %add3A, %mul3A_123 : i32
    %mul3A_125 = arith.constant 32 : i32
    %mul3A_126 = arith.muli %mul3A_124, %mul3A_125 : i32
    "tpu.region"() ({
      %run_scoped3A = tpu.sem_alloc : memref<!tpu.dma_semaphore, #tpu.memory_space<semaphore_mem>>
      %dma_start3A_127 = tpu.memref_slice %arg4[%mul3A_126] : memref<32768xf32, #tpu.memory_space<hbm>> -> memref<1024xf32, #tpu.memory_space<hbm>>
      %dma_start3A_128 = tpu.memref_slice %arg4[%mul3A_126] : memref<32768xf32, #tpu.memory_space<hbm>> -> memref<1024xf32, #tpu.memory_space<hbm>>
      tpu.enqueue_dma source(%arg12 : memref<1024xf32, #tpu.memory_space<vmem>>) target(%dma_start3A_128 : memref<1024xf32, #tpu.memory_space<hbm>>) target_semaphore(%run_scoped3A : memref<!tpu.dma_semaphore, #tpu.memory_space<semaphore_mem>>)
      %dma_wait3A_129 = tpu.memref_slice %arg4[%mul3A_126] : memref<32768xf32, #tpu.memory_space<hbm>> -> memref<1024xf32, #tpu.memory_space<hbm>>
      %dma_wait3A_130 = tpu.memref_slice %arg4[%mul3A_126] : memref<32768xf32, #tpu.memory_space<hbm>> -> memref<1024xf32, #tpu.memory_space<hbm>>
      tpu.wait_dma2 semaphore(%run_scoped3A : memref<!tpu.dma_semaphore, #tpu.memory_space<semaphore_mem>>) src(%arg12 : memref<1024xf32, #tpu.memory_space<vmem>>) dst(%dma_wait3A_130 : memref<1024xf32, #tpu.memory_space<hbm>>)
      tpu.yield
    }) : () -> ()
    "tpu.region"() ({
      %run_scoped3A = tpu.sem_alloc : memref<!tpu.dma_semaphore, #tpu.memory_space<semaphore_mem>>
      %dma_start3A_127 = tpu.memref_slice %arg5[%mul3A_126] : memref<32768xf32, #tpu.memory_space<hbm>> -> memref<1024xf32, #tpu.memory_space<hbm>>
      %dma_start3A_128 = tpu.memref_slice %arg5[%mul3A_126] : memref<32768xf32, #tpu.memory_space<hbm>> -> memref<1024xf32, #tpu.memory_space<hbm>>
      tpu.enqueue_dma source(%arg14 : memref<1024xf32, #tpu.memory_space<vmem>>) target(%dma_start3A_128 : memref<1024xf32, #tpu.memory_space<hbm>>) target_semaphore(%run_scoped3A : memref<!tpu.dma_semaphore, #tpu.memory_space<semaphore_mem>>)
      %dma_wait3A_129 = tpu.memref_slice %arg5[%mul3A_126] : memref<32768xf32, #tpu.memory_space<hbm>> -> memref<1024xf32, #tpu.memory_space<hbm>>
      %dma_wait3A_130 = tpu.memref_slice %arg5[%mul3A_126] : memref<32768xf32, #tpu.memory_space<hbm>> -> memref<1024xf32, #tpu.memory_space<hbm>>
      tpu.wait_dma2 semaphore(%run_scoped3A : memref<!tpu.dma_semaphore, #tpu.memory_space<semaphore_mem>>) src(%arg14 : memref<1024xf32, #tpu.memory_space<vmem>>) dst(%dma_wait3A_130 : memref<1024xf32, #tpu.memory_space<hbm>>)
      tpu.yield
    }) : () -> ()
    return
  }
}

module attributes {stable_mosaic.version = 14 : i64} {
  func.func @_tc_body(%arg0: memref<1024x32xf32, #tpu.memory_space<vmem>>, %arg1: memref<1024x32xf32, #tpu.memory_space<vmem>>, %arg2: memref<1x1xf32, #tpu.memory_space<vmem>>) attributes {dimension_semantics = [], scalar_prefetch = 0 : i64, scratch_operands = 0 : i64, tpu.core_type = #tpu.core_type<tc>} {
    %get3A = arith.constant 0 : index
    %get3A_0 = arith.constant 0 : index
    %get3A_1 = vector.load %arg0[%get3A, %get3A_0] : memref<1024x32xf32, #tpu.memory_space<vmem>>, vector<1024x32xf32>
    %get3A_2 = arith.constant 0 : index
    %get3A_3 = arith.constant 0 : index
    %get3A_4 = vector.load %arg1[%get3A_2, %get3A_3] : memref<1024x32xf32, #tpu.memory_space<vmem>>, vector<1024x32xf32>
    %iota3A = tpu.iota {dimensions = array<i32: 1>} : vector<1024x32xi32>
    %lt3A = arith.constant 30 : i32
    %lt3A_5 = vector.broadcast %lt3A : i32 to vector<1024x32xi32>
    %lt3A_6 = arith.cmpi slt, %iota3A, %lt3A_5 : vector<1024x32xi32>
    %jit3A = arith.constant -1.000000e+30 : f32
    %broadcast_in_dim3A = vector.broadcast %jit3A : f32 to vector<1024x32xf32>
    %select_n3A = arith.select %lt3A_6, %get3A_1, %broadcast_in_dim3A : vector<1024x32xi1>, vector<1024x32xf32>
    %jit3A_7 = arith.constant -1.000000e+30 : f32
    %broadcast_in_dim3A_8 = vector.broadcast %jit3A_7 : f32 to vector<1024x32xf32>
    %select_n3A_9 = arith.select %lt3A_6, %get3A_4, %broadcast_in_dim3A_8 : vector<1024x32xi1>, vector<1024x32xf32>
    %reduce_max3A = arith.constant dense<0xFF800000> : vector<1024xf32>
    %reduce_max3A_10 = vector.multi_reduction <maximumf>, %select_n3A, %reduce_max3A [1] : vector<1024x32xf32> to vector<1024xf32>
    %broadcast_in_dim3A_11 = vector.shape_cast %reduce_max3A_10 : vector<1024xf32> to vector<1024x1xf32>
    %reduce_max3A_12 = arith.constant dense<0xFF800000> : vector<1024xf32>
    %reduce_max3A_13 = vector.multi_reduction <maximumf>, %select_n3A_9, %reduce_max3A_12 [1] : vector<1024x32xf32> to vector<1024xf32>
    %broadcast_in_dim3A_14 = vector.shape_cast %reduce_max3A_13 : vector<1024xf32> to vector<1024x1xf32>
    %sub3A = vector.broadcast %broadcast_in_dim3A_11 : vector<1024x1xf32> to vector<1024x32xf32>
    %sub3A_15 = arith.subf %select_n3A, %sub3A : vector<1024x32xf32>
    %exp3A = math.exp %sub3A_15 : vector<1024x32xf32>
    %jit3A_16 = arith.constant 0.000000e+00 : f32
    %broadcast_in_dim3A_17 = vector.broadcast %jit3A_16 : f32 to vector<1024x32xf32>
    %select_n3A_18 = arith.select %lt3A_6, %exp3A, %broadcast_in_dim3A_17 : vector<1024x32xi1>, vector<1024x32xf32>
    %sub3A_19 = vector.broadcast %broadcast_in_dim3A_14 : vector<1024x1xf32> to vector<1024x32xf32>
    %sub3A_20 = arith.subf %select_n3A_9, %sub3A_19 : vector<1024x32xf32>
    %exp3A_21 = math.exp %sub3A_20 : vector<1024x32xf32>
    %jit3A_22 = arith.constant 0.000000e+00 : f32
    %broadcast_in_dim3A_23 = vector.broadcast %jit3A_22 : f32 to vector<1024x32xf32>
    %select_n3A_24 = arith.select %lt3A_6, %exp3A_21, %broadcast_in_dim3A_23 : vector<1024x32xi1>, vector<1024x32xf32>
    %reduce_sum3A = arith.constant dense<0.000000e+00> : vector<1024xf32>
    %reduce_sum3A_25 = vector.multi_reduction <add>, %select_n3A_18, %reduce_sum3A [1] : vector<1024x32xf32> to vector<1024xf32>
    %broadcast_in_dim3A_26 = vector.shape_cast %reduce_sum3A_25 : vector<1024xf32> to vector<1024x1xf32>
    %reduce_sum3A_27 = arith.constant dense<0.000000e+00> : vector<1024xf32>
    %reduce_sum3A_28 = vector.multi_reduction <add>, %select_n3A_24, %reduce_sum3A_27 [1] : vector<1024x32xf32> to vector<1024xf32>
    %broadcast_in_dim3A_29 = vector.shape_cast %reduce_sum3A_28 : vector<1024xf32> to vector<1024x1xf32>
    %sub3A_30 = vector.broadcast %broadcast_in_dim3A_11 : vector<1024x1xf32> to vector<1024x32xf32>
    %sub3A_31 = arith.subf %select_n3A, %sub3A_30 : vector<1024x32xf32>
    %log3A = math.log %broadcast_in_dim3A_26 : vector<1024x1xf32>
    %sub3A_32 = vector.broadcast %log3A : vector<1024x1xf32> to vector<1024x32xf32>
    %sub3A_33 = arith.subf %sub3A_31, %sub3A_32 : vector<1024x32xf32>
    %sub3A_34 = vector.broadcast %broadcast_in_dim3A_14 : vector<1024x1xf32> to vector<1024x32xf32>
    %sub3A_35 = arith.subf %select_n3A_9, %sub3A_34 : vector<1024x32xf32>
    %log3A_36 = math.log %broadcast_in_dim3A_29 : vector<1024x1xf32>
    %sub3A_37 = vector.broadcast %log3A_36 : vector<1024x1xf32> to vector<1024x32xf32>
    %sub3A_38 = arith.subf %sub3A_35, %sub3A_37 : vector<1024x32xf32>
    %div3A = vector.broadcast %broadcast_in_dim3A_26 : vector<1024x1xf32> to vector<1024x32xf32>
    %div3A_39 = arith.divf %select_n3A_18, %div3A : vector<1024x32xf32>
    %sub3A_40 = arith.subf %sub3A_33, %sub3A_38 : vector<1024x32xf32>
    %mul3A = arith.mulf %div3A_39, %sub3A_40 : vector<1024x32xf32>
    %jit3A_41 = arith.constant 0.000000e+00 : f32
    %broadcast_in_dim3A_42 = vector.broadcast %jit3A_41 : f32 to vector<1024x32xf32>
    %select_n3A_43 = arith.select %lt3A_6, %mul3A, %broadcast_in_dim3A_42 : vector<1024x32xi1>, vector<1024x32xf32>
    %reduce_sum3A_44 = vector.shape_cast %select_n3A_43 : vector<1024x32xf32> to vector<1x1024x32xf32>
    %reduce_sum3A_45 = arith.constant dense<0.000000e+00> : vector<1xf32>
    %reduce_sum3A_46 = vector.multi_reduction <add>, %reduce_sum3A_44, %reduce_sum3A_45 [1, 2] : vector<1x1024x32xf32> to vector<1xf32>
    %reduce_sum3A_47 = vector.shape_cast %reduce_sum3A_46 : vector<1xf32> to vector<1x1x1xf32>
    %reduce_sum3A_48 = vector.extract %reduce_sum3A_47[0, 0, 0] : f32 from vector<1x1x1xf32>
    %div3A_49 = arith.constant 1.024000e+03 : f32
    %div3A_50 = arith.divf %reduce_sum3A_48, %div3A_49 : f32
    %broadcast_in_dim3A_51 = vector.broadcast %div3A_50 : f32 to vector<1x1xf32>
    %swap3A = arith.constant 0 : index
    %swap3A_52 = arith.constant 0 : index
    %swap3A_53 = vector.load %arg2[%swap3A, %swap3A_52] : memref<1x1xf32, #tpu.memory_space<vmem>>, vector<1x1xf32>
    tpu.vector_store %arg2[%swap3A, %swap3A_52], %broadcast_in_dim3A_51 {strides = array<i32>} : memref<1x1xf32, #tpu.memory_space<vmem>>, vector<1x1xf32>,
    return
  }
}

</mosaic_0001>

<sc_bundles>
// kernel: kernel.4.cloned.1.call-start
scs
__scs_entry_jumppad:
0x0: {  	(pc) =	sbr.rel $0x88, $3  }
0x1: {  	(tag) =	ssettag $0x0;
	lr =	simm.s32 $0x1  }
0x2: {  	[smem:$0x3F9F] =	sst lr;
	_ =	strace $0xD0000000  }
0x3: {  	_ = 	snop  }
0x4: {  	_ = 	snop  }
0x5: {  	_ = 	snop  }
0x6: {  	_ = 	snop  }
0x7: {  	_ = 	snop  }
__scs_overlays_trampoline_lowered:
0x8: {  	[smem:$0x3FAE] =	sst s0  }
0x9: {  	[smem:$0x3FAF] =	sst s1  }
0xa: {  	[smem:$0x3FB0] =	sst s2  }
0xb: {  	[smem:$0x3FB1] =	sst s3  }
0xc: {  	[smem:$0x3FB2] =	sst s4  }
0xd: {  	[smem:$0x3FB3] =	sst s5  }
0xe: {  	[smem:$0x3FB4] =	sst s6  }
0xf: {  	[smem:$0x3FB5] =	sst s7  }
0x10: {  	[smem:$0x3FB6] =	sst s8  }
0x11: {  	[smem:$0x3FB7] =	sst s9;
	s0 =	simm.s32 @!p0 $0x0  }
0x12: {  	s1 =	sld [smem:$0x3F9D];
	s0 =	simm.s32 @p0 $0x1  }
0x13: {  	[smem:$0x3FB8] =	sst s0;
	s0 =	simm.s32 @!p1 $0x0  }
0x14: {  	s2 =	sld [smem:$0x3F9C];
	s0 =	simm.s32 @p1 $0x1  }
0x15: {  	[smem:$0x3FB9] =	sst s0;
	s0 =	simm.s32 @!p2 $0x0  }
0x16: {  	s3 =	sld [smem:$0x3FDB];
	s0 =	simm.s32 @p2 $0x1  }
0x17: {  	s4 =	simm.s32 $0x1BF5;
	[smem:$0x3FBB] =	sst s0  }
0x18: {  	s0 =	sld [smem:$0x3F9E];
	_ =	swait.ge [sflag:s4], $0x0  }
0x19: {  	s7 =	sld [smem:$0x3F9F]  }
0x1a: {  	s8 =	sadd.s32 $0xFFFFE003, lr  }
0x1b: {  	s9 =	sadd.s32 $0xFFFFFEF7, lr;
	s5 =	simm.s32 $0xFFFFFFFF;
	p2 =	slt.u32 s8, $0xFFFFF086  }
0x1c: {  	p1 =	slt.u32 s9, $0xF7A;
	s5 =	simm.s32 @!p2 $0x0  }
0x1d: {  	s5 =	simm.s32 @p1 $0x1;
	p0 =	seq.s32 s7, s2  }
0x1e: {  	s7 =	smul.u32 @!p0 $0xF7A, s2;
	p2 =	seq.s32 @!p0 s5, $0x0  }
0x1f: {  	s9 =	smul.u32 $0xF7A, s1;
	s8 =	simm.s32 @!p0 $0x1BF5;
	p2 =	por !p2, p0  }
0x20: {  	[sflag:s8] =	ssyncset.s32 @!p0 $0xFFFFF086;
	s6 =	sadd.s32 @!p0 s3, s7;
	s7 =	simm.s32 @!p0 $0x108  }
0x21: {  	s3 =	sadd.s32 s3, s9;
	s6 =	sadd.s32 @!p0 $0x88, s6;
	s7 =	simm.s32 @p2 $0x1082  }
0x22: {  	[simem:s7], [sflag:s8] =	dma.local @!p0 [hbm:s6], $0xF7A  }
0x23: {  	s9 =	sor.u32 $0xD0000000, s2;
	s6 =	simm.s32 $0x108;
	_ =	swait.ge @!p0 [sflag:s8], $0x0  }
0x24: {  	s3 =	sadd.s32 $0x88, s3;
	s6 =	simm.s32 @!p1 $0x1082;
	[sflag:s4] =	ssyncset.s32 $0xFFFFF086  }
0x25: {  	[simem:s6], [sflag:s4] =	dma.local [hbm:s3], $0xF7A  }
0x26: {  	[smem:$0x3F9F] =	sst s1;
	(tag) =	ssettag s2;
	_ =	strace s9  }
0x27: {  	s1 =	sld [smem:$0x3FAF]  }
0x28: {  	s2 =	sld [smem:$0x3FB0]  }
0x29: {  	s4 =	sld [smem:$0x3FB2]  }
0x2a: {  	p0 =	seq.s32 s5, $0x0;
	s5 =	sld [smem:$0x3FB3]  }
0x2b: {  	s6 =	sld [smem:$0x3FB4]  }
0x2c: {  	s7 =	sld [smem:$0x3FB5]  }
0x2d: {  	s3 =	simm.s32 $0x108;
	s8 =	sld [smem:$0x3FB6]  }
0x2e: {  	s3 =	simm.s32 @!p0 $0x1082;
	s9 =	sld [smem:$0x3FB7]  }
0x2f: {  	lr =	sadd.s32 s0, s3;
	s0 =	sld [smem:$0x3FAE]  }
0x30: {  	s3 =	sld [smem:$0x3FB1]  }
0x31: {  	[smem:$0x3FBA] =	sst s10  }
0x32: {  	s10 =	sld [smem:$0x3FB8];
	_ =	sdelay $0x3  }
0x33: {  	p0 =	seq.s32 s10, $0x1;
	s10 =	sld [smem:$0x3FBA];
	_ =	sdelay $0x3  }
0x34: {  	[smem:$0x3FBA] =	sst s10  }
0x35: {  	s10 =	sld [smem:$0x3FB9];
	_ =	sdelay $0x3  }
0x36: {  	p1 =	seq.s32 s10, $0x1;
	s10 =	sld [smem:$0x3FBA];
	_ =	sdelay $0x3  }
0x37: {  	[smem:$0x3FBA] =	sst s10  }
0x38: {  	s10 =	sld [smem:$0x3FBB]  }
0x39: {  	_ = 	snop;
	(pc) =	sbr.ind lr, $3  }
0x3a: {  	_ = 	snop  }
0x3b: {  	_ = 	snop  }
0x3c: {  	p2 =	seq.s32 s10, $0x1;
	s10 =	sld [smem:$0x3FBA]  }
0x3d: {  	_ =	shalt  }
0x3e: {  	_ =	shalt  }
0x3f: {  	_ =	shalt  }
0x40: {  	_ =	shalt  }
0x41: {  	_ =	shalt  }
0x42: {  	_ =	shalt  }
0x43: {  	_ =	shalt  }
0x44: {  	_ =	shalt  }
0x45: {  	_ =	shalt  }
0x46: {  	_ =	shalt  }
0x47: {  	_ =	shalt  }
0x48: {  	_ =	shalt  }
0x49: {  	_ =	shalt  }
0x4a: {  	_ =	shalt  }
0x4b: {  	_ =	shalt  }
0x4c: {  	_ =	shalt  }
0x4d: {  	_ =	shalt  }
0x4e: {  	_ =	shalt  }
0x4f: {  	_ =	shalt  }
0x50: {  	_ =	shalt  }
0x51: {  	_ =	shalt  }
0x52: {  	_ =	shalt  }
0x53: {  	_ =	shalt  }
0x54: {  	_ =	shalt  }
0x55: {  	_ =	shalt  }
0x56: {  	_ =	shalt  }
0x57: {  	_ =	shalt  }
0x58: {  	_ =	shalt  }
0x59: {  	_ =	shalt  }
0x5a: {  	_ =	shalt  }
0x5b: {  	_ =	shalt  }
0x5c: {  	_ =	shalt  }
0x5d: {  	_ =	shalt  }
0x5e: {  	_ =	shalt  }
0x5f: {  	_ =	shalt  }
0x60: {  	_ =	shalt  }
0x61: {  	_ =	shalt  }
0x62: {  	_ =	shalt  }
0x63: {  	_ =	shalt  }
0x64: {  	_ =	shalt  }
0x65: {  	_ =	shalt  }
0x66: {  	_ =	shalt  }
0x67: {  	_ =	shalt  }
0x68: {  	_ =	shalt  }
0x69: {  	_ =	shalt  }
0x6a: {  	_ =	shalt  }
0x6b: {  	_ =	shalt  }
0x6c: {  	_ =	shalt  }
0x6d: {  	_ =	shalt  }
0x6e: {  	_ =	shalt  }
0x6f: {  	_ =	shalt  }
0x70: {  	_ =	shalt  }
0x71: {  	_ =	shalt  }
0x72: {  	_ =	shalt  }
0x73: {  	_ =	shalt  }
0x74: {  	_ =	shalt  }
0x75: {  	_ =	shalt  }
0x76: {  	_ =	shalt  }
0x77: {  	_ =	shalt  }
0x78: {  	_ =	shalt  }
0x79: {  	_ =	shalt  }
0x7a: {  	_ =	shalt  }
0x7b: {  	_ =	shalt  }
0x7c: {  	_ =	shalt  }
0x7d: {  	_ =	shalt  }
0x7e: {  	_ =	shalt  }
0x7f: {  	_ =	shalt  }
0x80: {  	_ =	shalt  }
0x81: {  	_ =	shalt  }
0x82: {  	_ =	shalt  }
0x83: {  	_ =	shalt  }
0x84: {  	_ =	shalt  }
0x85: {  	_ =	shalt  }
0x86: {  	_ =	shalt  }
0x87: {  	_ =	shalt  }
.Lfunc_end0:
.L_simem_size_0:
called_computation_lowered:
.L_overlay_start_0:
0x88: {  	s2 =	sld [smem:$0x3FD9]  }
0x89: {  	s3 =	sld [smem:$0x3FFE];
	_ =	sdelay $0x1  }
0x8a: {  	s1 =	srdreg.scid  }
0x8b: {  	s0 =	sand.u32 $0x1, s1  }
0x8c: {  	s16 =	sshll.u32 s0, $0xA;
	s2 =	sadd.s32 s3, s2  }
0x8d: {  	s2 =	sadd.s32 s2, s16  }
0x8e: {  	[smem:$0x3FC6] =	sst s2  }
0x8f: {  	_ = 	snop  }
0x90: {  	(tm) =	ssettm $0x1  }
0x91: {  	s17 =	sld [smem:$0x3FFB];
	_ =	sdelay $0x3  }
0x92: {  	_ =	strace s17  }
0x93: {  	s2 =	sld [smem:$0x3FFC];
	_ =	sdelay $0x3  }
0x94: {  	_ =	strace s2  }
0x95: {  	s2 =	sld [smem:$0x3FFD];
	_ =	sdelay $0x3  }
0x96: {  	_ =	strace s2  }
0x97: {  	_ =	strace $0x8FFFFFFF  }
0x98: {  	s18 =	sld [smem:$0x3FDB];
	_ =	sdelay $0x1  }
0x99: {  	s19 =	simm.s32 $_scs_section_size  }
0x9a: {  	s4 =	simm.s32 $_size__tile_overlayer_lowered;
	s5 =	simm.s32 $_tile_overlayer_lowered  }
0x9b: {  	s22 =	simm.s32 $0x1BFF;
	s21 =	sshll.u32 s5, $0x1;
	s2 =	sadd.s32 s19, s18  }
0x9c: {  	s6 =	simm.s32 $0x0;
	s20 =	sshll.u32 s4, $0x1;
	s4 =	sadd.s32 s21, s2  }
0x9d: {  	[timem:s6], [sflag:s22] =	dma.local [hbm:s4], s20  }
0x9e: {  	_ =	swait.ge [sflag:s22], s20  }
0x9f: {  	s3 =	ssub.s32 $0x0, s20;
	[sflag:s22] =	ssyncset.done $0x0  }
0xa0: {  	[sflag:s22] =	ssyncadd.s32 s3;
	_ =	sdelay $0x1  }
0xa1: {  	s23 =	simm.s32 $0x1B8B  }
0xa2: {  	_ =	swait.ge [sflag:s23], $0x1  }
0xa3: {  	[sflag:s23] =	ssyncset.done $0x0  }
0xa4: {  	s25 =	simm.s32 $0x1B8E;
	s24 =	sld [smem:$0x3FFE];
	[sflag:s23] =	ssyncadd.s32 $0xFFFFFFFF  }
0xa5: {  	s26 =	simm.s32 $execute0_lowered;
	[smem:$0x3FD2] =	sst s25  }
0xa6: {  	s4 =	sshll.u32 s26, $0x1;
	_ =	strace $0x80000046;
	[dreg:$0x1] =	wrdreg $0xFFFFFFFF  }
0xa7: {  	s28 =	simm.s32 $_size_execute0_lowered;
	s2 =	sadd.s32 s2, s4;
	[dreg:$0x0] =	wrdreg $0x0  }
0xa8: {  	s4 =	sshll.u32 s28, $0x1;
	[dreg:$0x2] =	wrdreg s2  }
0xa9: {  	[dreg:$0x3] =	wrdreg s4  }
0xaa: {  	[dreg:$0x4] =	wrdreg $0xC0  }
0xab: {  	_ =	task [dreg:s6], $0x5FFFF  }
0xac: {  	[dreg:$0x1] =	wrdreg $0xFFFFFFFF  }
0xad: {  	[dreg:$0x0] =	wrdreg $0x60  }
0xae: {  	[dreg:$0x2] =	wrdreg s24  }
0xaf: {  	[dreg:$0x3] =	wrdreg $0x9  }
0xb0: {  	_ =	task.clear_ibuf [dreg:s6], $0x4FFFF;
	_ =	strace $0x90000046  }
0xb1: {  	s29 =	simm.s32 $0x9;
	_ =	strace $0x80000048  }
0xb2: {  	_ =	swait.ge [sflag:s29], $0x1  }
0xb3: {  	[sflag:s29] =	ssyncadd.s32 $0xFFFFFFFF  }
0xb4: {  	_ =	strace $0x90000048  }
0xb5: {  	_ =	sfence  }
0xb6: {  	s30 =	sld [smem:$0x0];
	_ =	sdelay $0x2  }
0xb7: {  	s31 =	sshll.u32 s1, $0xD;
	s1 =	sshrl.u32 s1, $0x2  }
0xb8: {  	s3 =	sand.u32 $0x4000, s31;
	s1 =	sadd.s32 s1, s30  }
0xb9: {  	s0 =	sor.u32 s3, s0;
	s1 =	sshll.u32 s1, $0x11  }
0xba: {  	s0 =	sor.u32 s1, s0  }
0xbb: {  	s0 =	sadd.s32 $0x8F2B, s0  }
0xbc: {  	[sflag:s0] =	ssyncadd.remote.s32 $0x1  }
0xbd: {  	_ =	sfence.sel $0xFFFF  }
0xbe: {  	[dreg:$0x0] =	wrdreg $0xFFFFFFFF;
	(pc) =	sbr.abs _section_cstart, $3  }
0xbf: {  	[dreg:$0x1] =	wrdreg $0xFFFFFFFF  }
0xc0: {  	_ =	task.clear_ibuf [dreg:s6], $0x2FFFF;
	_ =	strace $0x9FFFFFFF  }
0xc1: {  	(tm) =	ssettm $0x7FFFFFFF  }
tec
execute0_lowered:
.L_overlay_start_1:
0x0: {  	(tag) =	ssettag $0x1  }
0x1: {  	s0 =	rddreg [dreg:$0x0]  }
0x2: {  	s2 =	simm.s32 $0x0;
	s1 =	srdreg.scid;
	s3 =	stileid.u32  }
0x3: {  	s10 =	simm.s32 $0x80;
	s11 =	simm.s32 $0x400;
	s12 =	simm.s32 $0x2  }
0x4: {  	s13 =	simm.s32 $0x1;
	s15 =	simm.s32 $0x1BF00;
	[smem:$0x7FF] =	sst s2  }
0x5: {  	s1 =	sand.u32 $0x1, s1;
	s4 =	sshll.u32 s3, $0x1;
	s3 =	sadd.s32 $0x800, s0  }
.Ltmp0:
0x6: {  	_ =	strace $0x80000047;
	s5 =	sor.u32 s1, s4;
	(pc) =	sbr.rel .LBB2_1-.Ltmp0, $4  }
0x7: {  	v0 =	vlaneseq.u32;
	s4 =	sadd.s32 $0xC38800, s0;
	s7 =	ssub.s32 $0x2, s1;
	s6 =	sshll.u32 s5, $0x7  }
0x8: {  	v2 =	vmul.u32 $0xFFFFFFFF, v0;
	s30 =	sshrl.u32 s7, $0x1;
	s1 =	sshll.u32 s5, $0x5;
	s0 =	sadd.s32 s6, s0  }
0x9: {  	s31 =	ssub.s32 s7, s30;
	s6 =	sadd.s32 $0x20, s1;
	s7 =	sadd.s32 $0x186D800, s0  }
0xa: {  	v1 =	vimm.f32 $-1.000000020e+30;
	vm0 =	vmxor vm0, vm0;
	v2 =	vadd.s32 $0xF, v2;
	s8 =	sadd.s32 $0x186E800, s0;
	s9 =	smax.u32 s31, $0x1;
	s0 =	simm.s32 $0x0  }
.LBB2_45:
0xb: {  	s5 =	simm.s32 $0x1BB00  }
0xc: {  	[tilespmem:s15], [sflag:$0x1] =	stream.indirect.gather [hbm4b:s4+s10], $0x1, s5, s10, $0xb8;
	[tilespmem:$0x1C300] =	vst v63  }
0xd: {  	s17 =	simm.s32 $0x1BB80;
	s14 =	simm.s32 $0x1BF80  }
0xe: {  	[tilespmem:s14], [sflag:$0x1] =	stream.indirect.gather [hbm4b:s4+s10], $0x1, s17, s10, $0xb8;
	[tilespmem:$0x1C300] =	vst v63  }
0xf: {  	s18 =	simm.s32 $0x1BC00;
	s19 =	simm.s32 $0x1C000  }
0x10: {  	[tilespmem:s19], [sflag:$0x1] =	stream.indirect.gather [hbm4b:s4+s10], $0x1, s18, s10, $0xb8;
	[tilespmem:$0x1C300] =	vst v63  }
0x11: {  	s20 =	simm.s32 $0x1BC80;
	s21 =	simm.s32 $0x1C080  }
0x12: {  	[tilespmem:s21], [sflag:$0x1] =	stream.indirect.gather [hbm4b:s4+s10], $0x1, s20, s10, $0xb8;
	[tilespmem:$0x1C300] =	vst v63  }
0x13: {  	s22 =	simm.s32 $0x1BD00;
	s23 =	simm.s32 $0x1C100  }
0x14: {  	[tilespmem:s23], [sflag:$0x1] =	stream.indirect.gather [hbm4b:s4+s10], $0x1, s22, s10, $0xb8;
	[tilespmem:$0x1C300] =	vst v63  }
0x15: {  	s24 =	simm.s32 $0x1BD80;
	s25 =	simm.s32 $0x1C180  }
0x16: {  	[tilespmem:s25], [sflag:$0x1] =	stream.indirect.gather [hbm4b:s4+s10], $0x1, s24, s10, $0xb8;
	[tilespmem:$0x1C300] =	vst v63  }
0x17: {  	s26 =	simm.s32 $0x1BE00;
	s28 =	simm.s32 $0x1C200  }
0x18: {  	[tilespmem:s28], [sflag:$0x1] =	stream.indirect.gather [hbm4b:s4+s10], $0x1, s26, s10, $0xb8;
	[tilespmem:$0x1C300] =	vst v63  }
0x19: {  	s29 =	simm.s32 $0x1BE80;
	s30 =	simm.s32 $0x1C280  }
0x1a: {  	[tilespmem:s30], [sflag:$0x1] =	stream.indirect.gather [hbm4b:s4+s10], $0x1, s29, s10, $0xb8;
	[tilespmem:$0x1C300] =	vst v63  }
0x1b: {  	_ =	swait.ge [sflag:s13], $0x80  }
0x1c: {  	[sflag:s13] =	ssyncset.done $0x0  }
0x1d: {  	[sflag:s13] =	ssyncadd.s32 $0xFFFFFF80  }
0x1e: {  	_ =	swait.ge [sflag:s13], $0x80  }
0x1f: {  	[sflag:s13] =	ssyncset.done $0x0  }
0x20: {  	[sflag:s13] =	ssyncadd.s32 $0xFFFFFF80  }
0x21: {  	_ =	swait.ge [sflag:s13], $0x80  }
0x22: {  	[sflag:s13] =	ssyncset.done $0x0  }
0x23: {  	[sflag:s13] =	ssyncadd.s32 $0xFFFFFF80  }
0x24: {  	_ =	swait.ge [sflag:s13], $0x80  }
0x25: {  	[sflag:s13] =	ssyncset.done $0x0  }
0x26: {  	[sflag:s13] =	ssyncadd.s32 $0xFFFFFF80  }
0x27: {  	_ =	swait.ge [sflag:s13], $0x80  }
0x28: {  	[sflag:s13] =	ssyncset.done $0x0  }
0x29: {  	[sflag:s13] =	ssyncadd.s32 $0xFFFFFF80  }
0x2a: {  	_ =	swait.ge [sflag:s13], $0x80  }
0x2b: {  	[sflag:s13] =	ssyncset.done $0x0  }
0x2c: {  	[sflag:s13] =	ssyncadd.s32 $0xFFFFFF80  }
0x2d: {  	_ =	swait.ge [sflag:s13], $0x80  }
0x2e: {  	[sflag:s13] =	ssyncset.done $0x0  }
0x2f: {  	[sflag:s13] =	ssyncadd.s32 $0xFFFFFF80  }
0x30: {  	_ =	swait.ge [sflag:s13], $0x80  }
0x31: {  	[sflag:s13] =	ssyncset.done $0x0  }
0x32: {  	s31 =	simm.s32 $0x1B700;
	[sflag:s13] =	ssyncadd.s32 $0xFFFFFF80  }
0x33: {  	[hbm4b:s7+s2] =	stream.linear.scatter [tilespmem:s31], [sflag:$0x2], $0x400, $0x38;
	[tilespmem:$0x1C300] =	vst v63  }
0x34: {  	s0 =	sadd.s32 $0x1, s0;
	_ =	swait.ge [sflag:s12], $0x400  }
0x35: {  	p0 =	sne.s32 s0, s9;
	[sflag:s12] =	ssyncset.done $0x0  }
.Ltmp1:
0x36: {  	[sflag:s12] =	ssyncadd.s32 $0xFFFFFC00;
	(pc) =	sbr.rel @!p0 .LBB2_46-.Ltmp1, $4  }
0x37: {  	[hbm4b:s8+s2] =	stream.linear.scatter [tilespmem:s15], [sflag:$0x2], $0x400, $0x38;
	[tilespmem:$0x1C300] =	vst v63  }
0x38: {  	_ =	swait.ge [sflag:s12], $0x400  }
0x39: {  	[sflag:s12] =	ssyncset.done $0x0  }
0x3a: {  	[sflag:s12] =	ssyncadd.s32 $0xFFFFFC00  }
.LBB2_1:
0x3b: {  	[tilespmem:$0x1AE10] =	vst v1  }
.Ltmp2:
0x3c: {  	[tilespmem:$0x1AE20] =	vst v1;
	(pc) =	sbr.rel .LBB2_2-.Ltmp2, $4  }
0x3d: {  	[tilespmem:$0x1AE30] =	vst v1  }
0x3e: {  	[tilespmem:$0x1AE40] =	vst v1  }
0x3f: {  	[tilespmem:$0x1AE50] =	vst v1  }
0x40: {  	[tilespmem:$0x1B270] =	vst v1;
	s5 =	smov.u32 s1  }
.LBB2_37:
0x41: {  	v4 =	vimm.s32 $0x0  }
0x42: {  	v6 =	vimm.f32 $-1.000000020e+30;
	v5 =	vimm.f32 $-1.000000020e+30;
	v3 =	vimm.s32 $0x0  }
.LBB2_44:
0x43: {  	s14 =	ssub.s32 s5, s1;
	s16 =	smul.u32 $0x186A0, s5;
	s5 =	sadd.s32 $0x1, s5  }
0x44: {  	p0 =	slt.u32 s5, s6  }
.Ltmp3:
0x45: {  	s14 =	sshll.u32 s14, $0x5;
	(pc) =	sbr.rel @!p0 .LBB2_45-.Ltmp3, $4  }
0x46: {  	[tilespmem:s14+$0x1B700] =	vst v6  }
0x47: {  	[tilespmem:s14+$0x1B710] =	vst v5;
	v4 =	vadd.s32 s16, v4  }
0x48: {  	v3 =	vadd.s32 s16, v3;
	[tilespmem:s14+$0x1BB00] =	vst v4  }
0x49: {  	[tilespmem:s14+$0x1BB10] =	vst v3  }
.LBB2_2:
0x4a: {  	s14 =	sshrl.u32 s5, $0x3  }
0x4b: {  	s16 =	sshll.u32 s5, $0x7;
	s14 =	smul.u32 $0xC3800, s14  }
0x4c: {  	s16 =	sand.u32 $0x380, s16  }
0x4d: {  	s14 =	sor.u32 s16, s14  }
0x4e: {  	s14 =	sshrl.u32 s14, $0x3  }
0x4f: {  	s14 =	sadd.s32 s3, s14  }
0x50: {  	[tilespmem:s2], [sflag:$0x2] =	stream.strided.gather [hbm4b:s14+s10], $0x18700, s11, s10, $0x38;
	[tilespmem:$0x1C300] =	vst v63  }
0x51: {  	_ =	swait.ge [sflag:s12], $0x18700  }
0x52: {  	s17 =	simm.s32 $0x18720;
	[sflag:s12] =	ssyncset.done $0x0  }
0x53: {  	s16 =	simm.s32 $0x190;
	s14 =	simm.s32 $0x280;
	[sflag:s12] =	ssyncadd.s32 $0xFFFE7900  }
.LBB2_3:
0x54: {  	v3 =	vld [tilespmem:s16+$0xFFFFFE70]  }
0x55: {  	v4 =	vld [tilespmem:s16+$0xFFFFFE80]  }
0x56: {  	v5 =	vld [tilespmem:s16+$0xFFFFFE90]  }
0x57: {  	v6 =	vld [tilespmem:s16+$0xFFFFFEA0]  }
0x58: {  	v7 =	vld [tilespmem:s16+$0xFFFFFEB0]  }
0x59: {  	v8 =	vld [tilespmem:s16+$0xFFFFFEC0]  }
0x5a: {  	s18 =	sadd.s32 $0xFFFFFD80, s14;
	v24 =	vld [tilespmem:s16+$0xFFFFFED0];
	v3 =	vmax.f32 v3, v4  }
0x5b: {  	v25 =	vld [tilespmem:s16+$0xFFFFFEE0];
	s18 =	sand.u32 $0x1FFE0, s18;
	v3 =	vmax.f32 v3, v5  }
0x5c: {  	v26 =	vld [tilespmem:s18+$0x80];
	v3 =	vmax.f32 v3, v6  }
0x5d: {  	v27 =	vld [tilespmem:s16+$0xFFFFFF00];
	v3 =	vmax.f32 v3, v7  }
0x5e: {  	v3 =	vmax.f32 v3, v8  }
0x5f: {  	v3 =	vmax.f32 v3, v24  }
0x60: {  	v3 =	vmax.f32 v3, v25  }
0x61: {  	v3 =	vmax.f32 v3, v26  }
0x62: {  	v3 =	vmax.f32 v3, v27  }
0x63: {  	[tilespmem:s17+$0xFFFFFFE0] =	vst v3  }
0x64: {  	v3 =	vld [tilespmem:s16+$0xFFFFFF10]  }
0x65: {  	v28 =	vld [tilespmem:s16+$0xFFFFFF20]  }
0x66: {  	v29 =	vld [tilespmem:s16+$0xFFFFFF30]  }
0x67: {  	v30 =	vld [tilespmem:s16+$0xFFFFFF40]  }
0x68: {  	v31 =	vld [tilespmem:s16+$0xFFFFFF50]  }
0x69: {  	v32 =	vld [tilespmem:s16+$0xFFFFFF60]  }
0x6a: {  	s28 =	sadd.s32 $0xFFFFFE20, s14;
	v33 =	vld [tilespmem:s16+$0xFFFFFF70];
	v3 =	vmax.f32 v3, v28  }
0x6b: {  	s18 =	sand.u32 $0x7FFE0, s28;
	v34 =	vld [tilespmem:s16+$0xFFFFFF80];
	v3 =	vmax.f32 v3, v29  }
0x6c: {  	v35 =	vld [tilespmem:s18+$0x80];
	v3 =	vmax.f32 v3, v30  }
0x6d: {  	v36 =	vld [tilespmem:s16+$0xFFFFFFA0];
	v3 =	vmax.f32 v3, v31  }
0x6e: {  	v3 =	vmax.f32 v3, v32  }
0x6f: {  	v3 =	vmax.f32 v3, v33  }
0x70: {  	v3 =	vmax.f32 v3, v34  }
0x71: {  	v3 =	vmax.f32 v3, v35  }
0x72: {  	v3 =	vmax.f32 v3, v36  }
0x73: {  	[tilespmem:s17+$0xFFFFFFF0] =	vst v3  }
0x74: {  	v3 =	vld [tilespmem:s16+$0xFFFFFFB0]  }
0x75: {  	v37 =	vld [tilespmem:s16+$0xFFFFFFC0]  }
0x76: {  	v38 =	vld [tilespmem:s16+$0xFFFFFFD0]  }
0x77: {  	v39 =	vld [tilespmem:s16+$0xFFFFFFE0]  }
0x78: {  	v40 =	vld [tilespmem:s16+$0xFFFFFFF0]  }
0x79: {  	v41 =	vld [tilespmem:s16+$0x0]  }
0x7a: {  	s29 =	sadd.s32 $0xFFFFFEC0, s14;
	v42 =	vld [tilespmem:s16+$0x10];
	v3 =	vmax.f32 v3, v37  }
0x7b: {  	s18 =	sand.u32 $0x7FFE0, s29;
	v43 =	vld [tilespmem:s16+$0x20];
	v3 =	vmax.f32 v3, v38  }
0x7c: {  	v44 =	vld [tilespmem:s18+$0x80];
	v3 =	vmax.f32 v3, v39  }
0x7d: {  	v45 =	vld [tilespmem:s16+$0x40];
	v3 =	vmax.f32 v3, v40  }
0x7e: {  	v3 =	vmax.f32 v3, v41  }
0x7f: {  	v3 =	vmax.f32 v3, v42  }
0x80: {  	v3 =	vmax.f32 v3, v43  }
0x81: {  	v3 =	vmax.f32 v3, v44  }
0x82: {  	v3 =	vmax.f32 v3, v45  }
0x83: {  	[tilespmem:s17+$0x0] =	vst v3  }
0x84: {  	v3 =	vld [tilespmem:s16+$0x50]  }
0x85: {  	v46 =	vld [tilespmem:s16+$0x60]  }
0x86: {  	v47 =	vld [tilespmem:s16+$0x70]  }
0x87: {  	v48 =	vld [tilespmem:s16+$0x80]  }
0x88: {  	v49 =	vld [tilespmem:s16+$0x90]  }
0x89: {  	v50 =	vld [tilespmem:s16+$0xA0]  }
0x8a: {  	s30 =	sadd.s32 $0xFFFFFF60, s14;
	v51 =	vld [tilespmem:s16+$0xB0];
	v3 =	vmax.f32 v3, v46  }
0x8b: {  	s18 =	sand.u32 $0x7FFE0, s30;
	v52 =	vld [tilespmem:s16+$0xC0];
	v3 =	vmax.f32 v3, v47  }
0x8c: {  	v53 =	vld [tilespmem:s18+$0x80];
	v3 =	vmax.f32 v3, v48  }
0x8d: {  	v54 =	vld [tilespmem:s16+$0xE0];
	v3 =	vmax.f32 v3, v49  }
0x8e: {  	v3 =	vmax.f32 v3, v50  }
0x8f: {  	v3 =	vmax.f32 v3, v51  }
0x90: {  	v3 =	vmax.f32 v3, v52  }
0x91: {  	v3 =	vmax.f32 v3, v53  }
0x92: {  	v3 =	vmax.f32 v3, v54  }
0x93: {  	[tilespmem:s17+$0x10] =	vst v3  }
0x94: {  	v3 =	vld [tilespmem:s16+$0xF0]  }
0x95: {  	v55 =	vld [tilespmem:s16+$0x100]  }
0x96: {  	v56 =	vld [tilespmem:s16+$0x110]  }
0x97: {  	v57 =	vld [tilespmem:s16+$0x120]  }
0x98: {  	v58 =	vld [tilespmem:s16+$0x130]  }
0x99: {  	v59 =	vld [tilespmem:s16+$0x140]  }
0x9a: {  	v60 =	vld [tilespmem:s16+$0x150];
	v3 =	vmax.f32 v3, v55  }
0x9b: {  	s31 =	sand.u32 $0x7FFE0, s14;
	v61 =	vld [tilespmem:s16+$0x160];
	v3 =	vmax.f32 v3, v56  }
0x9c: {  	v62 =	vld [tilespmem:s31+$0x80];
	v3 =	vmax.f32 v3, v57  }
0x9d: {  	v63 =	vld [tilespmem:s16+$0x180];
	v3 =	vmax.f32 v3, v58  }
0x9e: {  	p0 =	sne.s32 s14, $0x18600;
	v3 =	vmax.f32 v3, v59  }
.Ltmp4:
0x9f: {  	v3 =	vmax.f32 v3, v60;
	(pc) =	sbr.rel @p0 .LBB2_3-.Ltmp4, $4  }
0xa0: {  	v3 =	vmax.f32 v3, v61  }
0xa1: {  	v3 =	vmax.f32 v3, v62  }
0xa2: {  	v3 =	vmax.f32 v3, v63  }
0xa3: {  	s14 =	sadd.s32 $0x320, s14;
	s16 =	sadd.s32 $0x320, s16;
	[tilespmem:s17+$0x20] =	vst v3;
	s17 =	sadd.s32 $0x50, s17  }
0xa4: {  	s14 =	simm.s32 $0x140;
	s16 =	simm.s32 $0x187F0;
	s17 =	simm.s32 $0x1AE90  }
.LBB2_5:
0xa5: {  	v3 =	vld [tilespmem:s16+$0xFFFFFF10]  }
0xa6: {  	v4 =	vld [tilespmem:s16+$0xFFFFFF20]  }
0xa7: {  	v5 =	vld [tilespmem:s16+$0xFFFFFF30]  }
0xa8: {  	v6 =	vld [tilespmem:s16+$0xFFFFFF40]  }
0xa9: {  	v7 =	vld [tilespmem:s16+$0xFFFFFF50]  }
0xaa: {  	v8 =	vld [tilespmem:s16+$0xFFFFFF60]  }
0xab: {  	s18 =	sadd.s32 $0xFFFFFEC0, s14;
	v42 =	vld [tilespmem:s16+$0xFFFFFF70];
	v3 =	vmax.f32 v3, v4  }
0xac: {  	v43 =	vld [tilespmem:s16+$0xFFFFFF80];
	s18 =	sand.u32 $0x3FE0, s18;
	v3 =	vmax.f32 v3, v5  }
0xad: {  	v44 =	vld [tilespmem:s18+$0x18780];
	v3 =	vmax.f32 v3, v6  }
0xae: {  	v45 =	vld [tilespmem:s16+$0xFFFFFFA0];
	v3 =	vmax.f32 v3, v7  }
0xaf: {  	v3 =	vmax.f32 v3, v8  }
0xb0: {  	v3 =	vmax.f32 v3, v42  }
0xb1: {  	v3 =	vmax.f32 v3, v43  }
0xb2: {  	v3 =	vmax.f32 v3, v44  }
0xb3: {  	v3 =	vmax.f32 v3, v45  }
0xb4: {  	[tilespmem:s17+$0xFFFFFFF0] =	vst v3  }
0xb5: {  	v3 =	vld [tilespmem:s16+$0xFFFFFFB0]  }
0xb6: {  	v46 =	vld [tilespmem:s16+$0xFFFFFFC0]  }
0xb7: {  	v47 =	vld [tilespmem:s16+$0xFFFFFFD0]  }
0xb8: {  	v48 =	vld [tilespmem:s16+$0xFFFFFFE0]  }
0xb9: {  	v49 =	vld [tilespmem:s16+$0xFFFFFFF0]  }
0xba: {  	v50 =	vld [tilespmem:s16+$0x0]  }
0xbb: {  	s30 =	sadd.s32 $0xFFFFFF60, s14;
	v51 =	vld [tilespmem:s16+$0x10];
	v3 =	vmax.f32 v3, v46  }
0xbc: {  	s18 =	sand.u32 $0xFFE0, s30;
	v52 =	vld [tilespmem:s16+$0x20];
	v3 =	vmax.f32 v3, v47  }
0xbd: {  	v53 =	vld [tilespmem:s18+$0x18780];
	v3 =	vmax.f32 v3, v48  }
0xbe: {  	v54 =	vld [tilespmem:s16+$0x40];
	v3 =	vmax.f32 v3, v49  }
0xbf: {  	v3 =	vmax.f32 v3, v50  }
0xc0: {  	v3 =	vmax.f32 v3, v51  }
0xc1: {  	v3 =	vmax.f32 v3, v52  }
0xc2: {  	v3 =	vmax.f32 v3, v53  }
0xc3: {  	v3 =	vmax.f32 v3, v54  }
0xc4: {  	[tilespmem:s17+$0x0] =	vst v3  }
0xc5: {  	v3 =	vld [tilespmem:s16+$0x50]  }
0xc6: {  	v55 =	vld [tilespmem:s16+$0x60]  }
0xc7: {  	v56 =	vld [tilespmem:s16+$0x70]  }
0xc8: {  	v57 =	vld [tilespmem:s16+$0x80]  }
0xc9: {  	v58 =	vld [tilespmem:s16+$0x90]  }
0xca: {  	v59 =	vld [tilespmem:s16+$0xA0]  }
0xcb: {  	v60 =	vld [tilespmem:s16+$0xB0];
	v3 =	vmax.f32 v3, v55  }
0xcc: {  	s31 =	sand.u32 $0xFFE0, s14;
	v61 =	vld [tilespmem:s16+$0xC0];
	v3 =	vmax.f32 v3, v56  }
0xcd: {  	v62 =	vld [tilespmem:s31+$0x18780];
	v3 =	vmax.f32 v3, v57  }
0xce: {  	v63 =	vld [tilespmem:s16+$0xE0];
	v3 =	vmax.f32 v3, v58  }
0xcf: {  	p0 =	sne.s32 s14, $0x26C0;
	v3 =	vmax.f32 v3, v59  }
.Ltmp5:
0xd0: {  	v3 =	vmax.f32 v3, v60;
	(pc) =	sbr.rel @p0 .LBB2_5-.Ltmp5, $4  }
0xd1: {  	v3 =	vmax.f32 v3, v61  }
0xd2: {  	v3 =	vmax.f32 v3, v62  }
0xd3: {  	v3 =	vmax.f32 v3, v63  }
0xd4: {  	s14 =	sadd.s32 $0x1E0, s14;
	s16 =	sadd.s32 $0x1E0, s16;
	[tilespmem:s17+$0x10] =	vst v3;
	s17 =	sadd.s32 $0x30, s17  }
.Ltmp6:
0xd5: {  	(pc) =	sbr.rel .LBB2_7-.Ltmp6, $3  }
0xd6: {  	_ =	sdelay $0x1  }
0xd7: {  	v3 =	vimm.f32 $-1.000000020e+30;
	v6 =	vimm.s32 $0x0  }
0xd8: {  	s14 =	simm.s32 $0x0;
	v4 =	vimm.s32 $0x0;
	v5 =	vimm.f32 $-1.000000020e+30;
	v7 =	vimm.f32 $-1.000000020e+30;
	s16 =	simm.s32 $0x0  }
.LBB2_10:
0xd9: {  	v9 =	vmov v5;
	v8 =	vmov v4  }
.LBB2_14:
0xda: {  	_ =	sdelay $0x4  }
0xdb: {  	v7, v10, _ =	vpop @p0 (xrf1)  }
0xdc: {  	v7 =	vperm.xlane @p0 v7, v2  }
0xdd: {  	v10 =	vperm.xlane @p0 v10, v2  }
0xde: {  	vm1 =	vge.f32 @p0 v9, v7  }
0xdf: {  	v11 =	vsel @p0 vm1, v7, v9;
	v12 =	vsel @p0 vm1, v10, v8  }
0xe0: {  	(xrf1) =	vsort.dscd.msk.f32 @p0 $0xffff, v11, v12;
	_ =	sdelay $0xc  }
0xe1: {  	v11, v12, _ =	vpop (xrf1)  }
0xe2: {  	v11 =	vperm.xlane v11, v2;
	v13, v14, _ =	vpop @p0 (xrf1)  }
0xe3: {  	v7 =	vsel @p0 vm1, v9, v7;
	v63 =	vperm.xlane v12, v2;
	v3 =	vpsel p0, v13, v3  }
0xe4: {  	v8 =	vsel @p0 vm1, v8, v10;
	v6 =	vpsel p0, v14, v6;
	vm1 =	vge.f32 v3, v11  }
0xe5: {  	(xrf1) =	vsort.dscd.msk.f32 @p0 $0xffff, v7, v8;
	v3 =	vsel vm1, v3, v11;
	v6 =	vsel vm1, v6, v63  }
0xe6: {  	(xrf1) =	vsort.dscd.msk.f32 $0xffff, v3, v6;
	_ =	sdelay $0xc  }
0xe7: {  	v3, v6, _ =	vpop @p0 (xrf1)  }
0xe8: {  	v7, v8, _ =	vpop (xrf1)  }
0xe9: {  	v7 =	vperm.xlane v7, v2  }
0xea: {  	v3 =	vpsel p0, v3, v5;
	v5 =	vperm.xlane v8, v2  }
0xeb: {  	v4 =	vpsel p0, v6, v4;
	vm1 =	vge.f32 v3, v7  }
0xec: {  	v6 =	vsel vm1, v7, v3;
	v8 =	vsel vm1, v5, v4  }
0xed: {  	v3 =	vsel vm1, v3, v7;
	v4 =	vsel vm1, v4, v5;
	(xrf1) =	vsort.dscd.msk.f32 $0xffff, v6, v8  }
0xee: {  	(xrf1) =	vsort.dscd.msk.f32 $0xffff, v3, v4;
	_ =	sdelay $0xc  }
0xef: {  	v3, v6, _ =	vpop (xrf1)  }
0xf0: {  	v5, v4, _ =	vpop (xrf1)  }
.LBB2_15:
0xf1: {  	v7 =	vbroadcast v3, $0xF  }
.LBB2_16:
0xf2: {  	s16 =	sadd.s32 $0x1, s16  }
0xf3: {  	p1 =	sne.s32 s16, $0x40  }
.Ltmp7:
0xf4: {  	_ = 	snop;
	(pc) =	sbr.rel @!p1 .LBB2_17-.Ltmp7, $3  }
0xf5: {  	_ =	sdelay $0x1  }
0xf6: {  	p0 =	sgt.s32 s14, $0xDF  }
0xf7: {  	s14 =	simm.s32 @p0 $0x0  }
.LBB2_7:
0xf8: {  	s17 =	sshll.u32 s16, $0x4  }
0xf9: {  	v8 =	vld [tilespmem:s17+$0x1AE80];
	_ =	sdelay $0x4  }
0xfa: {  	vm1 =	vge.f32 v8, v7  }
0xfb: {  	v9 =	vmpcnt.ones.xlane vm1;
	_ =	sdelay $0x1  }
0xfc: {  	(v2sf) =	vpush v9, $0x0;
	_ =	sdelay $0xe  }
0xfd: {  	[tilespmem:s14+$0x1B280] =	vst.msk vm1, v8;
	v8 =	vor.u32 s17, v0;
	s31 =	spop (v2sf)  }
0xfe: {  	[tilespmem:s14+$0x1B480] =	vst.msk vm1, v8;
	s14 =	sadd.s32 s14, s31  }
0xff: {  	p0 =	slt.s32 s14, $0xE0  }
.Ltmp8:
0x100: {  	_ = 	snop;
	(pc) =	sbr.rel @p0 .LBB2_16-.Ltmp8, $1  }
0x101: {  	_ =	sdelay $0x3  }
0x102: {  	s17 =	sadd.s32 $0xF, s14  }
0x103: {  	s18 =	sand.u32 $0xF, s17  }
0x104: {  	s19 =	sshra.s32 s17, $0x1F;
	p0 =	slt.s32 s17, $0x0;
	p1 =	sne.s32 s18, $0x0  }
0x105: {  	s31 =	sshrl.u32 s19, $0x1C;
	p0 =	por !p0, !p1  }
0x106: {  	s18 =	simm.s32 $0x1;
	s17 =	sadd.s32 s31, s17;
	p0 =	por !p0, !p0  }
0x107: {  	s17 =	sshra.s32 s17, $0x4;
	s18 =	simm.s32 @!p0 $0x0  }
0x108: {  	s17 =	ssub.s32 s17, s18  }
0x109: {  	p0 =	slt.s32 s17, $0x1  }
.Ltmp9:
0x10a: {  	_ = 	snop;
	(pc) =	sbr.rel @p0 .LBB2_15-.Ltmp9, $1  }
0x10b: {  	_ =	sdelay $0x3  }
0x10c: {  	s18 =	simm.s32 $0x1B280  }
0x10d: {  	s19 =	simm.s32 $0x1B480;
	v8 =	vld [tilespmem:s18+$0x0]  }
0x10e: {  	p1 =	sne.s32 s17, $0x1;
	v9 =	vld [tilespmem:s19+$0x0]  }
.Ltmp10:
0x10f: {  	s31 =	simm.s32 $0x0;
	(pc) =	sbr.rel @!p1 .LBB2_10-.Ltmp10, $4  }
0x110: {  	v7 =	vmov s14;
	v10 =	vor.u32 s31, v0  }
0x111: {  	vm1 =	vlt.s32 v10, v7  }
0x112: {  	v8 =	vnsel vm1, $0xF149F2CA, v8  }
0x113: {  	s20 =	sadd.s32 $0xFFFFFFFF, s17;
	p0 =	por $0x0, $0x0;
	(xrf1) =	vsort.dscd.msk.f32 $0xffff, v8, v9  }
0x114: {  	_ =	sdelay $0xc  }
0x115: {  	v8, v9, _ =	vpop (xrf1)  }
0x116: {  	v8 =	vperm.xlane v8, v2  }
0x117: {  	v9 =	vperm.xlane v9, v2  }
0x118: {  	vm1 =	vge.f32 v3, v8  }
0x119: {  	s17 =	simm.s32 $0x1B290;
	v8 =	vsel vm1, v3, v8;
	v9 =	vsel vm1, v6, v9  }
0x11a: {  	v10 =	vld [tilespmem:s17+$0x0];
	(xrf1) =	vsort.dscd.msk.f32 $0xffff, v8, v9  }
0x11b: {  	s18 =	simm.s32 $0x1B490  }
0x11c: {  	s19 =	simm.s32 $0x10;
	v11 =	vld [tilespmem:s18+$0x0]  }
0x11d: {  	p1 =	sne.s32 s20, $0x1;
	v12 =	vor.u32 s19, v0  }
.Ltmp11:
0x11e: {  	vm1 =	vlt.s32 v12, v7;
	(pc) =	sbr.rel @!p1 .LBB2_12-.Ltmp11, $3  }
0x11f: {  	v8 =	vnsel vm1, $0xF149F2CA, v10;
	_ =	sdelay $0x1  }
0x120: {  	(xrf1) =	vsort.dscd.msk.f32 $0xffff, v8, v11  }
0x121: {  	s20 =	sadd.s32 $0xFFFFFFFF, s20;
	p0 =	por $0x1, $0x1;
	v9 =	vmov v5;
	v8 =	vmov v4  }
.LBB2_13:
0x122: {  	p1 =	sne.s32 s20, $0x1;
	s20 =	sadd.s32 $0xFFFFFFFF, s20;
	_ =	sdelay $0x8  }
0x123: {  	v10, v11, _ =	vpop (xrf1)  }
0x124: {  	v10 =	vperm.xlane v10, v2  }
0x125: {  	v11 =	vperm.xlane v11, v2  }
0x126: {  	v12, v13, _ =	vpop (xrf1);
	vm1 =	vge.f32 v9, v10  }
0x127: {  	v12 =	vperm.xlane v12, v2;
	v14 =	vsel vm1, v10, v9;
	v15 =	vsel vm1, v11, v8  }
0x128: {  	v9 =	vsel vm1, v9, v10;
	v8 =	vsel vm1, v8, v11;
	(xrf1) =	vsort.dscd.msk.f32 $0xffff, v14, v15  }
0x129: {  	(xrf1) =	vsort.dscd.msk.f32 $0xffff, v9, v8;
	_ =	sdelay $0xb  }
0x12a: {  	s17 =	sadd.s32 $0x10, s17  }
0x12b: {  	s18 =	sadd.s32 $0x10, s18;
	v11 =	vperm.xlane v13, v2;
	v10 =	vld [tilespmem:s17+$0x0];
	v13, v14, _ =	vpop (xrf1)  }
0x12c: {  	v15 =	vld [tilespmem:s18+$0x0];
	vm1 =	vge.f32 v13, v12;
	v9, v8, _ =	vpop (xrf1)  }
.Ltmp12:
0x12d: {  	s19 =	sadd.s32 $0x10, s19;
	v12 =	vsel vm1, v13, v12;
	v11 =	vsel vm1, v14, v11;
	(pc) =	sbr.rel @p1 .LBB2_13-.Ltmp12, $4  }
0x12e: {  	v13 =	vor.u32 s19, v0;
	(xrf1) =	vsort.dscd.msk.f32 $0xffff, v12, v11  }
0x12f: {  	vm1 =	vlt.s32 v13, v7  }
0x130: {  	v10 =	vnsel vm1, $0xF149F2CA, v10  }
0x131: {  	(xrf1) =	vsort.dscd.msk.f32 $0xffff, v10, v15  }
.Ltmp13:
0x132: {  	_ = 	snop;
	(pc) =	sbr.rel .LBB2_14-.Ltmp13, $1  }
0x133: {  	_ =	sdelay $0x3  }
.LBB2_12:
.Ltmp14:
0x134: {  	(pc) =	sbr.rel .LBB2_14-.Ltmp14, $2  }
0x135: {  	_ =	sdelay $0x2  }
0x136: {  	v9 =	vmov v5;
	v8 =	vmov v4  }
.LBB2_17:
0x137: {  	s16 =	sadd.s32 $0xF, s14  }
0x138: {  	s17 =	sand.u32 $0xF, s16  }
0x139: {  	p0 =	slt.s32 s14, $0xFFFFFFF2;
	s18 =	sshra.s32 s16, $0x1F;
	p1 =	sne.s32 s17, $0x0  }
0x13a: {  	s31 =	sshrl.u32 s18, $0x1C;
	p0 =	por !p0, !p1  }
0x13b: {  	s17 =	simm.s32 $0x1;
	s16 =	sadd.s32 s31, s16;
	p0 =	por !p0, !p0  }
0x13c: {  	s16 =	sshra.s32 s16, $0x4;
	s17 =	simm.s32 @!p0 $0x0  }
0x13d: {  	s16 =	ssub.s32 s16, s17  }
0x13e: {  	p0 =	slt.s32 s16, $0x1  }
.Ltmp15:
0x13f: {  	_ = 	snop;
	(pc) =	sbr.rel @p0 .LBB2_24-.Ltmp15, $1  }
0x140: {  	_ =	sdelay $0x3  }
0x141: {  	s17 =	simm.s32 $0x1B280  }
0x142: {  	s18 =	simm.s32 $0x1B480;
	v8 =	vld [tilespmem:s17+$0x0]  }
0x143: {  	p1 =	sne.s32 s16, $0x1;
	v9 =	vld [tilespmem:s18+$0x0]  }
.Ltmp16:
0x144: {  	s31 =	simm.s32 $0x0;
	(pc) =	sbr.rel @!p1 .LBB2_19-.Ltmp16, $4  }
0x145: {  	v7 =	vmov s14;
	v10 =	vor.u32 s31, v0  }
0x146: {  	vm1 =	vlt.s32 v10, v7  }
0x147: {  	v8 =	vnsel vm1, $0xF149F2CA, v8  }
0x148: {  	p0 =	por $0x0, $0x0;
	s18 =	sadd.s32 $0xFFFFFFFF, s16;
	(xrf1) =	vsort.dscd.msk.f32 $0xffff, v8, v9  }
0x149: {  	_ =	sdelay $0xb  }
0x14a: {  	s14 =	simm.s32 $0x1B290  }
0x14b: {  	v10 =	vld [tilespmem:s14+$0x0];
	v8, v9, _ =	vpop (xrf1)  }
0x14c: {  	v8 =	vperm.xlane v8, v2  }
0x14d: {  	s16 =	simm.s32 $0x1B490;
	s17 =	simm.s32 $0x10;
	v9 =	vperm.xlane v9, v2  }
0x14e: {  	p1 =	sne.s32 s18, $0x1;
	v11 =	vld [tilespmem:s16+$0x0];
	v12 =	vor.u32 s17, v0;
	vm1 =	vge.f32 v3, v8  }
.Ltmp17:
0x14f: {  	v8 =	vsel vm1, v3, v8;
	v9 =	vsel vm1, v6, v9;
	vm1 =	vlt.s32 v12, v7;
	(pc) =	sbr.rel @!p1 .LBB2_21-.Ltmp17, $2  }
0x150: {  	(xrf1) =	vsort.dscd.msk.f32 $0xffff, v8, v9;
	v8 =	vnsel vm1, $0xF149F2CA, v10;
	_ =	sdelay $0x2  }
0x151: {  	s18 =	sadd.s32 $0xFFFFFFFF, s18;
	p0 =	por $0x1, $0x1;
	(xrf1) =	vsort.dscd.msk.f32 $0xffff, v8, v11;
	v9 =	vmov v5;
	v8 =	vmov v4  }
.LBB2_22:
0x152: {  	_ = 	snop  }
0x153: {  	p1 =	sne.s32 s18, $0x1;
	s18 =	sadd.s32 $0xFFFFFFFF, s18;
	_ =	sdelay $0x8  }
0x154: {  	v10, v11, _ =	vpop (xrf1)  }
0x155: {  	v10 =	vperm.xlane v10, v2  }
0x156: {  	v11 =	vperm.xlane v11, v2  }
0x157: {  	v12, v13, _ =	vpop (xrf1);
	vm1 =	vge.f32 v9, v10  }
0x158: {  	v12 =	vperm.xlane v12, v2;
	v14 =	vsel vm1, v10, v9;
	v15 =	vsel vm1, v11, v8  }
0x159: {  	v9 =	vsel vm1, v9, v10;
	v8 =	vsel vm1, v8, v11;
	(xrf1) =	vsort.dscd.msk.f32 $0xffff, v14, v15  }
0x15a: {  	(xrf1) =	vsort.dscd.msk.f32 $0xffff, v9, v8;
	_ =	sdelay $0xb  }
0x15b: {  	s14 =	sadd.s32 $0x10, s14  }
0x15c: {  	s16 =	sadd.s32 $0x10, s16;
	v11 =	vperm.xlane v13, v2;
	v10 =	vld [tilespmem:s14+$0x0];
	v13, v14, _ =	vpop (xrf1)  }
0x15d: {  	v15 =	vld [tilespmem:s16+$0x0];
	vm1 =	vge.f32 v13, v12;
	v9, v8, _ =	vpop (xrf1)  }
.Ltmp18:
0x15e: {  	s17 =	sadd.s32 $0x10, s17;
	v12 =	vsel vm1, v13, v12;
	v11 =	vsel vm1, v14, v11;
	(pc) =	sbr.rel @p1 .LBB2_22-.Ltmp18, $4  }
0x15f: {  	v13 =	vor.u32 s17, v0;
	(xrf1) =	vsort.dscd.msk.f32 $0xffff, v12, v11  }
0x160: {  	vm1 =	vlt.s32 v13, v7  }
0x161: {  	v10 =	vnsel vm1, $0xF149F2CA, v10  }
0x162: {  	(xrf1) =	vsort.dscd.msk.f32 $0xffff, v10, v15  }
.LBB2_23:
0x163: {  	_ =	sdelay $0x9  }
0x164: {  	v7, v10, _ =	vpop @p0 (xrf1)  }
0x165: {  	v7 =	vperm.xlane @p0 v7, v2  }
0x166: {  	v10 =	vperm.xlane @p0 v10, v2  }
0x167: {  	vm1 =	vge.f32 @p0 v9, v7  }
0x168: {  	v11 =	vsel @p0 vm1, v7, v9;
	v12 =	vsel @p0 vm1, v10, v8  }
0x169: {  	(xrf1) =	vsort.dscd.msk.f32 @p0 $0xffff, v11, v12;
	_ =	sdelay $0xc  }
0x16a: {  	v11, v12, _ =	vpop (xrf1)  }
0x16b: {  	v11 =	vperm.xlane v11, v2;
	v13, v14, _ =	vpop @p0 (xrf1)  }
0x16c: {  	v7 =	vsel @p0 vm1, v9, v7;
	v63 =	vperm.xlane v12, v2;
	v3 =	vpsel p0, v13, v3  }
0x16d: {  	v8 =	vsel @p0 vm1, v8, v10;
	v6 =	vpsel p0, v14, v6;
	vm1 =	vge.f32 v3, v11  }
0x16e: {  	(xrf1) =	vsort.dscd.msk.f32 @p0 $0xffff, v7, v8;
	v3 =	vsel vm1, v3, v11;
	v6 =	vsel vm1, v6, v63  }
0x16f: {  	(xrf1) =	vsort.dscd.msk.f32 $0xffff, v3, v6;
	_ =	sdelay $0xc  }
0x170: {  	v3, v6, _ =	vpop @p0 (xrf1)  }
0x171: {  	v7, v8, _ =	vpop (xrf1)  }
0x172: {  	v7 =	vperm.xlane v7, v2  }
0x173: {  	v3 =	vpsel p0, v3, v5;
	v5 =	vperm.xlane v8, v2  }
0x174: {  	v4 =	vpsel p0, v6, v4;
	vm1 =	vge.f32 v3, v7  }
0x175: {  	v6 =	vsel vm1, v7, v3;
	v8 =	vsel vm1, v5, v4  }
0x176: {  	v3 =	vsel vm1, v3, v7;
	v4 =	vsel vm1, v4, v5;
	(xrf1) =	vsort.dscd.msk.f32 $0xffff, v6, v8  }
0x177: {  	(xrf1) =	vsort.dscd.msk.f32 $0xffff, v3, v4;
	_ =	sdelay $0xc  }
0x178: {  	v3, v6, _ =	vpop (xrf1)  }
0x179: {  	v5, v4, _ =	vpop (xrf1)  }
.LBB2_24:
0x17a: {  	v4 =	vshrl.u32 v4, $0x4  }
0x17b: {  	v5 =	vshrl.u32 v6, $0x4;
	v62 =	vor.u32 $0x80000000, v4  }
0x17c: {  	(xrf1) =	vsort.ascd.msk.u32 $0xffff, v62, v4;
	v4 =	vor.u32 $0x80000000, v5  }
0x17d: {  	(xrf1) =	vsort.ascd.msk.u32 $0xffff, v4, v5;
	_ =	sdelay $0xc  }
0x17e: {  	v4, _, _ =	vpop (xrf1)  }
0x17f: {  	v5, _, _ =	vpop (xrf1)  }
0x180: {  	v5 =	vxor.u32 $0x80000000, v5  }
0x181: {  	v5 =	vperm.xlane v5, v2  }
0x182: {  	v4 =	vxor.u32 $0x80000000, v4  }
0x183: {  	vm1 =	vlt.s32 v4, v5  }
0x184: {  	v63 =	vsel vm1, v4, v5  }
0x185: {  	v4 =	vsel vm1, v5, v4;
	v5 =	vxor.u32 $0x80000000, v63  }
0x186: {  	(xrf1) =	vsort.ascd.msk.u32 $0xffff, v5, v63;
	v5 =	vxor.u32 $0x80000000, v4  }
0x187: {  	(xrf1) =	vsort.ascd.msk.u32 $0xffff, v5, v4;
	_ =	sdelay $0xc  }
0x188: {  	v4, _, _ =	vpop (xrf1)  }
0x189: {  	v4 =	vxor.u32 $0x80000000, v4;
	v5, _, _ =	vpop (xrf1)  }
0x18a: {  	v5 =	vxor.u32 $0x80000000, v5;
	[tilespmem:$0x1B680] =	vst v4  }
0x18b: {  	[tilespmem:$0x1B690] =	vst v5  }
0x18c: {  	s14 =	simm.s32 $0x0;
	[tilespmem:$0x1B6A0] =	vst v5  }
0x18d: {  	v4 =	vld [tilespmem:s14+$0x1B680];
	_ =	sdelay $0x4  }
0x18e: {  	(v2sf) =	vpush v4, $0x0;
	_ =	sdelay $0xe  }
0x18f: {  	s14 =	spop (v2sf)  }
0x190: {  	s16 =	smul.u32 $0xA0, s14;
	_ =	sdelay $0x1  }
0x191: {  	v4 =	vld [tilespmem:s16+$0x18700];
	_ =	sdelay $0x2  }
0x192: {  	v3 =	vbroadcast v3, $0xD  }
0x193: {  	vm1 =	vmmov vm0;
	p0 =	sne.s32 s14, $0xFFFFFFFF  }
0x194: {  	s17 =	simm.s32 $0x0;
	p1 =	por $0x1, $0x1;
	vm1 =	vmneg @p0 vm1;
	vm2 =	vge.f32 v4, v3  }
0x195: {  	s17 =	simm.s32 @!p1 $0x150;
	vm2 =	vmand vm2, vm1  }
0x196: {  	[tilespmem:s17+$0x1B280] =	vst.msk vm2, v4;
	v4 =	vor.u32 s16, v0;
	v5 =	vmpcnt.ones.xlane vm2  }
0x197: {  	[tilespmem:s17+$0x1B480] =	vst.msk vm2, v4  }
0x198: {  	v4 =	vld [tilespmem:s16+$0x18710];
	(v2sf) =	vpush v5, $0x0;
	_ =	sdelay $0x4  }
0x199: {  	vm2 =	vge.f32 v4, v3  }
0x19a: {  	vm2 =	vmand vm1, vm2  }
0x19b: {  	v5 =	vmpcnt.ones.xlane vm2;
	_ =	sdelay $0x1  }
0x19c: {  	(v2sf) =	vpush v5, $0x0;
	_ =	sdelay $0x5  }
0x19d: {  	s18 =	spop (v2sf)  }
0x19e: {  	s19 =	sor.u32 $0x10, s16;
	s17 =	sadd.s32 s17, s18  }
0x19f: {  	[tilespmem:s17+$0x1B280] =	vst.msk vm2, v4;
	v4 =	vor.u32 s19, v0  }
0x1a0: {  	[tilespmem:s17+$0x1B480] =	vst.msk vm2, v4  }
0x1a1: {  	v4 =	vld [tilespmem:s16+$0x18720];
	_ =	sdelay $0x4  }
0x1a2: {  	vm2 =	vge.f32 v4, v3;
	s25 =	spop (v2sf)  }
0x1a3: {  	s26 =	sadd.s32 $0x20, s16;
	s17 =	sadd.s32 s17, s25;
	vm2 =	vmand vm1, vm2  }
0x1a4: {  	[tilespmem:s17+$0x1B280] =	vst.msk vm2, v4;
	v4 =	vor.u32 s26, v0;
	v5 =	vmpcnt.ones.xlane vm2  }
0x1a5: {  	[tilespmem:s17+$0x1B480] =	vst.msk vm2, v4  }
0x1a6: {  	v4 =	vld [tilespmem:s16+$0x18730];
	(v2sf) =	vpush v5, $0x0;
	_ =	sdelay $0x4  }
0x1a7: {  	vm2 =	vge.f32 v4, v3  }
0x1a8: {  	vm2 =	vmand vm1, vm2  }
0x1a9: {  	v5 =	vmpcnt.ones.xlane vm2;
	_ =	sdelay $0x1  }
0x1aa: {  	(v2sf) =	vpush v5, $0x0;
	_ =	sdelay $0x5  }
0x1ab: {  	s28 =	spop (v2sf)  }
0x1ac: {  	s29 =	sadd.s32 $0x30, s16;
	s17 =	sadd.s32 s17, s28  }
0x1ad: {  	[tilespmem:s17+$0x1B280] =	vst.msk vm2, v4;
	v4 =	vor.u32 s29, v0  }
0x1ae: {  	[tilespmem:s17+$0x1B480] =	vst.msk vm2, v4  }
0x1af: {  	v4 =	vld [tilespmem:s16+$0x18740];
	_ =	sdelay $0x4  }
0x1b0: {  	vm2 =	vge.f32 v4, v3;
	s30 =	spop (v2sf)  }
0x1b1: {  	s31 =	sadd.s32 $0x40, s16;
	s17 =	sadd.s32 s17, s30;
	vm2 =	vmand vm1, vm2  }
0x1b2: {  	[tilespmem:s17+$0x1B280] =	vst.msk vm2, v4;
	v4 =	vor.u32 s31, v0;
	v5 =	vmpcnt.ones.xlane vm2  }
0x1b3: {  	[tilespmem:s17+$0x1B480] =	vst.msk vm2, v4  }
0x1b4: {  	v4 =	vld [tilespmem:s16+$0x18750];
	(v2sf) =	vpush v5, $0x0;
	_ =	sdelay $0x4  }
0x1b5: {  	vm2 =	vge.f32 v4, v3  }
0x1b6: {  	vm2 =	vmand vm1, vm2  }
0x1b7: {  	v5 =	vmpcnt.ones.xlane vm2;
	_ =	sdelay $0x1  }
0x1b8: {  	(v2sf) =	vpush v5, $0x0;
	_ =	sdelay $0x5  }
0x1b9: {  	s20 =	spop (v2sf)  }
0x1ba: {  	s21 =	sadd.s32 $0x50, s16;
	s17 =	sadd.s32 s17, s20  }
0x1bb: {  	[tilespmem:s17+$0x1B280] =	vst.msk vm2, v4;
	v4 =	vor.u32 s21, v0  }
0x1bc: {  	[tilespmem:s17+$0x1B480] =	vst.msk vm2, v4  }
0x1bd: {  	v4 =	vld [tilespmem:s16+$0x18760];
	_ =	sdelay $0x4  }
0x1be: {  	vm2 =	vge.f32 v4, v3;
	s22 =	spop (v2sf)  }
0x1bf: {  	s23 =	sadd.s32 $0x60, s16;
	s17 =	sadd.s32 s17, s22;
	vm2 =	vmand vm1, vm2  }
0x1c0: {  	[tilespmem:s17+$0x1B280] =	vst.msk vm2, v4;
	v4 =	vor.u32 s23, v0;
	v5 =	vmpcnt.ones.xlane vm2  }
0x1c1: {  	[tilespmem:s17+$0x1B480] =	vst.msk vm2, v4  }
0x1c2: {  	v4 =	vld [tilespmem:s16+$0x18770];
	(v2sf) =	vpush v5, $0x0;
	_ =	sdelay $0x4  }
0x1c3: {  	vm2 =	vge.f32 v4, v3  }
0x1c4: {  	vm2 =	vmand vm1, vm2  }
0x1c5: {  	v5 =	vmpcnt.ones.xlane vm2;
	_ =	sdelay $0x1  }
0x1c6: {  	(v2sf) =	vpush v5, $0x0;
	_ =	sdelay $0x5  }
0x1c7: {  	s24 =	spop (v2sf)  }
0x1c8: {  	s25 =	sadd.s32 $0x70, s16;
	s20 =	sadd.s32 $0x80, s16;
	s17 =	sadd.s32 s17, s24  }
0x1c9: {  	s28 =	sand.u32 $0x60, s16;
	s26 =	sand.u32 $0xFFFFFF80, s20;
	[tilespmem:s17+$0x1B280] =	vst.msk vm2, v4;
	v4 =	vor.u32 s25, v0  }
0x1ca: {  	s18 =	sor.u32 s28, s26;
	[tilespmem:s17+$0x1B480] =	vst.msk vm2, v4  }
0x1cb: {  	v4 =	vld [tilespmem:s18+$0x18700];
	_ =	sdelay $0x4  }
0x1cc: {  	vm2 =	vge.f32 v4, v3;
	s29 =	spop (v2sf)  }
0x1cd: {  	s17 =	sadd.s32 s17, s29;
	vm2 =	vmand vm1, vm2  }
0x1ce: {  	[tilespmem:s17+$0x1B280] =	vst.msk vm2, v4;
	v4 =	vor.u32 s20, v0;
	v5 =	vmpcnt.ones.xlane vm2  }
0x1cf: {  	[tilespmem:s17+$0x1B480] =	vst.msk vm2, v4  }
0x1d0: {  	v4 =	vld [tilespmem:s16+$0x18790];
	(v2sf) =	vpush v5, $0x0;
	_ =	sdelay $0x4  }
0x1d1: {  	vm2 =	vge.f32 v4, v3  }
0x1d2: {  	vm1 =	vmand vm1, vm2  }
0x1d3: {  	v5 =	vmpcnt.ones.xlane vm1;
	_ =	sdelay $0x1  }
0x1d4: {  	(v2sf) =	vpush v5, $0x0;
	_ =	sdelay $0x5  }
0x1d5: {  	s30 =	spop (v2sf)  }
0x1d6: {  	s16 =	sadd.s32 $0x90, s16;
	s19 =	sadd.s32 s17, s30  }
0x1d7: {  	[tilespmem:s19+$0x1B280] =	vst.msk vm1, v4;
	v4 =	vor.u32 s16, v0  }
0x1d8: {  	s31 =	simm.s32 $0x1;
	[tilespmem:s19+$0x1B480] =	vst.msk vm1, v4  }
0x1d9: {  	v4 =	vld [tilespmem:s31+$0x1B680];
	_ =	sdelay $0x4  }
0x1da: {  	s16 =	simm.s32 $0x8;
	(v2sf) =	vpush v4, $0x0;
	s17 =	spop (v2sf)  }
.LBB2_25:
0x1db: {  	p0 =	sne.s32 s16, $0x7C  }
0x1dc: {  	s28 =	sadd.s32 s19, s17;
	s17 =	smov.u32 s16;
	s16 =	sadd.s32 $0x4, s16  }
0x1dd: {  	p1 =	slt.s32 s28, $0x150;
	_ =	sdelay $0xc  }
0x1de: {  	s18 =	spop (v2sf)  }
0x1df: {  	p2 =	sne.s32 s18, s14;
	s19 =	smul.u32 $0xA0, s18;
	s14 =	smov.u32 s18  }
0x1e0: {  	_ = 	snop  }
0x1e1: {  	v4 =	vld [tilespmem:s19+$0x18700];
	s30 =	sor.u32 $0x10, s19;
	s29 =	sadd.s32 $0x20, s19;
	s26 =	sadd.s32 $0x30, s19  }
0x1e2: {  	s25 =	sadd.s32 $0x40, s19;
	s24 =	sadd.s32 $0x50, s19;
	s23 =	sadd.s32 $0x60, s19  }
0x1e3: {  	s21 =	sadd.s32 $0x70, s19;
	s20 =	sadd.s32 $0x80, s19;
	s18 =	sadd.s32 $0x90, s19  }
0x1e4: {  	s22 =	sand.u32 $0xFFFFFF80, s20  }
0x1e5: {  	vm1 =	vmmov vm0  }
0x1e6: {  	vm1 =	vmneg @p2 vm1;
	vm2 =	vge.f32 v4, v3  }
0x1e7: {  	s28 =	simm.s32 @!p1 $0x150;
	vm2 =	vmand vm2, vm1  }
0x1e8: {  	[tilespmem:s28+$0x1B280] =	vst.msk vm2, v4;
	v4 =	vor.u32 s19, v0;
	v5 =	vmpcnt.ones.xlane vm2  }
0x1e9: {  	[tilespmem:s28+$0x1B480] =	vst.msk vm2, v4  }
0x1ea: {  	v4 =	vld [tilespmem:s19+$0x18710];
	(v2sf) =	vpush v5, $0x0;
	_ =	sdelay $0x4  }
0x1eb: {  	vm2 =	vge.f32 v4, v3  }
0x1ec: {  	vm2 =	vmand vm1, vm2  }
0x1ed: {  	v5 =	vmpcnt.ones.xlane vm2;
	_ =	sdelay $0x1  }
0x1ee: {  	(v2sf) =	vpush v5, $0x0;
	_ =	sdelay $0x5  }
0x1ef: {  	s31 =	spop (v2sf)  }
0x1f0: {  	s28 =	sadd.s32 s28, s31  }
0x1f1: {  	[tilespmem:s28+$0x1B280] =	vst.msk vm2, v4;
	v4 =	vor.u32 s30, v0  }
0x1f2: {  	[tilespmem:s28+$0x1B480] =	vst.msk vm2, v4  }
0x1f3: {  	v4 =	vld [tilespmem:s19+$0x18720];
	_ =	sdelay $0x4  }
0x1f4: {  	vm2 =	vge.f32 v4, v3;
	s30 =	spop (v2sf)  }
0x1f5: {  	s28 =	sadd.s32 s28, s30;
	vm2 =	vmand vm1, vm2  }
0x1f6: {  	[tilespmem:s28+$0x1B280] =	vst.msk vm2, v4;
	v4 =	vor.u32 s29, v0;
	v5 =	vmpcnt.ones.xlane vm2  }
0x1f7: {  	[tilespmem:s28+$0x1B480] =	vst.msk vm2, v4  }
0x1f8: {  	v4 =	vld [tilespmem:s19+$0x18730];
	(v2sf) =	vpush v5, $0x0;
	_ =	sdelay $0x4  }
0x1f9: {  	vm2 =	vge.f32 v4, v3  }
0x1fa: {  	vm2 =	vmand vm1, vm2  }
0x1fb: {  	v5 =	vmpcnt.ones.xlane vm2;
	_ =	sdelay $0x1  }
0x1fc: {  	(v2sf) =	vpush v5, $0x0;
	_ =	sdelay $0x5  }
0x1fd: {  	s29 =	spop (v2sf)  }
0x1fe: {  	s28 =	sadd.s32 s28, s29  }
0x1ff: {  	[tilespmem:s28+$0x1B280] =	vst.msk vm2, v4;
	v4 =	vor.u32 s26, v0  }
0x200: {  	[tilespmem:s28+$0x1B480] =	vst.msk vm2, v4  }
0x201: {  	v4 =	vld [tilespmem:s19+$0x18740];
	_ =	sdelay $0x4  }
0x202: {  	vm2 =	vge.f32 v4, v3;
	s26 =	spop (v2sf)  }
0x203: {  	s26 =	sadd.s32 s28, s26;
	vm2 =	vmand vm1, vm2  }
0x204: {  	[tilespmem:s26+$0x1B280] =	vst.msk vm2, v4;
	v4 =	vor.u32 s25, v0;
	v5 =	vmpcnt.ones.xlane vm2  }
0x205: {  	[tilespmem:s26+$0x1B480] =	vst.msk vm2, v4  }
0x206: {  	v4 =	vld [tilespmem:s19+$0x18750];
	(v2sf) =	vpush v5, $0x0;
	_ =	sdelay $0x4  }
0x207: {  	vm2 =	vge.f32 v4, v3  }
0x208: {  	vm2 =	vmand vm1, vm2  }
0x209: {  	v5 =	vmpcnt.ones.xlane vm2;
	_ =	sdelay $0x1  }
0x20a: {  	(v2sf) =	vpush v5, $0x0;
	_ =	sdelay $0x5  }
0x20b: {  	s25 =	spop (v2sf)  }
0x20c: {  	s25 =	sadd.s32 s26, s25  }
0x20d: {  	[tilespmem:s25+$0x1B280] =	vst.msk vm2, v4;
	v4 =	vor.u32 s24, v0  }
0x20e: {  	[tilespmem:s25+$0x1B480] =	vst.msk vm2, v4  }
0x20f: {  	v4 =	vld [tilespmem:s19+$0x18760];
	_ =	sdelay $0x4  }
0x210: {  	vm2 =	vge.f32 v4, v3;
	s24 =	spop (v2sf)  }
0x211: {  	s24 =	sadd.s32 s25, s24;
	vm2 =	vmand vm1, vm2  }
0x212: {  	[tilespmem:s24+$0x1B280] =	vst.msk vm2, v4;
	v4 =	vor.u32 s23, v0;
	v5 =	vmpcnt.ones.xlane vm2  }
0x213: {  	[tilespmem:s24+$0x1B480] =	vst.msk vm2, v4  }
0x214: {  	v4 =	vld [tilespmem:s19+$0x18770];
	(v2sf) =	vpush v5, $0x0;
	_ =	sdelay $0x4  }
0x215: {  	vm2 =	vge.f32 v4, v3  }
0x216: {  	vm2 =	vmand vm1, vm2  }
0x217: {  	v5 =	vmpcnt.ones.xlane vm2;
	_ =	sdelay $0x1  }
0x218: {  	(v2sf) =	vpush v5, $0x0;
	_ =	sdelay $0x5  }
0x219: {  	s23 =	spop (v2sf)  }
0x21a: {  	s23 =	sadd.s32 s24, s23  }
0x21b: {  	[tilespmem:s23+$0x1B280] =	vst.msk vm2, v4;
	v4 =	vor.u32 s21, v0;
	s21 =	sand.u32 $0x60, s19  }
0x21c: {  	[tilespmem:s23+$0x1B480] =	vst.msk vm2, v4;
	s21 =	sor.u32 s21, s22  }
0x21d: {  	v4 =	vld [tilespmem:s21+$0x18700];
	_ =	sdelay $0x4  }
0x21e: {  	vm2 =	vge.f32 v4, v3;
	s21 =	spop (v2sf)  }
0x21f: {  	s21 =	sadd.s32 s23, s21;
	vm2 =	vmand vm1, vm2  }
0x220: {  	[tilespmem:s21+$0x1B280] =	vst.msk vm2, v4;
	v4 =	vor.u32 s20, v0;
	v5 =	vmpcnt.ones.xlane vm2  }
0x221: {  	[tilespmem:s21+$0x1B480] =	vst.msk vm2, v4  }
0x222: {  	v4 =	vld [tilespmem:s19+$0x18790];
	(v2sf) =	vpush v5, $0x0;
	_ =	sdelay $0x4  }
0x223: {  	vm2 =	vge.f32 v4, v3  }
0x224: {  	vm1 =	vmand vm1, vm2  }
0x225: {  	v5 =	vmpcnt.ones.xlane vm1;
	_ =	sdelay $0x1  }
0x226: {  	(v2sf) =	vpush v5, $0x0;
	_ =	sdelay $0x5  }
0x227: {  	s19 =	spop (v2sf)  }
0x228: {  	s19 =	sadd.s32 s21, s19  }
0x229: {  	[tilespmem:s19+$0x1B280] =	vst.msk vm1, v4;
	v4 =	vor.u32 s18, v0  }
0x22a: {  	s17 =	sshra.s32 s17, $0x2;
	[tilespmem:s19+$0x1B480] =	vst.msk vm1, v4  }
0x22b: {  	v4 =	vld [tilespmem:s17+$0x1B680]  }
.Ltmp19:
0x22c: {  	(pc) =	sbr.rel @p0 .LBB2_25-.Ltmp19, $2  }
0x22d: {  	_ =	sdelay $0x2  }
0x22e: {  	(v2sf) =	vpush v4, $0x0;
	s17 =	spop (v2sf)  }
0x22f: {  	_ =	sdelay $0xd  }
0x230: {  	s18 =	spop (v2sf)  }
0x231: {  	s16 =	smul.u32 $0xA0, s18;
	_ =	sdelay $0x1  }
0x232: {  	v4 =	vld [tilespmem:s16+$0x18700];
	_ =	sdelay $0x3  }
0x233: {  	s17 =	sadd.s32 s19, s17;
	vm1 =	vmmov vm0;
	p0 =	sne.s32 s18, s14  }
0x234: {  	p1 =	slt.s32 s17, $0x150;
	vm1 =	vmneg @p0 vm1;
	vm2 =	vge.f32 v4, v3  }
0x235: {  	s17 =	simm.s32 @!p1 $0x150;
	vm2 =	vmand vm2, vm1  }
0x236: {  	v47 =	vor.u32 s16, v0;
	[tilespmem:s17+$0x1B280] =	vst.msk vm2, v4;
	v5 =	vmpcnt.ones.xlane vm2  }
0x237: {  	[tilespmem:s17+$0x1B480] =	vst.msk vm2, v47  }
0x238: {  	v4 =	vld [tilespmem:s16+$0x18710];
	(v2sf) =	vpush v5, $0x0;
	_ =	sdelay $0x4  }
0x239: {  	vm2 =	vge.f32 v4, v3  }
0x23a: {  	vm2 =	vmand vm1, vm2  }
0x23b: {  	v48 =	vmpcnt.ones.xlane vm2;
	_ =	sdelay $0x1  }
0x23c: {  	(v2sf) =	vpush v48, $0x0;
	_ =	sdelay $0x5  }
0x23d: {  	s19 =	spop (v2sf)  }
0x23e: {  	s20 =	sor.u32 $0x10, s16;
	s14 =	sadd.s32 s17, s19  }
0x23f: {  	v49 =	vor.u32 s20, v0;
	[tilespmem:s14+$0x1B280] =	vst.msk vm2, v4  }
0x240: {  	[tilespmem:s14+$0x1B480] =	vst.msk vm2, v49  }
0x241: {  	v4 =	vld [tilespmem:s16+$0x18720];
	_ =	sdelay $0x4  }
0x242: {  	vm2 =	vge.f32 v4, v3;
	s21 =	spop (v2sf)  }
0x243: {  	s22 =	sadd.s32 $0x20, s16;
	s14 =	sadd.s32 s14, s21;
	vm2 =	vmand vm1, vm2  }
0x244: {  	v50 =	vor.u32 s22, v0;
	[tilespmem:s14+$0x1B280] =	vst.msk vm2, v4;
	v51 =	vmpcnt.ones.xlane vm2  }
0x245: {  	[tilespmem:s14+$0x1B480] =	vst.msk vm2, v50  }
0x246: {  	v4 =	vld [tilespmem:s16+$0x18730];
	(v2sf) =	vpush v51, $0x0;
	_ =	sdelay $0x4  }
0x247: {  	vm2 =	vge.f32 v4, v3  }
0x248: {  	vm2 =	vmand vm1, vm2  }
0x249: {  	v52 =	vmpcnt.ones.xlane vm2;
	_ =	sdelay $0x1  }
0x24a: {  	(v2sf) =	vpush v52, $0x0;
	_ =	sdelay $0x5  }
0x24b: {  	s23 =	spop (v2sf)  }
0x24c: {  	s24 =	sadd.s32 $0x30, s16;
	s14 =	sadd.s32 s14, s23  }
0x24d: {  	v53 =	vor.u32 s24, v0;
	[tilespmem:s14+$0x1B280] =	vst.msk vm2, v4  }
0x24e: {  	[tilespmem:s14+$0x1B480] =	vst.msk vm2, v53  }
0x24f: {  	v4 =	vld [tilespmem:s16+$0x18740];
	_ =	sdelay $0x4  }
0x250: {  	vm2 =	vge.f32 v4, v3;
	s25 =	spop (v2sf)  }
0x251: {  	s26 =	sadd.s32 $0x40, s16;
	s14 =	sadd.s32 s14, s25;
	vm2 =	vmand vm1, vm2  }
0x252: {  	v54 =	vor.u32 s26, v0;
	[tilespmem:s14+$0x1B280] =	vst.msk vm2, v4;
	v55 =	vmpcnt.ones.xlane vm2  }
0x253: {  	[tilespmem:s14+$0x1B480] =	vst.msk vm2, v54  }
0x254: {  	v4 =	vld [tilespmem:s16+$0x18750];
	(v2sf) =	vpush v55, $0x0;
	_ =	sdelay $0x4  }
0x255: {  	vm2 =	vge.f32 v4, v3  }
0x256: {  	vm2 =	vmand vm1, vm2  }
0x257: {  	v56 =	vmpcnt.ones.xlane vm2;
	_ =	sdelay $0x1  }
0x258: {  	(v2sf) =	vpush v56, $0x0;
	_ =	sdelay $0x5  }
0x259: {  	s28 =	spop (v2sf)  }
0x25a: {  	s29 =	sadd.s32 $0x50, s16;
	s14 =	sadd.s32 s14, s28  }
0x25b: {  	v57 =	vor.u32 s29, v0;
	[tilespmem:s14+$0x1B280] =	vst.msk vm2, v4  }
0x25c: {  	[tilespmem:s14+$0x1B480] =	vst.msk vm2, v57  }
0x25d: {  	v4 =	vld [tilespmem:s16+$0x18760];
	_ =	sdelay $0x4  }
0x25e: {  	vm2 =	vge.f32 v4, v3;
	s30 =	spop (v2sf)  }
0x25f: {  	s31 =	sadd.s32 $0x60, s16;
	s14 =	sadd.s32 s14, s30;
	vm2 =	vmand vm1, vm2  }
0x260: {  	v58 =	vor.u32 s31, v0;
	[tilespmem:s14+$0x1B280] =	vst.msk vm2, v4;
	v59 =	vmpcnt.ones.xlane vm2  }
0x261: {  	[tilespmem:s14+$0x1B480] =	vst.msk vm2, v58  }
0x262: {  	v4 =	vld [tilespmem:s16+$0x18770];
	(v2sf) =	vpush v59, $0x0;
	_ =	sdelay $0x4  }
0x263: {  	vm2 =	vge.f32 v4, v3  }
0x264: {  	vm2 =	vmand vm1, vm2  }
0x265: {  	v60 =	vmpcnt.ones.xlane vm2;
	_ =	sdelay $0x1  }
0x266: {  	(v2sf) =	vpush v60, $0x0;
	_ =	sdelay $0x5  }
0x267: {  	s19 =	spop (v2sf)  }
0x268: {  	s20 =	sadd.s32 $0x70, s16;
	s21 =	sadd.s32 $0x80, s16;
	s14 =	sadd.s32 s14, s19  }
0x269: {  	v61 =	vor.u32 s20, v0;
	s22 =	sand.u32 $0xFFFFFF80, s21;
	s23 =	sand.u32 $0x60, s16;
	[tilespmem:s14+$0x1B280] =	vst.msk vm2, v4  }
0x26a: {  	s17 =	sor.u32 s23, s22;
	[tilespmem:s14+$0x1B480] =	vst.msk vm2, v61  }
0x26b: {  	v4 =	vld [tilespmem:s17+$0x18700];
	_ =	sdelay $0x4  }
0x26c: {  	vm2 =	vge.f32 v4, v3;
	s24 =	spop (v2sf)  }
0x26d: {  	s14 =	sadd.s32 s14, s24;
	vm2 =	vmand vm1, vm2  }
0x26e: {  	v62 =	vor.u32 s21, v0;
	[tilespmem:s14+$0x1B280] =	vst.msk vm2, v4  }
0x26f: {  	[tilespmem:s14+$0x1B480] =	vst.msk vm2, v62  }
0x270: {  	v4 =	vld [tilespmem:s16+$0x18790];
	_ =	sdelay $0x4  }
0x271: {  	vm3 =	vge.f32 v4, v3  }
0x272: {  	v3 =	vmpcnt.ones.xlane vm2;
	vm1 =	vmand vm1, vm3  }
0x273: {  	v63 =	vmpcnt.ones.xlane vm1  }
0x274: {  	(v2sf) =	vpush v3, $0x0  }
0x275: {  	(v2sf) =	vpush v63, $0x0;
	_ =	sdelay $0xd  }
0x276: {  	s25 =	spop (v2sf)  }
0x277: {  	s17 =	sadd.s32 s14, s25;
	s26 =	spop (v2sf)  }
0x278: {  	s14 =	sadd.s32 s17, s26  }
0x279: {  	s28 =	sadd.s32 $0xF, s14  }
0x27a: {  	s29 =	sand.u32 $0xF, s28  }
0x27b: {  	s20 =	sshra.s32 s28, $0x1F;
	p5 =	slt.s32 s28, $0x1;
	p6 =	sne.s32 s29, $0x0  }
0x27c: {  	s30 =	sshrl.u32 s20, $0x1C;
	p0 =	por !p5, !p6  }
0x27d: {  	s19 =	simm.s32 $0x1;
	s18 =	sadd.s32 s30, s28;
	p0 =	por !p0, !p0  }
0x27e: {  	s18 =	sshra.s32 s18, $0x4;
	s19 =	simm.s32 @!p0 $0x0  }
0x27f: {  	s31 =	sadd.s32 $0x90, s16;
	s16 =	ssub.s32 s18, s19  }
0x280: {  	p0 =	slt.s32 s16, $0x1  }
.Ltmp20:
0x281: {  	_ = 	snop;
	(pc) =	sbr.rel @p0 .LBB2_27-.Ltmp20, $3  }
0x282: {  	_ =	sdelay $0x1  }
0x283: {  	v3 =	vor.u32 s31, v0;
	[tilespmem:s17+$0x1B280] =	vst.msk vm1, v4  }
0x284: {  	[tilespmem:s17+$0x1B480] =	vst.msk vm1, v3  }
0x285: {  	s17 =	simm.s32 $0x1B280  }
0x286: {  	s18 =	simm.s32 $0x1B480;
	v3 =	vld [tilespmem:s17+$0x0]  }
0x287: {  	p1 =	sne.s32 s16, $0x1;
	v6 =	vld [tilespmem:s18+$0x0]  }
.Ltmp21:
0x288: {  	s31 =	simm.s32 $0x0;
	(pc) =	sbr.rel @!p1 .LBB2_29-.Ltmp21, $4  }
0x289: {  	v5 =	vmov s14;
	v4 =	vor.u32 s31, v0  }
0x28a: {  	vm1 =	vlt.s32 v4, v5  }
0x28b: {  	v7 =	vnsel vm1, $0xF149F2CA, v3  }
0x28c: {  	p0 =	por $0x0, $0x0;
	s18 =	sadd.s32 $0xFFFFFFFF, s16;
	v4 =	vimm.f32 $-1.000000020e+30;
	v3 =	vimm.s32 $0x0;
	(xrf1) =	vsort.dscd.msk.f32 $0xffff, v7, v6  }
0x28d: {  	_ =	sdelay $0xc  }
0x28e: {  	v6, v7, _ =	vpop (xrf1)  }
0x28f: {  	s14 =	simm.s32 $0x1B290;
	v6 =	vperm.xlane v6, v2  }
0x290: {  	s16 =	simm.s32 $0x1B490;
	v8 =	vld [tilespmem:s14+$0x0];
	v7 =	vperm.xlane v7, v2  }
0x291: {  	p1 =	sne.s32 s18, $0x1;
	v9 =	vld [tilespmem:s16+$0x0];
	vm1 =	vge.f32 v4, v6  }
.Ltmp22:
0x292: {  	s17 =	simm.s32 $0x10;
	v6 =	vsel vm1, v4, v6;
	v7 =	vsel vm1, v3, v7;
	(pc) =	sbr.rel @!p1 .LBB2_31-.Ltmp22, $4  }
0x293: {  	v10 =	vor.u32 s17, v0;
	(xrf1) =	vsort.dscd.msk.f32 $0xffff, v6, v7  }
0x294: {  	vm1 =	vlt.s32 v10, v5  }
0x295: {  	v6 =	vnsel vm1, $0xF149F2CA, v8  }
0x296: {  	s18 =	sadd.s32 $0xFFFFFFFF, s18;
	p0 =	por $0x1, $0x1;
	v7 =	vimm.f32 $-1.000000020e+30;
	(xrf1) =	vsort.dscd.msk.f32 $0xffff, v6, v9;
	v6 =	vimm.s32 $0x0  }
.LBB2_32:
0x297: {  	_ = 	snop  }
0x298: {  	p1 =	sne.s32 s18, $0x1;
	s18 =	sadd.s32 $0xFFFFFFFF, s18;
	_ =	sdelay $0x8  }
0x299: {  	v8, v9, _ =	vpop (xrf1)  }
0x29a: {  	v8 =	vperm.xlane v8, v2  }
0x29b: {  	v9 =	vperm.xlane v9, v2  }
0x29c: {  	v10, v11, _ =	vpop (xrf1);
	vm1 =	vge.f32 v7, v8  }
0x29d: {  	v10 =	vperm.xlane v10, v2;
	v12 =	vsel vm1, v8, v7;
	v13 =	vsel vm1, v9, v6  }
0x29e: {  	v7 =	vsel vm1, v7, v8;
	v6 =	vsel vm1, v6, v9;
	(xrf1) =	vsort.dscd.msk.f32 $0xffff, v12, v13  }
0x29f: {  	(xrf1) =	vsort.dscd.msk.f32 $0xffff, v7, v6;
	_ =	sdelay $0xb  }
0x2a0: {  	s14 =	sadd.s32 $0x10, s14  }
0x2a1: {  	s16 =	sadd.s32 $0x10, s16;
	v9 =	vperm.xlane v11, v2;
	v8 =	vld [tilespmem:s14+$0x0];
	v11, v12, _ =	vpop (xrf1)  }
0x2a2: {  	v13 =	vld [tilespmem:s16+$0x0];
	vm1 =	vge.f32 v11, v10;
	v7, v6, _ =	vpop (xrf1)  }
.Ltmp23:
0x2a3: {  	s17 =	sadd.s32 $0x10, s17;
	v10 =	vsel vm1, v11, v10;
	v9 =	vsel vm1, v12, v9;
	(pc) =	sbr.rel @p1 .LBB2_32-.Ltmp23, $4  }
0x2a4: {  	v11 =	vor.u32 s17, v0;
	(xrf1) =	vsort.dscd.msk.f32 $0xffff, v10, v9  }
0x2a5: {  	vm1 =	vlt.s32 v11, v5  }
0x2a6: {  	v8 =	vnsel vm1, $0xF149F2CA, v8  }
0x2a7: {  	(xrf1) =	vsort.dscd.msk.f32 $0xffff, v8, v13  }
.LBB2_33:
0x2a8: {  	_ =	sdelay $0x9  }
0x2a9: {  	v5, v8, _ =	vpop @p0 (xrf1)  }
0x2aa: {  	v5 =	vperm.xlane @p0 v5, v2  }
0x2ab: {  	v8 =	vperm.xlane @p0 v8, v2  }
0x2ac: {  	vm1 =	vge.f32 @p0 v7, v5  }
0x2ad: {  	v9 =	vsel @p0 vm1, v5, v7;
	v10 =	vsel @p0 vm1, v8, v6  }
0x2ae: {  	(xrf1) =	vsort.dscd.msk.f32 @p0 $0xffff, v9, v10;
	_ =	sdelay $0xc  }
0x2af: {  	v9, v10, _ =	vpop (xrf1)  }
0x2b0: {  	v9 =	vperm.xlane v9, v2;
	v11, v12, _ =	vpop @p0 (xrf1)  }
0x2b1: {  	v5 =	vsel @p0 vm1, v7, v5;
	v7 =	vperm.xlane v10, v2;
	v62 =	vpsel p0, v11, v4  }
0x2b2: {  	v6 =	vsel @p0 vm1, v6, v8;
	v63 =	vpsel p0, v12, v3;
	vm1 =	vge.f32 v62, v9  }
0x2b3: {  	(xrf1) =	vsort.dscd.msk.f32 @p0 $0xffff, v5, v6;
	v5 =	vsel vm1, v62, v9;
	v6 =	vsel vm1, v63, v7  }
0x2b4: {  	(xrf1) =	vsort.dscd.msk.f32 $0xffff, v5, v6;
	_ =	sdelay $0xc  }
0x2b5: {  	v5, v6, _ =	vpop @p0 (xrf1)  }
0x2b6: {  	v7, v8, _ =	vpop (xrf1)  }
0x2b7: {  	v7 =	vperm.xlane v7, v2  }
0x2b8: {  	v4 =	vpsel p0, v5, v4;
	v5 =	vperm.xlane v8, v2  }
0x2b9: {  	v3 =	vpsel p0, v6, v3;
	vm1 =	vge.f32 v4, v7  }
0x2ba: {  	v6 =	vsel vm1, v7, v4;
	v8 =	vsel vm1, v5, v3  }
0x2bb: {  	v4 =	vsel vm1, v4, v7;
	v3 =	vsel vm1, v3, v5;
	(xrf1) =	vsort.dscd.msk.f32 $0xffff, v6, v8  }
0x2bc: {  	(xrf1) =	vsort.dscd.msk.f32 $0xffff, v4, v3;
	_ =	sdelay $0xa  }
.Ltmp24:
0x2bd: {  	_ = 	snop;
	(pc) =	sbr.rel .LBB2_34-.Ltmp24, $4  }
0x2be: {  	_ = 	snop  }
0x2bf: {  	v3, v5, _ =	vpop (xrf1)  }
0x2c0: {  	v4, v6, _ =	vpop (xrf1)  }
0x2c1: {  	v5 =	vshrl.u32 v5, $0x4;
	v3 =	vbroadcast v3, $0xD;
	v4 =	vshrl.u32 v6, $0x4  }
.LBB2_27:
0x2c2: {  	v3 =	vimm.f32 $-1.000000020e+30;
	v4 =	vimm.s32 $0x0;
	v5 =	vimm.s32 $0x0  }
.LBB2_34:
0x2c3: {  	v6 =	vor.u32 $0x80000000, v4  }
0x2c4: {  	(xrf1) =	vsort.ascd.msk.u32 $0xffff, v6, v4;
	v4 =	vor.u32 $0x80000000, v5  }
0x2c5: {  	(xrf1) =	vsort.ascd.msk.u32 $0xffff, v4, v5;
	_ =	sdelay $0xc  }
0x2c6: {  	v4, _, _ =	vpop (xrf1)  }
0x2c7: {  	v5, _, _ =	vpop (xrf1)  }
0x2c8: {  	v5 =	vxor.u32 $0x80000000, v5  }
0x2c9: {  	v5 =	vperm.xlane v5, v2  }
0x2ca: {  	v4 =	vxor.u32 $0x80000000, v4  }
0x2cb: {  	vm1 =	vlt.s32 v4, v5  }
0x2cc: {  	v63 =	vsel vm1, v4, v5  }
0x2cd: {  	v4 =	vsel vm1, v5, v4;
	v5 =	vxor.u32 $0x80000000, v63  }
0x2ce: {  	(xrf1) =	vsort.ascd.msk.u32 $0xffff, v5, v63;
	v5 =	vxor.u32 $0x80000000, v4  }
0x2cf: {  	(xrf1) =	vsort.ascd.msk.u32 $0xffff, v5, v4;
	_ =	sdelay $0xc  }
0x2d0: {  	v4, _, _ =	vpop (xrf1)  }
0x2d1: {  	v4 =	vxor.u32 $0x80000000, v4;
	v5, _, _ =	vpop (xrf1)  }
0x2d2: {  	v5 =	vxor.u32 $0x80000000, v5;
	[tilespmem:$0x1B680] =	vst v4  }
0x2d3: {  	[tilespmem:$0x1B690] =	vst v5  }
0x2d4: {  	s14 =	simm.s32 $0x0;
	[tilespmem:$0x1B6A0] =	vst v5  }
0x2d5: {  	v4 =	vld [tilespmem:s14+$0x1B680];
	_ =	sdelay $0x4  }
0x2d6: {  	(v2sf) =	vpush v4, $0x0;
	_ =	sdelay $0xe  }
0x2d7: {  	s14 =	spop (v2sf)  }
0x2d8: {  	s16 =	smul.u32 $0xA0, s14;
	_ =	sdelay $0x1  }
0x2d9: {  	v4 =	vld [tilespmem:s16+$0x0];
	_ =	sdelay $0x3  }
0x2da: {  	vm1 =	vmmov vm0;
	p0 =	sne.s32 s14, $0xFFFFFFFF  }
0x2db: {  	s17 =	simm.s32 $0x0;
	p1 =	por $0x1, $0x1;
	vm1 =	vmneg @p0 vm1;
	vm2 =	vge.f32 v4, v3  }
0x2dc: {  	s17 =	simm.s32 @!p1 $0x150;
	vm2 =	vmand vm2, vm1  }
0x2dd: {  	[tilespmem:s17+$0x1B280] =	vst.msk vm2, v4;
	v4 =	vor.u32 s16, v0;
	v5 =	vmpcnt.ones.xlane vm2  }
0x2de: {  	[tilespmem:s17+$0x1B480] =	vst.msk vm2, v4  }
0x2df: {  	v4 =	vld [tilespmem:s16+$0x10];
	(v2sf) =	vpush v5, $0x0;
	_ =	sdelay $0x4  }
0x2e0: {  	vm2 =	vge.f32 v4, v3  }
0x2e1: {  	vm2 =	vmand vm1, vm2  }
0x2e2: {  	v5 =	vmpcnt.ones.xlane vm2;
	_ =	sdelay $0x1  }
0x2e3: {  	(v2sf) =	vpush v5, $0x0;
	_ =	sdelay $0x5  }
0x2e4: {  	s18 =	spop (v2sf)  }
0x2e5: {  	s19 =	sor.u32 $0x10, s16;
	s17 =	sadd.s32 s17, s18  }
0x2e6: {  	[tilespmem:s17+$0x1B280] =	vst.msk vm2, v4;
	v4 =	vor.u32 s19, v0  }
0x2e7: {  	[tilespmem:s17+$0x1B480] =	vst.msk vm2, v4  }
0x2e8: {  	v4 =	vld [tilespmem:s16+$0x20];
	_ =	sdelay $0x4  }
0x2e9: {  	vm2 =	vge.f32 v4, v3;
	s25 =	spop (v2sf)  }
0x2ea: {  	s26 =	sadd.s32 $0x20, s16;
	s17 =	sadd.s32 s17, s25;
	vm2 =	vmand vm1, vm2  }
0x2eb: {  	[tilespmem:s17+$0x1B280] =	vst.msk vm2, v4;
	v4 =	vor.u32 s26, v0;
	v5 =	vmpcnt.ones.xlane vm2  }
0x2ec: {  	[tilespmem:s17+$0x1B480] =	vst.msk vm2, v4  }
0x2ed: {  	v4 =	vld [tilespmem:s16+$0x30];
	(v2sf) =	vpush v5, $0x0;
	_ =	sdelay $0x4  }
0x2ee: {  	vm2 =	vge.f32 v4, v3  }
0x2ef: {  	vm2 =	vmand vm1, vm2  }
0x2f0: {  	v5 =	vmpcnt.ones.xlane vm2;
	_ =	sdelay $0x1  }
0x2f1: {  	(v2sf) =	vpush v5, $0x0;
	_ =	sdelay $0x5  }
0x2f2: {  	s28 =	spop (v2sf)  }
0x2f3: {  	s29 =	sadd.s32 $0x30, s16;
	s17 =	sadd.s32 s17, s28  }
0x2f4: {  	[tilespmem:s17+$0x1B280] =	vst.msk vm2, v4;
	v4 =	vor.u32 s29, v0  }
0x2f5: {  	[tilespmem:s17+$0x1B480] =	vst.msk vm2, v4  }
0x2f6: {  	v4 =	vld [tilespmem:s16+$0x40];
	_ =	sdelay $0x4  }
0x2f7: {  	vm2 =	vge.f32 v4, v3;
	s30 =	spop (v2sf)  }
0x2f8: {  	s31 =	sadd.s32 $0x40, s16;
	s17 =	sadd.s32 s17, s30;
	vm2 =	vmand vm1, vm2  }
0x2f9: {  	[tilespmem:s17+$0x1B280] =	vst.msk vm2, v4;
	v4 =	vor.u32 s31, v0;
	v5 =	vmpcnt.ones.xlane vm2  }
0x2fa: {  	[tilespmem:s17+$0x1B480] =	vst.msk vm2, v4  }
0x2fb: {  	v4 =	vld [tilespmem:s16+$0x50];
	(v2sf) =	vpush v5, $0x0;
	_ =	sdelay $0x4  }
0x2fc: {  	vm2 =	vge.f32 v4, v3  }
0x2fd: {  	vm2 =	vmand vm1, vm2  }
0x2fe: {  	v5 =	vmpcnt.ones.xlane vm2;
	_ =	sdelay $0x1  }
0x2ff: {  	(v2sf) =	vpush v5, $0x0;
	_ =	sdelay $0x5  }
0x300: {  	s20 =	spop (v2sf)  }
0x301: {  	s21 =	sadd.s32 $0x50, s16;
	s17 =	sadd.s32 s17, s20  }
0x302: {  	[tilespmem:s17+$0x1B280] =	vst.msk vm2, v4;
	v4 =	vor.u32 s21, v0  }
0x303: {  	[tilespmem:s17+$0x1B480] =	vst.msk vm2, v4  }
0x304: {  	v4 =	vld [tilespmem:s16+$0x60];
	_ =	sdelay $0x4  }
0x305: {  	vm2 =	vge.f32 v4, v3;
	s22 =	spop (v2sf)  }
0x306: {  	s23 =	sadd.s32 $0x60, s16;
	s17 =	sadd.s32 s17, s22;
	vm2 =	vmand vm1, vm2  }
0x307: {  	[tilespmem:s17+$0x1B280] =	vst.msk vm2, v4;
	v4 =	vor.u32 s23, v0;
	v5 =	vmpcnt.ones.xlane vm2  }
0x308: {  	[tilespmem:s17+$0x1B480] =	vst.msk vm2, v4  }
0x309: {  	v4 =	vld [tilespmem:s16+$0x70];
	(v2sf) =	vpush v5, $0x0;
	_ =	sdelay $0x4  }
0x30a: {  	vm2 =	vge.f32 v4, v3  }
0x30b: {  	vm2 =	vmand vm1, vm2  }
0x30c: {  	v5 =	vmpcnt.ones.xlane vm2;
	_ =	sdelay $0x1  }
0x30d: {  	(v2sf) =	vpush v5, $0x0;
	_ =	sdelay $0x5  }
0x30e: {  	s24 =	spop (v2sf)  }
0x30f: {  	s25 =	sadd.s32 $0x70, s16;
	s20 =	sadd.s32 $0x80, s16;
	s17 =	sadd.s32 s17, s24  }
0x310: {  	s28 =	sand.u32 $0x60, s16;
	s26 =	sand.u32 $0xFFFFFF80, s20;
	[tilespmem:s17+$0x1B280] =	vst.msk vm2, v4;
	v4 =	vor.u32 s25, v0  }
0x311: {  	s18 =	sor.u32 s28, s26;
	[tilespmem:s17+$0x1B480] =	vst.msk vm2, v4  }
0x312: {  	v4 =	vld [tilespmem:s18+$0x0];
	_ =	sdelay $0x4  }
0x313: {  	vm2 =	vge.f32 v4, v3;
	s29 =	spop (v2sf)  }
0x314: {  	s17 =	sadd.s32 s17, s29;
	vm2 =	vmand vm1, vm2  }
0x315: {  	[tilespmem:s17+$0x1B280] =	vst.msk vm2, v4;
	v4 =	vor.u32 s20, v0;
	v5 =	vmpcnt.ones.xlane vm2  }
0x316: {  	[tilespmem:s17+$0x1B480] =	vst.msk vm2, v4  }
0x317: {  	v4 =	vld [tilespmem:s16+$0x90];
	(v2sf) =	vpush v5, $0x0;
	_ =	sdelay $0x4  }
0x318: {  	vm2 =	vge.f32 v4, v3  }
0x319: {  	vm1 =	vmand vm1, vm2  }
0x31a: {  	v5 =	vmpcnt.ones.xlane vm1;
	_ =	sdelay $0x1  }
0x31b: {  	(v2sf) =	vpush v5, $0x0;
	_ =	sdelay $0x5  }
0x31c: {  	s30 =	spop (v2sf)  }
0x31d: {  	s16 =	sadd.s32 $0x90, s16;
	s19 =	sadd.s32 s17, s30  }
0x31e: {  	[tilespmem:s19+$0x1B280] =	vst.msk vm1, v4;
	v4 =	vor.u32 s16, v0  }
0x31f: {  	s31 =	simm.s32 $0x1;
	[tilespmem:s19+$0x1B480] =	vst.msk vm1, v4  }
0x320: {  	v4 =	vld [tilespmem:s31+$0x1B680];
	_ =	sdelay $0x4  }
0x321: {  	s16 =	simm.s32 $0x8;
	(v2sf) =	vpush v4, $0x0;
	s17 =	spop (v2sf)  }
.LBB2_35:
0x322: {  	p0 =	sne.s32 s16, $0x7C  }
0x323: {  	s28 =	sadd.s32 s19, s17;
	s17 =	smov.u32 s16;
	s16 =	sadd.s32 $0x4, s16  }
0x324: {  	p1 =	slt.s32 s28, $0x150;
	_ =	sdelay $0xc  }
0x325: {  	s18 =	spop (v2sf)  }
0x326: {  	p2 =	sne.s32 s18, s14;
	s19 =	smul.u32 $0xA0, s18;
	s14 =	smov.u32 s18  }
0x327: {  	_ = 	snop  }
0x328: {  	v4 =	vld [tilespmem:s19+$0x0];
	s30 =	sor.u32 $0x10, s19;
	s29 =	sadd.s32 $0x20, s19;
	s26 =	sadd.s32 $0x30, s19  }
0x329: {  	s25 =	sadd.s32 $0x40, s19;
	s24 =	sadd.s32 $0x50, s19;
	s23 =	sadd.s32 $0x60, s19  }
0x32a: {  	s21 =	sadd.s32 $0x70, s19;
	s20 =	sadd.s32 $0x80, s19;
	s18 =	sadd.s32 $0x90, s19  }
0x32b: {  	s22 =	sand.u32 $0xFFFFFF80, s20  }
0x32c: {  	vm1 =	vmmov vm0  }
0x32d: {  	vm1 =	vmneg @p2 vm1;
	vm2 =	vge.f32 v4, v3  }
0x32e: {  	s28 =	simm.s32 @!p1 $0x150;
	vm2 =	vmand vm2, vm1  }
0x32f: {  	[tilespmem:s28+$0x1B280] =	vst.msk vm2, v4;
	v4 =	vor.u32 s19, v0;
	v5 =	vmpcnt.ones.xlane vm2  }
0x330: {  	[tilespmem:s28+$0x1B480] =	vst.msk vm2, v4  }
0x331: {  	v4 =	vld [tilespmem:s19+$0x10];
	(v2sf) =	vpush v5, $0x0;
	_ =	sdelay $0x4  }
0x332: {  	vm2 =	vge.f32 v4, v3  }
0x333: {  	vm2 =	vmand vm1, vm2  }
0x334: {  	v5 =	vmpcnt.ones.xlane vm2;
	_ =	sdelay $0x1  }
0x335: {  	(v2sf) =	vpush v5, $0x0;
	_ =	sdelay $0x5  }
0x336: {  	s31 =	spop (v2sf)  }
0x337: {  	s28 =	sadd.s32 s28, s31  }
0x338: {  	[tilespmem:s28+$0x1B280] =	vst.msk vm2, v4;
	v4 =	vor.u32 s30, v0  }
0x339: {  	[tilespmem:s28+$0x1B480] =	vst.msk vm2, v4  }
0x33a: {  	v4 =	vld [tilespmem:s19+$0x20];
	_ =	sdelay $0x4  }
0x33b: {  	vm2 =	vge.f32 v4, v3;
	s30 =	spop (v2sf)  }
0x33c: {  	s28 =	sadd.s32 s28, s30;
	vm2 =	vmand vm1, vm2  }
0x33d: {  	[tilespmem:s28+$0x1B280] =	vst.msk vm2, v4;
	v4 =	vor.u32 s29, v0;
	v5 =	vmpcnt.ones.xlane vm2  }
0x33e: {  	[tilespmem:s28+$0x1B480] =	vst.msk vm2, v4  }
0x33f: {  	v4 =	vld [tilespmem:s19+$0x30];
	(v2sf) =	vpush v5, $0x0;
	_ =	sdelay $0x4  }
0x340: {  	vm2 =	vge.f32 v4, v3  }
0x341: {  	vm2 =	vmand vm1, vm2  }
0x342: {  	v5 =	vmpcnt.ones.xlane vm2;
	_ =	sdelay $0x1  }
0x343: {  	(v2sf) =	vpush v5, $0x0;
	_ =	sdelay $0x5  }
0x344: {  	s29 =	spop (v2sf)  }
0x345: {  	s28 =	sadd.s32 s28, s29  }
0x346: {  	[tilespmem:s28+$0x1B280] =	vst.msk vm2, v4;
	v4 =	vor.u32 s26, v0  }
0x347: {  	[tilespmem:s28+$0x1B480] =	vst.msk vm2, v4  }
0x348: {  	v4 =	vld [tilespmem:s19+$0x40];
	_ =	sdelay $0x4  }
0x349: {  	vm2 =	vge.f32 v4, v3;
	s26 =	spop (v2sf)  }
0x34a: {  	s26 =	sadd.s32 s28, s26;
	vm2 =	vmand vm1, vm2  }
0x34b: {  	[tilespmem:s26+$0x1B280] =	vst.msk vm2, v4;
	v4 =	vor.u32 s25, v0;
	v5 =	vmpcnt.ones.xlane vm2  }
0x34c: {  	[tilespmem:s26+$0x1B480] =	vst.msk vm2, v4  }
0x34d: {  	v4 =	vld [tilespmem:s19+$0x50];
	(v2sf) =	vpush v5, $0x0;
	_ =	sdelay $0x4  }
0x34e: {  	vm2 =	vge.f32 v4, v3  }
0x34f: {  	vm2 =	vmand vm1, vm2  }
0x350: {  	v5 =	vmpcnt.ones.xlane vm2;
	_ =	sdelay $0x1  }
0x351: {  	(v2sf) =	vpush v5, $0x0;
	_ =	sdelay $0x5  }
0x352: {  	s25 =	spop (v2sf)  }
0x353: {  	s25 =	sadd.s32 s26, s25  }
0x354: {  	[tilespmem:s25+$0x1B280] =	vst.msk vm2, v4;
	v4 =	vor.u32 s24, v0  }
0x355: {  	[tilespmem:s25+$0x1B480] =	vst.msk vm2, v4  }
0x356: {  	v4 =	vld [tilespmem:s19+$0x60];
	_ =	sdelay $0x4  }
0x357: {  	vm2 =	vge.f32 v4, v3;
	s24 =	spop (v2sf)  }
0x358: {  	s24 =	sadd.s32 s25, s24;
	vm2 =	vmand vm1, vm2  }
0x359: {  	[tilespmem:s24+$0x1B280] =	vst.msk vm2, v4;
	v4 =	vor.u32 s23, v0;
	v5 =	vmpcnt.ones.xlane vm2  }
0x35a: {  	[tilespmem:s24+$0x1B480] =	vst.msk vm2, v4  }
0x35b: {  	v4 =	vld [tilespmem:s19+$0x70];
	(v2sf) =	vpush v5, $0x0;
	_ =	sdelay $0x4  }
0x35c: {  	vm2 =	vge.f32 v4, v3  }
0x35d: {  	vm2 =	vmand vm1, vm2  }
0x35e: {  	v5 =	vmpcnt.ones.xlane vm2;
	_ =	sdelay $0x1  }
0x35f: {  	(v2sf) =	vpush v5, $0x0;
	_ =	sdelay $0x5  }
0x360: {  	s23 =	spop (v2sf)  }
0x361: {  	s23 =	sadd.s32 s24, s23  }
0x362: {  	[tilespmem:s23+$0x1B280] =	vst.msk vm2, v4;
	v4 =	vor.u32 s21, v0;
	s21 =	sand.u32 $0x60, s19  }
0x363: {  	[tilespmem:s23+$0x1B480] =	vst.msk vm2, v4;
	s21 =	sor.u32 s21, s22  }
0x364: {  	v4 =	vld [tilespmem:s21+$0x0];
	_ =	sdelay $0x4  }
0x365: {  	vm2 =	vge.f32 v4, v3;
	s21 =	spop (v2sf)  }
0x366: {  	s21 =	sadd.s32 s23, s21;
	vm2 =	vmand vm1, vm2  }
0x367: {  	[tilespmem:s21+$0x1B280] =	vst.msk vm2, v4;
	v4 =	vor.u32 s20, v0;
	v5 =	vmpcnt.ones.xlane vm2  }
0x368: {  	[tilespmem:s21+$0x1B480] =	vst.msk vm2, v4  }
0x369: {  	v4 =	vld [tilespmem:s19+$0x90];
	(v2sf) =	vpush v5, $0x0;
	_ =	sdelay $0x4  }
0x36a: {  	vm2 =	vge.f32 v4, v3  }
0x36b: {  	vm1 =	vmand vm1, vm2  }
0x36c: {  	v5 =	vmpcnt.ones.xlane vm1;
	_ =	sdelay $0x1  }
0x36d: {  	(v2sf) =	vpush v5, $0x0;
	_ =	sdelay $0x5  }
0x36e: {  	s19 =	spop (v2sf)  }
0x36f: {  	s19 =	sadd.s32 s21, s19  }
0x370: {  	[tilespmem:s19+$0x1B280] =	vst.msk vm1, v4;
	v4 =	vor.u32 s18, v0  }
0x371: {  	s17 =	sshra.s32 s17, $0x2;
	[tilespmem:s19+$0x1B480] =	vst.msk vm1, v4  }
0x372: {  	v4 =	vld [tilespmem:s17+$0x1B680]  }
.Ltmp25:
0x373: {  	(pc) =	sbr.rel @p0 .LBB2_35-.Ltmp25, $2  }
0x374: {  	_ =	sdelay $0x2  }
0x375: {  	(v2sf) =	vpush v4, $0x0;
	s17 =	spop (v2sf)  }
0x376: {  	_ =	sdelay $0xd  }
0x377: {  	s18 =	spop (v2sf)  }
0x378: {  	s16 =	smul.u32 $0xA0, s18;
	_ =	sdelay $0x1  }
0x379: {  	v4 =	vld [tilespmem:s16+$0x0];
	_ =	sdelay $0x3  }
0x37a: {  	s17 =	sadd.s32 s19, s17;
	vm1 =	vmmov vm0;
	p0 =	sne.s32 s18, s14  }
0x37b: {  	p1 =	slt.s32 s17, $0x150;
	vm1 =	vmneg @p0 vm1;
	vm2 =	vge.f32 v4, v3  }
0x37c: {  	s17 =	simm.s32 @!p1 $0x150;
	vm2 =	vmand vm2, vm1  }
0x37d: {  	v47 =	vor.u32 s16, v0;
	[tilespmem:s17+$0x1B280] =	vst.msk vm2, v4;
	v5 =	vmpcnt.ones.xlane vm2  }
0x37e: {  	[tilespmem:s17+$0x1B480] =	vst.msk vm2, v47  }
0x37f: {  	v4 =	vld [tilespmem:s16+$0x10];
	(v2sf) =	vpush v5, $0x0;
	_ =	sdelay $0x4  }
0x380: {  	vm2 =	vge.f32 v4, v3  }
0x381: {  	vm2 =	vmand vm1, vm2  }
0x382: {  	v48 =	vmpcnt.ones.xlane vm2;
	_ =	sdelay $0x1  }
0x383: {  	(v2sf) =	vpush v48, $0x0;
	_ =	sdelay $0x5  }
0x384: {  	s19 =	spop (v2sf)  }
0x385: {  	s20 =	sor.u32 $0x10, s16;
	s14 =	sadd.s32 s17, s19  }
0x386: {  	v49 =	vor.u32 s20, v0;
	[tilespmem:s14+$0x1B280] =	vst.msk vm2, v4  }
0x387: {  	[tilespmem:s14+$0x1B480] =	vst.msk vm2, v49  }
0x388: {  	v4 =	vld [tilespmem:s16+$0x20];
	_ =	sdelay $0x4  }
0x389: {  	vm2 =	vge.f32 v4, v3;
	s21 =	spop (v2sf)  }
0x38a: {  	s22 =	sadd.s32 $0x20, s16;
	s14 =	sadd.s32 s14, s21;
	vm2 =	vmand vm1, vm2  }
0x38b: {  	v50 =	vor.u32 s22, v0;
	[tilespmem:s14+$0x1B280] =	vst.msk vm2, v4;
	v51 =	vmpcnt.ones.xlane vm2  }
0x38c: {  	[tilespmem:s14+$0x1B480] =	vst.msk vm2, v50  }
0x38d: {  	v4 =	vld [tilespmem:s16+$0x30];
	(v2sf) =	vpush v51, $0x0;
	_ =	sdelay $0x4  }
0x38e: {  	vm2 =	vge.f32 v4, v3  }
0x38f: {  	vm2 =	vmand vm1, vm2  }
0x390: {  	v52 =	vmpcnt.ones.xlane vm2;
	_ =	sdelay $0x1  }
0x391: {  	(v2sf) =	vpush v52, $0x0;
	_ =	sdelay $0x5  }
0x392: {  	s23 =	spop (v2sf)  }
0x393: {  	s24 =	sadd.s32 $0x30, s16;
	s14 =	sadd.s32 s14, s23  }
0x394: {  	v53 =	vor.u32 s24, v0;
	[tilespmem:s14+$0x1B280] =	vst.msk vm2, v4  }
0x395: {  	[tilespmem:s14+$0x1B480] =	vst.msk vm2, v53  }
0x396: {  	v4 =	vld [tilespmem:s16+$0x40];
	_ =	sdelay $0x4  }
0x397: {  	vm2 =	vge.f32 v4, v3;
	s25 =	spop (v2sf)  }
0x398: {  	s26 =	sadd.s32 $0x40, s16;
	s14 =	sadd.s32 s14, s25;
	vm2 =	vmand vm1, vm2  }
0x399: {  	v54 =	vor.u32 s26, v0;
	[tilespmem:s14+$0x1B280] =	vst.msk vm2, v4;
	v55 =	vmpcnt.ones.xlane vm2  }
0x39a: {  	[tilespmem:s14+$0x1B480] =	vst.msk vm2, v54  }
0x39b: {  	v4 =	vld [tilespmem:s16+$0x50];
	(v2sf) =	vpush v55, $0x0;
	_ =	sdelay $0x4  }
0x39c: {  	vm2 =	vge.f32 v4, v3  }
0x39d: {  	vm2 =	vmand vm1, vm2  }
0x39e: {  	v56 =	vmpcnt.ones.xlane vm2;
	_ =	sdelay $0x1  }
0x39f: {  	(v2sf) =	vpush v56, $0x0;
	_ =	sdelay $0x5  }
0x3a0: {  	s28 =	spop (v2sf)  }
0x3a1: {  	s29 =	sadd.s32 $0x50, s16;
	s14 =	sadd.s32 s14, s28  }
0x3a2: {  	v57 =	vor.u32 s29, v0;
	[tilespmem:s14+$0x1B280] =	vst.msk vm2, v4  }
0x3a3: {  	[tilespmem:s14+$0x1B480] =	vst.msk vm2, v57  }
0x3a4: {  	v4 =	vld [tilespmem:s16+$0x60];
	_ =	sdelay $0x4  }
0x3a5: {  	vm2 =	vge.f32 v4, v3;
	s30 =	spop (v2sf)  }
0x3a6: {  	s31 =	sadd.s32 $0x60, s16;
	s14 =	sadd.s32 s14, s30;
	vm2 =	vmand vm1, vm2  }
0x3a7: {  	v58 =	vor.u32 s31, v0;
	[tilespmem:s14+$0x1B280] =	vst.msk vm2, v4;
	v59 =	vmpcnt.ones.xlane vm2  }
0x3a8: {  	[tilespmem:s14+$0x1B480] =	vst.msk vm2, v58  }
0x3a9: {  	v4 =	vld [tilespmem:s16+$0x70];
	(v2sf) =	vpush v59, $0x0;
	_ =	sdelay $0x4  }
0x3aa: {  	vm2 =	vge.f32 v4, v3  }
0x3ab: {  	vm2 =	vmand vm1, vm2  }
0x3ac: {  	v60 =	vmpcnt.ones.xlane vm2;
	_ =	sdelay $0x1  }
0x3ad: {  	(v2sf) =	vpush v60, $0x0;
	_ =	sdelay $0x5  }
0x3ae: {  	s19 =	spop (v2sf)  }
0x3af: {  	s20 =	sadd.s32 $0x70, s16;
	s21 =	sadd.s32 $0x80, s16;
	s14 =	sadd.s32 s14, s19  }
0x3b0: {  	v61 =	vor.u32 s20, v0;
	s22 =	sand.u32 $0xFFFFFF80, s21;
	s23 =	sand.u32 $0x60, s16;
	[tilespmem:s14+$0x1B280] =	vst.msk vm2, v4  }
0x3b1: {  	s17 =	sor.u32 s23, s22;
	[tilespmem:s14+$0x1B480] =	vst.msk vm2, v61  }
0x3b2: {  	v4 =	vld [tilespmem:s17+$0x0];
	_ =	sdelay $0x4  }
0x3b3: {  	vm2 =	vge.f32 v4, v3;
	s24 =	spop (v2sf)  }
0x3b4: {  	s14 =	sadd.s32 s14, s24;
	vm2 =	vmand vm1, vm2  }
0x3b5: {  	v62 =	vor.u32 s21, v0;
	[tilespmem:s14+$0x1B280] =	vst.msk vm2, v4  }
0x3b6: {  	[tilespmem:s14+$0x1B480] =	vst.msk vm2, v62  }
0x3b7: {  	v4 =	vld [tilespmem:s16+$0x90];
	_ =	sdelay $0x4  }
0x3b8: {  	vm3 =	vge.f32 v4, v3  }
0x3b9: {  	v3 =	vmpcnt.ones.xlane vm2;
	vm1 =	vmand vm1, vm3  }
0x3ba: {  	v63 =	vmpcnt.ones.xlane vm1  }
0x3bb: {  	(v2sf) =	vpush v3, $0x0  }
0x3bc: {  	(v2sf) =	vpush v63, $0x0;
	_ =	sdelay $0xd  }
0x3bd: {  	s25 =	spop (v2sf)  }
0x3be: {  	s17 =	sadd.s32 s14, s25;
	s26 =	spop (v2sf)  }
0x3bf: {  	s14 =	sadd.s32 s17, s26  }
0x3c0: {  	s28 =	sadd.s32 $0xF, s14  }
0x3c1: {  	s29 =	sand.u32 $0xF, s28  }
0x3c2: {  	s20 =	sshra.s32 s28, $0x1F;
	p5 =	slt.s32 s28, $0x1;
	p6 =	sne.s32 s29, $0x0  }
0x3c3: {  	s30 =	sshrl.u32 s20, $0x1C;
	p0 =	por !p5, !p6  }
0x3c4: {  	s19 =	simm.s32 $0x1;
	s18 =	sadd.s32 s30, s28;
	p0 =	por !p0, !p0  }
0x3c5: {  	s18 =	sshra.s32 s18, $0x4;
	s19 =	simm.s32 @!p0 $0x0  }
0x3c6: {  	s31 =	sadd.s32 $0x90, s16;
	s16 =	ssub.s32 s18, s19  }
0x3c7: {  	p0 =	slt.s32 s16, $0x1  }
.Ltmp26:
0x3c8: {  	_ = 	snop;
	(pc) =	sbr.rel @p0 .LBB2_37-.Ltmp26, $3  }
0x3c9: {  	_ =	sdelay $0x1  }
0x3ca: {  	v3 =	vor.u32 s31, v0;
	[tilespmem:s17+$0x1B280] =	vst.msk vm1, v4  }
0x3cb: {  	[tilespmem:s17+$0x1B480] =	vst.msk vm1, v3  }
0x3cc: {  	s17 =	simm.s32 $0x1B280  }
0x3cd: {  	s18 =	simm.s32 $0x1B480;
	v3 =	vld [tilespmem:s17+$0x0]  }
0x3ce: {  	p1 =	sne.s32 s16, $0x1;
	v6 =	vld [tilespmem:s18+$0x0]  }
.Ltmp27:
0x3cf: {  	s31 =	simm.s32 $0x0;
	(pc) =	sbr.rel @!p1 .LBB2_39-.Ltmp27, $4  }
0x3d0: {  	v5 =	vmov s14;
	v4 =	vor.u32 s31, v0  }
0x3d1: {  	vm1 =	vlt.s32 v4, v5  }
0x3d2: {  	v7 =	vnsel vm1, $0xF149F2CA, v3  }
0x3d3: {  	p0 =	por $0x0, $0x0;
	s18 =	sadd.s32 $0xFFFFFFFF, s16;
	v4 =	vimm.f32 $-1.000000020e+30;
	v3 =	vimm.s32 $0x0;
	(xrf1) =	vsort.dscd.msk.f32 $0xffff, v7, v6  }
0x3d4: {  	_ =	sdelay $0xc  }
0x3d5: {  	v6, v7, _ =	vpop (xrf1)  }
0x3d6: {  	s14 =	simm.s32 $0x1B290;
	v6 =	vperm.xlane v6, v2  }
0x3d7: {  	s16 =	simm.s32 $0x1B490;
	v8 =	vld [tilespmem:s14+$0x0];
	v7 =	vperm.xlane v7, v2  }
0x3d8: {  	p1 =	sne.s32 s18, $0x1;
	v9 =	vld [tilespmem:s16+$0x0];
	vm1 =	vge.f32 v4, v6  }
.Ltmp28:
0x3d9: {  	s17 =	simm.s32 $0x10;
	v6 =	vsel vm1, v4, v6;
	v7 =	vsel vm1, v3, v7;
	(pc) =	sbr.rel @!p1 .LBB2_41-.Ltmp28, $4  }
0x3da: {  	v10 =	vor.u32 s17, v0;
	(xrf1) =	vsort.dscd.msk.f32 $0xffff, v6, v7  }
0x3db: {  	vm1 =	vlt.s32 v10, v5  }
0x3dc: {  	v6 =	vnsel vm1, $0xF149F2CA, v8  }
0x3dd: {  	s18 =	sadd.s32 $0xFFFFFFFF, s18;
	p0 =	por $0x1, $0x1;
	v7 =	vimm.f32 $-1.000000020e+30;
	(xrf1) =	vsort.dscd.msk.f32 $0xffff, v6, v9;
	v6 =	vimm.s32 $0x0  }
.LBB2_42:
0x3de: {  	_ = 	snop  }
0x3df: {  	p1 =	sne.s32 s18, $0x1;
	s18 =	sadd.s32 $0xFFFFFFFF, s18;
	_ =	sdelay $0x8  }
0x3e0: {  	v8, v9, _ =	vpop (xrf1)  }
0x3e1: {  	v8 =	vperm.xlane v8, v2  }
0x3e2: {  	v9 =	vperm.xlane v9, v2  }
0x3e3: {  	v10, v11, _ =	vpop (xrf1);
	vm1 =	vge.f32 v7, v8  }
0x3e4: {  	v10 =	vperm.xlane v10, v2;
	v12 =	vsel vm1, v8, v7;
	v13 =	vsel vm1, v9, v6  }
0x3e5: {  	v7 =	vsel vm1, v7, v8;
	v6 =	vsel vm1, v6, v9;
	(xrf1) =	vsort.dscd.msk.f32 $0xffff, v12, v13  }
0x3e6: {  	(xrf1) =	vsort.dscd.msk.f32 $0xffff, v7, v6;
	_ =	sdelay $0xb  }
0x3e7: {  	s14 =	sadd.s32 $0x10, s14  }
0x3e8: {  	s16 =	sadd.s32 $0x10, s16;
	v9 =	vperm.xlane v11, v2;
	v8 =	vld [tilespmem:s14+$0x0];
	v11, v12, _ =	vpop (xrf1)  }
0x3e9: {  	v13 =	vld [tilespmem:s16+$0x0];
	vm1 =	vge.f32 v11, v10;
	v7, v6, _ =	vpop (xrf1)  }
.Ltmp29:
0x3ea: {  	s17 =	sadd.s32 $0x10, s17;
	v10 =	vsel vm1, v11, v10;
	v9 =	vsel vm1, v12, v9;
	(pc) =	sbr.rel @p1 .LBB2_42-.Ltmp29, $4  }
0x3eb: {  	v11 =	vor.u32 s17, v0;
	(xrf1) =	vsort.dscd.msk.f32 $0xffff, v10, v9  }
0x3ec: {  	vm1 =	vlt.s32 v11, v5  }
0x3ed: {  	v8 =	vnsel vm1, $0xF149F2CA, v8  }
0x3ee: {  	(xrf1) =	vsort.dscd.msk.f32 $0xffff, v8, v13  }
.LBB2_43:
0x3ef: {  	_ =	sdelay $0x9  }
0x3f0: {  	v5, v8, _ =	vpop @p0 (xrf1)  }
0x3f1: {  	v5 =	vperm.xlane @p0 v5, v2  }
0x3f2: {  	v8 =	vperm.xlane @p0 v8, v2  }
0x3f3: {  	vm1 =	vge.f32 @p0 v7, v5  }
0x3f4: {  	v9 =	vsel @p0 vm1, v5, v7;
	v10 =	vsel @p0 vm1, v8, v6  }
0x3f5: {  	(xrf1) =	vsort.dscd.msk.f32 @p0 $0xffff, v9, v10;
	_ =	sdelay $0xc  }
0x3f6: {  	v9, v10, _ =	vpop (xrf1)  }
0x3f7: {  	v9 =	vperm.xlane v9, v2;
	v11, v12, _ =	vpop @p0 (xrf1)  }
0x3f8: {  	v5 =	vsel @p0 vm1, v7, v5;
	v7 =	vperm.xlane v10, v2;
	v63 =	vpsel p0, v11, v4  }
0x3f9: {  	v6 =	vsel @p0 vm1, v6, v8;
	v8 =	vpsel p0, v12, v3;
	vm1 =	vge.f32 v63, v9  }
0x3fa: {  	(xrf1) =	vsort.dscd.msk.f32 @p0 $0xffff, v5, v6;
	v5 =	vsel vm1, v63, v9;
	v6 =	vsel vm1, v8, v7  }
0x3fb: {  	(xrf1) =	vsort.dscd.msk.f32 $0xffff, v5, v6;
	_ =	sdelay $0xc  }
0x3fc: {  	v5, v6, _ =	vpop @p0 (xrf1)  }
0x3fd: {  	v7, v8, _ =	vpop (xrf1)  }
0x3fe: {  	v7 =	vperm.xlane v7, v2  }
0x3ff: {  	v4 =	vpsel p0, v5, v4;
	v5 =	vperm.xlane v8, v2  }
0x400: {  	v3 =	vpsel p0, v6, v3;
	vm1 =	vge.f32 v4, v7  }
0x401: {  	v6 =	vsel vm1, v7, v4;
	v8 =	vsel vm1, v5, v3  }
0x402: {  	v4 =	vsel vm1, v4, v7;
	v3 =	vsel vm1, v3, v5;
	(xrf1) =	vsort.dscd.msk.f32 $0xffff, v6, v8  }
0x403: {  	(xrf1) =	vsort.dscd.msk.f32 $0xffff, v4, v3;
	_ =	sdelay $0x9  }
.Ltmp30:
0x404: {  	_ = 	snop;
	(pc) =	sbr.rel .LBB2_44-.Ltmp30, $3  }
0x405: {  	_ =	sdelay $0x1  }
0x406: {  	v5, v3, _ =	vpop (xrf1)  }
0x407: {  	v6, v4, _ =	vpop (xrf1)  }
.LBB2_19:
.Ltmp31:
0x408: {  	(pc) =	sbr.rel .LBB2_23-.Ltmp31, $2  }
0x409: {  	_ =	sdelay $0x2  }
0x40a: {  	v9 =	vmov v5;
	v8 =	vmov v4  }
.LBB2_29:
.Ltmp32:
0x40b: {  	(pc) =	sbr.rel .LBB2_33-.Ltmp32, $2  }
0x40c: {  	_ =	sdelay $0x2  }
0x40d: {  	v7 =	vimm.f32 $-1.000000020e+30;
	v6 =	vimm.s32 $0x0  }
.LBB2_39:
.Ltmp33:
0x40e: {  	(pc) =	sbr.rel .LBB2_43-.Ltmp33, $2  }
0x40f: {  	_ =	sdelay $0x2  }
0x410: {  	v7 =	vimm.f32 $-1.000000020e+30;
	v6 =	vimm.s32 $0x0  }
.LBB2_21:
.Ltmp34:
0x411: {  	(pc) =	sbr.rel .LBB2_23-.Ltmp34, $2  }
0x412: {  	_ =	sdelay $0x2  }
0x413: {  	v9 =	vmov v5;
	v8 =	vmov v4  }
.LBB2_31:
.Ltmp35:
0x414: {  	(pc) =	sbr.rel .LBB2_33-.Ltmp35, $2  }
0x415: {  	_ =	sdelay $0x2  }
0x416: {  	v7 =	vimm.f32 $-1.000000020e+30;
	v6 =	vimm.s32 $0x0  }
.LBB2_41:
.Ltmp36:
0x417: {  	(pc) =	sbr.rel .LBB2_43-.Ltmp36, $2  }
0x418: {  	_ =	sdelay $0x2  }
0x419: {  	v7 =	vimm.f32 $-1.000000020e+30;
	v6 =	vimm.s32 $0x0  }
.LBB2_46:
0x41a: {  	_ =	sfence.sel $0x180000  }
0x41b: {  	[bflag:$0x0] =	sbarrier.arrive $0xFFFF  }
0x41c: {  	_ =	strace $0x90000047  }
0x41d: {  	s0 =	stileid.u32;
	[bflag:$0x2] =	sbarrier.arrive $0xFFFF  }
0x41e: {  	p0 =	sne.s32 s0, $0x0;
	s0 =	rddreg [dreg:$0x1]  }
0x41f: {  	s0 =	sadd.s32 @!p0 $0x100000, s0  }
0x420: {  	[sflag:s0] =	ssyncadd.tile.s32 @!p0 $0x1;
	_ =	shalt  }
.Lfunc_end2:
_tile_overlayer_lowered:
.L_overlay_start_2:
0x421: {  	(tag) =	ssettag $0x2  }
0x422: {  	s0 =	rddreg [dreg:$0x0];
	s2 =	stileid.u32  }
0x423: {  	s1 =	rddreg [dreg:$0x1];
	p0 =	sne.s32 s2, $0x0  }
0x424: {  	s3 =	rddreg [dreg:$0x2];
	[bflag:$0x3] =	sbarrier.arrive $0xFFFF;
	s2 =	simm.s32 @!p0 $0x1C02  }
0x425: {  	[timem:s3], [sflag:s2] =	dma.local @!p0 [hbm:s0], s1  }
0x426: {  	s0 =	simm.s32 @!p0 $0x2  }
0x427: {  	_ =	swait.ge @!p0 [sflag:s0], s1  }
0x428: {  	s1 =	ssub.s32 @!p0 $0x0, s1;
	[sflag:s0] =	ssyncset.done @!p0 $0x0  }
0x429: {  	[sflag:s0] =	ssyncadd.s32 @!p0 s1  }
0x42a: {  	[bflag:$0x3] =	sbarrier.arrive $0xFFFF  }
0x42b: {  	_ =	shalt  }

</sc_bundles>
